<compile_context>
chip_gen: v7x
topology: tpu7x:2x2x1
jax: 0.10.2.dev20260603
libtpu: 0.0.44.dev20260713+nightly
codegen_flags: <defaults>
</compile_context>

<pallas_src>
import functools

import jax
import jax.numpy as jnp
from jax import lax
from jax.experimental import pallas as pl
from jax.experimental.pallas import tpu as pltpu
from jax.experimental.pallas import tpu_sc as plsc

_NV = 10000
_NR = 4
_ND = 16
_RD = _NR * _ND
_VT = 79
_NVPAD = _VT * 128
_ROWS = _RD * _VT * 2
_L = 16
_NW = 32
_SLAB = 128 * _RD
_TILES_PER_W = 3


@functools.partial(
    pl.kernel,
    mesh=plsc.VectorSubcoreMesh(core_axis_name="c", subcore_axis_name="s"),
    out_type=jax.ShapeDtypeStruct((_ROWS, 128), jnp.int32),
    scratch_types=[
        pltpu.VMEM((_SLAB,), jnp.int32),
        pltpu.VMEM((_SLAB,), jnp.int32),
        pltpu.VMEM((_SLAB,), jnp.int32),
        pltpu.VMEM((_SLAB,), jnp.int32),
        pltpu.VMEM((128, 128), jnp.int32),
        pltpu.VMEM((128,), jnp.int32),
        pltpu.SemaphoreType.DMA,
    ],
    compiler_params=pltpu.CompilerParams(needs_layout_passes=False),
)
def _pullback_sc(conn_hbm, trans_hbm, out_hbm, conn_v, trans_v, rotc_v,
                 rott_v, rows_v, ridx_v, sem):
    wid = lax.axis_index("s") * 2 + lax.axis_index("c")
    lane = lax.iota(jnp.int32, _L)
    lane64 = lane * 64

    for u in range(_TILES_PER_W):
        vt = wid + u * _NW

        @pl.when(vt < _VT)
        def _tile():
            base = vt * _SLAB

            @pl.when(vt < _VT - 1)
            def _stage_full():
                pltpu.sync_copy(conn_hbm.at[pl.ds(base, _SLAB)], conn_v)
                pltpu.sync_copy(trans_hbm.at[pl.ds(base, _SLAB)], trans_v)

            @pl.when(vt == _VT - 1)
            def _stage_tail():
                n_tail = (_NV - (_VT - 1) * 128) * _RD
                pltpu.sync_copy(conn_hbm.at[pl.ds(base, n_tail)],
                                conn_v.at[pl.ds(0, n_tail)])
                pltpu.sync_copy(trans_hbm.at[pl.ds(base, n_tail)],
                                trans_v.at[pl.ds(0, n_tail)])

            for m in range(8):
                k = lane + m * _L
                val = (k >> 1) * (2 * _VT) + (k & 1) + vt * 2
                ridx_v[pl.ds(m * _L, _L)] = val

            for rd0 in range(0, _RD, _L):

                @plsc.parallel_loop(0, 128, unroll=4)
                def _rot_loop(v):
                    c = conn_v[pl.ds(v * _RD + rd0, _L)]
                    t = trans_v[pl.ds(v * _RD + rd0, _L)]
                    idx = ((lane + (rd0 + v)) & 63) + v * _RD
                    plsc.store_scatter(rotc_v, [idx], c)
                    plsc.store_scatter(rott_v, [idx], t)

            for j in range(8):
                lane64j = lane64 + j * (_L * _RD)

                @plsc.parallel_loop(0, _RD, unroll=4)
                def _rd_loop(rd):
                    rot = (lane + (rd + j * _L)) & 63
                    idx = lane64j + rot
                    c = plsc.load_gather(rotc_v, [idx])
                    t = plsc.load_gather(rott_v, [idx])
                    rows_v[2 * rd, pl.ds(j * _L, _L)] = c
                    rows_v[2 * rd + 1, pl.ds(j * _L, _L)] = t

            pltpu.async_copy(rows_v, out_hbm.at[ridx_v], sem).wait()


def kernel(inputs, connectivity, transport):
    del inputs
    z2 = _pullback_sc(connectivity, transport)
    a = z2.reshape(_NR, _ND, _VT, 2, 128)
    y = a.transpose(2, 4, 0, 1, 3).reshape(_NVPAD, _NR, _ND, 2)
    return y[:_NV]

# --- scband reference (transcript-rebuilt; emitter-appended) ---
"""Pipeline reference for scband-frame-transporter-50019189129825 (READ-ONLY COPY).

The authoritative reference and input builder live on the scoring server;
editing this copy changes nothing except your own understanding.
"""

import jax, jax.numpy as jnp
import numpy as np

NV = 10000
NRINGS = 4
NDIRS = 16
D_FEAT = 128


def setup_inputs(seed: int = 0) -> dict:
    key = jax.random.key(seed)
    k1, k2, k3 = jax.random.split(key, 3)
    inputs = jax.random.normal(k1, (NV, D_FEAT), dtype=jnp.float32)
    # connectivity E: for each (vertex, ring, dir), the index of the vertex it pulls from (< nv)
    connectivity = jax.random.randint(k2, (NV * NRINGS * NDIRS,), 0, NV, dtype=jnp.int32)
    # transport F: for each (vertex, ring, dir), the transported direction index (< ndirs)
    transport = jax.random.randint(k3, (NV * NRINGS * NDIRS,), 0, NDIRS, dtype=jnp.int32)
    return {"inputs": inputs, "connectivity": connectivity, "transport": transport}


def reference(inputs, connectivity, transport):
    # Faithful translation of frameTransporterPullBack + FrameTransporter.call.
    # The layer ignores `inputs` and returns the precomputed pullback tensor.
    e = jnp.reshape(connectivity, (NV, NRINGS, NDIRS))
    e = e[:, :, :, None]
    f = jnp.reshape(transport, (NV, NRINGS, NDIRS))
    f = f[:, :, :, None]
    y = jnp.concatenate((e, f), axis=3)
    return y.astype(jnp.int32)

if __name__ == "__main__":
    import jax
    _d = setup_inputs()
    print(jax.jit(kernel)(*tuple(_d.values())))

</pallas_src>

<mosaic_0001>
#map = affine_map<(d0, d1) -> (0)>
#map1 = affine_map<(d0, d1) -> (0, 0)>
module attributes {stable_mosaic.version = 14 : i64} {
  func.func @_pullback_sc(%arg0: i32, %arg1: i32, %arg2: memref<640000xi32, #tpu.memory_space<hbm>>, %arg3: memref<640000xi32, #tpu.memory_space<hbm>>, %arg4: memref<10112x128xi32, #tpu.memory_space<hbm>>, %arg5: memref<8192xi32, #tpu.memory_space<vmem>>, %arg6: memref<8192xi32, #tpu.memory_space<vmem>>, %arg7: memref<8192xi32, #tpu.memory_space<vmem>>, %arg8: memref<8192xi32, #tpu.memory_space<vmem>>, %arg9: memref<128x128xi32, #tpu.memory_space<vmem>>, %arg10: memref<128xi32, #tpu.memory_space<vmem>>, %arg11: memref<!tpu.dma_semaphore, #tpu.memory_space<semaphore_mem>>) attributes {dimension_semantics = [#tpu.dimension_semantics<core_parallel>, #tpu.dimension_semantics<subcore_parallel>], iteration_bounds = array<i64: 2, 16>, scalar_prefetch = 0 : i64, scratch_operands = 7 : i64, tpu.core_type = #tpu.core_type<sc_vector_subcore>, window_params = [{transform_indices = #map}, {transform_indices = #map}, {transform_indices = #map1}]} {
    %mul3A = arith.constant 2 : i32
    %mul3A_0 = arith.muli %arg1, %mul3A : i32
    %add3A = arith.addi %mul3A_0, %arg0 : i32
    %iota3A = tpu.iota {dimensions = array<i32: 0>} : vector<16xi32>
    %mul3A_1 = arith.constant 64 : i32
    %mul3A_2 = vector.broadcast %mul3A_1 : i32 to vector<16xi32>
    %mul3A_3 = arith.muli %iota3A, %mul3A_2 : vector<16xi32>
    %add3A_4 = arith.constant 0 : i32
    %add3A_5 = arith.addi %add3A, %add3A_4 : i32
    %lt3A = arith.constant 79 : i32
    %lt3A_6 = arith.cmpi slt, %add3A_5, %lt3A : i32
    %convert_element_type3A = arith.extui %lt3A_6 : i1 to i32
    %cond3A = arith.constant 0 : i32
    %cond3A_7 = arith.cmpi ne, %convert_element_type3A, %cond3A : i32
    scf.if %cond3A_7 {
      %mul3A_22 = arith.constant 8192 : i32
      %mul3A_23 = arith.muli %add3A_5, %mul3A_22 : i32
      %lt3A_24 = arith.constant 78 : i32
      %lt3A_25 = arith.cmpi slt, %add3A_5, %lt3A_24 : i32
      %convert_element_type3A_26 = arith.extui %lt3A_25 : i1 to i32
      %cond3A_27 = arith.constant 0 : i32
      %cond3A_28 = arith.cmpi ne, %convert_element_type3A_26, %cond3A_27 : i32
      scf.if %cond3A_28 {
        "tpu.region"() ({
          %run_scoped3A = tpu.sem_alloc : memref<!tpu.dma_semaphore, #tpu.memory_space<semaphore_mem>>
          %dma_start3A_245 = tpu.memref_slice %arg2[%mul3A_23] : memref<640000xi32, #tpu.memory_space<hbm>> -> memref<8192xi32, #tpu.memory_space<hbm>>
          %dma_start3A_246 = tpu.memref_slice %arg2[%mul3A_23] : memref<640000xi32, #tpu.memory_space<hbm>> -> memref<8192xi32, #tpu.memory_space<hbm>>
          tpu.enqueue_dma source(%dma_start3A_246 : memref<8192xi32, #tpu.memory_space<hbm>>) target(%arg5 : memref<8192xi32, #tpu.memory_space<vmem>>) target_semaphore(%run_scoped3A : memref<!tpu.dma_semaphore, #tpu.memory_space<semaphore_mem>>)
          %dma_wait3A_247 = tpu.memref_slice %arg2[%mul3A_23] : memref<640000xi32, #tpu.memory_space<hbm>> -> memref<8192xi32, #tpu.memory_space<hbm>>
          %dma_wait3A_248 = tpu.memref_slice %arg2[%mul3A_23] : memref<640000xi32, #tpu.memory_space<hbm>> -> memref<8192xi32, #tpu.memory_space<hbm>>
          tpu.wait_dma2 semaphore(%run_scoped3A : memref<!tpu.dma_semaphore, #tpu.memory_space<semaphore_mem>>) src(%dma_wait3A_248 : memref<8192xi32, #tpu.memory_space<hbm>>) dst(%arg5 : memref<8192xi32, #tpu.memory_space<vmem>>)
          tpu.yield
        }) : () -> ()
        "tpu.region"() ({
          %run_scoped3A = tpu.sem_alloc : memref<!tpu.dma_semaphore, #tpu.memory_space<semaphore_mem>>
          %dma_start3A_245 = tpu.memref_slice %arg3[%mul3A_23] : memref<640000xi32, #tpu.memory_space<hbm>> -> memref<8192xi32, #tpu.memory_space<hbm>>
          %dma_start3A_246 = tpu.memref_slice %arg3[%mul3A_23] : memref<640000xi32, #tpu.memory_space<hbm>> -> memref<8192xi32, #tpu.memory_space<hbm>>
          tpu.enqueue_dma source(%dma_start3A_246 : memref<8192xi32, #tpu.memory_space<hbm>>) target(%arg6 : memref<8192xi32, #tpu.memory_space<vmem>>) target_semaphore(%run_scoped3A : memref<!tpu.dma_semaphore, #tpu.memory_space<semaphore_mem>>)
          %dma_wait3A_247 = tpu.memref_slice %arg3[%mul3A_23] : memref<640000xi32, #tpu.memory_space<hbm>> -> memref<8192xi32, #tpu.memory_space<hbm>>
          %dma_wait3A_248 = tpu.memref_slice %arg3[%mul3A_23] : memref<640000xi32, #tpu.memory_space<hbm>> -> memref<8192xi32, #tpu.memory_space<hbm>>
          tpu.wait_dma2 semaphore(%run_scoped3A : memref<!tpu.dma_semaphore, #tpu.memory_space<semaphore_mem>>) src(%dma_wait3A_248 : memref<8192xi32, #tpu.memory_space<hbm>>) dst(%arg6 : memref<8192xi32, #tpu.memory_space<vmem>>)
          tpu.yield
        }) : () -> ()
      } else {
      }
      %eq3A = arith.constant 78 : i32
      %eq3A_29 = arith.cmpi eq, %add3A_5, %eq3A : i32
      %convert_element_type3A_30 = arith.extui %eq3A_29 : i1 to i32
      %cond3A_31 = arith.constant 0 : i32
      %cond3A_32 = arith.cmpi ne, %convert_element_type3A_30, %cond3A_31 : i32
      scf.if %cond3A_32 {
        "tpu.region"() ({
          %run_scoped3A = tpu.sem_alloc : memref<!tpu.dma_semaphore, #tpu.memory_space<semaphore_mem>>
          %dma_start3A_245 = arith.constant 0 : i32
          %dma_start3A_246 = tpu.memref_slice %arg5[%dma_start3A_245] : memref<8192xi32, #tpu.memory_space<vmem>> -> memref<1024xi32, #tpu.memory_space<vmem>>
          %dma_start3A_247 = tpu.memref_slice %arg2[%mul3A_23] : memref<640000xi32, #tpu.memory_space<hbm>> -> memref<1024xi32, #tpu.memory_space<hbm>>
          %dma_start3A_248 = arith.constant 0 : i32
          %dma_start3A_249 = tpu.memref_slice %arg5[%dma_start3A_248] : memref<8192xi32, #tpu.memory_space<vmem>> -> memref<1024xi32, #tpu.memory_space<vmem>>
          %dma_start3A_250 = tpu.memref_slice %arg2[%mul3A_23] : memref<640000xi32, #tpu.memory_space<hbm>> -> memref<1024xi32, #tpu.memory_space<hbm>>
          tpu.enqueue_dma source(%dma_start3A_250 : memref<1024xi32, #tpu.memory_space<hbm>>) target(%dma_start3A_249 : memref<1024xi32, #tpu.memory_space<vmem>>) target_semaphore(%run_scoped3A : memref<!tpu.dma_semaphore, #tpu.memory_space<semaphore_mem>>)
          %dma_wait3A_251 = arith.constant 0 : i32
          %dma_wait3A_252 = tpu.memref_slice %arg5[%dma_wait3A_251] : memref<8192xi32, #tpu.memory_space<vmem>> -> memref<1024xi32, #tpu.memory_space<vmem>>
          %dma_wait3A_253 = tpu.memref_slice %arg2[%mul3A_23] : memref<640000xi32, #tpu.memory_space<hbm>> -> memref<1024xi32, #tpu.memory_space<hbm>>
          %dma_wait3A_254 = arith.constant 0 : i32
          %dma_wait3A_255 = tpu.memref_slice %arg5[%dma_wait3A_254] : memref<8192xi32, #tpu.memory_space<vmem>> -> memref<1024xi32, #tpu.memory_space<vmem>>
          %dma_wait3A_256 = tpu.memref_slice %arg2[%mul3A_23] : memref<640000xi32, #tpu.memory_space<hbm>> -> memref<1024xi32, #tpu.memory_space<hbm>>
          tpu.wait_dma2 semaphore(%run_scoped3A : memref<!tpu.dma_semaphore, #tpu.memory_space<semaphore_mem>>) src(%dma_wait3A_256 : memref<1024xi32, #tpu.memory_space<hbm>>) dst(%dma_wait3A_255 : memref<1024xi32, #tpu.memory_space<vmem>>)
          tpu.yield
        }) : () -> ()
        "tpu.region"() ({
          %run_scoped3A = tpu.sem_alloc : memref<!tpu.dma_semaphore, #tpu.memory_space<semaphore_mem>>
          %dma_start3A_245 = arith.constant 0 : i32
          %dma_start3A_246 = tpu.memref_slice %arg6[%dma_start3A_245] : memref<8192xi32, #tpu.memory_space<vmem>> -> memref<1024xi32, #tpu.memory_space<vmem>>
          %dma_start3A_247 = tpu.memref_slice %arg3[%mul3A_23] : memref<640000xi32, #tpu.memory_space<hbm>> -> memref<1024xi32, #tpu.memory_space<hbm>>
          %dma_start3A_248 = arith.constant 0 : i32
          %dma_start3A_249 = tpu.memref_slice %arg6[%dma_start3A_248] : memref<8192xi32, #tpu.memory_space<vmem>> -> memref<1024xi32, #tpu.memory_space<vmem>>
          %dma_start3A_250 = tpu.memref_slice %arg3[%mul3A_23] : memref<640000xi32, #tpu.memory_space<hbm>> -> memref<1024xi32, #tpu.memory_space<hbm>>
          tpu.enqueue_dma source(%dma_start3A_250 : memref<1024xi32, #tpu.memory_space<hbm>>) target(%dma_start3A_249 : memref<1024xi32, #tpu.memory_space<vmem>>) target_semaphore(%run_scoped3A : memref<!tpu.dma_semaphore, #tpu.memory_space<semaphore_mem>>)
          %dma_wait3A_251 = arith.constant 0 : i32
          %dma_wait3A_252 = tpu.memref_slice %arg6[%dma_wait3A_251] : memref<8192xi32, #tpu.memory_space<vmem>> -> memref<1024xi32, #tpu.memory_space<vmem>>
          %dma_wait3A_253 = tpu.memref_slice %arg3[%mul3A_23] : memref<640000xi32, #tpu.memory_space<hbm>> -> memref<1024xi32, #tpu.memory_space<hbm>>
          %dma_wait3A_254 = arith.constant 0 : i32
          %dma_wait3A_255 = tpu.memref_slice %arg6[%dma_wait3A_254] : memref<8192xi32, #tpu.memory_space<vmem>> -> memref<1024xi32, #tpu.memory_space<vmem>>
          %dma_wait3A_256 = tpu.memref_slice %arg3[%mul3A_23] : memref<640000xi32, #tpu.memory_space<hbm>> -> memref<1024xi32, #tpu.memory_space<hbm>>
          tpu.wait_dma2 semaphore(%run_scoped3A : memref<!tpu.dma_semaphore, #tpu.memory_space<semaphore_mem>>) src(%dma_wait3A_256 : memref<1024xi32, #tpu.memory_space<hbm>>) dst(%dma_wait3A_255 : memref<1024xi32, #tpu.memory_space<vmem>>)
          tpu.yield
        }) : () -> ()
      } else {
      }
      %add3A_33 = arith.constant 0 : i32
      %add3A_34 = vector.broadcast %add3A_33 : i32 to vector<16xi32>
      %add3A_35 = arith.addi %iota3A, %add3A_34 : vector<16xi32>
      %shift_right_arithmetic3A = arith.constant 1 : i32
      %shift_right_arithmetic3A_36 = vector.broadcast %shift_right_arithmetic3A : i32 to vector<16xi32>
      %shift_right_arithmetic3A_37 = arith.shrsi %add3A_35, %shift_right_arithmetic3A_36 : vector<16xi32>
      %mul3A_38 = arith.constant 158 : i32
      %mul3A_39 = vector.broadcast %mul3A_38 : i32 to vector<16xi32>
      %mul3A_40 = arith.muli %shift_right_arithmetic3A_37, %mul3A_39 : vector<16xi32>
      %and3A = arith.constant 1 : i32
      %and3A_41 = vector.broadcast %and3A : i32 to vector<16xi32>
      %and3A_42 = arith.andi %add3A_35, %and3A_41 : vector<16xi32>
      %add3A_43 = arith.addi %mul3A_40, %and3A_42 : vector<16xi32>
      %mul3A_44 = arith.constant 2 : i32
      %mul3A_45 = arith.muli %add3A_5, %mul3A_44 : i32
      %add3A_46 = vector.broadcast %mul3A_45 : i32 to vector<16xi32>
      %add3A_47 = arith.addi %add3A_43, %add3A_46 : vector<16xi32>
      %swap3A = arith.constant 0 : index
      %swap3A_48 = tpu.vector_load %arg10[%swap3A] {strides = array<i32>} : memref<128xi32, #tpu.memory_space<vmem>>, vector<16xi32>,
      tpu.vector_store %arg10[%swap3A], %add3A_47 {strides = array<i32>} : memref<128xi32, #tpu.memory_space<vmem>>, vector<16xi32>,
      %add3A_49 = arith.constant 16 : i32
      %add3A_50 = vector.broadcast %add3A_49 : i32 to vector<16xi32>
      %add3A_51 = arith.addi %iota3A, %add3A_50 : vector<16xi32>
      %shift_right_arithmetic3A_52 = arith.constant 1 : i32
      %shift_right_arithmetic3A_53 = vector.broadcast %shift_right_arithmetic3A_52 : i32 to vector<16xi32>
      %shift_right_arithmetic3A_54 = arith.shrsi %add3A_51, %shift_right_arithmetic3A_53 : vector<16xi32>
      %mul3A_55 = arith.constant 158 : i32
      %mul3A_56 = vector.broadcast %mul3A_55 : i32 to vector<16xi32>
      %mul3A_57 = arith.muli %shift_right_arithmetic3A_54, %mul3A_56 : vector<16xi32>
      %and3A_58 = arith.constant 1 : i32
      %and3A_59 = vector.broadcast %and3A_58 : i32 to vector<16xi32>
      %and3A_60 = arith.andi %add3A_51, %and3A_59 : vector<16xi32>
      %add3A_61 = arith.addi %mul3A_57, %and3A_60 : vector<16xi32>
      %mul3A_62 = arith.constant 2 : i32
      %mul3A_63 = arith.muli %add3A_5, %mul3A_62 : i32
      %add3A_64 = vector.broadcast %mul3A_63 : i32 to vector<16xi32>
      %add3A_65 = arith.addi %add3A_61, %add3A_64 : vector<16xi32>
      %swap3A_66 = arith.constant 16 : index
      %swap3A_67 = tpu.vector_load %arg10[%swap3A_66] {strides = array<i32>} : memref<128xi32, #tpu.memory_space<vmem>>, vector<16xi32>,
      tpu.vector_store %arg10[%swap3A_66], %add3A_65 {strides = array<i32>} : memref<128xi32, #tpu.memory_space<vmem>>, vector<16xi32>,
      %add3A_68 = arith.constant 32 : i32
      %add3A_69 = vector.broadcast %add3A_68 : i32 to vector<16xi32>
      %add3A_70 = arith.addi %iota3A, %add3A_69 : vector<16xi32>
      %shift_right_arithmetic3A_71 = arith.constant 1 : i32
      %shift_right_arithmetic3A_72 = vector.broadcast %shift_right_arithmetic3A_71 : i32 to vector<16xi32>
      %shift_right_arithmetic3A_73 = arith.shrsi %add3A_70, %shift_right_arithmetic3A_72 : vector<16xi32>
      %mul3A_74 = arith.constant 158 : i32
      %mul3A_75 = vector.broadcast %mul3A_74 : i32 to vector<16xi32>
      %mul3A_76 = arith.muli %shift_right_arithmetic3A_73, %mul3A_75 : vector<16xi32>
      %and3A_77 = arith.constant 1 : i32
      %and3A_78 = vector.broadcast %and3A_77 : i32 to vector<16xi32>
      %and3A_79 = arith.andi %add3A_70, %and3A_78 : vector<16xi32>
      %add3A_80 = arith.addi %mul3A_76, %and3A_79 : vector<16xi32>
      %mul3A_81 = arith.constant 2 : i32
      %mul3A_82 = arith.muli %add3A_5, %mul3A_81 : i32
      %add3A_83 = vector.broadcast %mul3A_82 : i32 to vector<16xi32>
      %add3A_84 = arith.addi %add3A_80, %add3A_83 : vector<16xi32>
      %swap3A_85 = arith.constant 32 : index
      %swap3A_86 = tpu.vector_load %arg10[%swap3A_85] {strides = array<i32>} : memref<128xi32, #tpu.memory_space<vmem>>, vector<16xi32>,
      tpu.vector_store %arg10[%swap3A_85], %add3A_84 {strides = array<i32>} : memref<128xi32, #tpu.memory_space<vmem>>, vector<16xi32>,
      %add3A_87 = arith.constant 48 : i32
      %add3A_88 = vector.broadcast %add3A_87 : i32 to vector<16xi32>
      %add3A_89 = arith.addi %iota3A, %add3A_88 : vector<16xi32>
      %shift_right_arithmetic3A_90 = arith.constant 1 : i32
      %shift_right_arithmetic3A_91 = vector.broadcast %shift_right_arithmetic3A_90 : i32 to vector<16xi32>
      %shift_right_arithmetic3A_92 = arith.shrsi %add3A_89, %shift_right_arithmetic3A_91 : vector<16xi32>
      %mul3A_93 = arith.constant 158 : i32
      %mul3A_94 = vector.broadcast %mul3A_93 : i32 to vector<16xi32>
      %mul3A_95 = arith.muli %shift_right_arithmetic3A_92, %mul3A_94 : vector<16xi32>
      %and3A_96 = arith.constant 1 : i32
      %and3A_97 = vector.broadcast %and3A_96 : i32 to vector<16xi32>
      %and3A_98 = arith.andi %add3A_89, %and3A_97 : vector<16xi32>
      %add3A_99 = arith.addi %mul3A_95, %and3A_98 : vector<16xi32>
      %mul3A_100 = arith.constant 2 : i32
      %mul3A_101 = arith.muli %add3A_5, %mul3A_100 : i32
      %add3A_102 = vector.broadcast %mul3A_101 : i32 to vector<16xi32>
      %add3A_103 = arith.addi %add3A_99, %add3A_102 : vector<16xi32>
      %swap3A_104 = arith.constant 48 : index
      %swap3A_105 = tpu.vector_load %arg10[%swap3A_104] {strides = array<i32>} : memref<128xi32, #tpu.memory_space<vmem>>, vector<16xi32>,
      tpu.vector_store %arg10[%swap3A_104], %add3A_103 {strides = array<i32>} : memref<128xi32, #tpu.memory_space<vmem>>, vector<16xi32>,
      %add3A_106 = arith.constant 64 : i32
      %add3A_107 = vector.broadcast %add3A_106 : i32 to vector<16xi32>
      %add3A_108 = arith.addi %iota3A, %add3A_107 : vector<16xi32>
      %shift_right_arithmetic3A_109 = arith.constant 1 : i32
      %shift_right_arithmetic3A_110 = vector.broadcast %shift_right_arithmetic3A_109 : i32 to vector<16xi32>
      %shift_right_arithmetic3A_111 = arith.shrsi %add3A_108, %shift_right_arithmetic3A_110 : vector<16xi32>
      %mul3A_112 = arith.constant 158 : i32
      %mul3A_113 = vector.broadcast %mul3A_112 : i32 to vector<16xi32>
      %mul3A_114 = arith.muli %shift_right_arithmetic3A_111, %mul3A_113 : vector<16xi32>
      %and3A_115 = arith.constant 1 : i32
      %and3A_116 = vector.broadcast %and3A_115 : i32 to vector<16xi32>
      %and3A_117 = arith.andi %add3A_108, %and3A_116 : vector<16xi32>
      %add3A_118 = arith.addi %mul3A_114, %and3A_117 : vector<16xi32>
      %mul3A_119 = arith.constant 2 : i32
      %mul3A_120 = arith.muli %add3A_5, %mul3A_119 : i32
      %add3A_121 = vector.broadcast %mul3A_120 : i32 to vector<16xi32>
      %add3A_122 = arith.addi %add3A_118, %add3A_121 : vector<16xi32>
      %swap3A_123 = arith.constant 64 : index
      %swap3A_124 = tpu.vector_load %arg10[%swap3A_123] {strides = array<i32>} : memref<128xi32, #tpu.memory_space<vmem>>, vector<16xi32>,
      tpu.vector_store %arg10[%swap3A_123], %add3A_122 {strides = array<i32>} : memref<128xi32, #tpu.memory_space<vmem>>, vector<16xi32>,
      %add3A_125 = arith.constant 80 : i32
      %add3A_126 = vector.broadcast %add3A_125 : i32 to vector<16xi32>
      %add3A_127 = arith.addi %iota3A, %add3A_126 : vector<16xi32>
      %shift_right_arithmetic3A_128 = arith.constant 1 : i32
      %shift_right_arithmetic3A_129 = vector.broadcast %shift_right_arithmetic3A_128 : i32 to vector<16xi32>
      %shift_right_arithmetic3A_130 = arith.shrsi %add3A_127, %shift_right_arithmetic3A_129 : vector<16xi32>
      %mul3A_131 = arith.constant 158 : i32
      %mul3A_132 = vector.broadcast %mul3A_131 : i32 to vector<16xi32>
      %mul3A_133 = arith.muli %shift_right_arithmetic3A_130, %mul3A_132 : vector<16xi32>
      %and3A_134 = arith.constant 1 : i32
      %and3A_135 = vector.broadcast %and3A_134 : i32 to vector<16xi32>
      %and3A_136 = arith.andi %add3A_127, %and3A_135 : vector<16xi32>
      %add3A_137 = arith.addi %mul3A_133, %and3A_136 : vector<16xi32>
      %mul3A_138 = arith.constant 2 : i32
      %mul3A_139 = arith.muli %add3A_5, %mul3A_138 : i32
      %add3A_140 = vector.broadcast %mul3A_139 : i32 to vector<16xi32>
      %add3A_141 = arith.addi %add3A_137, %add3A_140 : vector<16xi32>
      %swap3A_142 = arith.constant 80 : index
      %swap3A_143 = tpu.vector_load %arg10[%swap3A_142] {strides = array<i32>} : memref<128xi32, #tpu.memory_space<vmem>>, vector<16xi32>,
      tpu.vector_store %arg10[%swap3A_142], %add3A_141 {strides = array<i32>} : memref<128xi32, #tpu.memory_space<vmem>>, vector<16xi32>,
      %add3A_144 = arith.constant 96 : i32
      %add3A_145 = vector.broadcast %add3A_144 : i32 to vector<16xi32>
      %add3A_146 = arith.addi %iota3A, %add3A_145 : vector<16xi32>
      %shift_right_arithmetic3A_147 = arith.constant 1 : i32
      %shift_right_arithmetic3A_148 = vector.broadcast %shift_right_arithmetic3A_147 : i32 to vector<16xi32>
      %shift_right_arithmetic3A_149 = arith.shrsi %add3A_146, %shift_right_arithmetic3A_148 : vector<16xi32>
      %mul3A_150 = arith.constant 158 : i32
      %mul3A_151 = vector.broadcast %mul3A_150 : i32 to vector<16xi32>
      %mul3A_152 = arith.muli %shift_right_arithmetic3A_149, %mul3A_151 : vector<16xi32>
      %and3A_153 = arith.constant 1 : i32
      %and3A_154 = vector.broadcast %and3A_153 : i32 to vector<16xi32>
      %and3A_155 = arith.andi %add3A_146, %and3A_154 : vector<16xi32>
      %add3A_156 = arith.addi %mul3A_152, %and3A_155 : vector<16xi32>
      %mul3A_157 = arith.constant 2 : i32
      %mul3A_158 = arith.muli %add3A_5, %mul3A_157 : i32
      %add3A_159 = vector.broadcast %mul3A_158 : i32 to vector<16xi32>
      %add3A_160 = arith.addi %add3A_156, %add3A_159 : vector<16xi32>
      %swap3A_161 = arith.constant 96 : index
      %swap3A_162 = tpu.vector_load %arg10[%swap3A_161] {strides = array<i32>} : memref<128xi32, #tpu.memory_space<vmem>>, vector<16xi32>,
      tpu.vector_store %arg10[%swap3A_161], %add3A_160 {strides = array<i32>} : memref<128xi32, #tpu.memory_space<vmem>>, vector<16xi32>,
      %add3A_163 = arith.constant 112 : i32
      %add3A_164 = vector.broadcast %add3A_163 : i32 to vector<16xi32>
      %add3A_165 = arith.addi %iota3A, %add3A_164 : vector<16xi32>
      %shift_right_arithmetic3A_166 = arith.constant 1 : i32
      %shift_right_arithmetic3A_167 = vector.broadcast %shift_right_arithmetic3A_166 : i32 to vector<16xi32>
      %shift_right_arithmetic3A_168 = arith.shrsi %add3A_165, %shift_right_arithmetic3A_167 : vector<16xi32>
      %mul3A_169 = arith.constant 158 : i32
      %mul3A_170 = vector.broadcast %mul3A_169 : i32 to vector<16xi32>
      %mul3A_171 = arith.muli %shift_right_arithmetic3A_168, %mul3A_170 : vector<16xi32>
      %and3A_172 = arith.constant 1 : i32
      %and3A_173 = vector.broadcast %and3A_172 : i32 to vector<16xi32>
      %and3A_174 = arith.andi %add3A_165, %and3A_173 : vector<16xi32>
      %add3A_175 = arith.addi %mul3A_171, %and3A_174 : vector<16xi32>
      %mul3A_176 = arith.constant 2 : i32
      %mul3A_177 = arith.muli %add3A_5, %mul3A_176 : i32
      %add3A_178 = vector.broadcast %mul3A_177 : i32 to vector<16xi32>
      %add3A_179 = arith.addi %add3A_175, %add3A_178 : vector<16xi32>
      %swap3A_180 = arith.constant 112 : index
      %swap3A_181 = tpu.vector_load %arg10[%swap3A_180] {strides = array<i32>} : memref<128xi32, #tpu.memory_space<vmem>>, vector<16xi32>,
      tpu.vector_store %arg10[%swap3A_180], %add3A_179 {strides = array<i32>} : memref<128xi32, #tpu.memory_space<vmem>>, vector<16xi32>,
      %parallel_loop3A = arith.constant 0 : i32
      %parallel_loop3A_182 = arith.constant 128 : i32
      %parallel_loop3A_183 = arith.constant 1 : i32
      scf.for %parallel_loop3A_245 = %parallel_loop3A to %parallel_loop3A_182 step %parallel_loop3A_183  : i32 {
        %parallel_loop3A_246 = arith.constant 64 : i32
        %parallel_loop3A_247 = arith.muli %parallel_loop3A_245, %parallel_loop3A_246 : i32
        %parallel_loop3A_248 = arith.constant 0 : i32
        %parallel_loop3A_249 = arith.addi %parallel_loop3A_247, %parallel_loop3A_248 : i32
        %parallel_loop3A_250 = arith.index_cast %parallel_loop3A_249 : i32 to index
        %parallel_loop3A_251 = tpu.vector_load %arg5[%parallel_loop3A_250] {strides = array<i32>} : memref<8192xi32, #tpu.memory_space<vmem>>, vector<16xi32>,
        %parallel_loop3A_252 = arith.constant 64 : i32
        %parallel_loop3A_253 = arith.muli %parallel_loop3A_245, %parallel_loop3A_252 : i32
        %parallel_loop3A_254 = arith.constant 0 : i32
        %parallel_loop3A_255 = arith.addi %parallel_loop3A_253, %parallel_loop3A_254 : i32
        %parallel_loop3A_256 = arith.index_cast %parallel_loop3A_255 : i32 to index
        %parallel_loop3A_257 = tpu.vector_load %arg6[%parallel_loop3A_256] {strides = array<i32>} : memref<8192xi32, #tpu.memory_space<vmem>>, vector<16xi32>,
        %parallel_loop3A_258 = arith.constant 0 : i32
        %parallel_loop3A_259 = arith.addi %parallel_loop3A_258, %parallel_loop3A_245 : i32
        %parallel_loop3A_260 = vector.broadcast %parallel_loop3A_259 : i32 to vector<16xi32>
        %parallel_loop3A_261 = arith.addi %iota3A, %parallel_loop3A_260 : vector<16xi32>
        %parallel_loop3A_262 = arith.constant 63 : i32
        %parallel_loop3A_263 = vector.broadcast %parallel_loop3A_262 : i32 to vector<16xi32>
        %parallel_loop3A_264 = arith.andi %parallel_loop3A_261, %parallel_loop3A_263 : vector<16xi32>
        %parallel_loop3A_265 = arith.constant 64 : i32
        %parallel_loop3A_266 = arith.muli %parallel_loop3A_245, %parallel_loop3A_265 : i32
        %parallel_loop3A_267 = vector.broadcast %parallel_loop3A_266 : i32 to vector<16xi32>
        %parallel_loop3A_268 = arith.addi %parallel_loop3A_264, %parallel_loop3A_267 : vector<16xi32>
        tpu.vector_store_idx %arg7[%parallel_loop3A_268], %parallel_loop3A_251 : memref<8192xi32, #tpu.memory_space<vmem>>[vector<16xi32>], vector<16xi32>,
        tpu.vector_store_idx %arg8[%parallel_loop3A_268], %parallel_loop3A_257 : memref<8192xi32, #tpu.memory_space<vmem>>[vector<16xi32>], vector<16xi32>,
      } {sc.loop_unroll_factor = 4 : i64, sc.parallel_access}
      %parallel_loop3A_184 = arith.constant 0 : i32
      %parallel_loop3A_185 = arith.constant 128 : i32
      %parallel_loop3A_186 = arith.constant 1 : i32
      scf.for %parallel_loop3A_245 = %parallel_loop3A_184 to %parallel_loop3A_185 step %parallel_loop3A_186  : i32 {
        %parallel_loop3A_246 = arith.constant 64 : i32
        %parallel_loop3A_247 = arith.muli %parallel_loop3A_245, %parallel_loop3A_246 : i32
        %parallel_loop3A_248 = arith.constant 16 : i32
        %parallel_loop3A_249 = arith.addi %parallel_loop3A_247, %parallel_loop3A_248 : i32
        %parallel_loop3A_250 = arith.index_cast %parallel_loop3A_249 : i32 to index
        %parallel_loop3A_251 = tpu.vector_load %arg5[%parallel_loop3A_250] {strides = array<i32>} : memref<8192xi32, #tpu.memory_space<vmem>>, vector<16xi32>,
        %parallel_loop3A_252 = arith.constant 64 : i32
        %parallel_loop3A_253 = arith.muli %parallel_loop3A_245, %parallel_loop3A_252 : i32
        %parallel_loop3A_254 = arith.constant 16 : i32
        %parallel_loop3A_255 = arith.addi %parallel_loop3A_253, %parallel_loop3A_254 : i32
        %parallel_loop3A_256 = arith.index_cast %parallel_loop3A_255 : i32 to index
        %parallel_loop3A_257 = tpu.vector_load %arg6[%parallel_loop3A_256] {strides = array<i32>} : memref<8192xi32, #tpu.memory_space<vmem>>, vector<16xi32>,
        %parallel_loop3A_258 = arith.constant 16 : i32
        %parallel_loop3A_259 = arith.addi %parallel_loop3A_258, %parallel_loop3A_245 : i32
        %parallel_loop3A_260 = vector.broadcast %parallel_loop3A_259 : i32 to vector<16xi32>
        %parallel_loop3A_261 = arith.addi %iota3A, %parallel_loop3A_260 : vector<16xi32>
        %parallel_loop3A_262 = arith.constant 63 : i32
        %parallel_loop3A_263 = vector.broadcast %parallel_loop3A_262 : i32 to vector<16xi32>
        %parallel_loop3A_264 = arith.andi %parallel_loop3A_261, %parallel_loop3A_263 : vector<16xi32>
        %parallel_loop3A_265 = arith.constant 64 : i32
        %parallel_loop3A_266 = arith.muli %parallel_loop3A_245, %parallel_loop3A_265 : i32
        %parallel_loop3A_267 = vector.broadcast %parallel_loop3A_266 : i32 to vector<16xi32>
        %parallel_loop3A_268 = arith.addi %parallel_loop3A_264, %parallel_loop3A_267 : vector<16xi32>
        tpu.vector_store_idx %arg7[%parallel_loop3A_268], %parallel_loop3A_251 : memref<8192xi32, #tpu.memory_space<vmem>>[vector<16xi32>], vector<16xi32>,
        tpu.vector_store_idx %arg8[%parallel_loop3A_268], %parallel_loop3A_257 : memref<8192xi32, #tpu.memory_space<vmem>>[vector<16xi32>], vector<16xi32>,
      } {sc.loop_unroll_factor = 4 : i64, sc.parallel_access}
      %parallel_loop3A_187 = arith.constant 0 : i32
      %parallel_loop3A_188 = arith.constant 128 : i32
      %parallel_loop3A_189 = arith.constant 1 : i32
      scf.for %parallel_loop3A_245 = %parallel_loop3A_187 to %parallel_loop3A_188 step %parallel_loop3A_189  : i32 {
        %parallel_loop3A_246 = arith.constant 64 : i32
        %parallel_loop3A_247 = arith.muli %parallel_loop3A_245, %parallel_loop3A_246 : i32
        %parallel_loop3A_248 = arith.constant 32 : i32
        %parallel_loop3A_249 = arith.addi %parallel_loop3A_247, %parallel_loop3A_248 : i32
        %parallel_loop3A_250 = arith.index_cast %parallel_loop3A_249 : i32 to index
        %parallel_loop3A_251 = tpu.vector_load %arg5[%parallel_loop3A_250] {strides = array<i32>} : memref<8192xi32, #tpu.memory_space<vmem>>, vector<16xi32>,
        %parallel_loop3A_252 = arith.constant 64 : i32
        %parallel_loop3A_253 = arith.muli %parallel_loop3A_245, %parallel_loop3A_252 : i32
        %parallel_loop3A_254 = arith.constant 32 : i32
        %parallel_loop3A_255 = arith.addi %parallel_loop3A_253, %parallel_loop3A_254 : i32
        %parallel_loop3A_256 = arith.index_cast %parallel_loop3A_255 : i32 to index
        %parallel_loop3A_257 = tpu.vector_load %arg6[%parallel_loop3A_256] {strides = array<i32>} : memref<8192xi32, #tpu.memory_space<vmem>>, vector<16xi32>,
        %parallel_loop3A_258 = arith.constant 32 : i32
        %parallel_loop3A_259 = arith.addi %parallel_loop3A_258, %parallel_loop3A_245 : i32
        %parallel_loop3A_260 = vector.broadcast %parallel_loop3A_259 : i32 to vector<16xi32>
        %parallel_loop3A_261 = arith.addi %iota3A, %parallel_loop3A_260 : vector<16xi32>
        %parallel_loop3A_262 = arith.constant 63 : i32
        %parallel_loop3A_263 = vector.broadcast %parallel_loop3A_262 : i32 to vector<16xi32>
        %parallel_loop3A_264 = arith.andi %parallel_loop3A_261, %parallel_loop3A_263 : vector<16xi32>
        %parallel_loop3A_265 = arith.constant 64 : i32
        %parallel_loop3A_266 = arith.muli %parallel_loop3A_245, %parallel_loop3A_265 : i32
        %parallel_loop3A_267 = vector.broadcast %parallel_loop3A_266 : i32 to vector<16xi32>
        %parallel_loop3A_268 = arith.addi %parallel_loop3A_264, %parallel_loop3A_267 : vector<16xi32>
        tpu.vector_store_idx %arg7[%parallel_loop3A_268], %parallel_loop3A_251 : memref<8192xi32, #tpu.memory_space<vmem>>[vector<16xi32>], vector<16xi32>,
        tpu.vector_store_idx %arg8[%parallel_loop3A_268], %parallel_loop3A_257 : memref<8192xi32, #tpu.memory_space<vmem>>[vector<16xi32>], vector<16xi32>,
      } {sc.loop_unroll_factor = 4 : i64, sc.parallel_access}
      %parallel_loop3A_190 = arith.constant 0 : i32
      %parallel_loop3A_191 = arith.constant 128 : i32
      %parallel_loop3A_192 = arith.constant 1 : i32
      scf.for %parallel_loop3A_245 = %parallel_loop3A_190 to %parallel_loop3A_191 step %parallel_loop3A_192  : i32 {
        %parallel_loop3A_246 = arith.constant 64 : i32
        %parallel_loop3A_247 = arith.muli %parallel_loop3A_245, %parallel_loop3A_246 : i32
        %parallel_loop3A_248 = arith.constant 48 : i32
        %parallel_loop3A_249 = arith.addi %parallel_loop3A_247, %parallel_loop3A_248 : i32
        %parallel_loop3A_250 = arith.index_cast %parallel_loop3A_249 : i32 to index
        %parallel_loop3A_251 = tpu.vector_load %arg5[%parallel_loop3A_250] {strides = array<i32>} : memref<8192xi32, #tpu.memory_space<vmem>>, vector<16xi32>,
        %parallel_loop3A_252 = arith.constant 64 : i32
        %parallel_loop3A_253 = arith.muli %parallel_loop3A_245, %parallel_loop3A_252 : i32
        %parallel_loop3A_254 = arith.constant 48 : i32
        %parallel_loop3A_255 = arith.addi %parallel_loop3A_253, %parallel_loop3A_254 : i32
        %parallel_loop3A_256 = arith.index_cast %parallel_loop3A_255 : i32 to index
        %parallel_loop3A_257 = tpu.vector_load %arg6[%parallel_loop3A_256] {strides = array<i32>} : memref<8192xi32, #tpu.memory_space<vmem>>, vector<16xi32>,
        %parallel_loop3A_258 = arith.constant 48 : i32
        %parallel_loop3A_259 = arith.addi %parallel_loop3A_258, %parallel_loop3A_245 : i32
        %parallel_loop3A_260 = vector.broadcast %parallel_loop3A_259 : i32 to vector<16xi32>
        %parallel_loop3A_261 = arith.addi %iota3A, %parallel_loop3A_260 : vector<16xi32>
        %parallel_loop3A_262 = arith.constant 63 : i32
        %parallel_loop3A_263 = vector.broadcast %parallel_loop3A_262 : i32 to vector<16xi32>
        %parallel_loop3A_264 = arith.andi %parallel_loop3A_261, %parallel_loop3A_263 : vector<16xi32>
        %parallel_loop3A_265 = arith.constant 64 : i32
        %parallel_loop3A_266 = arith.muli %parallel_loop3A_245, %parallel_loop3A_265 : i32
        %parallel_loop3A_267 = vector.broadcast %parallel_loop3A_266 : i32 to vector<16xi32>
        %parallel_loop3A_268 = arith.addi %parallel_loop3A_264, %parallel_loop3A_267 : vector<16xi32>
        tpu.vector_store_idx %arg7[%parallel_loop3A_268], %parallel_loop3A_251 : memref<8192xi32, #tpu.memory_space<vmem>>[vector<16xi32>], vector<16xi32>,
        tpu.vector_store_idx %arg8[%parallel_loop3A_268], %parallel_loop3A_257 : memref<8192xi32, #tpu.memory_space<vmem>>[vector<16xi32>], vector<16xi32>,
      } {sc.loop_unroll_factor = 4 : i64, sc.parallel_access}
      %add3A_193 = arith.constant 0 : i32
      %add3A_194 = vector.broadcast %add3A_193 : i32 to vector<16xi32>
      %add3A_195 = arith.addi %mul3A_3, %add3A_194 : vector<16xi32>
      %parallel_loop3A_196 = arith.constant 0 : i32
      %parallel_loop3A_197 = arith.constant 64 : i32
      %parallel_loop3A_198 = arith.constant 1 : i32
      scf.for %parallel_loop3A_245 = %parallel_loop3A_196 to %parallel_loop3A_197 step %parallel_loop3A_198  : i32 {
        %parallel_loop3A_246 = arith.constant 0 : i32
        %parallel_loop3A_247 = arith.addi %parallel_loop3A_245, %parallel_loop3A_246 : i32
        %parallel_loop3A_248 = vector.broadcast %parallel_loop3A_247 : i32 to vector<16xi32>
        %parallel_loop3A_249 = arith.addi %iota3A, %parallel_loop3A_248 : vector<16xi32>
        %parallel_loop3A_250 = arith.constant 63 : i32
        %parallel_loop3A_251 = vector.broadcast %parallel_loop3A_250 : i32 to vector<16xi32>
        %parallel_loop3A_252 = arith.andi %parallel_loop3A_249, %parallel_loop3A_251 : vector<16xi32>
        %parallel_loop3A_253 = arith.addi %add3A_195, %parallel_loop3A_252 : vector<16xi32>
        %parallel_loop3A_254 = tpu.vector_load_idx %arg7[%parallel_loop3A_253] : memref<8192xi32, #tpu.memory_space<vmem>>[vector<16xi32>], vector<16xi32>,
        %parallel_loop3A_255 = tpu.vector_load_idx %arg8[%parallel_loop3A_253] : memref<8192xi32, #tpu.memory_space<vmem>>[vector<16xi32>], vector<16xi32>,
        %parallel_loop3A_256 = arith.constant 2 : i32
        %parallel_loop3A_257 = arith.muli %parallel_loop3A_256, %parallel_loop3A_245 : i32
        %parallel_loop3A_258 = arith.index_cast %parallel_loop3A_257 : i32 to index
        %parallel_loop3A_259 = arith.constant 0 : index
        %parallel_loop3A_260 = tpu.vector_load %arg9[%parallel_loop3A_258, %parallel_loop3A_259] {strides = array<i32>} : memref<128x128xi32, #tpu.memory_space<vmem>>, vector<16xi32>,
        tpu.vector_store %arg9[%parallel_loop3A_258, %parallel_loop3A_259], %parallel_loop3A_254 {strides = array<i32>} : memref<128x128xi32, #tpu.memory_space<vmem>>, vector<16xi32>,
        %parallel_loop3A_261 = arith.constant 2 : i32
        %parallel_loop3A_262 = arith.muli %parallel_loop3A_261, %parallel_loop3A_245 : i32
        %parallel_loop3A_263 = arith.constant 1 : i32
        %parallel_loop3A_264 = arith.addi %parallel_loop3A_262, %parallel_loop3A_263 : i32
        %parallel_loop3A_265 = arith.index_cast %parallel_loop3A_264 : i32 to index
        %parallel_loop3A_266 = arith.constant 0 : index
        %parallel_loop3A_267 = tpu.vector_load %arg9[%parallel_loop3A_265, %parallel_loop3A_266] {strides = array<i32>} : memref<128x128xi32, #tpu.memory_space<vmem>>, vector<16xi32>,
        tpu.vector_store %arg9[%parallel_loop3A_265, %parallel_loop3A_266], %parallel_loop3A_255 {strides = array<i32>} : memref<128x128xi32, #tpu.memory_space<vmem>>, vector<16xi32>,
      } {sc.loop_unroll_factor = 4 : i64, sc.parallel_access}
      %add3A_199 = arith.constant 1024 : i32
      %add3A_200 = vector.broadcast %add3A_199 : i32 to vector<16xi32>
      %add3A_201 = arith.addi %mul3A_3, %add3A_200 : vector<16xi32>
      %parallel_loop3A_202 = arith.constant 0 : i32
      %parallel_loop3A_203 = arith.constant 64 : i32
      %parallel_loop3A_204 = arith.constant 1 : i32
      scf.for %parallel_loop3A_245 = %parallel_loop3A_202 to %parallel_loop3A_203 step %parallel_loop3A_204  : i32 {
        %parallel_loop3A_246 = arith.constant 16 : i32
        %parallel_loop3A_247 = arith.addi %parallel_loop3A_245, %parallel_loop3A_246 : i32
        %parallel_loop3A_248 = vector.broadcast %parallel_loop3A_247 : i32 to vector<16xi32>
        %parallel_loop3A_249 = arith.addi %iota3A, %parallel_loop3A_248 : vector<16xi32>
        %parallel_loop3A_250 = arith.constant 63 : i32
        %parallel_loop3A_251 = vector.broadcast %parallel_loop3A_250 : i32 to vector<16xi32>
        %parallel_loop3A_252 = arith.andi %parallel_loop3A_249, %parallel_loop3A_251 : vector<16xi32>
        %parallel_loop3A_253 = arith.addi %add3A_201, %parallel_loop3A_252 : vector<16xi32>
        %parallel_loop3A_254 = tpu.vector_load_idx %arg7[%parallel_loop3A_253] : memref<8192xi32, #tpu.memory_space<vmem>>[vector<16xi32>], vector<16xi32>,
        %parallel_loop3A_255 = tpu.vector_load_idx %arg8[%parallel_loop3A_253] : memref<8192xi32, #tpu.memory_space<vmem>>[vector<16xi32>], vector<16xi32>,
        %parallel_loop3A_256 = arith.constant 2 : i32
        %parallel_loop3A_257 = arith.muli %parallel_loop3A_256, %parallel_loop3A_245 : i32
        %parallel_loop3A_258 = arith.index_cast %parallel_loop3A_257 : i32 to index
        %parallel_loop3A_259 = arith.constant 16 : index
        %parallel_loop3A_260 = tpu.vector_load %arg9[%parallel_loop3A_258, %parallel_loop3A_259] {strides = array<i32>} : memref<128x128xi32, #tpu.memory_space<vmem>>, vector<16xi32>,
        tpu.vector_store %arg9[%parallel_loop3A_258, %parallel_loop3A_259], %parallel_loop3A_254 {strides = array<i32>} : memref<128x128xi32, #tpu.memory_space<vmem>>, vector<16xi32>,
        %parallel_loop3A_261 = arith.constant 2 : i32
        %parallel_loop3A_262 = arith.muli %parallel_loop3A_261, %parallel_loop3A_245 : i32
        %parallel_loop3A_263 = arith.constant 1 : i32
        %parallel_loop3A_264 = arith.addi %parallel_loop3A_262, %parallel_loop3A_263 : i32
        %parallel_loop3A_265 = arith.index_cast %parallel_loop3A_264 : i32 to index
        %parallel_loop3A_266 = arith.constant 16 : index
        %parallel_loop3A_267 = tpu.vector_load %arg9[%parallel_loop3A_265, %parallel_loop3A_266] {strides = array<i32>} : memref<128x128xi32, #tpu.memory_space<vmem>>, vector<16xi32>,
        tpu.vector_store %arg9[%parallel_loop3A_265, %parallel_loop3A_266], %parallel_loop3A_255 {strides = array<i32>} : memref<128x128xi32, #tpu.memory_space<vmem>>, vector<16xi32>,
      } {sc.loop_unroll_factor = 4 : i64, sc.parallel_access}
      %add3A_205 = arith.constant 2048 : i32
      %add3A_206 = vector.broadcast %add3A_205 : i32 to vector<16xi32>
      %add3A_207 = arith.addi %mul3A_3, %add3A_206 : vector<16xi32>
      %parallel_loop3A_208 = arith.constant 0 : i32
      %parallel_loop3A_209 = arith.constant 64 : i32
      %parallel_loop3A_210 = arith.constant 1 : i32
      scf.for %parallel_loop3A_245 = %parallel_loop3A_208 to %parallel_loop3A_209 step %parallel_loop3A_210  : i32 {
        %parallel_loop3A_246 = arith.constant 32 : i32
        %parallel_loop3A_247 = arith.addi %parallel_loop3A_245, %parallel_loop3A_246 : i32
        %parallel_loop3A_248 = vector.broadcast %parallel_loop3A_247 : i32 to vector<16xi32>
        %parallel_loop3A_249 = arith.addi %iota3A, %parallel_loop3A_248 : vector<16xi32>
        %parallel_loop3A_250 = arith.constant 63 : i32
        %parallel_loop3A_251 = vector.broadcast %parallel_loop3A_250 : i32 to vector<16xi32>
        %parallel_loop3A_252 = arith.andi %parallel_loop3A_249, %parallel_loop3A_251 : vector<16xi32>
        %parallel_loop3A_253 = arith.addi %add3A_207, %parallel_loop3A_252 : vector<16xi32>
        %parallel_loop3A_254 = tpu.vector_load_idx %arg7[%parallel_loop3A_253] : memref<8192xi32, #tpu.memory_space<vmem>>[vector<16xi32>], vector<16xi32>,
        %parallel_loop3A_255 = tpu.vector_load_idx %arg8[%parallel_loop3A_253] : memref<8192xi32, #tpu.memory_space<vmem>>[vector<16xi32>], vector<16xi32>,
        %parallel_loop3A_256 = arith.constant 2 : i32
        %parallel_loop3A_257 = arith.muli %parallel_loop3A_256, %parallel_loop3A_245 : i32
        %parallel_loop3A_258 = arith.index_cast %parallel_loop3A_257 : i32 to index
        %parallel_loop3A_259 = arith.constant 32 : index
        %parallel_loop3A_260 = tpu.vector_load %arg9[%parallel_loop3A_258, %parallel_loop3A_259] {strides = array<i32>} : memref<128x128xi32, #tpu.memory_space<vmem>>, vector<16xi32>,
        tpu.vector_store %arg9[%parallel_loop3A_258, %parallel_loop3A_259], %parallel_loop3A_254 {strides = array<i32>} : memref<128x128xi32, #tpu.memory_space<vmem>>, vector<16xi32>,
        %parallel_loop3A_261 = arith.constant 2 : i32
        %parallel_loop3A_262 = arith.muli %parallel_loop3A_261, %parallel_loop3A_245 : i32
        %parallel_loop3A_263 = arith.constant 1 : i32
        %parallel_loop3A_264 = arith.addi %parallel_loop3A_262, %parallel_loop3A_263 : i32
        %parallel_loop3A_265 = arith.index_cast %parallel_loop3A_264 : i32 to index
        %parallel_loop3A_266 = arith.constant 32 : index
        %parallel_loop3A_267 = tpu.vector_load %arg9[%parallel_loop3A_265, %parallel_loop3A_266] {strides = array<i32>} : memref<128x128xi32, #tpu.memory_space<vmem>>, vector<16xi32>,
        tpu.vector_store %arg9[%parallel_loop3A_265, %parallel_loop3A_266], %parallel_loop3A_255 {strides = array<i32>} : memref<128x128xi32, #tpu.memory_space<vmem>>, vector<16xi32>,
      } {sc.loop_unroll_factor = 4 : i64, sc.parallel_access}
      %add3A_211 = arith.constant 3072 : i32
      %add3A_212 = vector.broadcast %add3A_211 : i32 to vector<16xi32>
      %add3A_213 = arith.addi %mul3A_3, %add3A_212 : vector<16xi32>
      %parallel_loop3A_214 = arith.constant 0 : i32
      %parallel_loop3A_215 = arith.constant 64 : i32
      %parallel_loop3A_216 = arith.constant 1 : i32
      scf.for %parallel_loop3A_245 = %parallel_loop3A_214 to %parallel_loop3A_215 step %parallel_loop3A_216  : i32 {
        %parallel_loop3A_246 = arith.constant 48 : i32
        %parallel_loop3A_247 = arith.addi %parallel_loop3A_245, %parallel_loop3A_246 : i32
        %parallel_loop3A_248 = vector.broadcast %parallel_loop3A_247 : i32 to vector<16xi32>
        %parallel_loop3A_249 = arith.addi %iota3A, %parallel_loop3A_248 : vector<16xi32>
        %parallel_loop3A_250 = arith.constant 63 : i32
        %parallel_loop3A_251 = vector.broadcast %parallel_loop3A_250 : i32 to vector<16xi32>
        %parallel_loop3A_252 = arith.andi %parallel_loop3A_249, %parallel_loop3A_251 : vector<16xi32>
        %parallel_loop3A_253 = arith.addi %add3A_213, %parallel_loop3A_252 : vector<16xi32>
        %parallel_loop3A_254 = tpu.vector_load_idx %arg7[%parallel_loop3A_253] : memref<8192xi32, #tpu.memory_space<vmem>>[vector<16xi32>], vector<16xi32>,
        %parallel_loop3A_255 = tpu.vector_load_idx %arg8[%parallel_loop3A_253] : memref<8192xi32, #tpu.memory_space<vmem>>[vector<16xi32>], vector<16xi32>,
        %parallel_loop3A_256 = arith.constant 2 : i32
        %parallel_loop3A_257 = arith.muli %parallel_loop3A_256, %parallel_loop3A_245 : i32
        %parallel_loop3A_258 = arith.index_cast %parallel_loop3A_257 : i32 to index
        %parallel_loop3A_259 = arith.constant 48 : index
        %parallel_loop3A_260 = tpu.vector_load %arg9[%parallel_loop3A_258, %parallel_loop3A_259] {strides = array<i32>} : memref<128x128xi32, #tpu.memory_space<vmem>>, vector<16xi32>,
        tpu.vector_store %arg9[%parallel_loop3A_258, %parallel_loop3A_259], %parallel_loop3A_254 {strides = array<i32>} : memref<128x128xi32, #tpu.memory_space<vmem>>, vector<16xi32>,
        %parallel_loop3A_261 = arith.constant 2 : i32
        %parallel_loop3A_262 = arith.muli %parallel_loop3A_261, %parallel_loop3A_245 : i32
        %parallel_loop3A_263 = arith.constant 1 : i32
        %parallel_loop3A_264 = arith.addi %parallel_loop3A_262, %parallel_loop3A_263 : i32
        %parallel_loop3A_265 = arith.index_cast %parallel_loop3A_264 : i32 to index
        %parallel_loop3A_266 = arith.constant 48 : index
        %parallel_loop3A_267 = tpu.vector_load %arg9[%parallel_loop3A_265, %parallel_loop3A_266] {strides = array<i32>} : memref<128x128xi32, #tpu.memory_space<vmem>>, vector<16xi32>,
        tpu.vector_store %arg9[%parallel_loop3A_265, %parallel_loop3A_266], %parallel_loop3A_255 {strides = array<i32>} : memref<128x128xi32, #tpu.memory_space<vmem>>, vector<16xi32>,
      } {sc.loop_unroll_factor = 4 : i64, sc.parallel_access}
      %add3A_217 = arith.constant 4096 : i32
      %add3A_218 = vector.broadcast %add3A_217 : i32 to vector<16xi32>
      %add3A_219 = arith.addi %mul3A_3, %add3A_218 : vector<16xi32>
      %parallel_loop3A_220 = arith.constant 0 : i32
      %parallel_loop3A_221 = arith.constant 64 : i32
      %parallel_loop3A_222 = arith.constant 1 : i32
      scf.for %parallel_loop3A_245 = %parallel_loop3A_220 to %parallel_loop3A_221 step %parallel_loop3A_222  : i32 {
        %parallel_loop3A_246 = arith.constant 64 : i32
        %parallel_loop3A_247 = arith.addi %parallel_loop3A_245, %parallel_loop3A_246 : i32
        %parallel_loop3A_248 = vector.broadcast %parallel_loop3A_247 : i32 to vector<16xi32>
        %parallel_loop3A_249 = arith.addi %iota3A, %parallel_loop3A_248 : vector<16xi32>
        %parallel_loop3A_250 = arith.constant 63 : i32
        %parallel_loop3A_251 = vector.broadcast %parallel_loop3A_250 : i32 to vector<16xi32>
        %parallel_loop3A_252 = arith.andi %parallel_loop3A_249, %parallel_loop3A_251 : vector<16xi32>
        %parallel_loop3A_253 = arith.addi %add3A_219, %parallel_loop3A_252 : vector<16xi32>
        %parallel_loop3A_254 = tpu.vector_load_idx %arg7[%parallel_loop3A_253] : memref<8192xi32, #tpu.memory_space<vmem>>[vector<16xi32>], vector<16xi32>,
        %parallel_loop3A_255 = tpu.vector_load_idx %arg8[%parallel_loop3A_253] : memref<8192xi32, #tpu.memory_space<vmem>>[vector<16xi32>], vector<16xi32>,
        %parallel_loop3A_256 = arith.constant 2 : i32
        %parallel_loop3A_257 = arith.muli %parallel_loop3A_256, %parallel_loop3A_245 : i32
        %parallel_loop3A_258 = arith.index_cast %parallel_loop3A_257 : i32 to index
        %parallel_loop3A_259 = arith.constant 64 : index
        %parallel_loop3A_260 = tpu.vector_load %arg9[%parallel_loop3A_258, %parallel_loop3A_259] {strides = array<i32>} : memref<128x128xi32, #tpu.memory_space<vmem>>, vector<16xi32>,
        tpu.vector_store %arg9[%parallel_loop3A_258, %parallel_loop3A_259], %parallel_loop3A_254 {strides = array<i32>} : memref<128x128xi32, #tpu.memory_space<vmem>>, vector<16xi32>,
        %parallel_loop3A_261 = arith.constant 2 : i32
        %parallel_loop3A_262 = arith.muli %parallel_loop3A_261, %parallel_loop3A_245 : i32
        %parallel_loop3A_263 = arith.constant 1 : i32
        %parallel_loop3A_264 = arith.addi %parallel_loop3A_262, %parallel_loop3A_263 : i32
        %parallel_loop3A_265 = arith.index_cast %parallel_loop3A_264 : i32 to index
        %parallel_loop3A_266 = arith.constant 64 : index
        %parallel_loop3A_267 = tpu.vector_load %arg9[%parallel_loop3A_265, %parallel_loop3A_266] {strides = array<i32>} : memref<128x128xi32, #tpu.memory_space<vmem>>, vector<16xi32>,
        tpu.vector_store %arg9[%parallel_loop3A_265, %parallel_loop3A_266], %parallel_loop3A_255 {strides = array<i32>} : memref<128x128xi32, #tpu.memory_space<vmem>>, vector<16xi32>,
      } {sc.loop_unroll_factor = 4 : i64, sc.parallel_access}
      %add3A_223 = arith.constant 5120 : i32
      %add3A_224 = vector.broadcast %add3A_223 : i32 to vector<16xi32>
      %add3A_225 = arith.addi %mul3A_3, %add3A_224 : vector<16xi32>
      %parallel_loop3A_226 = arith.constant 0 : i32
      %parallel_loop3A_227 = arith.constant 64 : i32
      %parallel_loop3A_228 = arith.constant 1 : i32
      scf.for %parallel_loop3A_245 = %parallel_loop3A_226 to %parallel_loop3A_227 step %parallel_loop3A_228  : i32 {
        %parallel_loop3A_246 = arith.constant 80 : i32
        %parallel_loop3A_247 = arith.addi %parallel_loop3A_245, %parallel_loop3A_246 : i32
        %parallel_loop3A_248 = vector.broadcast %parallel_loop3A_247 : i32 to vector<16xi32>
        %parallel_loop3A_249 = arith.addi %iota3A, %parallel_loop3A_248 : vector<16xi32>
        %parallel_loop3A_250 = arith.constant 63 : i32
        %parallel_loop3A_251 = vector.broadcast %parallel_loop3A_250 : i32 to vector<16xi32>
        %parallel_loop3A_252 = arith.andi %parallel_loop3A_249, %parallel_loop3A_251 : vector<16xi32>
        %parallel_loop3A_253 = arith.addi %add3A_225, %parallel_loop3A_252 : vector<16xi32>
        %parallel_loop3A_254 = tpu.vector_load_idx %arg7[%parallel_loop3A_253] : memref<8192xi32, #tpu.memory_space<vmem>>[vector<16xi32>], vector<16xi32>,
        %parallel_loop3A_255 = tpu.vector_load_idx %arg8[%parallel_loop3A_253] : memref<8192xi32, #tpu.memory_space<vmem>>[vector<16xi32>], vector<16xi32>,
        %parallel_loop3A_256 = arith.constant 2 : i32
        %parallel_loop3A_257 = arith.muli %parallel_loop3A_256, %parallel_loop3A_245 : i32
        %parallel_loop3A_258 = arith.index_cast %parallel_loop3A_257 : i32 to index
        %parallel_loop3A_259 = arith.constant 80 : index
        %parallel_loop3A_260 = tpu.vector_load %arg9[%parallel_loop3A_258, %parallel_loop3A_259] {strides = array<i32>} : memref<128x128xi32, #tpu.memory_space<vmem>>, vector<16xi32>,
        tpu.vector_store %arg9[%parallel_loop3A_258, %parallel_loop3A_259], %parallel_loop3A_254 {strides = array<i32>} : memref<128x128xi32, #tpu.memory_space<vmem>>, vector<16xi32>,
        %parallel_loop3A_261 = arith.constant 2 : i32
        %parallel_loop3A_262 = arith.muli %parallel_loop3A_261, %parallel_loop3A_245 : i32
        %parallel_loop3A_263 = arith.constant 1 : i32
        %parallel_loop3A_264 = arith.addi %parallel_loop3A_262, %parallel_loop3A_263 : i32
        %parallel_loop3A_265 = arith.index_cast %parallel_loop3A_264 : i32 to index
        %parallel_loop3A_266 = arith.constant 80 : index
        %parallel_loop3A_267 = tpu.vector_load %arg9[%parallel_loop3A_265, %parallel_loop3A_266] {strides = array<i32>} : memref<128x128xi32, #tpu.memory_space<vmem>>, vector<16xi32>,
        tpu.vector_store %arg9[%parallel_loop3A_265, %parallel_loop3A_266], %parallel_loop3A_255 {strides = array<i32>} : memref<128x128xi32, #tpu.memory_space<vmem>>, vector<16xi32>,
      } {sc.loop_unroll_factor = 4 : i64, sc.parallel_access}
      %add3A_229 = arith.constant 6144 : i32
      %add3A_230 = vector.broadcast %add3A_229 : i32 to vector<16xi32>
      %add3A_231 = arith.addi %mul3A_3, %add3A_230 : vector<16xi32>
      %parallel_loop3A_232 = arith.constant 0 : i32
      %parallel_loop3A_233 = arith.constant 64 : i32
      %parallel_loop3A_234 = arith.constant 1 : i32
      scf.for %parallel_loop3A_245 = %parallel_loop3A_232 to %parallel_loop3A_233 step %parallel_loop3A_234  : i32 {
        %parallel_loop3A_246 = arith.constant 96 : i32
        %parallel_loop3A_247 = arith.addi %parallel_loop3A_245, %parallel_loop3A_246 : i32
        %parallel_loop3A_248 = vector.broadcast %parallel_loop3A_247 : i32 to vector<16xi32>
        %parallel_loop3A_249 = arith.addi %iota3A, %parallel_loop3A_248 : vector<16xi32>
        %parallel_loop3A_250 = arith.constant 63 : i32
        %parallel_loop3A_251 = vector.broadcast %parallel_loop3A_250 : i32 to vector<16xi32>
        %parallel_loop3A_252 = arith.andi %parallel_loop3A_249, %parallel_loop3A_251 : vector<16xi32>
        %parallel_loop3A_253 = arith.addi %add3A_231, %parallel_loop3A_252 : vector<16xi32>
        %parallel_loop3A_254 = tpu.vector_load_idx %arg7[%parallel_loop3A_253] : memref<8192xi32, #tpu.memory_space<vmem>>[vector<16xi32>], vector<16xi32>,
        %parallel_loop3A_255 = tpu.vector_load_idx %arg8[%parallel_loop3A_253] : memref<8192xi32, #tpu.memory_space<vmem>>[vector<16xi32>], vector<16xi32>,
        %parallel_loop3A_256 = arith.constant 2 : i32
        %parallel_loop3A_257 = arith.muli %parallel_loop3A_256, %parallel_loop3A_245 : i32
        %parallel_loop3A_258 = arith.index_cast %parallel_loop3A_257 : i32 to index
        %parallel_loop3A_259 = arith.constant 96 : index
        %parallel_loop3A_260 = tpu.vector_load %arg9[%parallel_loop3A_258, %parallel_loop3A_259] {strides = array<i32>} : memref<128x128xi32, #tpu.memory_space<vmem>>, vector<16xi32>,
        tpu.vector_store %arg9[%parallel_loop3A_258, %parallel_loop3A_259], %parallel_loop3A_254 {strides = array<i32>} : memref<128x128xi32, #tpu.memory_space<vmem>>, vector<16xi32>,
        %parallel_loop3A_261 = arith.constant 2 : i32
        %parallel_loop3A_262 = arith.muli %parallel_loop3A_261, %parallel_loop3A_245 : i32
        %parallel_loop3A_263 = arith.constant 1 : i32
        %parallel_loop3A_264 = arith.addi %parallel_loop3A_262, %parallel_loop3A_263 : i32
        %parallel_loop3A_265 = arith.index_cast %parallel_loop3A_264 : i32 to index
        %parallel_loop3A_266 = arith.constant 96 : index
        %parallel_loop3A_267 = tpu.vector_load %arg9[%parallel_loop3A_265, %parallel_loop3A_266] {strides = array<i32>} : memref<128x128xi32, #tpu.memory_space<vmem>>, vector<16xi32>,
        tpu.vector_store %arg9[%parallel_loop3A_265, %parallel_loop3A_266], %parallel_loop3A_255 {strides = array<i32>} : memref<128x128xi32, #tpu.memory_space<vmem>>, vector<16xi32>,
      } {sc.loop_unroll_factor = 4 : i64, sc.parallel_access}
      %add3A_235 = arith.constant 7168 : i32
      %add3A_236 = vector.broadcast %add3A_235 : i32 to vector<16xi32>
      %add3A_237 = arith.addi %mul3A_3, %add3A_236 : vector<16xi32>
      %parallel_loop3A_238 = arith.constant 0 : i32
      %parallel_loop3A_239 = arith.constant 64 : i32
      %parallel_loop3A_240 = arith.constant 1 : i32
      scf.for %parallel_loop3A_245 = %parallel_loop3A_238 to %parallel_loop3A_239 step %parallel_loop3A_240  : i32 {
        %parallel_loop3A_246 = arith.constant 112 : i32
        %parallel_loop3A_247 = arith.addi %parallel_loop3A_245, %parallel_loop3A_246 : i32
        %parallel_loop3A_248 = vector.broadcast %parallel_loop3A_247 : i32 to vector<16xi32>
        %parallel_loop3A_249 = arith.addi %iota3A, %parallel_loop3A_248 : vector<16xi32>
        %parallel_loop3A_250 = arith.constant 63 : i32
        %parallel_loop3A_251 = vector.broadcast %parallel_loop3A_250 : i32 to vector<16xi32>
        %parallel_loop3A_252 = arith.andi %parallel_loop3A_249, %parallel_loop3A_251 : vector<16xi32>
        %parallel_loop3A_253 = arith.addi %add3A_237, %parallel_loop3A_252 : vector<16xi32>
        %parallel_loop3A_254 = tpu.vector_load_idx %arg7[%parallel_loop3A_253] : memref<8192xi32, #tpu.memory_space<vmem>>[vector<16xi32>], vector<16xi32>,
        %parallel_loop3A_255 = tpu.vector_load_idx %arg8[%parallel_loop3A_253] : memref<8192xi32, #tpu.memory_space<vmem>>[vector<16xi32>], vector<16xi32>,
        %parallel_loop3A_256 = arith.constant 2 : i32
        %parallel_loop3A_257 = arith.muli %parallel_loop3A_256, %parallel_loop3A_245 : i32
        %parallel_loop3A_258 = arith.index_cast %parallel_loop3A_257 : i32 to index
        %parallel_loop3A_259 = arith.constant 112 : index
        %parallel_loop3A_260 = tpu.vector_load %arg9[%parallel_loop3A_258, %parallel_loop3A_259] {strides = array<i32>} : memref<128x128xi32, #tpu.memory_space<vmem>>, vector<16xi32>,
        tpu.vector_store %arg9[%parallel_loop3A_258, %parallel_loop3A_259], %parallel_loop3A_254 {strides = array<i32>} : memref<128x128xi32, #tpu.memory_space<vmem>>, vector<16xi32>,
        %parallel_loop3A_261 = arith.constant 2 : i32
        %parallel_loop3A_262 = arith.muli %parallel_loop3A_261, %parallel_loop3A_245 : i32
        %parallel_loop3A_263 = arith.constant 1 : i32
        %parallel_loop3A_264 = arith.addi %parallel_loop3A_262, %parallel_loop3A_263 : i32
        %parallel_loop3A_265 = arith.index_cast %parallel_loop3A_264 : i32 to index
        %parallel_loop3A_266 = arith.constant 112 : index
        %parallel_loop3A_267 = tpu.vector_load %arg9[%parallel_loop3A_265, %parallel_loop3A_266] {strides = array<i32>} : memref<128x128xi32, #tpu.memory_space<vmem>>, vector<16xi32>,
        tpu.vector_store %arg9[%parallel_loop3A_265, %parallel_loop3A_266], %parallel_loop3A_255 {strides = array<i32>} : memref<128x128xi32, #tpu.memory_space<vmem>>, vector<16xi32>,
      } {sc.loop_unroll_factor = 4 : i64, sc.parallel_access}
      %dma_start3A = arith.constant 0 : i32
      %dma_start3A_241 = arith.constant 0 : i32
      %dma_start3A_242 = tpu.memref_slice %arg4[%dma_start3A, %dma_start3A_241] : memref<10112x128xi32, #tpu.memory_space<hbm>> -> memref<10112x128xi32, #tpu.memory_space<hbm>>
      tpu.enqueue_indirect_dma source(%arg9 : memref<128x128xi32, #tpu.memory_space<vmem>>) target(%dma_start3A_242 : memref<10112x128xi32, #tpu.memory_space<hbm>>) offsets(%arg10 : memref<128xi32, #tpu.memory_space<vmem>>) semaphore(%arg11 : memref<!tpu.dma_semaphore, #tpu.memory_space<semaphore_mem>>)
      %dma_wait3A = arith.constant 0 : i32
      %dma_wait3A_243 = arith.constant 0 : i32
      %dma_wait3A_244 = tpu.memref_slice %arg4[%dma_wait3A, %dma_wait3A_243] : memref<10112x128xi32, #tpu.memory_space<hbm>> -> memref<10112x128xi32, #tpu.memory_space<hbm>>
      tpu.wait_indirect_dma semaphore(%arg11 : memref<!tpu.dma_semaphore, #tpu.memory_space<semaphore_mem>>) src(%arg9 : memref<128x128xi32, #tpu.memory_space<vmem>>) dst(%dma_wait3A_244 : memref<10112x128xi32, #tpu.memory_space<hbm>>)
    } else {
    }
    %add3A_8 = arith.constant 32 : i32
    %add3A_9 = arith.addi %add3A, %add3A_8 : i32
    %lt3A_10 = arith.constant 79 : i32
    %lt3A_11 = arith.cmpi slt, %add3A_9, %lt3A_10 : i32
    %convert_element_type3A_12 = arith.extui %lt3A_11 : i1 to i32
    %cond3A_13 = arith.constant 0 : i32
    %cond3A_14 = arith.cmpi ne, %convert_element_type3A_12, %cond3A_13 : i32
    scf.if %cond3A_14 {
      %mul3A_22 = arith.constant 8192 : i32
      %mul3A_23 = arith.muli %add3A_9, %mul3A_22 : i32
      %lt3A_24 = arith.constant 78 : i32
      %lt3A_25 = arith.cmpi slt, %add3A_9, %lt3A_24 : i32
      %convert_element_type3A_26 = arith.extui %lt3A_25 : i1 to i32
      %cond3A_27 = arith.constant 0 : i32
      %cond3A_28 = arith.cmpi ne, %convert_element_type3A_26, %cond3A_27 : i32
      scf.if %cond3A_28 {
        "tpu.region"() ({
          %run_scoped3A = tpu.sem_alloc : memref<!tpu.dma_semaphore, #tpu.memory_space<semaphore_mem>>
          %dma_start3A_245 = tpu.memref_slice %arg2[%mul3A_23] : memref<640000xi32, #tpu.memory_space<hbm>> -> memref<8192xi32, #tpu.memory_space<hbm>>
          %dma_start3A_246 = tpu.memref_slice %arg2[%mul3A_23] : memref<640000xi32, #tpu.memory_space<hbm>> -> memref<8192xi32, #tpu.memory_space<hbm>>
          tpu.enqueue_dma source(%dma_start3A_246 : memref<8192xi32, #tpu.memory_space<hbm>>) target(%arg5 : memref<8192xi32, #tpu.memory_space<vmem>>) target_semaphore(%run_scoped3A : memref<!tpu.dma_semaphore, #tpu.memory_space<semaphore_mem>>)
          %dma_wait3A_247 = tpu.memref_slice %arg2[%mul3A_23] : memref<640000xi32, #tpu.memory_space<hbm>> -> memref<8192xi32, #tpu.memory_space<hbm>>
          %dma_wait3A_248 = tpu.memref_slice %arg2[%mul3A_23] : memref<640000xi32, #tpu.memory_space<hbm>> -> memref<8192xi32, #tpu.memory_space<hbm>>
          tpu.wait_dma2 semaphore(%run_scoped3A : memref<!tpu.dma_semaphore, #tpu.memory_space<semaphore_mem>>) src(%dma_wait3A_248 : memref<8192xi32, #tpu.memory_space<hbm>>) dst(%arg5 : memref<8192xi32, #tpu.memory_space<vmem>>)
          tpu.yield
        }) : () -> ()
        "tpu.region"() ({
          %run_scoped3A = tpu.sem_alloc : memref<!tpu.dma_semaphore, #tpu.memory_space<semaphore_mem>>
          %dma_start3A_245 = tpu.memref_slice %arg3[%mul3A_23] : memref<640000xi32, #tpu.memory_space<hbm>> -> memref<8192xi32, #tpu.memory_space<hbm>>
          %dma_start3A_246 = tpu.memref_slice %arg3[%mul3A_23] : memref<640000xi32, #tpu.memory_space<hbm>> -> memref<8192xi32, #tpu.memory_space<hbm>>
          tpu.enqueue_dma source(%dma_start3A_246 : memref<8192xi32, #tpu.memory_space<hbm>>) target(%arg6 : memref<8192xi32, #tpu.memory_space<vmem>>) target_semaphore(%run_scoped3A : memref<!tpu.dma_semaphore, #tpu.memory_space<semaphore_mem>>)
          %dma_wait3A_247 = tpu.memref_slice %arg3[%mul3A_23] : memref<640000xi32, #tpu.memory_space<hbm>> -> memref<8192xi32, #tpu.memory_space<hbm>>
          %dma_wait3A_248 = tpu.memref_slice %arg3[%mul3A_23] : memref<640000xi32, #tpu.memory_space<hbm>> -> memref<8192xi32, #tpu.memory_space<hbm>>
          tpu.wait_dma2 semaphore(%run_scoped3A : memref<!tpu.dma_semaphore, #tpu.memory_space<semaphore_mem>>) src(%dma_wait3A_248 : memref<8192xi32, #tpu.memory_space<hbm>>) dst(%arg6 : memref<8192xi32, #tpu.memory_space<vmem>>)
          tpu.yield
        }) : () -> ()
      } else {
      }
      %eq3A = arith.constant 78 : i32
      %eq3A_29 = arith.cmpi eq, %add3A_9, %eq3A : i32
      %convert_element_type3A_30 = arith.extui %eq3A_29 : i1 to i32
      %cond3A_31 = arith.constant 0 : i32
      %cond3A_32 = arith.cmpi ne, %convert_element_type3A_30, %cond3A_31 : i32
      scf.if %cond3A_32 {
        "tpu.region"() ({
          %run_scoped3A = tpu.sem_alloc : memref<!tpu.dma_semaphore, #tpu.memory_space<semaphore_mem>>
          %dma_start3A_245 = arith.constant 0 : i32
          %dma_start3A_246 = tpu.memref_slice %arg5[%dma_start3A_245] : memref<8192xi32, #tpu.memory_space<vmem>> -> memref<1024xi32, #tpu.memory_space<vmem>>
          %dma_start3A_247 = tpu.memref_slice %arg2[%mul3A_23] : memref<640000xi32, #tpu.memory_space<hbm>> -> memref<1024xi32, #tpu.memory_space<hbm>>
          %dma_start3A_248 = arith.constant 0 : i32
          %dma_start3A_249 = tpu.memref_slice %arg5[%dma_start3A_248] : memref<8192xi32, #tpu.memory_space<vmem>> -> memref<1024xi32, #tpu.memory_space<vmem>>
          %dma_start3A_250 = tpu.memref_slice %arg2[%mul3A_23] : memref<640000xi32, #tpu.memory_space<hbm>> -> memref<1024xi32, #tpu.memory_space<hbm>>
          tpu.enqueue_dma source(%dma_start3A_250 : memref<1024xi32, #tpu.memory_space<hbm>>) target(%dma_start3A_249 : memref<1024xi32, #tpu.memory_space<vmem>>) target_semaphore(%run_scoped3A : memref<!tpu.dma_semaphore, #tpu.memory_space<semaphore_mem>>)
          %dma_wait3A_251 = arith.constant 0 : i32
          %dma_wait3A_252 = tpu.memref_slice %arg5[%dma_wait3A_251] : memref<8192xi32, #tpu.memory_space<vmem>> -> memref<1024xi32, #tpu.memory_space<vmem>>
          %dma_wait3A_253 = tpu.memref_slice %arg2[%mul3A_23] : memref<640000xi32, #tpu.memory_space<hbm>> -> memref<1024xi32, #tpu.memory_space<hbm>>
          %dma_wait3A_254 = arith.constant 0 : i32
          %dma_wait3A_255 = tpu.memref_slice %arg5[%dma_wait3A_254] : memref<8192xi32, #tpu.memory_space<vmem>> -> memref<1024xi32, #tpu.memory_space<vmem>>
          %dma_wait3A_256 = tpu.memref_slice %arg2[%mul3A_23] : memref<640000xi32, #tpu.memory_space<hbm>> -> memref<1024xi32, #tpu.memory_space<hbm>>
          tpu.wait_dma2 semaphore(%run_scoped3A : memref<!tpu.dma_semaphore, #tpu.memory_space<semaphore_mem>>) src(%dma_wait3A_256 : memref<1024xi32, #tpu.memory_space<hbm>>) dst(%dma_wait3A_255 : memref<1024xi32, #tpu.memory_space<vmem>>)
          tpu.yield
        }) : () -> ()
        "tpu.region"() ({
          %run_scoped3A = tpu.sem_alloc : memref<!tpu.dma_semaphore, #tpu.memory_space<semaphore_mem>>
          %dma_start3A_245 = arith.constant 0 : i32
          %dma_start3A_246 = tpu.memref_slice %arg6[%dma_start3A_245] : memref<8192xi32, #tpu.memory_space<vmem>> -> memref<1024xi32, #tpu.memory_space<vmem>>
          %dma_start3A_247 = tpu.memref_slice %arg3[%mul3A_23] : memref<640000xi32, #tpu.memory_space<hbm>> -> memref<1024xi32, #tpu.memory_space<hbm>>
          %dma_start3A_248 = arith.constant 0 : i32
          %dma_start3A_249 = tpu.memref_slice %arg6[%dma_start3A_248] : memref<8192xi32, #tpu.memory_space<vmem>> -> memref<1024xi32, #tpu.memory_space<vmem>>
          %dma_start3A_250 = tpu.memref_slice %arg3[%mul3A_23] : memref<640000xi32, #tpu.memory_space<hbm>> -> memref<1024xi32, #tpu.memory_space<hbm>>
          tpu.enqueue_dma source(%dma_start3A_250 : memref<1024xi32, #tpu.memory_space<hbm>>) target(%dma_start3A_249 : memref<1024xi32, #tpu.memory_space<vmem>>) target_semaphore(%run_scoped3A : memref<!tpu.dma_semaphore, #tpu.memory_space<semaphore_mem>>)
          %dma_wait3A_251 = arith.constant 0 : i32
          %dma_wait3A_252 = tpu.memref_slice %arg6[%dma_wait3A_251] : memref<8192xi32, #tpu.memory_space<vmem>> -> memref<1024xi32, #tpu.memory_space<vmem>>
          %dma_wait3A_253 = tpu.memref_slice %arg3[%mul3A_23] : memref<640000xi32, #tpu.memory_space<hbm>> -> memref<1024xi32, #tpu.memory_space<hbm>>
          %dma_wait3A_254 = arith.constant 0 : i32
          %dma_wait3A_255 = tpu.memref_slice %arg6[%dma_wait3A_254] : memref<8192xi32, #tpu.memory_space<vmem>> -> memref<1024xi32, #tpu.memory_space<vmem>>
          %dma_wait3A_256 = tpu.memref_slice %arg3[%mul3A_23] : memref<640000xi32, #tpu.memory_space<hbm>> -> memref<1024xi32, #tpu.memory_space<hbm>>
          tpu.wait_dma2 semaphore(%run_scoped3A : memref<!tpu.dma_semaphore, #tpu.memory_space<semaphore_mem>>) src(%dma_wait3A_256 : memref<1024xi32, #tpu.memory_space<hbm>>) dst(%dma_wait3A_255 : memref<1024xi32, #tpu.memory_space<vmem>>)
          tpu.yield
        }) : () -> ()
      } else {
      }
      %add3A_33 = arith.constant 0 : i32
      %add3A_34 = vector.broadcast %add3A_33 : i32 to vector<16xi32>
      %add3A_35 = arith.addi %iota3A, %add3A_34 : vector<16xi32>
      %shift_right_arithmetic3A = arith.constant 1 : i32
      %shift_right_arithmetic3A_36 = vector.broadcast %shift_right_arithmetic3A : i32 to vector<16xi32>
      %shift_right_arithmetic3A_37 = arith.shrsi %add3A_35, %shift_right_arithmetic3A_36 : vector<16xi32>
      %mul3A_38 = arith.constant 158 : i32
      %mul3A_39 = vector.broadcast %mul3A_38 : i32 to vector<16xi32>
      %mul3A_40 = arith.muli %shift_right_arithmetic3A_37, %mul3A_39 : vector<16xi32>
      %and3A = arith.constant 1 : i32
      %and3A_41 = vector.broadcast %and3A : i32 to vector<16xi32>
      %and3A_42 = arith.andi %add3A_35, %and3A_41 : vector<16xi32>
      %add3A_43 = arith.addi %mul3A_40, %and3A_42 : vector<16xi32>
      %mul3A_44 = arith.constant 2 : i32
      %mul3A_45 = arith.muli %add3A_9, %mul3A_44 : i32
      %add3A_46 = vector.broadcast %mul3A_45 : i32 to vector<16xi32>
      %add3A_47 = arith.addi %add3A_43, %add3A_46 : vector<16xi32>
      %swap3A = arith.constant 0 : index
      %swap3A_48 = tpu.vector_load %arg10[%swap3A] {strides = array<i32>} : memref<128xi32, #tpu.memory_space<vmem>>, vector<16xi32>,
      tpu.vector_store %arg10[%swap3A], %add3A_47 {strides = array<i32>} : memref<128xi32, #tpu.memory_space<vmem>>, vector<16xi32>,
      %add3A_49 = arith.constant 16 : i32
      %add3A_50 = vector.broadcast %add3A_49 : i32 to vector<16xi32>
      %add3A_51 = arith.addi %iota3A, %add3A_50 : vector<16xi32>
      %shift_right_arithmetic3A_52 = arith.constant 1 : i32
      %shift_right_arithmetic3A_53 = vector.broadcast %shift_right_arithmetic3A_52 : i32 to vector<16xi32>
      %shift_right_arithmetic3A_54 = arith.shrsi %add3A_51, %shift_right_arithmetic3A_53 : vector<16xi32>
      %mul3A_55 = arith.constant 158 : i32
      %mul3A_56 = vector.broadcast %mul3A_55 : i32 to vector<16xi32>
      %mul3A_57 = arith.muli %shift_right_arithmetic3A_54, %mul3A_56 : vector<16xi32>
      %and3A_58 = arith.constant 1 : i32
      %and3A_59 = vector.broadcast %and3A_58 : i32 to vector<16xi32>
      %and3A_60 = arith.andi %add3A_51, %and3A_59 : vector<16xi32>
      %add3A_61 = arith.addi %mul3A_57, %and3A_60 : vector<16xi32>
      %mul3A_62 = arith.constant 2 : i32
      %mul3A_63 = arith.muli %add3A_9, %mul3A_62 : i32
      %add3A_64 = vector.broadcast %mul3A_63 : i32 to vector<16xi32>
      %add3A_65 = arith.addi %add3A_61, %add3A_64 : vector<16xi32>
      %swap3A_66 = arith.constant 16 : index
      %swap3A_67 = tpu.vector_load %arg10[%swap3A_66] {strides = array<i32>} : memref<128xi32, #tpu.memory_space<vmem>>, vector<16xi32>,
      tpu.vector_store %arg10[%swap3A_66], %add3A_65 {strides = array<i32>} : memref<128xi32, #tpu.memory_space<vmem>>, vector<16xi32>,
      %add3A_68 = arith.constant 32 : i32
      %add3A_69 = vector.broadcast %add3A_68 : i32 to vector<16xi32>
      %add3A_70 = arith.addi %iota3A, %add3A_69 : vector<16xi32>
      %shift_right_arithmetic3A_71 = arith.constant 1 : i32
      %shift_right_arithmetic3A_72 = vector.broadcast %shift_right_arithmetic3A_71 : i32 to vector<16xi32>
      %shift_right_arithmetic3A_73 = arith.shrsi %add3A_70, %shift_right_arithmetic3A_72 : vector<16xi32>
      %mul3A_74 = arith.constant 158 : i32
      %mul3A_75 = vector.broadcast %mul3A_74 : i32 to vector<16xi32>
      %mul3A_76 = arith.muli %shift_right_arithmetic3A_73, %mul3A_75 : vector<16xi32>
      %and3A_77 = arith.constant 1 : i32
      %and3A_78 = vector.broadcast %and3A_77 : i32 to vector<16xi32>
      %and3A_79 = arith.andi %add3A_70, %and3A_78 : vector<16xi32>
      %add3A_80 = arith.addi %mul3A_76, %and3A_79 : vector<16xi32>
      %mul3A_81 = arith.constant 2 : i32
      %mul3A_82 = arith.muli %add3A_9, %mul3A_81 : i32
      %add3A_83 = vector.broadcast %mul3A_82 : i32 to vector<16xi32>
      %add3A_84 = arith.addi %add3A_80, %add3A_83 : vector<16xi32>
      %swap3A_85 = arith.constant 32 : index
      %swap3A_86 = tpu.vector_load %arg10[%swap3A_85] {strides = array<i32>} : memref<128xi32, #tpu.memory_space<vmem>>, vector<16xi32>,
      tpu.vector_store %arg10[%swap3A_85], %add3A_84 {strides = array<i32>} : memref<128xi32, #tpu.memory_space<vmem>>, vector<16xi32>,
      %add3A_87 = arith.constant 48 : i32
      %add3A_88 = vector.broadcast %add3A_87 : i32 to vector<16xi32>
      %add3A_89 = arith.addi %iota3A, %add3A_88 : vector<16xi32>
      %shift_right_arithmetic3A_90 = arith.constant 1 : i32
      %shift_right_arithmetic3A_91 = vector.broadcast %shift_right_arithmetic3A_90 : i32 to vector<16xi32>
      %shift_right_arithmetic3A_92 = arith.shrsi %add3A_89, %shift_right_arithmetic3A_91 : vector<16xi32>
      %mul3A_93 = arith.constant 158 : i32
      %mul3A_94 = vector.broadcast %mul3A_93 : i32 to vector<16xi32>
      %mul3A_95 = arith.muli %shift_right_arithmetic3A_92, %mul3A_94 : vector<16xi32>
      %and3A_96 = arith.constant 1 : i32
      %and3A_97 = vector.broadcast %and3A_96 : i32 to vector<16xi32>
      %and3A_98 = arith.andi %add3A_89, %and3A_97 : vector<16xi32>
      %add3A_99 = arith.addi %mul3A_95, %and3A_98 : vector<16xi32>
      %mul3A_100 = arith.constant 2 : i32
      %mul3A_101 = arith.muli %add3A_9, %mul3A_100 : i32
      %add3A_102 = vector.broadcast %mul3A_101 : i32 to vector<16xi32>
      %add3A_103 = arith.addi %add3A_99, %add3A_102 : vector<16xi32>
      %swap3A_104 = arith.constant 48 : index
      %swap3A_105 = tpu.vector_load %arg10[%swap3A_104] {strides = array<i32>} : memref<128xi32, #tpu.memory_space<vmem>>, vector<16xi32>,
      tpu.vector_store %arg10[%swap3A_104], %add3A_103 {strides = array<i32>} : memref<128xi32, #tpu.memory_space<vmem>>, vector<16xi32>,
      %add3A_106 = arith.constant 64 : i32
      %add3A_107 = vector.broadcast %add3A_106 : i32 to vector<16xi32>
      %add3A_108 = arith.addi %iota3A, %add3A_107 : vector<16xi32>
      %shift_right_arithmetic3A_109 = arith.constant 1 : i32
      %shift_right_arithmetic3A_110 = vector.broadcast %shift_right_arithmetic3A_109 : i32 to vector<16xi32>
      %shift_right_arithmetic3A_111 = arith.shrsi %add3A_108, %shift_right_arithmetic3A_110 : vector<16xi32>
      %mul3A_112 = arith.constant 158 : i32
      %mul3A_113 = vector.broadcast %mul3A_112 : i32 to vector<16xi32>
      %mul3A_114 = arith.muli %shift_right_arithmetic3A_111, %mul3A_113 : vector<16xi32>
      %and3A_115 = arith.constant 1 : i32
      %and3A_116 = vector.broadcast %and3A_115 : i32 to vector<16xi32>
      %and3A_117 = arith.andi %add3A_108, %and3A_116 : vector<16xi32>
      %add3A_118 = arith.addi %mul3A_114, %and3A_117 : vector<16xi32>
      %mul3A_119 = arith.constant 2 : i32
      %mul3A_120 = arith.muli %add3A_9, %mul3A_119 : i32
      %add3A_121 = vector.broadcast %mul3A_120 : i32 to vector<16xi32>
      %add3A_122 = arith.addi %add3A_118, %add3A_121 : vector<16xi32>
      %swap3A_123 = arith.constant 64 : index
      %swap3A_124 = tpu.vector_load %arg10[%swap3A_123] {strides = array<i32>} : memref<128xi32, #tpu.memory_space<vmem>>, vector<16xi32>,
      tpu.vector_store %arg10[%swap3A_123], %add3A_122 {strides = array<i32>} : memref<128xi32, #tpu.memory_space<vmem>>, vector<16xi32>,
      %add3A_125 = arith.constant 80 : i32
      %add3A_126 = vector.broadcast %add3A_125 : i32 to vector<16xi32>
      %add3A_127 = arith.addi %iota3A, %add3A_126 : vector<16xi32>
      %shift_right_arithmetic3A_128 = arith.constant 1 : i32
      %shift_right_arithmetic3A_129 = vector.broadcast %shift_right_arithmetic3A_128 : i32 to vector<16xi32>
      %shift_right_arithmetic3A_130 = arith.shrsi %add3A_127, %shift_right_arithmetic3A_129 : vector<16xi32>
      %mul3A_131 = arith.constant 158 : i32
      %mul3A_132 = vector.broadcast %mul3A_131 : i32 to vector<16xi32>
      %mul3A_133 = arith.muli %shift_right_arithmetic3A_130, %mul3A_132 : vector<16xi32>
      %and3A_134 = arith.constant 1 : i32
      %and3A_135 = vector.broadcast %and3A_134 : i32 to vector<16xi32>
      %and3A_136 = arith.andi %add3A_127, %and3A_135 : vector<16xi32>
      %add3A_137 = arith.addi %mul3A_133, %and3A_136 : vector<16xi32>
      %mul3A_138 = arith.constant 2 : i32
      %mul3A_139 = arith.muli %add3A_9, %mul3A_138 : i32
      %add3A_140 = vector.broadcast %mul3A_139 : i32 to vector<16xi32>
      %add3A_141 = arith.addi %add3A_137, %add3A_140 : vector<16xi32>
      %swap3A_142 = arith.constant 80 : index
      %swap3A_143 = tpu.vector_load %arg10[%swap3A_142] {strides = array<i32>} : memref<128xi32, #tpu.memory_space<vmem>>, vector<16xi32>,
      tpu.vector_store %arg10[%swap3A_142], %add3A_141 {strides = array<i32>} : memref<128xi32, #tpu.memory_space<vmem>>, vector<16xi32>,
      %add3A_144 = arith.constant 96 : i32
      %add3A_145 = vector.broadcast %add3A_144 : i32 to vector<16xi32>
      %add3A_146 = arith.addi %iota3A, %add3A_145 : vector<16xi32>
      %shift_right_arithmetic3A_147 = arith.constant 1 : i32
      %shift_right_arithmetic3A_148 = vector.broadcast %shift_right_arithmetic3A_147 : i32 to vector<16xi32>
      %shift_right_arithmetic3A_149 = arith.shrsi %add3A_146, %shift_right_arithmetic3A_148 : vector<16xi32>
      %mul3A_150 = arith.constant 158 : i32
      %mul3A_151 = vector.broadcast %mul3A_150 : i32 to vector<16xi32>
      %mul3A_152 = arith.muli %shift_right_arithmetic3A_149, %mul3A_151 : vector<16xi32>
      %and3A_153 = arith.constant 1 : i32
      %and3A_154 = vector.broadcast %and3A_153 : i32 to vector<16xi32>
      %and3A_155 = arith.andi %add3A_146, %and3A_154 : vector<16xi32>
      %add3A_156 = arith.addi %mul3A_152, %and3A_155 : vector<16xi32>
      %mul3A_157 = arith.constant 2 : i32
      %mul3A_158 = arith.muli %add3A_9, %mul3A_157 : i32
      %add3A_159 = vector.broadcast %mul3A_158 : i32 to vector<16xi32>
      %add3A_160 = arith.addi %add3A_156, %add3A_159 : vector<16xi32>
      %swap3A_161 = arith.constant 96 : index
      %swap3A_162 = tpu.vector_load %arg10[%swap3A_161] {strides = array<i32>} : memref<128xi32, #tpu.memory_space<vmem>>, vector<16xi32>,
      tpu.vector_store %arg10[%swap3A_161], %add3A_160 {strides = array<i32>} : memref<128xi32, #tpu.memory_space<vmem>>, vector<16xi32>,
      %add3A_163 = arith.constant 112 : i32
      %add3A_164 = vector.broadcast %add3A_163 : i32 to vector<16xi32>
      %add3A_165 = arith.addi %iota3A, %add3A_164 : vector<16xi32>
      %shift_right_arithmetic3A_166 = arith.constant 1 : i32
      %shift_right_arithmetic3A_167 = vector.broadcast %shift_right_arithmetic3A_166 : i32 to vector<16xi32>
      %shift_right_arithmetic3A_168 = arith.shrsi %add3A_165, %shift_right_arithmetic3A_167 : vector<16xi32>
      %mul3A_169 = arith.constant 158 : i32
      %mul3A_170 = vector.broadcast %mul3A_169 : i32 to vector<16xi32>
      %mul3A_171 = arith.muli %shift_right_arithmetic3A_168, %mul3A_170 : vector<16xi32>
      %and3A_172 = arith.constant 1 : i32
      %and3A_173 = vector.broadcast %and3A_172 : i32 to vector<16xi32>
      %and3A_174 = arith.andi %add3A_165, %and3A_173 : vector<16xi32>
      %add3A_175 = arith.addi %mul3A_171, %and3A_174 : vector<16xi32>
      %mul3A_176 = arith.constant 2 : i32
      %mul3A_177 = arith.muli %add3A_9, %mul3A_176 : i32
      %add3A_178 = vector.broadcast %mul3A_177 : i32 to vector<16xi32>
      %add3A_179 = arith.addi %add3A_175, %add3A_178 : vector<16xi32>
      %swap3A_180 = arith.constant 112 : index
      %swap3A_181 = tpu.vector_load %arg10[%swap3A_180] {strides = array<i32>} : memref<128xi32, #tpu.memory_space<vmem>>, vector<16xi32>,
      tpu.vector_store %arg10[%swap3A_180], %add3A_179 {strides = array<i32>} : memref<128xi32, #tpu.memory_space<vmem>>, vector<16xi32>,
      %parallel_loop3A = arith.constant 0 : i32
      %parallel_loop3A_182 = arith.constant 128 : i32
      %parallel_loop3A_183 = arith.constant 1 : i32
      scf.for %parallel_loop3A_245 = %parallel_loop3A to %parallel_loop3A_182 step %parallel_loop3A_183  : i32 {
        %parallel_loop3A_246 = arith.constant 64 : i32
        %parallel_loop3A_247 = arith.muli %parallel_loop3A_245, %parallel_loop3A_246 : i32
        %parallel_loop3A_248 = arith.constant 0 : i32
        %parallel_loop3A_249 = arith.addi %parallel_loop3A_247, %parallel_loop3A_248 : i32
        %parallel_loop3A_250 = arith.index_cast %parallel_loop3A_249 : i32 to index
        %parallel_loop3A_251 = tpu.vector_load %arg5[%parallel_loop3A_250] {strides = array<i32>} : memref<8192xi32, #tpu.memory_space<vmem>>, vector<16xi32>,
        %parallel_loop3A_252 = arith.constant 64 : i32
        %parallel_loop3A_253 = arith.muli %parallel_loop3A_245, %parallel_loop3A_252 : i32
        %parallel_loop3A_254 = arith.constant 0 : i32
        %parallel_loop3A_255 = arith.addi %parallel_loop3A_253, %parallel_loop3A_254 : i32
        %parallel_loop3A_256 = arith.index_cast %parallel_loop3A_255 : i32 to index
        %parallel_loop3A_257 = tpu.vector_load %arg6[%parallel_loop3A_256] {strides = array<i32>} : memref<8192xi32, #tpu.memory_space<vmem>>, vector<16xi32>,
        %parallel_loop3A_258 = arith.constant 0 : i32
        %parallel_loop3A_259 = arith.addi %parallel_loop3A_258, %parallel_loop3A_245 : i32
        %parallel_loop3A_260 = vector.broadcast %parallel_loop3A_259 : i32 to vector<16xi32>
        %parallel_loop3A_261 = arith.addi %iota3A, %parallel_loop3A_260 : vector<16xi32>
        %parallel_loop3A_262 = arith.constant 63 : i32
        %parallel_loop3A_263 = vector.broadcast %parallel_loop3A_262 : i32 to vector<16xi32>
        %parallel_loop3A_264 = arith.andi %parallel_loop3A_261, %parallel_loop3A_263 : vector<16xi32>
        %parallel_loop3A_265 = arith.constant 64 : i32
        %parallel_loop3A_266 = arith.muli %parallel_loop3A_245, %parallel_loop3A_265 : i32
        %parallel_loop3A_267 = vector.broadcast %parallel_loop3A_266 : i32 to vector<16xi32>
        %parallel_loop3A_268 = arith.addi %parallel_loop3A_264, %parallel_loop3A_267 : vector<16xi32>
        tpu.vector_store_idx %arg7[%parallel_loop3A_268], %parallel_loop3A_251 : memref<8192xi32, #tpu.memory_space<vmem>>[vector<16xi32>], vector<16xi32>,
        tpu.vector_store_idx %arg8[%parallel_loop3A_268], %parallel_loop3A_257 : memref<8192xi32, #tpu.memory_space<vmem>>[vector<16xi32>], vector<16xi32>,
      } {sc.loop_unroll_factor = 4 : i64, sc.parallel_access}
      %parallel_loop3A_184 = arith.constant 0 : i32
      %parallel_loop3A_185 = arith.constant 128 : i32
      %parallel_loop3A_186 = arith.constant 1 : i32
      scf.for %parallel_loop3A_245 = %parallel_loop3A_184 to %parallel_loop3A_185 step %parallel_loop3A_186  : i32 {
        %parallel_loop3A_246 = arith.constant 64 : i32
        %parallel_loop3A_247 = arith.muli %parallel_loop3A_245, %parallel_loop3A_246 : i32
        %parallel_loop3A_248 = arith.constant 16 : i32
        %parallel_loop3A_249 = arith.addi %parallel_loop3A_247, %parallel_loop3A_248 : i32
        %parallel_loop3A_250 = arith.index_cast %parallel_loop3A_249 : i32 to index
        %parallel_loop3A_251 = tpu.vector_load %arg5[%parallel_loop3A_250] {strides = array<i32>} : memref<8192xi32, #tpu.memory_space<vmem>>, vector<16xi32>,
        %parallel_loop3A_252 = arith.constant 64 : i32
        %parallel_loop3A_253 = arith.muli %parallel_loop3A_245, %parallel_loop3A_252 : i32
        %parallel_loop3A_254 = arith.constant 16 : i32
        %parallel_loop3A_255 = arith.addi %parallel_loop3A_253, %parallel_loop3A_254 : i32
        %parallel_loop3A_256 = arith.index_cast %parallel_loop3A_255 : i32 to index
        %parallel_loop3A_257 = tpu.vector_load %arg6[%parallel_loop3A_256] {strides = array<i32>} : memref<8192xi32, #tpu.memory_space<vmem>>, vector<16xi32>,
        %parallel_loop3A_258 = arith.constant 16 : i32
        %parallel_loop3A_259 = arith.addi %parallel_loop3A_258, %parallel_loop3A_245 : i32
        %parallel_loop3A_260 = vector.broadcast %parallel_loop3A_259 : i32 to vector<16xi32>
        %parallel_loop3A_261 = arith.addi %iota3A, %parallel_loop3A_260 : vector<16xi32>
        %parallel_loop3A_262 = arith.constant 63 : i32
        %parallel_loop3A_263 = vector.broadcast %parallel_loop3A_262 : i32 to vector<16xi32>
        %parallel_loop3A_264 = arith.andi %parallel_loop3A_261, %parallel_loop3A_263 : vector<16xi32>
        %parallel_loop3A_265 = arith.constant 64 : i32
        %parallel_loop3A_266 = arith.muli %parallel_loop3A_245, %parallel_loop3A_265 : i32
        %parallel_loop3A_267 = vector.broadcast %parallel_loop3A_266 : i32 to vector<16xi32>
        %parallel_loop3A_268 = arith.addi %parallel_loop3A_264, %parallel_loop3A_267 : vector<16xi32>
        tpu.vector_store_idx %arg7[%parallel_loop3A_268], %parallel_loop3A_251 : memref<8192xi32, #tpu.memory_space<vmem>>[vector<16xi32>], vector<16xi32>,
        tpu.vector_store_idx %arg8[%parallel_loop3A_268], %parallel_loop3A_257 : memref<8192xi32, #tpu.memory_space<vmem>>[vector<16xi32>], vector<16xi32>,
      } {sc.loop_unroll_factor = 4 : i64, sc.parallel_access}
      %parallel_loop3A_187 = arith.constant 0 : i32
      %parallel_loop3A_188 = arith.constant 128 : i32
      %parallel_loop3A_189 = arith.constant 1 : i32
      scf.for %parallel_loop3A_245 = %parallel_loop3A_187 to %parallel_loop3A_188 step %parallel_loop3A_189  : i32 {
        %parallel_loop3A_246 = arith.constant 64 : i32
        %parallel_loop3A_247 = arith.muli %parallel_loop3A_245, %parallel_loop3A_246 : i32
        %parallel_loop3A_248 = arith.constant 32 : i32
        %parallel_loop3A_249 = arith.addi %parallel_loop3A_247, %parallel_loop3A_248 : i32
        %parallel_loop3A_250 = arith.index_cast %parallel_loop3A_249 : i32 to index
        %parallel_loop3A_251 = tpu.vector_load %arg5[%parallel_loop3A_250] {strides = array<i32>} : memref<8192xi32, #tpu.memory_space<vmem>>, vector<16xi32>,
        %parallel_loop3A_252 = arith.constant 64 : i32
        %parallel_loop3A_253 = arith.muli %parallel_loop3A_245, %parallel_loop3A_252 : i32
        %parallel_loop3A_254 = arith.constant 32 : i32
        %parallel_loop3A_255 = arith.addi %parallel_loop3A_253, %parallel_loop3A_254 : i32
        %parallel_loop3A_256 = arith.index_cast %parallel_loop3A_255 : i32 to index
        %parallel_loop3A_257 = tpu.vector_load %arg6[%parallel_loop3A_256] {strides = array<i32>} : memref<8192xi32, #tpu.memory_space<vmem>>, vector<16xi32>,
        %parallel_loop3A_258 = arith.constant 32 : i32
        %parallel_loop3A_259 = arith.addi %parallel_loop3A_258, %parallel_loop3A_245 : i32
        %parallel_loop3A_260 = vector.broadcast %parallel_loop3A_259 : i32 to vector<16xi32>
        %parallel_loop3A_261 = arith.addi %iota3A, %parallel_loop3A_260 : vector<16xi32>
        %parallel_loop3A_262 = arith.constant 63 : i32
        %parallel_loop3A_263 = vector.broadcast %parallel_loop3A_262 : i32 to vector<16xi32>
        %parallel_loop3A_264 = arith.andi %parallel_loop3A_261, %parallel_loop3A_263 : vector<16xi32>
        %parallel_loop3A_265 = arith.constant 64 : i32
        %parallel_loop3A_266 = arith.muli %parallel_loop3A_245, %parallel_loop3A_265 : i32
        %parallel_loop3A_267 = vector.broadcast %parallel_loop3A_266 : i32 to vector<16xi32>
        %parallel_loop3A_268 = arith.addi %parallel_loop3A_264, %parallel_loop3A_267 : vector<16xi32>
        tpu.vector_store_idx %arg7[%parallel_loop3A_268], %parallel_loop3A_251 : memref<8192xi32, #tpu.memory_space<vmem>>[vector<16xi32>], vector<16xi32>,
        tpu.vector_store_idx %arg8[%parallel_loop3A_268], %parallel_loop3A_257 : memref<8192xi32, #tpu.memory_space<vmem>>[vector<16xi32>], vector<16xi32>,
      } {sc.loop_unroll_factor = 4 : i64, sc.parallel_access}
      %parallel_loop3A_190 = arith.constant 0 : i32
      %parallel_loop3A_191 = arith.constant 128 : i32
      %parallel_loop3A_192 = arith.constant 1 : i32
      scf.for %parallel_loop3A_245 = %parallel_loop3A_190 to %parallel_loop3A_191 step %parallel_loop3A_192  : i32 {
        %parallel_loop3A_246 = arith.constant 64 : i32
        %parallel_loop3A_247 = arith.muli %parallel_loop3A_245, %parallel_loop3A_246 : i32
        %parallel_loop3A_248 = arith.constant 48 : i32
        %parallel_loop3A_249 = arith.addi %parallel_loop3A_247, %parallel_loop3A_248 : i32
        %parallel_loop3A_250 = arith.index_cast %parallel_loop3A_249 : i32 to index
        %parallel_loop3A_251 = tpu.vector_load %arg5[%parallel_loop3A_250] {strides = array<i32>} : memref<8192xi32, #tpu.memory_space<vmem>>, vector<16xi32>,
        %parallel_loop3A_252 = arith.constant 64 : i32
        %parallel_loop3A_253 = arith.muli %parallel_loop3A_245, %parallel_loop3A_252 : i32
        %parallel_loop3A_254 = arith.constant 48 : i32
        %parallel_loop3A_255 = arith.addi %parallel_loop3A_253, %parallel_loop3A_254 : i32
        %parallel_loop3A_256 = arith.index_cast %parallel_loop3A_255 : i32 to index
        %parallel_loop3A_257 = tpu.vector_load %arg6[%parallel_loop3A_256] {strides = array<i32>} : memref<8192xi32, #tpu.memory_space<vmem>>, vector<16xi32>,
        %parallel_loop3A_258 = arith.constant 48 : i32
        %parallel_loop3A_259 = arith.addi %parallel_loop3A_258, %parallel_loop3A_245 : i32
        %parallel_loop3A_260 = vector.broadcast %parallel_loop3A_259 : i32 to vector<16xi32>
        %parallel_loop3A_261 = arith.addi %iota3A, %parallel_loop3A_260 : vector<16xi32>
        %parallel_loop3A_262 = arith.constant 63 : i32
        %parallel_loop3A_263 = vector.broadcast %parallel_loop3A_262 : i32 to vector<16xi32>
        %parallel_loop3A_264 = arith.andi %parallel_loop3A_261, %parallel_loop3A_263 : vector<16xi32>
        %parallel_loop3A_265 = arith.constant 64 : i32
        %parallel_loop3A_266 = arith.muli %parallel_loop3A_245, %parallel_loop3A_265 : i32
        %parallel_loop3A_267 = vector.broadcast %parallel_loop3A_266 : i32 to vector<16xi32>
        %parallel_loop3A_268 = arith.addi %parallel_loop3A_264, %parallel_loop3A_267 : vector<16xi32>
        tpu.vector_store_idx %arg7[%parallel_loop3A_268], %parallel_loop3A_251 : memref<8192xi32, #tpu.memory_space<vmem>>[vector<16xi32>], vector<16xi32>,
        tpu.vector_store_idx %arg8[%parallel_loop3A_268], %parallel_loop3A_257 : memref<8192xi32, #tpu.memory_space<vmem>>[vector<16xi32>], vector<16xi32>,
      } {sc.loop_unroll_factor = 4 : i64, sc.parallel_access}
      %add3A_193 = arith.constant 0 : i32
      %add3A_194 = vector.broadcast %add3A_193 : i32 to vector<16xi32>
      %add3A_195 = arith.addi %mul3A_3, %add3A_194 : vector<16xi32>
      %parallel_loop3A_196 = arith.constant 0 : i32
      %parallel_loop3A_197 = arith.constant 64 : i32
      %parallel_loop3A_198 = arith.constant 1 : i32
      scf.for %parallel_loop3A_245 = %parallel_loop3A_196 to %parallel_loop3A_197 step %parallel_loop3A_198  : i32 {
        %parallel_loop3A_246 = arith.constant 0 : i32
        %parallel_loop3A_247 = arith.addi %parallel_loop3A_245, %parallel_loop3A_246 : i32
        %parallel_loop3A_248 = vector.broadcast %parallel_loop3A_247 : i32 to vector<16xi32>
        %parallel_loop3A_249 = arith.addi %iota3A, %parallel_loop3A_248 : vector<16xi32>
        %parallel_loop3A_250 = arith.constant 63 : i32
        %parallel_loop3A_251 = vector.broadcast %parallel_loop3A_250 : i32 to vector<16xi32>
        %parallel_loop3A_252 = arith.andi %parallel_loop3A_249, %parallel_loop3A_251 : vector<16xi32>
        %parallel_loop3A_253 = arith.addi %add3A_195, %parallel_loop3A_252 : vector<16xi32>
        %parallel_loop3A_254 = tpu.vector_load_idx %arg7[%parallel_loop3A_253] : memref<8192xi32, #tpu.memory_space<vmem>>[vector<16xi32>], vector<16xi32>,
        %parallel_loop3A_255 = tpu.vector_load_idx %arg8[%parallel_loop3A_253] : memref<8192xi32, #tpu.memory_space<vmem>>[vector<16xi32>], vector<16xi32>,
        %parallel_loop3A_256 = arith.constant 2 : i32
        %parallel_loop3A_257 = arith.muli %parallel_loop3A_256, %parallel_loop3A_245 : i32
        %parallel_loop3A_258 = arith.index_cast %parallel_loop3A_257 : i32 to index
        %parallel_loop3A_259 = arith.constant 0 : index
        %parallel_loop3A_260 = tpu.vector_load %arg9[%parallel_loop3A_258, %parallel_loop3A_259] {strides = array<i32>} : memref<128x128xi32, #tpu.memory_space<vmem>>, vector<16xi32>,
        tpu.vector_store %arg9[%parallel_loop3A_258, %parallel_loop3A_259], %parallel_loop3A_254 {strides = array<i32>} : memref<128x128xi32, #tpu.memory_space<vmem>>, vector<16xi32>,
        %parallel_loop3A_261 = arith.constant 2 : i32
        %parallel_loop3A_262 = arith.muli %parallel_loop3A_261, %parallel_loop3A_245 : i32
        %parallel_loop3A_263 = arith.constant 1 : i32
        %parallel_loop3A_264 = arith.addi %parallel_loop3A_262, %parallel_loop3A_263 : i32
        %parallel_loop3A_265 = arith.index_cast %parallel_loop3A_264 : i32 to index
        %parallel_loop3A_266 = arith.constant 0 : index
        %parallel_loop3A_267 = tpu.vector_load %arg9[%parallel_loop3A_265, %parallel_loop3A_266] {strides = array<i32>} : memref<128x128xi32, #tpu.memory_space<vmem>>, vector<16xi32>,
        tpu.vector_store %arg9[%parallel_loop3A_265, %parallel_loop3A_266], %parallel_loop3A_255 {strides = array<i32>} : memref<128x128xi32, #tpu.memory_space<vmem>>, vector<16xi32>,
      } {sc.loop_unroll_factor = 4 : i64, sc.parallel_access}
      %add3A_199 = arith.constant 1024 : i32
      %add3A_200 = vector.broadcast %add3A_199 : i32 to vector<16xi32>
      %add3A_201 = arith.addi %mul3A_3, %add3A_200 : vector<16xi32>
      %parallel_loop3A_202 = arith.constant 0 : i32
      %parallel_loop3A_203 = arith.constant 64 : i32
      %parallel_loop3A_204 = arith.constant 1 : i32
      scf.for %parallel_loop3A_245 = %parallel_loop3A_202 to %parallel_loop3A_203 step %parallel_loop3A_204  : i32 {
        %parallel_loop3A_246 = arith.constant 16 : i32
        %parallel_loop3A_247 = arith.addi %parallel_loop3A_245, %parallel_loop3A_246 : i32
        %parallel_loop3A_248 = vector.broadcast %parallel_loop3A_247 : i32 to vector<16xi32>
        %parallel_loop3A_249 = arith.addi %iota3A, %parallel_loop3A_248 : vector<16xi32>
        %parallel_loop3A_250 = arith.constant 63 : i32
        %parallel_loop3A_251 = vector.broadcast %parallel_loop3A_250 : i32 to vector<16xi32>
        %parallel_loop3A_252 = arith.andi %parallel_loop3A_249, %parallel_loop3A_251 : vector<16xi32>
        %parallel_loop3A_253 = arith.addi %add3A_201, %parallel_loop3A_252 : vector<16xi32>
        %parallel_loop3A_254 = tpu.vector_load_idx %arg7[%parallel_loop3A_253] : memref<8192xi32, #tpu.memory_space<vmem>>[vector<16xi32>], vector<16xi32>,
        %parallel_loop3A_255 = tpu.vector_load_idx %arg8[%parallel_loop3A_253] : memref<8192xi32, #tpu.memory_space<vmem>>[vector<16xi32>], vector<16xi32>,
        %parallel_loop3A_256 = arith.constant 2 : i32
        %parallel_loop3A_257 = arith.muli %parallel_loop3A_256, %parallel_loop3A_245 : i32
        %parallel_loop3A_258 = arith.index_cast %parallel_loop3A_257 : i32 to index
        %parallel_loop3A_259 = arith.constant 16 : index
        %parallel_loop3A_260 = tpu.vector_load %arg9[%parallel_loop3A_258, %parallel_loop3A_259] {strides = array<i32>} : memref<128x128xi32, #tpu.memory_space<vmem>>, vector<16xi32>,
        tpu.vector_store %arg9[%parallel_loop3A_258, %parallel_loop3A_259], %parallel_loop3A_254 {strides = array<i32>} : memref<128x128xi32, #tpu.memory_space<vmem>>, vector<16xi32>,
        %parallel_loop3A_261 = arith.constant 2 : i32
        %parallel_loop3A_262 = arith.muli %parallel_loop3A_261, %parallel_loop3A_245 : i32
        %parallel_loop3A_263 = arith.constant 1 : i32
        %parallel_loop3A_264 = arith.addi %parallel_loop3A_262, %parallel_loop3A_263 : i32
        %parallel_loop3A_265 = arith.index_cast %parallel_loop3A_264 : i32 to index
        %parallel_loop3A_266 = arith.constant 16 : index
        %parallel_loop3A_267 = tpu.vector_load %arg9[%parallel_loop3A_265, %parallel_loop3A_266] {strides = array<i32>} : memref<128x128xi32, #tpu.memory_space<vmem>>, vector<16xi32>,
        tpu.vector_store %arg9[%parallel_loop3A_265, %parallel_loop3A_266], %parallel_loop3A_255 {strides = array<i32>} : memref<128x128xi32, #tpu.memory_space<vmem>>, vector<16xi32>,
      } {sc.loop_unroll_factor = 4 : i64, sc.parallel_access}
      %add3A_205 = arith.constant 2048 : i32
      %add3A_206 = vector.broadcast %add3A_205 : i32 to vector<16xi32>
      %add3A_207 = arith.addi %mul3A_3, %add3A_206 : vector<16xi32>
      %parallel_loop3A_208 = arith.constant 0 : i32
      %parallel_loop3A_209 = arith.constant 64 : i32
      %parallel_loop3A_210 = arith.constant 1 : i32
      scf.for %parallel_loop3A_245 = %parallel_loop3A_208 to %parallel_loop3A_209 step %parallel_loop3A_210  : i32 {
        %parallel_loop3A_246 = arith.constant 32 : i32
        %parallel_loop3A_247 = arith.addi %parallel_loop3A_245, %parallel_loop3A_246 : i32
        %parallel_loop3A_248 = vector.broadcast %parallel_loop3A_247 : i32 to vector<16xi32>
        %parallel_loop3A_249 = arith.addi %iota3A, %parallel_loop3A_248 : vector<16xi32>
        %parallel_loop3A_250 = arith.constant 63 : i32
        %parallel_loop3A_251 = vector.broadcast %parallel_loop3A_250 : i32 to vector<16xi32>
        %parallel_loop3A_252 = arith.andi %parallel_loop3A_249, %parallel_loop3A_251 : vector<16xi32>
        %parallel_loop3A_253 = arith.addi %add3A_207, %parallel_loop3A_252 : vector<16xi32>
        %parallel_loop3A_254 = tpu.vector_load_idx %arg7[%parallel_loop3A_253] : memref<8192xi32, #tpu.memory_space<vmem>>[vector<16xi32>], vector<16xi32>,
        %parallel_loop3A_255 = tpu.vector_load_idx %arg8[%parallel_loop3A_253] : memref<8192xi32, #tpu.memory_space<vmem>>[vector<16xi32>], vector<16xi32>,
        %parallel_loop3A_256 = arith.constant 2 : i32
        %parallel_loop3A_257 = arith.muli %parallel_loop3A_256, %parallel_loop3A_245 : i32
        %parallel_loop3A_258 = arith.index_cast %parallel_loop3A_257 : i32 to index
        %parallel_loop3A_259 = arith.constant 32 : index
        %parallel_loop3A_260 = tpu.vector_load %arg9[%parallel_loop3A_258, %parallel_loop3A_259] {strides = array<i32>} : memref<128x128xi32, #tpu.memory_space<vmem>>, vector<16xi32>,
        tpu.vector_store %arg9[%parallel_loop3A_258, %parallel_loop3A_259], %parallel_loop3A_254 {strides = array<i32>} : memref<128x128xi32, #tpu.memory_space<vmem>>, vector<16xi32>,
        %parallel_loop3A_261 = arith.constant 2 : i32
        %parallel_loop3A_262 = arith.muli %parallel_loop3A_261, %parallel_loop3A_245 : i32
        %parallel_loop3A_263 = arith.constant 1 : i32
        %parallel_loop3A_264 = arith.addi %parallel_loop3A_262, %parallel_loop3A_263 : i32
        %parallel_loop3A_265 = arith.index_cast %parallel_loop3A_264 : i32 to index
        %parallel_loop3A_266 = arith.constant 32 : index
        %parallel_loop3A_267 = tpu.vector_load %arg9[%parallel_loop3A_265, %parallel_loop3A_266] {strides = array<i32>} : memref<128x128xi32, #tpu.memory_space<vmem>>, vector<16xi32>,
        tpu.vector_store %arg9[%parallel_loop3A_265, %parallel_loop3A_266], %parallel_loop3A_255 {strides = array<i32>} : memref<128x128xi32, #tpu.memory_space<vmem>>, vector<16xi32>,
      } {sc.loop_unroll_factor = 4 : i64, sc.parallel_access}
      %add3A_211 = arith.constant 3072 : i32
      %add3A_212 = vector.broadcast %add3A_211 : i32 to vector<16xi32>
      %add3A_213 = arith.addi %mul3A_3, %add3A_212 : vector<16xi32>
      %parallel_loop3A_214 = arith.constant 0 : i32
      %parallel_loop3A_215 = arith.constant 64 : i32
      %parallel_loop3A_216 = arith.constant 1 : i32
      scf.for %parallel_loop3A_245 = %parallel_loop3A_214 to %parallel_loop3A_215 step %parallel_loop3A_216  : i32 {
        %parallel_loop3A_246 = arith.constant 48 : i32
        %parallel_loop3A_247 = arith.addi %parallel_loop3A_245, %parallel_loop3A_246 : i32
        %parallel_loop3A_248 = vector.broadcast %parallel_loop3A_247 : i32 to vector<16xi32>
        %parallel_loop3A_249 = arith.addi %iota3A, %parallel_loop3A_248 : vector<16xi32>
        %parallel_loop3A_250 = arith.constant 63 : i32
        %parallel_loop3A_251 = vector.broadcast %parallel_loop3A_250 : i32 to vector<16xi32>
        %parallel_loop3A_252 = arith.andi %parallel_loop3A_249, %parallel_loop3A_251 : vector<16xi32>
        %parallel_loop3A_253 = arith.addi %add3A_213, %parallel_loop3A_252 : vector<16xi32>
        %parallel_loop3A_254 = tpu.vector_load_idx %arg7[%parallel_loop3A_253] : memref<8192xi32, #tpu.memory_space<vmem>>[vector<16xi32>], vector<16xi32>,
        %parallel_loop3A_255 = tpu.vector_load_idx %arg8[%parallel_loop3A_253] : memref<8192xi32, #tpu.memory_space<vmem>>[vector<16xi32>], vector<16xi32>,
        %parallel_loop3A_256 = arith.constant 2 : i32
        %parallel_loop3A_257 = arith.muli %parallel_loop3A_256, %parallel_loop3A_245 : i32
        %parallel_loop3A_258 = arith.index_cast %parallel_loop3A_257 : i32 to index
        %parallel_loop3A_259 = arith.constant 48 : index
        %parallel_loop3A_260 = tpu.vector_load %arg9[%parallel_loop3A_258, %parallel_loop3A_259] {strides = array<i32>} : memref<128x128xi32, #tpu.memory_space<vmem>>, vector<16xi32>,
        tpu.vector_store %arg9[%parallel_loop3A_258, %parallel_loop3A_259], %parallel_loop3A_254 {strides = array<i32>} : memref<128x128xi32, #tpu.memory_space<vmem>>, vector<16xi32>,
        %parallel_loop3A_261 = arith.constant 2 : i32
        %parallel_loop3A_262 = arith.muli %parallel_loop3A_261, %parallel_loop3A_245 : i32
        %parallel_loop3A_263 = arith.constant 1 : i32
        %parallel_loop3A_264 = arith.addi %parallel_loop3A_262, %parallel_loop3A_263 : i32
        %parallel_loop3A_265 = arith.index_cast %parallel_loop3A_264 : i32 to index
        %parallel_loop3A_266 = arith.constant 48 : index
        %parallel_loop3A_267 = tpu.vector_load %arg9[%parallel_loop3A_265, %parallel_loop3A_266] {strides = array<i32>} : memref<128x128xi32, #tpu.memory_space<vmem>>, vector<16xi32>,
        tpu.vector_store %arg9[%parallel_loop3A_265, %parallel_loop3A_266], %parallel_loop3A_255 {strides = array<i32>} : memref<128x128xi32, #tpu.memory_space<vmem>>, vector<16xi32>,
      } {sc.loop_unroll_factor = 4 : i64, sc.parallel_access}
      %add3A_217 = arith.constant 4096 : i32
      %add3A_218 = vector.broadcast %add3A_217 : i32 to vector<16xi32>
      %add3A_219 = arith.addi %mul3A_3, %add3A_218 : vector<16xi32>
      %parallel_loop3A_220 = arith.constant 0 : i32
      %parallel_loop3A_221 = arith.constant 64 : i32
      %parallel_loop3A_222 = arith.constant 1 : i32
      scf.for %parallel_loop3A_245 = %parallel_loop3A_220 to %parallel_loop3A_221 step %parallel_loop3A_222  : i32 {
        %parallel_loop3A_246 = arith.constant 64 : i32
        %parallel_loop3A_247 = arith.addi %parallel_loop3A_245, %parallel_loop3A_246 : i32
        %parallel_loop3A_248 = vector.broadcast %parallel_loop3A_247 : i32 to vector<16xi32>
        %parallel_loop3A_249 = arith.addi %iota3A, %parallel_loop3A_248 : vector<16xi32>
        %parallel_loop3A_250 = arith.constant 63 : i32
        %parallel_loop3A_251 = vector.broadcast %parallel_loop3A_250 : i32 to vector<16xi32>
        %parallel_loop3A_252 = arith.andi %parallel_loop3A_249, %parallel_loop3A_251 : vector<16xi32>
        %parallel_loop3A_253 = arith.addi %add3A_219, %parallel_loop3A_252 : vector<16xi32>
        %parallel_loop3A_254 = tpu.vector_load_idx %arg7[%parallel_loop3A_253] : memref<8192xi32, #tpu.memory_space<vmem>>[vector<16xi32>], vector<16xi32>,
        %parallel_loop3A_255 = tpu.vector_load_idx %arg8[%parallel_loop3A_253] : memref<8192xi32, #tpu.memory_space<vmem>>[vector<16xi32>], vector<16xi32>,
        %parallel_loop3A_256 = arith.constant 2 : i32
        %parallel_loop3A_257 = arith.muli %parallel_loop3A_256, %parallel_loop3A_245 : i32
        %parallel_loop3A_258 = arith.index_cast %parallel_loop3A_257 : i32 to index
        %parallel_loop3A_259 = arith.constant 64 : index
        %parallel_loop3A_260 = tpu.vector_load %arg9[%parallel_loop3A_258, %parallel_loop3A_259] {strides = array<i32>} : memref<128x128xi32, #tpu.memory_space<vmem>>, vector<16xi32>,
        tpu.vector_store %arg9[%parallel_loop3A_258, %parallel_loop3A_259], %parallel_loop3A_254 {strides = array<i32>} : memref<128x128xi32, #tpu.memory_space<vmem>>, vector<16xi32>,
        %parallel_loop3A_261 = arith.constant 2 : i32
        %parallel_loop3A_262 = arith.muli %parallel_loop3A_261, %parallel_loop3A_245 : i32
        %parallel_loop3A_263 = arith.constant 1 : i32
        %parallel_loop3A_264 = arith.addi %parallel_loop3A_262, %parallel_loop3A_263 : i32
        %parallel_loop3A_265 = arith.index_cast %parallel_loop3A_264 : i32 to index
        %parallel_loop3A_266 = arith.constant 64 : index
        %parallel_loop3A_267 = tpu.vector_load %arg9[%parallel_loop3A_265, %parallel_loop3A_266] {strides = array<i32>} : memref<128x128xi32, #tpu.memory_space<vmem>>, vector<16xi32>,
        tpu.vector_store %arg9[%parallel_loop3A_265, %parallel_loop3A_266], %parallel_loop3A_255 {strides = array<i32>} : memref<128x128xi32, #tpu.memory_space<vmem>>, vector<16xi32>,
      } {sc.loop_unroll_factor = 4 : i64, sc.parallel_access}
      %add3A_223 = arith.constant 5120 : i32
      %add3A_224 = vector.broadcast %add3A_223 : i32 to vector<16xi32>
      %add3A_225 = arith.addi %mul3A_3, %add3A_224 : vector<16xi32>
      %parallel_loop3A_226 = arith.constant 0 : i32
      %parallel_loop3A_227 = arith.constant 64 : i32
      %parallel_loop3A_228 = arith.constant 1 : i32
      scf.for %parallel_loop3A_245 = %parallel_loop3A_226 to %parallel_loop3A_227 step %parallel_loop3A_228  : i32 {
        %parallel_loop3A_246 = arith.constant 80 : i32
        %parallel_loop3A_247 = arith.addi %parallel_loop3A_245, %parallel_loop3A_246 : i32
        %parallel_loop3A_248 = vector.broadcast %parallel_loop3A_247 : i32 to vector<16xi32>
        %parallel_loop3A_249 = arith.addi %iota3A, %parallel_loop3A_248 : vector<16xi32>
        %parallel_loop3A_250 = arith.constant 63 : i32
        %parallel_loop3A_251 = vector.broadcast %parallel_loop3A_250 : i32 to vector<16xi32>
        %parallel_loop3A_252 = arith.andi %parallel_loop3A_249, %parallel_loop3A_251 : vector<16xi32>
        %parallel_loop3A_253 = arith.addi %add3A_225, %parallel_loop3A_252 : vector<16xi32>
        %parallel_loop3A_254 = tpu.vector_load_idx %arg7[%parallel_loop3A_253] : memref<8192xi32, #tpu.memory_space<vmem>>[vector<16xi32>], vector<16xi32>,
        %parallel_loop3A_255 = tpu.vector_load_idx %arg8[%parallel_loop3A_253] : memref<8192xi32, #tpu.memory_space<vmem>>[vector<16xi32>], vector<16xi32>,
        %parallel_loop3A_256 = arith.constant 2 : i32
        %parallel_loop3A_257 = arith.muli %parallel_loop3A_256, %parallel_loop3A_245 : i32
        %parallel_loop3A_258 = arith.index_cast %parallel_loop3A_257 : i32 to index
        %parallel_loop3A_259 = arith.constant 80 : index
        %parallel_loop3A_260 = tpu.vector_load %arg9[%parallel_loop3A_258, %parallel_loop3A_259] {strides = array<i32>} : memref<128x128xi32, #tpu.memory_space<vmem>>, vector<16xi32>,
        tpu.vector_store %arg9[%parallel_loop3A_258, %parallel_loop3A_259], %parallel_loop3A_254 {strides = array<i32>} : memref<128x128xi32, #tpu.memory_space<vmem>>, vector<16xi32>,
        %parallel_loop3A_261 = arith.constant 2 : i32
        %parallel_loop3A_262 = arith.muli %parallel_loop3A_261, %parallel_loop3A_245 : i32
        %parallel_loop3A_263 = arith.constant 1 : i32
        %parallel_loop3A_264 = arith.addi %parallel_loop3A_262, %parallel_loop3A_263 : i32
        %parallel_loop3A_265 = arith.index_cast %parallel_loop3A_264 : i32 to index
        %parallel_loop3A_266 = arith.constant 80 : index
        %parallel_loop3A_267 = tpu.vector_load %arg9[%parallel_loop3A_265, %parallel_loop3A_266] {strides = array<i32>} : memref<128x128xi32, #tpu.memory_space<vmem>>, vector<16xi32>,
        tpu.vector_store %arg9[%parallel_loop3A_265, %parallel_loop3A_266], %parallel_loop3A_255 {strides = array<i32>} : memref<128x128xi32, #tpu.memory_space<vmem>>, vector<16xi32>,
      } {sc.loop_unroll_factor = 4 : i64, sc.parallel_access}
      %add3A_229 = arith.constant 6144 : i32
      %add3A_230 = vector.broadcast %add3A_229 : i32 to vector<16xi32>
      %add3A_231 = arith.addi %mul3A_3, %add3A_230 : vector<16xi32>
      %parallel_loop3A_232 = arith.constant 0 : i32
      %parallel_loop3A_233 = arith.constant 64 : i32
      %parallel_loop3A_234 = arith.constant 1 : i32
      scf.for %parallel_loop3A_245 = %parallel_loop3A_232 to %parallel_loop3A_233 step %parallel_loop3A_234  : i32 {
        %parallel_loop3A_246 = arith.constant 96 : i32
        %parallel_loop3A_247 = arith.addi %parallel_loop3A_245, %parallel_loop3A_246 : i32
        %parallel_loop3A_248 = vector.broadcast %parallel_loop3A_247 : i32 to vector<16xi32>
        %parallel_loop3A_249 = arith.addi %iota3A, %parallel_loop3A_248 : vector<16xi32>
        %parallel_loop3A_250 = arith.constant 63 : i32
        %parallel_loop3A_251 = vector.broadcast %parallel_loop3A_250 : i32 to vector<16xi32>
        %parallel_loop3A_252 = arith.andi %parallel_loop3A_249, %parallel_loop3A_251 : vector<16xi32>
        %parallel_loop3A_253 = arith.addi %add3A_231, %parallel_loop3A_252 : vector<16xi32>
        %parallel_loop3A_254 = tpu.vector_load_idx %arg7[%parallel_loop3A_253] : memref<8192xi32, #tpu.memory_space<vmem>>[vector<16xi32>], vector<16xi32>,
        %parallel_loop3A_255 = tpu.vector_load_idx %arg8[%parallel_loop3A_253] : memref<8192xi32, #tpu.memory_space<vmem>>[vector<16xi32>], vector<16xi32>,
        %parallel_loop3A_256 = arith.constant 2 : i32
        %parallel_loop3A_257 = arith.muli %parallel_loop3A_256, %parallel_loop3A_245 : i32
        %parallel_loop3A_258 = arith.index_cast %parallel_loop3A_257 : i32 to index
        %parallel_loop3A_259 = arith.constant 96 : index
        %parallel_loop3A_260 = tpu.vector_load %arg9[%parallel_loop3A_258, %parallel_loop3A_259] {strides = array<i32>} : memref<128x128xi32, #tpu.memory_space<vmem>>, vector<16xi32>,
        tpu.vector_store %arg9[%parallel_loop3A_258, %parallel_loop3A_259], %parallel_loop3A_254 {strides = array<i32>} : memref<128x128xi32, #tpu.memory_space<vmem>>, vector<16xi32>,
        %parallel_loop3A_261 = arith.constant 2 : i32
        %parallel_loop3A_262 = arith.muli %parallel_loop3A_261, %parallel_loop3A_245 : i32
        %parallel_loop3A_263 = arith.constant 1 : i32
        %parallel_loop3A_264 = arith.addi %parallel_loop3A_262, %parallel_loop3A_263 : i32
        %parallel_loop3A_265 = arith.index_cast %parallel_loop3A_264 : i32 to index
        %parallel_loop3A_266 = arith.constant 96 : index
        %parallel_loop3A_267 = tpu.vector_load %arg9[%parallel_loop3A_265, %parallel_loop3A_266] {strides = array<i32>} : memref<128x128xi32, #tpu.memory_space<vmem>>, vector<16xi32>,
        tpu.vector_store %arg9[%parallel_loop3A_265, %parallel_loop3A_266], %parallel_loop3A_255 {strides = array<i32>} : memref<128x128xi32, #tpu.memory_space<vmem>>, vector<16xi32>,
      } {sc.loop_unroll_factor = 4 : i64, sc.parallel_access}
      %add3A_235 = arith.constant 7168 : i32
      %add3A_236 = vector.broadcast %add3A_235 : i32 to vector<16xi32>
      %add3A_237 = arith.addi %mul3A_3, %add3A_236 : vector<16xi32>
      %parallel_loop3A_238 = arith.constant 0 : i32
      %parallel_loop3A_239 = arith.constant 64 : i32
      %parallel_loop3A_240 = arith.constant 1 : i32
      scf.for %parallel_loop3A_245 = %parallel_loop3A_238 to %parallel_loop3A_239 step %parallel_loop3A_240  : i32 {
        %parallel_loop3A_246 = arith.constant 112 : i32
        %parallel_loop3A_247 = arith.addi %parallel_loop3A_245, %parallel_loop3A_246 : i32
        %parallel_loop3A_248 = vector.broadcast %parallel_loop3A_247 : i32 to vector<16xi32>
        %parallel_loop3A_249 = arith.addi %iota3A, %parallel_loop3A_248 : vector<16xi32>
        %parallel_loop3A_250 = arith.constant 63 : i32
        %parallel_loop3A_251 = vector.broadcast %parallel_loop3A_250 : i32 to vector<16xi32>
        %parallel_loop3A_252 = arith.andi %parallel_loop3A_249, %parallel_loop3A_251 : vector<16xi32>
        %parallel_loop3A_253 = arith.addi %add3A_237, %parallel_loop3A_252 : vector<16xi32>
        %parallel_loop3A_254 = tpu.vector_load_idx %arg7[%parallel_loop3A_253] : memref<8192xi32, #tpu.memory_space<vmem>>[vector<16xi32>], vector<16xi32>,
        %parallel_loop3A_255 = tpu.vector_load_idx %arg8[%parallel_loop3A_253] : memref<8192xi32, #tpu.memory_space<vmem>>[vector<16xi32>], vector<16xi32>,
        %parallel_loop3A_256 = arith.constant 2 : i32
        %parallel_loop3A_257 = arith.muli %parallel_loop3A_256, %parallel_loop3A_245 : i32
        %parallel_loop3A_258 = arith.index_cast %parallel_loop3A_257 : i32 to index
        %parallel_loop3A_259 = arith.constant 112 : index
        %parallel_loop3A_260 = tpu.vector_load %arg9[%parallel_loop3A_258, %parallel_loop3A_259] {strides = array<i32>} : memref<128x128xi32, #tpu.memory_space<vmem>>, vector<16xi32>,
        tpu.vector_store %arg9[%parallel_loop3A_258, %parallel_loop3A_259], %parallel_loop3A_254 {strides = array<i32>} : memref<128x128xi32, #tpu.memory_space<vmem>>, vector<16xi32>,
        %parallel_loop3A_261 = arith.constant 2 : i32
        %parallel_loop3A_262 = arith.muli %parallel_loop3A_261, %parallel_loop3A_245 : i32
        %parallel_loop3A_263 = arith.constant 1 : i32
        %parallel_loop3A_264 = arith.addi %parallel_loop3A_262, %parallel_loop3A_263 : i32
        %parallel_loop3A_265 = arith.index_cast %parallel_loop3A_264 : i32 to index
        %parallel_loop3A_266 = arith.constant 112 : index
        %parallel_loop3A_267 = tpu.vector_load %arg9[%parallel_loop3A_265, %parallel_loop3A_266] {strides = array<i32>} : memref<128x128xi32, #tpu.memory_space<vmem>>, vector<16xi32>,
        tpu.vector_store %arg9[%parallel_loop3A_265, %parallel_loop3A_266], %parallel_loop3A_255 {strides = array<i32>} : memref<128x128xi32, #tpu.memory_space<vmem>>, vector<16xi32>,
      } {sc.loop_unroll_factor = 4 : i64, sc.parallel_access}
      %dma_start3A = arith.constant 0 : i32
      %dma_start3A_241 = arith.constant 0 : i32
      %dma_start3A_242 = tpu.memref_slice %arg4[%dma_start3A, %dma_start3A_241] : memref<10112x128xi32, #tpu.memory_space<hbm>> -> memref<10112x128xi32, #tpu.memory_space<hbm>>
      tpu.enqueue_indirect_dma source(%arg9 : memref<128x128xi32, #tpu.memory_space<vmem>>) target(%dma_start3A_242 : memref<10112x128xi32, #tpu.memory_space<hbm>>) offsets(%arg10 : memref<128xi32, #tpu.memory_space<vmem>>) semaphore(%arg11 : memref<!tpu.dma_semaphore, #tpu.memory_space<semaphore_mem>>)
      %dma_wait3A = arith.constant 0 : i32
      %dma_wait3A_243 = arith.constant 0 : i32
      %dma_wait3A_244 = tpu.memref_slice %arg4[%dma_wait3A, %dma_wait3A_243] : memref<10112x128xi32, #tpu.memory_space<hbm>> -> memref<10112x128xi32, #tpu.memory_space<hbm>>
      tpu.wait_indirect_dma semaphore(%arg11 : memref<!tpu.dma_semaphore, #tpu.memory_space<semaphore_mem>>) src(%arg9 : memref<128x128xi32, #tpu.memory_space<vmem>>) dst(%dma_wait3A_244 : memref<10112x128xi32, #tpu.memory_space<hbm>>)
    } else {
    }
    %add3A_15 = arith.constant 64 : i32
    %add3A_16 = arith.addi %add3A, %add3A_15 : i32
    %lt3A_17 = arith.constant 79 : i32
    %lt3A_18 = arith.cmpi slt, %add3A_16, %lt3A_17 : i32
    %convert_element_type3A_19 = arith.extui %lt3A_18 : i1 to i32
    %cond3A_20 = arith.constant 0 : i32
    %cond3A_21 = arith.cmpi ne, %convert_element_type3A_19, %cond3A_20 : i32
    scf.if %cond3A_21 {
      %mul3A_22 = arith.constant 8192 : i32
      %mul3A_23 = arith.muli %add3A_16, %mul3A_22 : i32
      %lt3A_24 = arith.constant 78 : i32
      %lt3A_25 = arith.cmpi slt, %add3A_16, %lt3A_24 : i32
      %convert_element_type3A_26 = arith.extui %lt3A_25 : i1 to i32
      %cond3A_27 = arith.constant 0 : i32
      %cond3A_28 = arith.cmpi ne, %convert_element_type3A_26, %cond3A_27 : i32
      scf.if %cond3A_28 {
        "tpu.region"() ({
          %run_scoped3A = tpu.sem_alloc : memref<!tpu.dma_semaphore, #tpu.memory_space<semaphore_mem>>
          %dma_start3A_245 = tpu.memref_slice %arg2[%mul3A_23] : memref<640000xi32, #tpu.memory_space<hbm>> -> memref<8192xi32, #tpu.memory_space<hbm>>
          %dma_start3A_246 = tpu.memref_slice %arg2[%mul3A_23] : memref<640000xi32, #tpu.memory_space<hbm>> -> memref<8192xi32, #tpu.memory_space<hbm>>
          tpu.enqueue_dma source(%dma_start3A_246 : memref<8192xi32, #tpu.memory_space<hbm>>) target(%arg5 : memref<8192xi32, #tpu.memory_space<vmem>>) target_semaphore(%run_scoped3A : memref<!tpu.dma_semaphore, #tpu.memory_space<semaphore_mem>>)
          %dma_wait3A_247 = tpu.memref_slice %arg2[%mul3A_23] : memref<640000xi32, #tpu.memory_space<hbm>> -> memref<8192xi32, #tpu.memory_space<hbm>>
          %dma_wait3A_248 = tpu.memref_slice %arg2[%mul3A_23] : memref<640000xi32, #tpu.memory_space<hbm>> -> memref<8192xi32, #tpu.memory_space<hbm>>
          tpu.wait_dma2 semaphore(%run_scoped3A : memref<!tpu.dma_semaphore, #tpu.memory_space<semaphore_mem>>) src(%dma_wait3A_248 : memref<8192xi32, #tpu.memory_space<hbm>>) dst(%arg5 : memref<8192xi32, #tpu.memory_space<vmem>>)
          tpu.yield
        }) : () -> ()
        "tpu.region"() ({
          %run_scoped3A = tpu.sem_alloc : memref<!tpu.dma_semaphore, #tpu.memory_space<semaphore_mem>>
          %dma_start3A_245 = tpu.memref_slice %arg3[%mul3A_23] : memref<640000xi32, #tpu.memory_space<hbm>> -> memref<8192xi32, #tpu.memory_space<hbm>>
          %dma_start3A_246 = tpu.memref_slice %arg3[%mul3A_23] : memref<640000xi32, #tpu.memory_space<hbm>> -> memref<8192xi32, #tpu.memory_space<hbm>>
          tpu.enqueue_dma source(%dma_start3A_246 : memref<8192xi32, #tpu.memory_space<hbm>>) target(%arg6 : memref<8192xi32, #tpu.memory_space<vmem>>) target_semaphore(%run_scoped3A : memref<!tpu.dma_semaphore, #tpu.memory_space<semaphore_mem>>)
          %dma_wait3A_247 = tpu.memref_slice %arg3[%mul3A_23] : memref<640000xi32, #tpu.memory_space<hbm>> -> memref<8192xi32, #tpu.memory_space<hbm>>
          %dma_wait3A_248 = tpu.memref_slice %arg3[%mul3A_23] : memref<640000xi32, #tpu.memory_space<hbm>> -> memref<8192xi32, #tpu.memory_space<hbm>>
          tpu.wait_dma2 semaphore(%run_scoped3A : memref<!tpu.dma_semaphore, #tpu.memory_space<semaphore_mem>>) src(%dma_wait3A_248 : memref<8192xi32, #tpu.memory_space<hbm>>) dst(%arg6 : memref<8192xi32, #tpu.memory_space<vmem>>)
          tpu.yield
        }) : () -> ()
      } else {
      }
      %eq3A = arith.constant 78 : i32
      %eq3A_29 = arith.cmpi eq, %add3A_16, %eq3A : i32
      %convert_element_type3A_30 = arith.extui %eq3A_29 : i1 to i32
      %cond3A_31 = arith.constant 0 : i32
      %cond3A_32 = arith.cmpi ne, %convert_element_type3A_30, %cond3A_31 : i32
      scf.if %cond3A_32 {
        "tpu.region"() ({
          %run_scoped3A = tpu.sem_alloc : memref<!tpu.dma_semaphore, #tpu.memory_space<semaphore_mem>>
          %dma_start3A_245 = arith.constant 0 : i32
          %dma_start3A_246 = tpu.memref_slice %arg5[%dma_start3A_245] : memref<8192xi32, #tpu.memory_space<vmem>> -> memref<1024xi32, #tpu.memory_space<vmem>>
          %dma_start3A_247 = tpu.memref_slice %arg2[%mul3A_23] : memref<640000xi32, #tpu.memory_space<hbm>> -> memref<1024xi32, #tpu.memory_space<hbm>>
          %dma_start3A_248 = arith.constant 0 : i32
          %dma_start3A_249 = tpu.memref_slice %arg5[%dma_start3A_248] : memref<8192xi32, #tpu.memory_space<vmem>> -> memref<1024xi32, #tpu.memory_space<vmem>>
          %dma_start3A_250 = tpu.memref_slice %arg2[%mul3A_23] : memref<640000xi32, #tpu.memory_space<hbm>> -> memref<1024xi32, #tpu.memory_space<hbm>>
          tpu.enqueue_dma source(%dma_start3A_250 : memref<1024xi32, #tpu.memory_space<hbm>>) target(%dma_start3A_249 : memref<1024xi32, #tpu.memory_space<vmem>>) target_semaphore(%run_scoped3A : memref<!tpu.dma_semaphore, #tpu.memory_space<semaphore_mem>>)
          %dma_wait3A_251 = arith.constant 0 : i32
          %dma_wait3A_252 = tpu.memref_slice %arg5[%dma_wait3A_251] : memref<8192xi32, #tpu.memory_space<vmem>> -> memref<1024xi32, #tpu.memory_space<vmem>>
          %dma_wait3A_253 = tpu.memref_slice %arg2[%mul3A_23] : memref<640000xi32, #tpu.memory_space<hbm>> -> memref<1024xi32, #tpu.memory_space<hbm>>
          %dma_wait3A_254 = arith.constant 0 : i32
          %dma_wait3A_255 = tpu.memref_slice %arg5[%dma_wait3A_254] : memref<8192xi32, #tpu.memory_space<vmem>> -> memref<1024xi32, #tpu.memory_space<vmem>>
          %dma_wait3A_256 = tpu.memref_slice %arg2[%mul3A_23] : memref<640000xi32, #tpu.memory_space<hbm>> -> memref<1024xi32, #tpu.memory_space<hbm>>
          tpu.wait_dma2 semaphore(%run_scoped3A : memref<!tpu.dma_semaphore, #tpu.memory_space<semaphore_mem>>) src(%dma_wait3A_256 : memref<1024xi32, #tpu.memory_space<hbm>>) dst(%dma_wait3A_255 : memref<1024xi32, #tpu.memory_space<vmem>>)
          tpu.yield
        }) : () -> ()
        "tpu.region"() ({
          %run_scoped3A = tpu.sem_alloc : memref<!tpu.dma_semaphore, #tpu.memory_space<semaphore_mem>>
          %dma_start3A_245 = arith.constant 0 : i32
          %dma_start3A_246 = tpu.memref_slice %arg6[%dma_start3A_245] : memref<8192xi32, #tpu.memory_space<vmem>> -> memref<1024xi32, #tpu.memory_space<vmem>>
          %dma_start3A_247 = tpu.memref_slice %arg3[%mul3A_23] : memref<640000xi32, #tpu.memory_space<hbm>> -> memref<1024xi32, #tpu.memory_space<hbm>>
          %dma_start3A_248 = arith.constant 0 : i32
          %dma_start3A_249 = tpu.memref_slice %arg6[%dma_start3A_248] : memref<8192xi32, #tpu.memory_space<vmem>> -> memref<1024xi32, #tpu.memory_space<vmem>>
          %dma_start3A_250 = tpu.memref_slice %arg3[%mul3A_23] : memref<640000xi32, #tpu.memory_space<hbm>> -> memref<1024xi32, #tpu.memory_space<hbm>>
          tpu.enqueue_dma source(%dma_start3A_250 : memref<1024xi32, #tpu.memory_space<hbm>>) target(%dma_start3A_249 : memref<1024xi32, #tpu.memory_space<vmem>>) target_semaphore(%run_scoped3A : memref<!tpu.dma_semaphore, #tpu.memory_space<semaphore_mem>>)
          %dma_wait3A_251 = arith.constant 0 : i32
          %dma_wait3A_252 = tpu.memref_slice %arg6[%dma_wait3A_251] : memref<8192xi32, #tpu.memory_space<vmem>> -> memref<1024xi32, #tpu.memory_space<vmem>>
          %dma_wait3A_253 = tpu.memref_slice %arg3[%mul3A_23] : memref<640000xi32, #tpu.memory_space<hbm>> -> memref<1024xi32, #tpu.memory_space<hbm>>
          %dma_wait3A_254 = arith.constant 0 : i32
          %dma_wait3A_255 = tpu.memref_slice %arg6[%dma_wait3A_254] : memref<8192xi32, #tpu.memory_space<vmem>> -> memref<1024xi32, #tpu.memory_space<vmem>>
          %dma_wait3A_256 = tpu.memref_slice %arg3[%mul3A_23] : memref<640000xi32, #tpu.memory_space<hbm>> -> memref<1024xi32, #tpu.memory_space<hbm>>
          tpu.wait_dma2 semaphore(%run_scoped3A : memref<!tpu.dma_semaphore, #tpu.memory_space<semaphore_mem>>) src(%dma_wait3A_256 : memref<1024xi32, #tpu.memory_space<hbm>>) dst(%dma_wait3A_255 : memref<1024xi32, #tpu.memory_space<vmem>>)
          tpu.yield
        }) : () -> ()
      } else {
      }
      %add3A_33 = arith.constant 0 : i32
      %add3A_34 = vector.broadcast %add3A_33 : i32 to vector<16xi32>
      %add3A_35 = arith.addi %iota3A, %add3A_34 : vector<16xi32>
      %shift_right_arithmetic3A = arith.constant 1 : i32
      %shift_right_arithmetic3A_36 = vector.broadcast %shift_right_arithmetic3A : i32 to vector<16xi32>
      %shift_right_arithmetic3A_37 = arith.shrsi %add3A_35, %shift_right_arithmetic3A_36 : vector<16xi32>
      %mul3A_38 = arith.constant 158 : i32
      %mul3A_39 = vector.broadcast %mul3A_38 : i32 to vector<16xi32>
      %mul3A_40 = arith.muli %shift_right_arithmetic3A_37, %mul3A_39 : vector<16xi32>
      %and3A = arith.constant 1 : i32
      %and3A_41 = vector.broadcast %and3A : i32 to vector<16xi32>
      %and3A_42 = arith.andi %add3A_35, %and3A_41 : vector<16xi32>
      %add3A_43 = arith.addi %mul3A_40, %and3A_42 : vector<16xi32>
      %mul3A_44 = arith.constant 2 : i32
      %mul3A_45 = arith.muli %add3A_16, %mul3A_44 : i32
      %add3A_46 = vector.broadcast %mul3A_45 : i32 to vector<16xi32>
      %add3A_47 = arith.addi %add3A_43, %add3A_46 : vector<16xi32>
      %swap3A = arith.constant 0 : index
      %swap3A_48 = tpu.vector_load %arg10[%swap3A] {strides = array<i32>} : memref<128xi32, #tpu.memory_space<vmem>>, vector<16xi32>,
      tpu.vector_store %arg10[%swap3A], %add3A_47 {strides = array<i32>} : memref<128xi32, #tpu.memory_space<vmem>>, vector<16xi32>,
      %add3A_49 = arith.constant 16 : i32
      %add3A_50 = vector.broadcast %add3A_49 : i32 to vector<16xi32>
      %add3A_51 = arith.addi %iota3A, %add3A_50 : vector<16xi32>
      %shift_right_arithmetic3A_52 = arith.constant 1 : i32
      %shift_right_arithmetic3A_53 = vector.broadcast %shift_right_arithmetic3A_52 : i32 to vector<16xi32>
      %shift_right_arithmetic3A_54 = arith.shrsi %add3A_51, %shift_right_arithmetic3A_53 : vector<16xi32>
      %mul3A_55 = arith.constant 158 : i32
      %mul3A_56 = vector.broadcast %mul3A_55 : i32 to vector<16xi32>
      %mul3A_57 = arith.muli %shift_right_arithmetic3A_54, %mul3A_56 : vector<16xi32>
      %and3A_58 = arith.constant 1 : i32
      %and3A_59 = vector.broadcast %and3A_58 : i32 to vector<16xi32>
      %and3A_60 = arith.andi %add3A_51, %and3A_59 : vector<16xi32>
      %add3A_61 = arith.addi %mul3A_57, %and3A_60 : vector<16xi32>
      %mul3A_62 = arith.constant 2 : i32
      %mul3A_63 = arith.muli %add3A_16, %mul3A_62 : i32
      %add3A_64 = vector.broadcast %mul3A_63 : i32 to vector<16xi32>
      %add3A_65 = arith.addi %add3A_61, %add3A_64 : vector<16xi32>
      %swap3A_66 = arith.constant 16 : index
      %swap3A_67 = tpu.vector_load %arg10[%swap3A_66] {strides = array<i32>} : memref<128xi32, #tpu.memory_space<vmem>>, vector<16xi32>,
      tpu.vector_store %arg10[%swap3A_66], %add3A_65 {strides = array<i32>} : memref<128xi32, #tpu.memory_space<vmem>>, vector<16xi32>,
      %add3A_68 = arith.constant 32 : i32
      %add3A_69 = vector.broadcast %add3A_68 : i32 to vector<16xi32>
      %add3A_70 = arith.addi %iota3A, %add3A_69 : vector<16xi32>
      %shift_right_arithmetic3A_71 = arith.constant 1 : i32
      %shift_right_arithmetic3A_72 = vector.broadcast %shift_right_arithmetic3A_71 : i32 to vector<16xi32>
      %shift_right_arithmetic3A_73 = arith.shrsi %add3A_70, %shift_right_arithmetic3A_72 : vector<16xi32>
      %mul3A_74 = arith.constant 158 : i32
      %mul3A_75 = vector.broadcast %mul3A_74 : i32 to vector<16xi32>
      %mul3A_76 = arith.muli %shift_right_arithmetic3A_73, %mul3A_75 : vector<16xi32>
      %and3A_77 = arith.constant 1 : i32
      %and3A_78 = vector.broadcast %and3A_77 : i32 to vector<16xi32>
      %and3A_79 = arith.andi %add3A_70, %and3A_78 : vector<16xi32>
      %add3A_80 = arith.addi %mul3A_76, %and3A_79 : vector<16xi32>
      %mul3A_81 = arith.constant 2 : i32
      %mul3A_82 = arith.muli %add3A_16, %mul3A_81 : i32
      %add3A_83 = vector.broadcast %mul3A_82 : i32 to vector<16xi32>
      %add3A_84 = arith.addi %add3A_80, %add3A_83 : vector<16xi32>
      %swap3A_85 = arith.constant 32 : index
      %swap3A_86 = tpu.vector_load %arg10[%swap3A_85] {strides = array<i32>} : memref<128xi32, #tpu.memory_space<vmem>>, vector<16xi32>,
      tpu.vector_store %arg10[%swap3A_85], %add3A_84 {strides = array<i32>} : memref<128xi32, #tpu.memory_space<vmem>>, vector<16xi32>,
      %add3A_87 = arith.constant 48 : i32
      %add3A_88 = vector.broadcast %add3A_87 : i32 to vector<16xi32>
      %add3A_89 = arith.addi %iota3A, %add3A_88 : vector<16xi32>
      %shift_right_arithmetic3A_90 = arith.constant 1 : i32
      %shift_right_arithmetic3A_91 = vector.broadcast %shift_right_arithmetic3A_90 : i32 to vector<16xi32>
      %shift_right_arithmetic3A_92 = arith.shrsi %add3A_89, %shift_right_arithmetic3A_91 : vector<16xi32>
      %mul3A_93 = arith.constant 158 : i32
      %mul3A_94 = vector.broadcast %mul3A_93 : i32 to vector<16xi32>
      %mul3A_95 = arith.muli %shift_right_arithmetic3A_92, %mul3A_94 : vector<16xi32>
      %and3A_96 = arith.constant 1 : i32
      %and3A_97 = vector.broadcast %and3A_96 : i32 to vector<16xi32>
      %and3A_98 = arith.andi %add3A_89, %and3A_97 : vector<16xi32>
      %add3A_99 = arith.addi %mul3A_95, %and3A_98 : vector<16xi32>
      %mul3A_100 = arith.constant 2 : i32
      %mul3A_101 = arith.muli %add3A_16, %mul3A_100 : i32
      %add3A_102 = vector.broadcast %mul3A_101 : i32 to vector<16xi32>
      %add3A_103 = arith.addi %add3A_99, %add3A_102 : vector<16xi32>
      %swap3A_104 = arith.constant 48 : index
      %swap3A_105 = tpu.vector_load %arg10[%swap3A_104] {strides = array<i32>} : memref<128xi32, #tpu.memory_space<vmem>>, vector<16xi32>,
      tpu.vector_store %arg10[%swap3A_104], %add3A_103 {strides = array<i32>} : memref<128xi32, #tpu.memory_space<vmem>>, vector<16xi32>,
      %add3A_106 = arith.constant 64 : i32
      %add3A_107 = vector.broadcast %add3A_106 : i32 to vector<16xi32>
      %add3A_108 = arith.addi %iota3A, %add3A_107 : vector<16xi32>
      %shift_right_arithmetic3A_109 = arith.constant 1 : i32
      %shift_right_arithmetic3A_110 = vector.broadcast %shift_right_arithmetic3A_109 : i32 to vector<16xi32>
      %shift_right_arithmetic3A_111 = arith.shrsi %add3A_108, %shift_right_arithmetic3A_110 : vector<16xi32>
      %mul3A_112 = arith.constant 158 : i32
      %mul3A_113 = vector.broadcast %mul3A_112 : i32 to vector<16xi32>
      %mul3A_114 = arith.muli %shift_right_arithmetic3A_111, %mul3A_113 : vector<16xi32>
      %and3A_115 = arith.constant 1 : i32
      %and3A_116 = vector.broadcast %and3A_115 : i32 to vector<16xi32>
      %and3A_117 = arith.andi %add3A_108, %and3A_116 : vector<16xi32>
      %add3A_118 = arith.addi %mul3A_114, %and3A_117 : vector<16xi32>
      %mul3A_119 = arith.constant 2 : i32
      %mul3A_120 = arith.muli %add3A_16, %mul3A_119 : i32
      %add3A_121 = vector.broadcast %mul3A_120 : i32 to vector<16xi32>
      %add3A_122 = arith.addi %add3A_118, %add3A_121 : vector<16xi32>
      %swap3A_123 = arith.constant 64 : index
      %swap3A_124 = tpu.vector_load %arg10[%swap3A_123] {strides = array<i32>} : memref<128xi32, #tpu.memory_space<vmem>>, vector<16xi32>,
      tpu.vector_store %arg10[%swap3A_123], %add3A_122 {strides = array<i32>} : memref<128xi32, #tpu.memory_space<vmem>>, vector<16xi32>,
      %add3A_125 = arith.constant 80 : i32
      %add3A_126 = vector.broadcast %add3A_125 : i32 to vector<16xi32>
      %add3A_127 = arith.addi %iota3A, %add3A_126 : vector<16xi32>
      %shift_right_arithmetic3A_128 = arith.constant 1 : i32
      %shift_right_arithmetic3A_129 = vector.broadcast %shift_right_arithmetic3A_128 : i32 to vector<16xi32>
      %shift_right_arithmetic3A_130 = arith.shrsi %add3A_127, %shift_right_arithmetic3A_129 : vector<16xi32>
      %mul3A_131 = arith.constant 158 : i32
      %mul3A_132 = vector.broadcast %mul3A_131 : i32 to vector<16xi32>
      %mul3A_133 = arith.muli %shift_right_arithmetic3A_130, %mul3A_132 : vector<16xi32>
      %and3A_134 = arith.constant 1 : i32
      %and3A_135 = vector.broadcast %and3A_134 : i32 to vector<16xi32>
      %and3A_136 = arith.andi %add3A_127, %and3A_135 : vector<16xi32>
      %add3A_137 = arith.addi %mul3A_133, %and3A_136 : vector<16xi32>
      %mul3A_138 = arith.constant 2 : i32
      %mul3A_139 = arith.muli %add3A_16, %mul3A_138 : i32
      %add3A_140 = vector.broadcast %mul3A_139 : i32 to vector<16xi32>
      %add3A_141 = arith.addi %add3A_137, %add3A_140 : vector<16xi32>
      %swap3A_142 = arith.constant 80 : index
      %swap3A_143 = tpu.vector_load %arg10[%swap3A_142] {strides = array<i32>} : memref<128xi32, #tpu.memory_space<vmem>>, vector<16xi32>,
      tpu.vector_store %arg10[%swap3A_142], %add3A_141 {strides = array<i32>} : memref<128xi32, #tpu.memory_space<vmem>>, vector<16xi32>,
      %add3A_144 = arith.constant 96 : i32
      %add3A_145 = vector.broadcast %add3A_144 : i32 to vector<16xi32>
      %add3A_146 = arith.addi %iota3A, %add3A_145 : vector<16xi32>
      %shift_right_arithmetic3A_147 = arith.constant 1 : i32
      %shift_right_arithmetic3A_148 = vector.broadcast %shift_right_arithmetic3A_147 : i32 to vector<16xi32>
      %shift_right_arithmetic3A_149 = arith.shrsi %add3A_146, %shift_right_arithmetic3A_148 : vector<16xi32>
      %mul3A_150 = arith.constant 158 : i32
      %mul3A_151 = vector.broadcast %mul3A_150 : i32 to vector<16xi32>
      %mul3A_152 = arith.muli %shift_right_arithmetic3A_149, %mul3A_151 : vector<16xi32>
      %and3A_153 = arith.constant 1 : i32
      %and3A_154 = vector.broadcast %and3A_153 : i32 to vector<16xi32>
      %and3A_155 = arith.andi %add3A_146, %and3A_154 : vector<16xi32>
      %add3A_156 = arith.addi %mul3A_152, %and3A_155 : vector<16xi32>
      %mul3A_157 = arith.constant 2 : i32
      %mul3A_158 = arith.muli %add3A_16, %mul3A_157 : i32
      %add3A_159 = vector.broadcast %mul3A_158 : i32 to vector<16xi32>
      %add3A_160 = arith.addi %add3A_156, %add3A_159 : vector<16xi32>
      %swap3A_161 = arith.constant 96 : index
      %swap3A_162 = tpu.vector_load %arg10[%swap3A_161] {strides = array<i32>} : memref<128xi32, #tpu.memory_space<vmem>>, vector<16xi32>,
      tpu.vector_store %arg10[%swap3A_161], %add3A_160 {strides = array<i32>} : memref<128xi32, #tpu.memory_space<vmem>>, vector<16xi32>,
      %add3A_163 = arith.constant 112 : i32
      %add3A_164 = vector.broadcast %add3A_163 : i32 to vector<16xi32>
      %add3A_165 = arith.addi %iota3A, %add3A_164 : vector<16xi32>
      %shift_right_arithmetic3A_166 = arith.constant 1 : i32
      %shift_right_arithmetic3A_167 = vector.broadcast %shift_right_arithmetic3A_166 : i32 to vector<16xi32>
      %shift_right_arithmetic3A_168 = arith.shrsi %add3A_165, %shift_right_arithmetic3A_167 : vector<16xi32>
      %mul3A_169 = arith.constant 158 : i32
      %mul3A_170 = vector.broadcast %mul3A_169 : i32 to vector<16xi32>
      %mul3A_171 = arith.muli %shift_right_arithmetic3A_168, %mul3A_170 : vector<16xi32>
      %and3A_172 = arith.constant 1 : i32
      %and3A_173 = vector.broadcast %and3A_172 : i32 to vector<16xi32>
      %and3A_174 = arith.andi %add3A_165, %and3A_173 : vector<16xi32>
      %add3A_175 = arith.addi %mul3A_171, %and3A_174 : vector<16xi32>
      %mul3A_176 = arith.constant 2 : i32
      %mul3A_177 = arith.muli %add3A_16, %mul3A_176 : i32
      %add3A_178 = vector.broadcast %mul3A_177 : i32 to vector<16xi32>
      %add3A_179 = arith.addi %add3A_175, %add3A_178 : vector<16xi32>
      %swap3A_180 = arith.constant 112 : index
      %swap3A_181 = tpu.vector_load %arg10[%swap3A_180] {strides = array<i32>} : memref<128xi32, #tpu.memory_space<vmem>>, vector<16xi32>,
      tpu.vector_store %arg10[%swap3A_180], %add3A_179 {strides = array<i32>} : memref<128xi32, #tpu.memory_space<vmem>>, vector<16xi32>,
      %parallel_loop3A = arith.constant 0 : i32
      %parallel_loop3A_182 = arith.constant 128 : i32
      %parallel_loop3A_183 = arith.constant 1 : i32
      scf.for %parallel_loop3A_245 = %parallel_loop3A to %parallel_loop3A_182 step %parallel_loop3A_183  : i32 {
        %parallel_loop3A_246 = arith.constant 64 : i32
        %parallel_loop3A_247 = arith.muli %parallel_loop3A_245, %parallel_loop3A_246 : i32
        %parallel_loop3A_248 = arith.constant 0 : i32
        %parallel_loop3A_249 = arith.addi %parallel_loop3A_247, %parallel_loop3A_248 : i32
        %parallel_loop3A_250 = arith.index_cast %parallel_loop3A_249 : i32 to index
        %parallel_loop3A_251 = tpu.vector_load %arg5[%parallel_loop3A_250] {strides = array<i32>} : memref<8192xi32, #tpu.memory_space<vmem>>, vector<16xi32>,
        %parallel_loop3A_252 = arith.constant 64 : i32
        %parallel_loop3A_253 = arith.muli %parallel_loop3A_245, %parallel_loop3A_252 : i32
        %parallel_loop3A_254 = arith.constant 0 : i32
        %parallel_loop3A_255 = arith.addi %parallel_loop3A_253, %parallel_loop3A_254 : i32
        %parallel_loop3A_256 = arith.index_cast %parallel_loop3A_255 : i32 to index
        %parallel_loop3A_257 = tpu.vector_load %arg6[%parallel_loop3A_256] {strides = array<i32>} : memref<8192xi32, #tpu.memory_space<vmem>>, vector<16xi32>,
        %parallel_loop3A_258 = arith.constant 0 : i32
        %parallel_loop3A_259 = arith.addi %parallel_loop3A_258, %parallel_loop3A_245 : i32
        %parallel_loop3A_260 = vector.broadcast %parallel_loop3A_259 : i32 to vector<16xi32>
        %parallel_loop3A_261 = arith.addi %iota3A, %parallel_loop3A_260 : vector<16xi32>
        %parallel_loop3A_262 = arith.constant 63 : i32
        %parallel_loop3A_263 = vector.broadcast %parallel_loop3A_262 : i32 to vector<16xi32>
        %parallel_loop3A_264 = arith.andi %parallel_loop3A_261, %parallel_loop3A_263 : vector<16xi32>
        %parallel_loop3A_265 = arith.constant 64 : i32
        %parallel_loop3A_266 = arith.muli %parallel_loop3A_245, %parallel_loop3A_265 : i32
        %parallel_loop3A_267 = vector.broadcast %parallel_loop3A_266 : i32 to vector<16xi32>
        %parallel_loop3A_268 = arith.addi %parallel_loop3A_264, %parallel_loop3A_267 : vector<16xi32>
        tpu.vector_store_idx %arg7[%parallel_loop3A_268], %parallel_loop3A_251 : memref<8192xi32, #tpu.memory_space<vmem>>[vector<16xi32>], vector<16xi32>,
        tpu.vector_store_idx %arg8[%parallel_loop3A_268], %parallel_loop3A_257 : memref<8192xi32, #tpu.memory_space<vmem>>[vector<16xi32>], vector<16xi32>,
      } {sc.loop_unroll_factor = 4 : i64, sc.parallel_access}
      %parallel_loop3A_184 = arith.constant 0 : i32
      %parallel_loop3A_185 = arith.constant 128 : i32
      %parallel_loop3A_186 = arith.constant 1 : i32
      scf.for %parallel_loop3A_245 = %parallel_loop3A_184 to %parallel_loop3A_185 step %parallel_loop3A_186  : i32 {
        %parallel_loop3A_246 = arith.constant 64 : i32
        %parallel_loop3A_247 = arith.muli %parallel_loop3A_245, %parallel_loop3A_246 : i32
        %parallel_loop3A_248 = arith.constant 16 : i32
        %parallel_loop3A_249 = arith.addi %parallel_loop3A_247, %parallel_loop3A_248 : i32
        %parallel_loop3A_250 = arith.index_cast %parallel_loop3A_249 : i32 to index
        %parallel_loop3A_251 = tpu.vector_load %arg5[%parallel_loop3A_250] {strides = array<i32>} : memref<8192xi32, #tpu.memory_space<vmem>>, vector<16xi32>,
        %parallel_loop3A_252 = arith.constant 64 : i32
        %parallel_loop3A_253 = arith.muli %parallel_loop3A_245, %parallel_loop3A_252 : i32
        %parallel_loop3A_254 = arith.constant 16 : i32
        %parallel_loop3A_255 = arith.addi %parallel_loop3A_253, %parallel_loop3A_254 : i32
        %parallel_loop3A_256 = arith.index_cast %parallel_loop3A_255 : i32 to index
        %parallel_loop3A_257 = tpu.vector_load %arg6[%parallel_loop3A_256] {strides = array<i32>} : memref<8192xi32, #tpu.memory_space<vmem>>, vector<16xi32>,
        %parallel_loop3A_258 = arith.constant 16 : i32
        %parallel_loop3A_259 = arith.addi %parallel_loop3A_258, %parallel_loop3A_245 : i32
        %parallel_loop3A_260 = vector.broadcast %parallel_loop3A_259 : i32 to vector<16xi32>
        %parallel_loop3A_261 = arith.addi %iota3A, %parallel_loop3A_260 : vector<16xi32>
        %parallel_loop3A_262 = arith.constant 63 : i32
        %parallel_loop3A_263 = vector.broadcast %parallel_loop3A_262 : i32 to vector<16xi32>
        %parallel_loop3A_264 = arith.andi %parallel_loop3A_261, %parallel_loop3A_263 : vector<16xi32>
        %parallel_loop3A_265 = arith.constant 64 : i32
        %parallel_loop3A_266 = arith.muli %parallel_loop3A_245, %parallel_loop3A_265 : i32
        %parallel_loop3A_267 = vector.broadcast %parallel_loop3A_266 : i32 to vector<16xi32>
        %parallel_loop3A_268 = arith.addi %parallel_loop3A_264, %parallel_loop3A_267 : vector<16xi32>
        tpu.vector_store_idx %arg7[%parallel_loop3A_268], %parallel_loop3A_251 : memref<8192xi32, #tpu.memory_space<vmem>>[vector<16xi32>], vector<16xi32>,
        tpu.vector_store_idx %arg8[%parallel_loop3A_268], %parallel_loop3A_257 : memref<8192xi32, #tpu.memory_space<vmem>>[vector<16xi32>], vector<16xi32>,
      } {sc.loop_unroll_factor = 4 : i64, sc.parallel_access}
      %parallel_loop3A_187 = arith.constant 0 : i32
      %parallel_loop3A_188 = arith.constant 128 : i32
      %parallel_loop3A_189 = arith.constant 1 : i32
      scf.for %parallel_loop3A_245 = %parallel_loop3A_187 to %parallel_loop3A_188 step %parallel_loop3A_189  : i32 {
        %parallel_loop3A_246 = arith.constant 64 : i32
        %parallel_loop3A_247 = arith.muli %parallel_loop3A_245, %parallel_loop3A_246 : i32
        %parallel_loop3A_248 = arith.constant 32 : i32
        %parallel_loop3A_249 = arith.addi %parallel_loop3A_247, %parallel_loop3A_248 : i32
        %parallel_loop3A_250 = arith.index_cast %parallel_loop3A_249 : i32 to index
        %parallel_loop3A_251 = tpu.vector_load %arg5[%parallel_loop3A_250] {strides = array<i32>} : memref<8192xi32, #tpu.memory_space<vmem>>, vector<16xi32>,
        %parallel_loop3A_252 = arith.constant 64 : i32
        %parallel_loop3A_253 = arith.muli %parallel_loop3A_245, %parallel_loop3A_252 : i32
        %parallel_loop3A_254 = arith.constant 32 : i32
        %parallel_loop3A_255 = arith.addi %parallel_loop3A_253, %parallel_loop3A_254 : i32
        %parallel_loop3A_256 = arith.index_cast %parallel_loop3A_255 : i32 to index
        %parallel_loop3A_257 = tpu.vector_load %arg6[%parallel_loop3A_256] {strides = array<i32>} : memref<8192xi32, #tpu.memory_space<vmem>>, vector<16xi32>,
        %parallel_loop3A_258 = arith.constant 32 : i32
        %parallel_loop3A_259 = arith.addi %parallel_loop3A_258, %parallel_loop3A_245 : i32
        %parallel_loop3A_260 = vector.broadcast %parallel_loop3A_259 : i32 to vector<16xi32>
        %parallel_loop3A_261 = arith.addi %iota3A, %parallel_loop3A_260 : vector<16xi32>
        %parallel_loop3A_262 = arith.constant 63 : i32
        %parallel_loop3A_263 = vector.broadcast %parallel_loop3A_262 : i32 to vector<16xi32>
        %parallel_loop3A_264 = arith.andi %parallel_loop3A_261, %parallel_loop3A_263 : vector<16xi32>
        %parallel_loop3A_265 = arith.constant 64 : i32
        %parallel_loop3A_266 = arith.muli %parallel_loop3A_245, %parallel_loop3A_265 : i32
        %parallel_loop3A_267 = vector.broadcast %parallel_loop3A_266 : i32 to vector<16xi32>
        %parallel_loop3A_268 = arith.addi %parallel_loop3A_264, %parallel_loop3A_267 : vector<16xi32>
        tpu.vector_store_idx %arg7[%parallel_loop3A_268], %parallel_loop3A_251 : memref<8192xi32, #tpu.memory_space<vmem>>[vector<16xi32>], vector<16xi32>,
        tpu.vector_store_idx %arg8[%parallel_loop3A_268], %parallel_loop3A_257 : memref<8192xi32, #tpu.memory_space<vmem>>[vector<16xi32>], vector<16xi32>,
      } {sc.loop_unroll_factor = 4 : i64, sc.parallel_access}
      %parallel_loop3A_190 = arith.constant 0 : i32
      %parallel_loop3A_191 = arith.constant 128 : i32
      %parallel_loop3A_192 = arith.constant 1 : i32
      scf.for %parallel_loop3A_245 = %parallel_loop3A_190 to %parallel_loop3A_191 step %parallel_loop3A_192  : i32 {
        %parallel_loop3A_246 = arith.constant 64 : i32
        %parallel_loop3A_247 = arith.muli %parallel_loop3A_245, %parallel_loop3A_246 : i32
        %parallel_loop3A_248 = arith.constant 48 : i32
        %parallel_loop3A_249 = arith.addi %parallel_loop3A_247, %parallel_loop3A_248 : i32
        %parallel_loop3A_250 = arith.index_cast %parallel_loop3A_249 : i32 to index
        %parallel_loop3A_251 = tpu.vector_load %arg5[%parallel_loop3A_250] {strides = array<i32>} : memref<8192xi32, #tpu.memory_space<vmem>>, vector<16xi32>,
        %parallel_loop3A_252 = arith.constant 64 : i32
        %parallel_loop3A_253 = arith.muli %parallel_loop3A_245, %parallel_loop3A_252 : i32
        %parallel_loop3A_254 = arith.constant 48 : i32
        %parallel_loop3A_255 = arith.addi %parallel_loop3A_253, %parallel_loop3A_254 : i32
        %parallel_loop3A_256 = arith.index_cast %parallel_loop3A_255 : i32 to index
        %parallel_loop3A_257 = tpu.vector_load %arg6[%parallel_loop3A_256] {strides = array<i32>} : memref<8192xi32, #tpu.memory_space<vmem>>, vector<16xi32>,
        %parallel_loop3A_258 = arith.constant 48 : i32
        %parallel_loop3A_259 = arith.addi %parallel_loop3A_258, %parallel_loop3A_245 : i32
        %parallel_loop3A_260 = vector.broadcast %parallel_loop3A_259 : i32 to vector<16xi32>
        %parallel_loop3A_261 = arith.addi %iota3A, %parallel_loop3A_260 : vector<16xi32>
        %parallel_loop3A_262 = arith.constant 63 : i32
        %parallel_loop3A_263 = vector.broadcast %parallel_loop3A_262 : i32 to vector<16xi32>
        %parallel_loop3A_264 = arith.andi %parallel_loop3A_261, %parallel_loop3A_263 : vector<16xi32>
        %parallel_loop3A_265 = arith.constant 64 : i32
        %parallel_loop3A_266 = arith.muli %parallel_loop3A_245, %parallel_loop3A_265 : i32
        %parallel_loop3A_267 = vector.broadcast %parallel_loop3A_266 : i32 to vector<16xi32>
        %parallel_loop3A_268 = arith.addi %parallel_loop3A_264, %parallel_loop3A_267 : vector<16xi32>
        tpu.vector_store_idx %arg7[%parallel_loop3A_268], %parallel_loop3A_251 : memref<8192xi32, #tpu.memory_space<vmem>>[vector<16xi32>], vector<16xi32>,
        tpu.vector_store_idx %arg8[%parallel_loop3A_268], %parallel_loop3A_257 : memref<8192xi32, #tpu.memory_space<vmem>>[vector<16xi32>], vector<16xi32>,
      } {sc.loop_unroll_factor = 4 : i64, sc.parallel_access}
      %add3A_193 = arith.constant 0 : i32
      %add3A_194 = vector.broadcast %add3A_193 : i32 to vector<16xi32>
      %add3A_195 = arith.addi %mul3A_3, %add3A_194 : vector<16xi32>
      %parallel_loop3A_196 = arith.constant 0 : i32
      %parallel_loop3A_197 = arith.constant 64 : i32
      %parallel_loop3A_198 = arith.constant 1 : i32
      scf.for %parallel_loop3A_245 = %parallel_loop3A_196 to %parallel_loop3A_197 step %parallel_loop3A_198  : i32 {
        %parallel_loop3A_246 = arith.constant 0 : i32
        %parallel_loop3A_247 = arith.addi %parallel_loop3A_245, %parallel_loop3A_246 : i32
        %parallel_loop3A_248 = vector.broadcast %parallel_loop3A_247 : i32 to vector<16xi32>
        %parallel_loop3A_249 = arith.addi %iota3A, %parallel_loop3A_248 : vector<16xi32>
        %parallel_loop3A_250 = arith.constant 63 : i32
        %parallel_loop3A_251 = vector.broadcast %parallel_loop3A_250 : i32 to vector<16xi32>
        %parallel_loop3A_252 = arith.andi %parallel_loop3A_249, %parallel_loop3A_251 : vector<16xi32>
        %parallel_loop3A_253 = arith.addi %add3A_195, %parallel_loop3A_252 : vector<16xi32>
        %parallel_loop3A_254 = tpu.vector_load_idx %arg7[%parallel_loop3A_253] : memref<8192xi32, #tpu.memory_space<vmem>>[vector<16xi32>], vector<16xi32>,
        %parallel_loop3A_255 = tpu.vector_load_idx %arg8[%parallel_loop3A_253] : memref<8192xi32, #tpu.memory_space<vmem>>[vector<16xi32>], vector<16xi32>,
        %parallel_loop3A_256 = arith.constant 2 : i32
        %parallel_loop3A_257 = arith.muli %parallel_loop3A_256, %parallel_loop3A_245 : i32
        %parallel_loop3A_258 = arith.index_cast %parallel_loop3A_257 : i32 to index
        %parallel_loop3A_259 = arith.constant 0 : index
        %parallel_loop3A_260 = tpu.vector_load %arg9[%parallel_loop3A_258, %parallel_loop3A_259] {strides = array<i32>} : memref<128x128xi32, #tpu.memory_space<vmem>>, vector<16xi32>,
        tpu.vector_store %arg9[%parallel_loop3A_258, %parallel_loop3A_259], %parallel_loop3A_254 {strides = array<i32>} : memref<128x128xi32, #tpu.memory_space<vmem>>, vector<16xi32>,
        %parallel_loop3A_261 = arith.constant 2 : i32
        %parallel_loop3A_262 = arith.muli %parallel_loop3A_261, %parallel_loop3A_245 : i32
        %parallel_loop3A_263 = arith.constant 1 : i32
        %parallel_loop3A_264 = arith.addi %parallel_loop3A_262, %parallel_loop3A_263 : i32
        %parallel_loop3A_265 = arith.index_cast %parallel_loop3A_264 : i32 to index
        %parallel_loop3A_266 = arith.constant 0 : index
        %parallel_loop3A_267 = tpu.vector_load %arg9[%parallel_loop3A_265, %parallel_loop3A_266] {strides = array<i32>} : memref<128x128xi32, #tpu.memory_space<vmem>>, vector<16xi32>,
        tpu.vector_store %arg9[%parallel_loop3A_265, %parallel_loop3A_266], %parallel_loop3A_255 {strides = array<i32>} : memref<128x128xi32, #tpu.memory_space<vmem>>, vector<16xi32>,
      } {sc.loop_unroll_factor = 4 : i64, sc.parallel_access}
      %add3A_199 = arith.constant 1024 : i32
      %add3A_200 = vector.broadcast %add3A_199 : i32 to vector<16xi32>
      %add3A_201 = arith.addi %mul3A_3, %add3A_200 : vector<16xi32>
      %parallel_loop3A_202 = arith.constant 0 : i32
      %parallel_loop3A_203 = arith.constant 64 : i32
      %parallel_loop3A_204 = arith.constant 1 : i32
      scf.for %parallel_loop3A_245 = %parallel_loop3A_202 to %parallel_loop3A_203 step %parallel_loop3A_204  : i32 {
        %parallel_loop3A_246 = arith.constant 16 : i32
        %parallel_loop3A_247 = arith.addi %parallel_loop3A_245, %parallel_loop3A_246 : i32
        %parallel_loop3A_248 = vector.broadcast %parallel_loop3A_247 : i32 to vector<16xi32>
        %parallel_loop3A_249 = arith.addi %iota3A, %parallel_loop3A_248 : vector<16xi32>
        %parallel_loop3A_250 = arith.constant 63 : i32
        %parallel_loop3A_251 = vector.broadcast %parallel_loop3A_250 : i32 to vector<16xi32>
        %parallel_loop3A_252 = arith.andi %parallel_loop3A_249, %parallel_loop3A_251 : vector<16xi32>
        %parallel_loop3A_253 = arith.addi %add3A_201, %parallel_loop3A_252 : vector<16xi32>
        %parallel_loop3A_254 = tpu.vector_load_idx %arg7[%parallel_loop3A_253] : memref<8192xi32, #tpu.memory_space<vmem>>[vector<16xi32>], vector<16xi32>,
        %parallel_loop3A_255 = tpu.vector_load_idx %arg8[%parallel_loop3A_253] : memref<8192xi32, #tpu.memory_space<vmem>>[vector<16xi32>], vector<16xi32>,
        %parallel_loop3A_256 = arith.constant 2 : i32
        %parallel_loop3A_257 = arith.muli %parallel_loop3A_256, %parallel_loop3A_245 : i32
        %parallel_loop3A_258 = arith.index_cast %parallel_loop3A_257 : i32 to index
        %parallel_loop3A_259 = arith.constant 16 : index
        %parallel_loop3A_260 = tpu.vector_load %arg9[%parallel_loop3A_258, %parallel_loop3A_259] {strides = array<i32>} : memref<128x128xi32, #tpu.memory_space<vmem>>, vector<16xi32>,
        tpu.vector_store %arg9[%parallel_loop3A_258, %parallel_loop3A_259], %parallel_loop3A_254 {strides = array<i32>} : memref<128x128xi32, #tpu.memory_space<vmem>>, vector<16xi32>,
        %parallel_loop3A_261 = arith.constant 2 : i32
        %parallel_loop3A_262 = arith.muli %parallel_loop3A_261, %parallel_loop3A_245 : i32
        %parallel_loop3A_263 = arith.constant 1 : i32
        %parallel_loop3A_264 = arith.addi %parallel_loop3A_262, %parallel_loop3A_263 : i32
        %parallel_loop3A_265 = arith.index_cast %parallel_loop3A_264 : i32 to index
        %parallel_loop3A_266 = arith.constant 16 : index
        %parallel_loop3A_267 = tpu.vector_load %arg9[%parallel_loop3A_265, %parallel_loop3A_266] {strides = array<i32>} : memref<128x128xi32, #tpu.memory_space<vmem>>, vector<16xi32>,
        tpu.vector_store %arg9[%parallel_loop3A_265, %parallel_loop3A_266], %parallel_loop3A_255 {strides = array<i32>} : memref<128x128xi32, #tpu.memory_space<vmem>>, vector<16xi32>,
      } {sc.loop_unroll_factor = 4 : i64, sc.parallel_access}
      %add3A_205 = arith.constant 2048 : i32
      %add3A_206 = vector.broadcast %add3A_205 : i32 to vector<16xi32>
      %add3A_207 = arith.addi %mul3A_3, %add3A_206 : vector<16xi32>
      %parallel_loop3A_208 = arith.constant 0 : i32
      %parallel_loop3A_209 = arith.constant 64 : i32
      %parallel_loop3A_210 = arith.constant 1 : i32
      scf.for %parallel_loop3A_245 = %parallel_loop3A_208 to %parallel_loop3A_209 step %parallel_loop3A_210  : i32 {
        %parallel_loop3A_246 = arith.constant 32 : i32
        %parallel_loop3A_247 = arith.addi %parallel_loop3A_245, %parallel_loop3A_246 : i32
        %parallel_loop3A_248 = vector.broadcast %parallel_loop3A_247 : i32 to vector<16xi32>
        %parallel_loop3A_249 = arith.addi %iota3A, %parallel_loop3A_248 : vector<16xi32>
        %parallel_loop3A_250 = arith.constant 63 : i32
        %parallel_loop3A_251 = vector.broadcast %parallel_loop3A_250 : i32 to vector<16xi32>
        %parallel_loop3A_252 = arith.andi %parallel_loop3A_249, %parallel_loop3A_251 : vector<16xi32>
        %parallel_loop3A_253 = arith.addi %add3A_207, %parallel_loop3A_252 : vector<16xi32>
        %parallel_loop3A_254 = tpu.vector_load_idx %arg7[%parallel_loop3A_253] : memref<8192xi32, #tpu.memory_space<vmem>>[vector<16xi32>], vector<16xi32>,
        %parallel_loop3A_255 = tpu.vector_load_idx %arg8[%parallel_loop3A_253] : memref<8192xi32, #tpu.memory_space<vmem>>[vector<16xi32>], vector<16xi32>,
        %parallel_loop3A_256 = arith.constant 2 : i32
        %parallel_loop3A_257 = arith.muli %parallel_loop3A_256, %parallel_loop3A_245 : i32
        %parallel_loop3A_258 = arith.index_cast %parallel_loop3A_257 : i32 to index
        %parallel_loop3A_259 = arith.constant 32 : index
        %parallel_loop3A_260 = tpu.vector_load %arg9[%parallel_loop3A_258, %parallel_loop3A_259] {strides = array<i32>} : memref<128x128xi32, #tpu.memory_space<vmem>>, vector<16xi32>,
        tpu.vector_store %arg9[%parallel_loop3A_258, %parallel_loop3A_259], %parallel_loop3A_254 {strides = array<i32>} : memref<128x128xi32, #tpu.memory_space<vmem>>, vector<16xi32>,
        %parallel_loop3A_261 = arith.constant 2 : i32
        %parallel_loop3A_262 = arith.muli %parallel_loop3A_261, %parallel_loop3A_245 : i32
        %parallel_loop3A_263 = arith.constant 1 : i32
        %parallel_loop3A_264 = arith.addi %parallel_loop3A_262, %parallel_loop3A_263 : i32
        %parallel_loop3A_265 = arith.index_cast %parallel_loop3A_264 : i32 to index
        %parallel_loop3A_266 = arith.constant 32 : index
        %parallel_loop3A_267 = tpu.vector_load %arg9[%parallel_loop3A_265, %parallel_loop3A_266] {strides = array<i32>} : memref<128x128xi32, #tpu.memory_space<vmem>>, vector<16xi32>,
        tpu.vector_store %arg9[%parallel_loop3A_265, %parallel_loop3A_266], %parallel_loop3A_255 {strides = array<i32>} : memref<128x128xi32, #tpu.memory_space<vmem>>, vector<16xi32>,
      } {sc.loop_unroll_factor = 4 : i64, sc.parallel_access}
      %add3A_211 = arith.constant 3072 : i32
      %add3A_212 = vector.broadcast %add3A_211 : i32 to vector<16xi32>
      %add3A_213 = arith.addi %mul3A_3, %add3A_212 : vector<16xi32>
      %parallel_loop3A_214 = arith.constant 0 : i32
      %parallel_loop3A_215 = arith.constant 64 : i32
      %parallel_loop3A_216 = arith.constant 1 : i32
      scf.for %parallel_loop3A_245 = %parallel_loop3A_214 to %parallel_loop3A_215 step %parallel_loop3A_216  : i32 {
        %parallel_loop3A_246 = arith.constant 48 : i32
        %parallel_loop3A_247 = arith.addi %parallel_loop3A_245, %parallel_loop3A_246 : i32
        %parallel_loop3A_248 = vector.broadcast %parallel_loop3A_247 : i32 to vector<16xi32>
        %parallel_loop3A_249 = arith.addi %iota3A, %parallel_loop3A_248 : vector<16xi32>
        %parallel_loop3A_250 = arith.constant 63 : i32
        %parallel_loop3A_251 = vector.broadcast %parallel_loop3A_250 : i32 to vector<16xi32>
        %parallel_loop3A_252 = arith.andi %parallel_loop3A_249, %parallel_loop3A_251 : vector<16xi32>
        %parallel_loop3A_253 = arith.addi %add3A_213, %parallel_loop3A_252 : vector<16xi32>
        %parallel_loop3A_254 = tpu.vector_load_idx %arg7[%parallel_loop3A_253] : memref<8192xi32, #tpu.memory_space<vmem>>[vector<16xi32>], vector<16xi32>,
        %parallel_loop3A_255 = tpu.vector_load_idx %arg8[%parallel_loop3A_253] : memref<8192xi32, #tpu.memory_space<vmem>>[vector<16xi32>], vector<16xi32>,
        %parallel_loop3A_256 = arith.constant 2 : i32
        %parallel_loop3A_257 = arith.muli %parallel_loop3A_256, %parallel_loop3A_245 : i32
        %parallel_loop3A_258 = arith.index_cast %parallel_loop3A_257 : i32 to index
        %parallel_loop3A_259 = arith.constant 48 : index
        %parallel_loop3A_260 = tpu.vector_load %arg9[%parallel_loop3A_258, %parallel_loop3A_259] {strides = array<i32>} : memref<128x128xi32, #tpu.memory_space<vmem>>, vector<16xi32>,
        tpu.vector_store %arg9[%parallel_loop3A_258, %parallel_loop3A_259], %parallel_loop3A_254 {strides = array<i32>} : memref<128x128xi32, #tpu.memory_space<vmem>>, vector<16xi32>,
        %parallel_loop3A_261 = arith.constant 2 : i32
        %parallel_loop3A_262 = arith.muli %parallel_loop3A_261, %parallel_loop3A_245 : i32
        %parallel_loop3A_263 = arith.constant 1 : i32
        %parallel_loop3A_264 = arith.addi %parallel_loop3A_262, %parallel_loop3A_263 : i32
        %parallel_loop3A_265 = arith.index_cast %parallel_loop3A_264 : i32 to index
        %parallel_loop3A_266 = arith.constant 48 : index
        %parallel_loop3A_267 = tpu.vector_load %arg9[%parallel_loop3A_265, %parallel_loop3A_266] {strides = array<i32>} : memref<128x128xi32, #tpu.memory_space<vmem>>, vector<16xi32>,
        tpu.vector_store %arg9[%parallel_loop3A_265, %parallel_loop3A_266], %parallel_loop3A_255 {strides = array<i32>} : memref<128x128xi32, #tpu.memory_space<vmem>>, vector<16xi32>,
      } {sc.loop_unroll_factor = 4 : i64, sc.parallel_access}
      %add3A_217 = arith.constant 4096 : i32
      %add3A_218 = vector.broadcast %add3A_217 : i32 to vector<16xi32>
      %add3A_219 = arith.addi %mul3A_3, %add3A_218 : vector<16xi32>
      %parallel_loop3A_220 = arith.constant 0 : i32
      %parallel_loop3A_221 = arith.constant 64 : i32
      %parallel_loop3A_222 = arith.constant 1 : i32
      scf.for %parallel_loop3A_245 = %parallel_loop3A_220 to %parallel_loop3A_221 step %parallel_loop3A_222  : i32 {
        %parallel_loop3A_246 = arith.constant 64 : i32
        %parallel_loop3A_247 = arith.addi %parallel_loop3A_245, %parallel_loop3A_246 : i32
        %parallel_loop3A_248 = vector.broadcast %parallel_loop3A_247 : i32 to vector<16xi32>
        %parallel_loop3A_249 = arith.addi %iota3A, %parallel_loop3A_248 : vector<16xi32>
        %parallel_loop3A_250 = arith.constant 63 : i32
        %parallel_loop3A_251 = vector.broadcast %parallel_loop3A_250 : i32 to vector<16xi32>
        %parallel_loop3A_252 = arith.andi %parallel_loop3A_249, %parallel_loop3A_251 : vector<16xi32>
        %parallel_loop3A_253 = arith.addi %add3A_219, %parallel_loop3A_252 : vector<16xi32>
        %parallel_loop3A_254 = tpu.vector_load_idx %arg7[%parallel_loop3A_253] : memref<8192xi32, #tpu.memory_space<vmem>>[vector<16xi32>], vector<16xi32>,
        %parallel_loop3A_255 = tpu.vector_load_idx %arg8[%parallel_loop3A_253] : memref<8192xi32, #tpu.memory_space<vmem>>[vector<16xi32>], vector<16xi32>,
        %parallel_loop3A_256 = arith.constant 2 : i32
        %parallel_loop3A_257 = arith.muli %parallel_loop3A_256, %parallel_loop3A_245 : i32
        %parallel_loop3A_258 = arith.index_cast %parallel_loop3A_257 : i32 to index
        %parallel_loop3A_259 = arith.constant 64 : index
        %parallel_loop3A_260 = tpu.vector_load %arg9[%parallel_loop3A_258, %parallel_loop3A_259] {strides = array<i32>} : memref<128x128xi32, #tpu.memory_space<vmem>>, vector<16xi32>,
        tpu.vector_store %arg9[%parallel_loop3A_258, %parallel_loop3A_259], %parallel_loop3A_254 {strides = array<i32>} : memref<128x128xi32, #tpu.memory_space<vmem>>, vector<16xi32>,
        %parallel_loop3A_261 = arith.constant 2 : i32
        %parallel_loop3A_262 = arith.muli %parallel_loop3A_261, %parallel_loop3A_245 : i32
        %parallel_loop3A_263 = arith.constant 1 : i32
        %parallel_loop3A_264 = arith.addi %parallel_loop3A_262, %parallel_loop3A_263 : i32
        %parallel_loop3A_265 = arith.index_cast %parallel_loop3A_264 : i32 to index
        %parallel_loop3A_266 = arith.constant 64 : index
        %parallel_loop3A_267 = tpu.vector_load %arg9[%parallel_loop3A_265, %parallel_loop3A_266] {strides = array<i32>} : memref<128x128xi32, #tpu.memory_space<vmem>>, vector<16xi32>,
        tpu.vector_store %arg9[%parallel_loop3A_265, %parallel_loop3A_266], %parallel_loop3A_255 {strides = array<i32>} : memref<128x128xi32, #tpu.memory_space<vmem>>, vector<16xi32>,
      } {sc.loop_unroll_factor = 4 : i64, sc.parallel_access}
      %add3A_223 = arith.constant 5120 : i32
      %add3A_224 = vector.broadcast %add3A_223 : i32 to vector<16xi32>
      %add3A_225 = arith.addi %mul3A_3, %add3A_224 : vector<16xi32>
      %parallel_loop3A_226 = arith.constant 0 : i32
      %parallel_loop3A_227 = arith.constant 64 : i32
      %parallel_loop3A_228 = arith.constant 1 : i32
      scf.for %parallel_loop3A_245 = %parallel_loop3A_226 to %parallel_loop3A_227 step %parallel_loop3A_228  : i32 {
        %parallel_loop3A_246 = arith.constant 80 : i32
        %parallel_loop3A_247 = arith.addi %parallel_loop3A_245, %parallel_loop3A_246 : i32
        %parallel_loop3A_248 = vector.broadcast %parallel_loop3A_247 : i32 to vector<16xi32>
        %parallel_loop3A_249 = arith.addi %iota3A, %parallel_loop3A_248 : vector<16xi32>
        %parallel_loop3A_250 = arith.constant 63 : i32
        %parallel_loop3A_251 = vector.broadcast %parallel_loop3A_250 : i32 to vector<16xi32>
        %parallel_loop3A_252 = arith.andi %parallel_loop3A_249, %parallel_loop3A_251 : vector<16xi32>
        %parallel_loop3A_253 = arith.addi %add3A_225, %parallel_loop3A_252 : vector<16xi32>
        %parallel_loop3A_254 = tpu.vector_load_idx %arg7[%parallel_loop3A_253] : memref<8192xi32, #tpu.memory_space<vmem>>[vector<16xi32>], vector<16xi32>,
        %parallel_loop3A_255 = tpu.vector_load_idx %arg8[%parallel_loop3A_253] : memref<8192xi32, #tpu.memory_space<vmem>>[vector<16xi32>], vector<16xi32>,
        %parallel_loop3A_256 = arith.constant 2 : i32
        %parallel_loop3A_257 = arith.muli %parallel_loop3A_256, %parallel_loop3A_245 : i32
        %parallel_loop3A_258 = arith.index_cast %parallel_loop3A_257 : i32 to index
        %parallel_loop3A_259 = arith.constant 80 : index
        %parallel_loop3A_260 = tpu.vector_load %arg9[%parallel_loop3A_258, %parallel_loop3A_259] {strides = array<i32>} : memref<128x128xi32, #tpu.memory_space<vmem>>, vector<16xi32>,
        tpu.vector_store %arg9[%parallel_loop3A_258, %parallel_loop3A_259], %parallel_loop3A_254 {strides = array<i32>} : memref<128x128xi32, #tpu.memory_space<vmem>>, vector<16xi32>,
        %parallel_loop3A_261 = arith.constant 2 : i32
        %parallel_loop3A_262 = arith.muli %parallel_loop3A_261, %parallel_loop3A_245 : i32
        %parallel_loop3A_263 = arith.constant 1 : i32
        %parallel_loop3A_264 = arith.addi %parallel_loop3A_262, %parallel_loop3A_263 : i32
        %parallel_loop3A_265 = arith.index_cast %parallel_loop3A_264 : i32 to index
        %parallel_loop3A_266 = arith.constant 80 : index
        %parallel_loop3A_267 = tpu.vector_load %arg9[%parallel_loop3A_265, %parallel_loop3A_266] {strides = array<i32>} : memref<128x128xi32, #tpu.memory_space<vmem>>, vector<16xi32>,
        tpu.vector_store %arg9[%parallel_loop3A_265, %parallel_loop3A_266], %parallel_loop3A_255 {strides = array<i32>} : memref<128x128xi32, #tpu.memory_space<vmem>>, vector<16xi32>,
      } {sc.loop_unroll_factor = 4 : i64, sc.parallel_access}
      %add3A_229 = arith.constant 6144 : i32
      %add3A_230 = vector.broadcast %add3A_229 : i32 to vector<16xi32>
      %add3A_231 = arith.addi %mul3A_3, %add3A_230 : vector<16xi32>
      %parallel_loop3A_232 = arith.constant 0 : i32
      %parallel_loop3A_233 = arith.constant 64 : i32
      %parallel_loop3A_234 = arith.constant 1 : i32
      scf.for %parallel_loop3A_245 = %parallel_loop3A_232 to %parallel_loop3A_233 step %parallel_loop3A_234  : i32 {
        %parallel_loop3A_246 = arith.constant 96 : i32
        %parallel_loop3A_247 = arith.addi %parallel_loop3A_245, %parallel_loop3A_246 : i32
        %parallel_loop3A_248 = vector.broadcast %parallel_loop3A_247 : i32 to vector<16xi32>
        %parallel_loop3A_249 = arith.addi %iota3A, %parallel_loop3A_248 : vector<16xi32>
        %parallel_loop3A_250 = arith.constant 63 : i32
        %parallel_loop3A_251 = vector.broadcast %parallel_loop3A_250 : i32 to vector<16xi32>
        %parallel_loop3A_252 = arith.andi %parallel_loop3A_249, %parallel_loop3A_251 : vector<16xi32>
        %parallel_loop3A_253 = arith.addi %add3A_231, %parallel_loop3A_252 : vector<16xi32>
        %parallel_loop3A_254 = tpu.vector_load_idx %arg7[%parallel_loop3A_253] : memref<8192xi32, #tpu.memory_space<vmem>>[vector<16xi32>], vector<16xi32>,
        %parallel_loop3A_255 = tpu.vector_load_idx %arg8[%parallel_loop3A_253] : memref<8192xi32, #tpu.memory_space<vmem>>[vector<16xi32>], vector<16xi32>,
        %parallel_loop3A_256 = arith.constant 2 : i32
        %parallel_loop3A_257 = arith.muli %parallel_loop3A_256, %parallel_loop3A_245 : i32
        %parallel_loop3A_258 = arith.index_cast %parallel_loop3A_257 : i32 to index
        %parallel_loop3A_259 = arith.constant 96 : index
        %parallel_loop3A_260 = tpu.vector_load %arg9[%parallel_loop3A_258, %parallel_loop3A_259] {strides = array<i32>} : memref<128x128xi32, #tpu.memory_space<vmem>>, vector<16xi32>,
        tpu.vector_store %arg9[%parallel_loop3A_258, %parallel_loop3A_259], %parallel_loop3A_254 {strides = array<i32>} : memref<128x128xi32, #tpu.memory_space<vmem>>, vector<16xi32>,
        %parallel_loop3A_261 = arith.constant 2 : i32
        %parallel_loop3A_262 = arith.muli %parallel_loop3A_261, %parallel_loop3A_245 : i32
        %parallel_loop3A_263 = arith.constant 1 : i32
        %parallel_loop3A_264 = arith.addi %parallel_loop3A_262, %parallel_loop3A_263 : i32
        %parallel_loop3A_265 = arith.index_cast %parallel_loop3A_264 : i32 to index
        %parallel_loop3A_266 = arith.constant 96 : index
        %parallel_loop3A_267 = tpu.vector_load %arg9[%parallel_loop3A_265, %parallel_loop3A_266] {strides = array<i32>} : memref<128x128xi32, #tpu.memory_space<vmem>>, vector<16xi32>,
        tpu.vector_store %arg9[%parallel_loop3A_265, %parallel_loop3A_266], %parallel_loop3A_255 {strides = array<i32>} : memref<128x128xi32, #tpu.memory_space<vmem>>, vector<16xi32>,
      } {sc.loop_unroll_factor = 4 : i64, sc.parallel_access}
      %add3A_235 = arith.constant 7168 : i32
      %add3A_236 = vector.broadcast %add3A_235 : i32 to vector<16xi32>
      %add3A_237 = arith.addi %mul3A_3, %add3A_236 : vector<16xi32>
      %parallel_loop3A_238 = arith.constant 0 : i32
      %parallel_loop3A_239 = arith.constant 64 : i32
      %parallel_loop3A_240 = arith.constant 1 : i32
      scf.for %parallel_loop3A_245 = %parallel_loop3A_238 to %parallel_loop3A_239 step %parallel_loop3A_240  : i32 {
        %parallel_loop3A_246 = arith.constant 112 : i32
        %parallel_loop3A_247 = arith.addi %parallel_loop3A_245, %parallel_loop3A_246 : i32
        %parallel_loop3A_248 = vector.broadcast %parallel_loop3A_247 : i32 to vector<16xi32>
        %parallel_loop3A_249 = arith.addi %iota3A, %parallel_loop3A_248 : vector<16xi32>
        %parallel_loop3A_250 = arith.constant 63 : i32
        %parallel_loop3A_251 = vector.broadcast %parallel_loop3A_250 : i32 to vector<16xi32>
        %parallel_loop3A_252 = arith.andi %parallel_loop3A_249, %parallel_loop3A_251 : vector<16xi32>
        %parallel_loop3A_253 = arith.addi %add3A_237, %parallel_loop3A_252 : vector<16xi32>
        %parallel_loop3A_254 = tpu.vector_load_idx %arg7[%parallel_loop3A_253] : memref<8192xi32, #tpu.memory_space<vmem>>[vector<16xi32>], vector<16xi32>,
        %parallel_loop3A_255 = tpu.vector_load_idx %arg8[%parallel_loop3A_253] : memref<8192xi32, #tpu.memory_space<vmem>>[vector<16xi32>], vector<16xi32>,
        %parallel_loop3A_256 = arith.constant 2 : i32
        %parallel_loop3A_257 = arith.muli %parallel_loop3A_256, %parallel_loop3A_245 : i32
        %parallel_loop3A_258 = arith.index_cast %parallel_loop3A_257 : i32 to index
        %parallel_loop3A_259 = arith.constant 112 : index
        %parallel_loop3A_260 = tpu.vector_load %arg9[%parallel_loop3A_258, %parallel_loop3A_259] {strides = array<i32>} : memref<128x128xi32, #tpu.memory_space<vmem>>, vector<16xi32>,
        tpu.vector_store %arg9[%parallel_loop3A_258, %parallel_loop3A_259], %parallel_loop3A_254 {strides = array<i32>} : memref<128x128xi32, #tpu.memory_space<vmem>>, vector<16xi32>,
        %parallel_loop3A_261 = arith.constant 2 : i32
        %parallel_loop3A_262 = arith.muli %parallel_loop3A_261, %parallel_loop3A_245 : i32
        %parallel_loop3A_263 = arith.constant 1 : i32
        %parallel_loop3A_264 = arith.addi %parallel_loop3A_262, %parallel_loop3A_263 : i32
        %parallel_loop3A_265 = arith.index_cast %parallel_loop3A_264 : i32 to index
        %parallel_loop3A_266 = arith.constant 112 : index
        %parallel_loop3A_267 = tpu.vector_load %arg9[%parallel_loop3A_265, %parallel_loop3A_266] {strides = array<i32>} : memref<128x128xi32, #tpu.memory_space<vmem>>, vector<16xi32>,
        tpu.vector_store %arg9[%parallel_loop3A_265, %parallel_loop3A_266], %parallel_loop3A_255 {strides = array<i32>} : memref<128x128xi32, #tpu.memory_space<vmem>>, vector<16xi32>,
      } {sc.loop_unroll_factor = 4 : i64, sc.parallel_access}
      %dma_start3A = arith.constant 0 : i32
      %dma_start3A_241 = arith.constant 0 : i32
      %dma_start3A_242 = tpu.memref_slice %arg4[%dma_start3A, %dma_start3A_241] : memref<10112x128xi32, #tpu.memory_space<hbm>> -> memref<10112x128xi32, #tpu.memory_space<hbm>>
      tpu.enqueue_indirect_dma source(%arg9 : memref<128x128xi32, #tpu.memory_space<vmem>>) target(%dma_start3A_242 : memref<10112x128xi32, #tpu.memory_space<hbm>>) offsets(%arg10 : memref<128xi32, #tpu.memory_space<vmem>>) semaphore(%arg11 : memref<!tpu.dma_semaphore, #tpu.memory_space<semaphore_mem>>)
      %dma_wait3A = arith.constant 0 : i32
      %dma_wait3A_243 = arith.constant 0 : i32
      %dma_wait3A_244 = tpu.memref_slice %arg4[%dma_wait3A, %dma_wait3A_243] : memref<10112x128xi32, #tpu.memory_space<hbm>> -> memref<10112x128xi32, #tpu.memory_space<hbm>>
      tpu.wait_indirect_dma semaphore(%arg11 : memref<!tpu.dma_semaphore, #tpu.memory_space<semaphore_mem>>) src(%arg9 : memref<128x128xi32, #tpu.memory_space<vmem>>) dst(%dma_wait3A_244 : memref<10112x128xi32, #tpu.memory_space<hbm>>)
    } else {
    }
    return
  }
}

</mosaic_0001>

<sc_bundles>
// kernel: kernel.3.cloned.1.call-start
scs
__scs_entry_jumppad:
0x0: {  	(pc) =	sbr.rel $0x88, $3  }
0x1: {  	(tag) =	ssettag $0x0;
	lr =	simm.s32 $0x1  }
0x2: {  	[smem:$0x3F9F] =	sst lr;
	_ =	strace $0xD0000000  }
0x3: {  	_ = 	snop  }
0x4: {  	_ = 	snop  }
0x5: {  	_ = 	snop  }
0x6: {  	_ = 	snop  }
0x7: {  	_ = 	snop  }
__scs_overlays_trampoline_lowered:
0x8: {  	[smem:$0x3FAE] =	sst s0  }
0x9: {  	[smem:$0x3FAF] =	sst s1  }
0xa: {  	[smem:$0x3FB0] =	sst s2  }
0xb: {  	[smem:$0x3FB1] =	sst s3  }
0xc: {  	[smem:$0x3FB2] =	sst s4  }
0xd: {  	[smem:$0x3FB3] =	sst s5  }
0xe: {  	[smem:$0x3FB4] =	sst s6  }
0xf: {  	[smem:$0x3FB5] =	sst s7  }
0x10: {  	[smem:$0x3FB6] =	sst s8  }
0x11: {  	[smem:$0x3FB7] =	sst s9;
	s0 =	simm.s32 @!p0 $0x0  }
0x12: {  	s1 =	sld [smem:$0x3F9D];
	s0 =	simm.s32 @p0 $0x1  }
0x13: {  	[smem:$0x3FB8] =	sst s0;
	s0 =	simm.s32 @!p1 $0x0  }
0x14: {  	s2 =	sld [smem:$0x3F9C];
	s0 =	simm.s32 @p1 $0x1  }
0x15: {  	[smem:$0x3FB9] =	sst s0;
	s0 =	simm.s32 @!p2 $0x0  }
0x16: {  	s3 =	sld [smem:$0x3FDB];
	s0 =	simm.s32 @p2 $0x1  }
0x17: {  	s4 =	simm.s32 $0x1BF5;
	[smem:$0x3FBB] =	sst s0  }
0x18: {  	s0 =	sld [smem:$0x3F9E];
	_ =	swait.ge [sflag:s4], $0x0  }
0x19: {  	s7 =	sld [smem:$0x3F9F]  }
0x1a: {  	s8 =	sadd.s32 $0xFFFFE003, lr  }
0x1b: {  	s9 =	sadd.s32 $0xFFFFFEF7, lr;
	s5 =	simm.s32 $0xFFFFFFFF;
	p2 =	slt.u32 s8, $0xFFFFF086  }
0x1c: {  	p1 =	slt.u32 s9, $0xF7A;
	s5 =	simm.s32 @!p2 $0x0  }
0x1d: {  	s5 =	simm.s32 @p1 $0x1;
	p0 =	seq.s32 s7, s2  }
0x1e: {  	s7 =	smul.u32 @!p0 $0xF7A, s2;
	p2 =	seq.s32 @!p0 s5, $0x0  }
0x1f: {  	s9 =	smul.u32 $0xF7A, s1;
	s8 =	simm.s32 @!p0 $0x1BF5;
	p2 =	por !p2, p0  }
0x20: {  	[sflag:s8] =	ssyncset.s32 @!p0 $0xFFFFF086;
	s6 =	sadd.s32 @!p0 s3, s7;
	s7 =	simm.s32 @!p0 $0x108  }
0x21: {  	s3 =	sadd.s32 s3, s9;
	s6 =	sadd.s32 @!p0 $0x88, s6;
	s7 =	simm.s32 @p2 $0x1082  }
0x22: {  	[simem:s7], [sflag:s8] =	dma.local @!p0 [hbm:s6], $0xF7A  }
0x23: {  	s9 =	sor.u32 $0xD0000000, s2;
	s6 =	simm.s32 $0x108;
	_ =	swait.ge @!p0 [sflag:s8], $0x0  }
0x24: {  	s3 =	sadd.s32 $0x88, s3;
	s6 =	simm.s32 @!p1 $0x1082;
	[sflag:s4] =	ssyncset.s32 $0xFFFFF086  }
0x25: {  	[simem:s6], [sflag:s4] =	dma.local [hbm:s3], $0xF7A  }
0x26: {  	[smem:$0x3F9F] =	sst s1;
	(tag) =	ssettag s2;
	_ =	strace s9  }
0x27: {  	s1 =	sld [smem:$0x3FAF]  }
0x28: {  	s2 =	sld [smem:$0x3FB0]  }
0x29: {  	s4 =	sld [smem:$0x3FB2]  }
0x2a: {  	p0 =	seq.s32 s5, $0x0;
	s5 =	sld [smem:$0x3FB3]  }
0x2b: {  	s6 =	sld [smem:$0x3FB4]  }
0x2c: {  	s7 =	sld [smem:$0x3FB5]  }
0x2d: {  	s3 =	simm.s32 $0x108;
	s8 =	sld [smem:$0x3FB6]  }
0x2e: {  	s3 =	simm.s32 @!p0 $0x1082;
	s9 =	sld [smem:$0x3FB7]  }
0x2f: {  	lr =	sadd.s32 s0, s3;
	s0 =	sld [smem:$0x3FAE]  }
0x30: {  	s3 =	sld [smem:$0x3FB1]  }
0x31: {  	[smem:$0x3FBA] =	sst s10  }
0x32: {  	s10 =	sld [smem:$0x3FB8];
	_ =	sdelay $0x3  }
0x33: {  	p0 =	seq.s32 s10, $0x1;
	s10 =	sld [smem:$0x3FBA];
	_ =	sdelay $0x3  }
0x34: {  	[smem:$0x3FBA] =	sst s10  }
0x35: {  	s10 =	sld [smem:$0x3FB9];
	_ =	sdelay $0x3  }
0x36: {  	p1 =	seq.s32 s10, $0x1;
	s10 =	sld [smem:$0x3FBA];
	_ =	sdelay $0x3  }
0x37: {  	[smem:$0x3FBA] =	sst s10  }
0x38: {  	s10 =	sld [smem:$0x3FBB]  }
0x39: {  	_ = 	snop;
	(pc) =	sbr.ind lr, $3  }
0x3a: {  	_ = 	snop  }
0x3b: {  	_ = 	snop  }
0x3c: {  	p2 =	seq.s32 s10, $0x1;
	s10 =	sld [smem:$0x3FBA]  }
0x3d: {  	_ =	shalt  }
0x3e: {  	_ =	shalt  }
0x3f: {  	_ =	shalt  }
0x40: {  	_ =	shalt  }
0x41: {  	_ =	shalt  }
0x42: {  	_ =	shalt  }
0x43: {  	_ =	shalt  }
0x44: {  	_ =	shalt  }
0x45: {  	_ =	shalt  }
0x46: {  	_ =	shalt  }
0x47: {  	_ =	shalt  }
0x48: {  	_ =	shalt  }
0x49: {  	_ =	shalt  }
0x4a: {  	_ =	shalt  }
0x4b: {  	_ =	shalt  }
0x4c: {  	_ =	shalt  }
0x4d: {  	_ =	shalt  }
0x4e: {  	_ =	shalt  }
0x4f: {  	_ =	shalt  }
0x50: {  	_ =	shalt  }
0x51: {  	_ =	shalt  }
0x52: {  	_ =	shalt  }
0x53: {  	_ =	shalt  }
0x54: {  	_ =	shalt  }
0x55: {  	_ =	shalt  }
0x56: {  	_ =	shalt  }
0x57: {  	_ =	shalt  }
0x58: {  	_ =	shalt  }
0x59: {  	_ =	shalt  }
0x5a: {  	_ =	shalt  }
0x5b: {  	_ =	shalt  }
0x5c: {  	_ =	shalt  }
0x5d: {  	_ =	shalt  }
0x5e: {  	_ =	shalt  }
0x5f: {  	_ =	shalt  }
0x60: {  	_ =	shalt  }
0x61: {  	_ =	shalt  }
0x62: {  	_ =	shalt  }
0x63: {  	_ =	shalt  }
0x64: {  	_ =	shalt  }
0x65: {  	_ =	shalt  }
0x66: {  	_ =	shalt  }
0x67: {  	_ =	shalt  }
0x68: {  	_ =	shalt  }
0x69: {  	_ =	shalt  }
0x6a: {  	_ =	shalt  }
0x6b: {  	_ =	shalt  }
0x6c: {  	_ =	shalt  }
0x6d: {  	_ =	shalt  }
0x6e: {  	_ =	shalt  }
0x6f: {  	_ =	shalt  }
0x70: {  	_ =	shalt  }
0x71: {  	_ =	shalt  }
0x72: {  	_ =	shalt  }
0x73: {  	_ =	shalt  }
0x74: {  	_ =	shalt  }
0x75: {  	_ =	shalt  }
0x76: {  	_ =	shalt  }
0x77: {  	_ =	shalt  }
0x78: {  	_ =	shalt  }
0x79: {  	_ =	shalt  }
0x7a: {  	_ =	shalt  }
0x7b: {  	_ =	shalt  }
0x7c: {  	_ =	shalt  }
0x7d: {  	_ =	shalt  }
0x7e: {  	_ =	shalt  }
0x7f: {  	_ =	shalt  }
0x80: {  	_ =	shalt  }
0x81: {  	_ =	shalt  }
0x82: {  	_ =	shalt  }
0x83: {  	_ =	shalt  }
0x84: {  	_ =	shalt  }
0x85: {  	_ =	shalt  }
0x86: {  	_ =	shalt  }
0x87: {  	_ =	shalt  }
.Lfunc_end0:
.L_simem_size_0:
called_computation_lowered:
.L_overlay_start_0:
0x88: {  	s2 =	sld [smem:$0x3FD9]  }
0x89: {  	s3 =	sld [smem:$0x3FFE];
	_ =	sdelay $0x1  }
0x8a: {  	s1 =	srdreg.scid  }
0x8b: {  	s0 =	sand.u32 $0x1, s1  }
0x8c: {  	s18 =	sshll.u32 s0, $0xA;
	s2 =	sadd.s32 s3, s2  }
0x8d: {  	s2 =	sadd.s32 s2, s18  }
0x8e: {  	[smem:$0x3FC6] =	sst s2  }
0x8f: {  	_ = 	snop  }
0x90: {  	s2 =	sld [smem:$0x3FC9]  }
0x91: {  	s19 =	sld [smem:$0x3FC8]  }
0x92: {  	s4 =	sld [smem:$0x3FD0];
	(tm) =	ssettm $0x1  }
0x93: {  	s5 =	sld [smem:$0x3FFB];
	_ =	sdelay $0x3  }
0x94: {  	_ =	strace s5  }
0x95: {  	s5 =	sld [smem:$0x3FFC];
	_ =	sdelay $0x3  }
0x96: {  	_ =	strace s5  }
0x97: {  	s5 =	sld [smem:$0x3FFD];
	_ =	sdelay $0x3  }
0x98: {  	_ =	strace s5  }
0x99: {  	_ =	strace $0x8FFFFFFF  }
0x9a: {  	s20 =	sld [smem:$0x3FDB];
	_ =	sdelay $0x1  }
0x9b: {  	s6 =	simm.s32 $_scs_section_size  }
0x9c: {  	s7 =	simm.s32 $_size__tile_overlayer_lowered;
	s8 =	simm.s32 $_tile_overlayer_lowered  }
0x9d: {  	s23 =	simm.s32 $0x1BFF;
	s22 =	sshll.u32 s8, $0x1;
	s5 =	sadd.s32 s6, s20  }
0x9e: {  	s9 =	simm.s32 $0x0;
	s21 =	sshll.u32 s7, $0x1;
	s7 =	sadd.s32 s22, s5  }
0x9f: {  	[timem:s9], [sflag:s23] =	dma.local [hbm:s7], s21  }
0xa0: {  	_ =	swait.ge [sflag:s23], s21  }
0xa1: {  	s6 =	ssub.s32 $0x0, s21;
	[sflag:s23] =	ssyncset.done $0x0  }
0xa2: {  	[sflag:s23] =	ssyncadd.s32 s6;
	_ =	sdelay $0x1  }
0xa3: {  	s24 =	simm.s32 $0x1B8B  }
0xa4: {  	_ =	swait.ge [sflag:s24], $0x1  }
0xa5: {  	[sflag:s24] =	ssyncset.done $0x0  }
0xa6: {  	s25 =	simm.s32 $0x1B8E;
	[sflag:s24] =	ssyncadd.s32 $0xFFFFFFFF  }
0xa7: {  	s26 =	simm.s32 $execute0_lowered;
	[smem:$0x3FD2] =	sst s25  }
0xa8: {  	s6 =	sshll.u32 s26, $0x1;
	_ =	strace $0x80000046;
	[dreg:$0x1] =	wrdreg $0xFFFFFFFF  }
0xa9: {  	s28 =	simm.s32 $_size_execute0_lowered;
	s5 =	sadd.s32 s5, s6;
	[dreg:$0x0] =	wrdreg $0x0  }
0xaa: {  	s6 =	sshll.u32 s28, $0x1;
	[dreg:$0x2] =	wrdreg s5  }
0xab: {  	[dreg:$0x3] =	wrdreg s6  }
0xac: {  	[dreg:$0x4] =	wrdreg $0xC0  }
0xad: {  	_ =	task [dreg:s9], $0x5FFFF  }
0xae: {  	[dreg:$0x1] =	wrdreg $0xFFFFFFFF  }
0xaf: {  	[dreg:$0x0] =	wrdreg $0x60  }
0xb0: {  	[dreg:$0x2] =	wrdreg s2  }
0xb1: {  	[dreg:$0x3] =	wrdreg s19  }
0xb2: {  	[dreg:$0x4] =	wrdreg s4  }
0xb3: {  	[dreg:$0x5] =	wrdreg $0x9  }
0xb4: {  	_ =	task.clear_ibuf [dreg:s9], $0x6FFFF;
	_ =	strace $0x90000046  }
0xb5: {  	s29 =	simm.s32 $0x9;
	_ =	strace $0x80000048  }
0xb6: {  	_ =	swait.ge [sflag:s29], $0x1  }
0xb7: {  	[sflag:s29] =	ssyncadd.s32 $0xFFFFFFFF  }
0xb8: {  	_ =	strace $0x90000048  }
0xb9: {  	_ =	sfence  }
0xba: {  	s30 =	sld [smem:$0x0];
	_ =	sdelay $0x2  }
0xbb: {  	s31 =	sshll.u32 s1, $0xD;
	s1 =	sshrl.u32 s1, $0x2  }
0xbc: {  	s3 =	sand.u32 $0x4000, s31;
	s1 =	sadd.s32 s1, s30  }
0xbd: {  	s0 =	sor.u32 s3, s0;
	s1 =	sshll.u32 s1, $0x11  }
0xbe: {  	s0 =	sor.u32 s1, s0  }
0xbf: {  	s0 =	sadd.s32 $0x8F2B, s0  }
0xc0: {  	[sflag:s0] =	ssyncadd.remote.s32 $0x1  }
0xc1: {  	_ =	sfence.sel $0xFFFF  }
0xc2: {  	[dreg:$0x0] =	wrdreg $0xFFFFFFFF;
	(pc) =	sbr.abs _section_cstart, $3  }
0xc3: {  	[dreg:$0x1] =	wrdreg $0xFFFFFFFF  }
0xc4: {  	_ =	task.clear_ibuf [dreg:s9], $0x2FFFF;
	_ =	strace $0x9FFFFFFF  }
0xc5: {  	(tm) =	ssettm $0x7FFFFFFF  }
tec
execute0_lowered:
.L_overlay_start_1:
0x0: {  	(tag) =	ssettag $0x1  }
0x1: {  	v0 =	vimm.s32 $0x9F9E0100;
	v1 =	vimm.s32 $0x943;
	vm0 =	vcmask $0x300  }
0x2: {  	vm1 =	vcmask $0xF00;
	vm12 =	vcmask $0x704;
	vm13 =	vcmask $0xB08  }
0x3: {  	vm7 =	vcmask $0x1310;
	vm14 =	vcmask $0xF0C;
	vm9 =	vcmask $0x1714  }
0x4: {  	vm10 =	vcmask $0x1B18;
	vm11 =	vcmask $0x1F1C;
	vm8 =	vcmask $0x2320  }
0x5: {  	vm6 =	vcmask $0x2724;
	vm5 =	vcmask $0x2B28;
	vm2 =	vcmask $0x2F2C  }
0x6: {  	vm3 =	vcmask $0x3330;
	vm4 =	vcmask $0x3734;
	vm15 =	vcmask $0x3B38  }
0x7: {  	v2 =	vimm.s32 $0xE33;
	v3 =	vimm.s32 $0x1323;
	v4 =	vimm.s32 $0x1813  }
0x8: {  	v5 =	vimm.s32 $0x1D03;
	v6 =	vimm.s32 $0x21F3;
	v7 =	vimm.s32 $0x26E3  }
0x9: {  	v21 =	vlaneseq.u32;
	v26 =	vimm.s32 $0x0;
	v0 =	vunpack.c.0.s8.s32 v0  }
0xa: {  	v1 =	vsel vm0, $0x4F0, v1;
	v2 =	vsel vm0, $0x9E0, v2;
	v3 =	vsel vm0, $0xED0, v3  }
0xb: {  	v4 =	vsel vm0, $0x13C0, v4;
	v5 =	vsel vm0, $0x18B0, v5;
	v6 =	vsel vm0, $0x1DA0, v6  }
0xc: {  	v7 =	vsel vm0, $0x2290, v7;
	v23 =	vmul.u32 $0x40, v21;
	v26 =	vsel vm0, $0x7, v26  }
0xd: {  	v1 =	vsel vm12, $0x4F1, v1;
	v2 =	vsel vm12, $0x9E1, v2;
	v3 =	vsel vm12, $0xED1, v3  }
0xe: {  	v4 =	vsel vm12, $0x13C1, v4;
	v5 =	vsel vm12, $0x18B1, v5;
	v6 =	vsel vm12, $0x1DA1, v6  }
0xf: {  	v7 =	vsel vm12, $0x2291, v7;
	v0 =	vand.u32 $0xFF, v0;
	v1 =	vsel vm13, $0x58E, v1  }
0x10: {  	v2 =	vsel vm13, $0xA7E, v2;
	v3 =	vsel vm13, $0xF6E, v3;
	v4 =	vsel vm13, $0x145E, v4  }
0x11: {  	v5 =	vsel vm13, $0x194E, v5;
	v6 =	vsel vm13, $0x1E3E, v6;
	v7 =	vsel vm13, $0x232E, v7  }
0x12: {  	v27 =	vor.u32 $0x400, v23;
	v28 =	vor.u32 $0x800, v23;
	v29 =	vor.u32 $0xC00, v23  }
0x13: {  	v0 =	vnsel vm1, $0x453, v0;
	v1 =	vsel vm14, $0x58F, v1;
	v2 =	vsel vm14, $0xA7F, v2  }
0x14: {  	v3 =	vsel vm14, $0xF6F, v3;
	v4 =	vsel vm14, $0x145F, v4;
	v5 =	vsel vm14, $0x194F, v5  }
0x15: {  	v6 =	vsel vm14, $0x1E3F, v6;
	v7 =	vsel vm14, $0x232F, v7;
	v0 =	vsel vm7, $0x13C, v0  }
0x16: {  	v1 =	vsel vm7, $0x62C, v1;
	v2 =	vsel vm7, $0xB1C, v2;
	v3 =	vsel vm7, $0x100C, v3  }
0x17: {  	v4 =	vsel vm7, $0x14FC, v4;
	v5 =	vsel vm7, $0x19EC, v5;
	v6 =	vsel vm7, $0x1EDC, v6  }
0x18: {  	v7 =	vsel vm7, $0x23CC, v7;
	v0 =	vsel vm9, $0x13D, v0;
	v1 =	vsel vm9, $0x62D, v1  }
0x19: {  	v2 =	vsel vm9, $0xB1D, v2;
	v3 =	vsel vm9, $0x100D, v3;
	v4 =	vsel vm9, $0x14FD, v4  }
0x1a: {  	v5 =	vsel vm9, $0x19ED, v5;
	v6 =	vsel vm9, $0x1EDD, v6;
	v7 =	vsel vm9, $0x23CD, v7  }
0x1b: {  	v0 =	vsel vm10, $0x1DA, v0;
	v1 =	vsel vm10, $0x6CA, v1;
	v2 =	vsel vm10, $0xBBA, v2  }
0x1c: {  	v3 =	vsel vm10, $0x10AA, v3;
	v4 =	vsel vm10, $0x159A, v4;
	v5 =	vsel vm10, $0x1A8A, v5  }
0x1d: {  	v6 =	vsel vm10, $0x1F7A, v6;
	v7 =	vsel vm10, $0x246A, v7;
	v0 =	vsel vm11, $0x1DB, v0  }
0x1e: {  	v1 =	vsel vm11, $0x6CB, v1;
	v2 =	vsel vm11, $0xBBB, v2;
	v3 =	vsel vm11, $0x10AB, v3  }
0x1f: {  	v4 =	vsel vm11, $0x159B, v4;
	v5 =	vsel vm11, $0x1A8B, v5;
	v6 =	vsel vm11, $0x1F7B, v6  }
0x20: {  	v7 =	vsel vm11, $0x246B, v7;
	v0 =	vsel vm8, $0x278, v0;
	v1 =	vsel vm8, $0x768, v1  }
0x21: {  	v2 =	vsel vm8, $0xC58, v2;
	v3 =	vsel vm8, $0x1148, v3;
	v4 =	vsel vm8, $0x1638, v4  }
0x22: {  	v5 =	vsel vm8, $0x1B28, v5;
	v6 =	vsel vm8, $0x2018, v6;
	v7 =	vsel vm8, $0x2508, v7  }
0x23: {  	v0 =	vsel vm6, $0x279, v0;
	v1 =	vsel vm6, $0x769, v1;
	v2 =	vsel vm6, $0xC59, v2  }
0x24: {  	v3 =	vsel vm6, $0x1149, v3;
	v4 =	vsel vm6, $0x1639, v4;
	v5 =	vsel vm6, $0x1B29, v5  }
0x25: {  	v6 =	vsel vm6, $0x2019, v6;
	v7 =	vsel vm6, $0x2509, v7;
	v0 =	vsel vm5, $0x316, v0  }
0x26: {  	v1 =	vsel vm5, $0x806, v1;
	v2 =	vsel vm5, $0xCF6, v2;
	v3 =	vsel vm5, $0x11E6, v3  }
0x27: {  	v4 =	vsel vm5, $0x16D6, v4;
	v5 =	vsel vm5, $0x1BC6, v5;
	v6 =	vsel vm5, $0x20B6, v6  }
0x28: {  	v7 =	vsel vm5, $0x25A6, v7;
	v0 =	vsel vm2, $0x317, v0;
	v1 =	vsel vm2, $0x807, v1  }
0x29: {  	v2 =	vsel vm2, $0xCF7, v2;
	v3 =	vsel vm2, $0x11E7, v3;
	v4 =	vsel vm2, $0x16D7, v4  }
0x2a: {  	v5 =	vsel vm2, $0x1BC7, v5;
	v6 =	vsel vm2, $0x20B7, v6;
	v7 =	vsel vm2, $0x25A7, v7  }
0x2b: {  	v0 =	vsel vm3, $0x3B4, v0;
	v1 =	vsel vm3, $0x8A4, v1;
	v2 =	vsel vm3, $0xD94, v2  }
0x2c: {  	s1 =	srdreg.scid;
	s10 =	rddreg [dreg:$0x0];
	v3 =	vsel vm3, $0x1284, v3;
	v4 =	vsel vm3, $0x1774, v4;
	v5 =	vsel vm3, $0x1C64, v5  }
0x2d: {  	s0 =	stileid.u32;
	s11 =	rddreg [dreg:$0x1];
	v6 =	vsel vm3, $0x2154, v6;
	v7 =	vsel vm3, $0x2644, v7;
	v0 =	vsel vm4, $0x3B5, v0  }
0x2e: {  	s2 =	rddreg [dreg:$0x2];
	s3 =	simm.s32 $0x0;
	s14 =	simm.s32 $0x2000;
	v1 =	vsel vm4, $0x8A5, v1;
	v2 =	vsel vm4, $0xD95, v2;
	v3 =	vsel vm4, $0x1285, v3  }
0x2f: {  	s15 =	simm.s32 $0x4000;
	s16 =	simm.s32 $0x6000;
	s17 =	simm.s32 $0xC000;
	v4 =	vsel vm4, $0x1775, v4;
	v5 =	vsel vm4, $0x1C65, v5;
	v6 =	vsel vm4, $0x2155, v6  }
0x30: {  	s19 =	simm.s32 $0x1;
	s4 =	sand.u32 $0x1, s1;
	s30 =	sshll.u32 s0, $0x1;
	v7 =	vsel vm4, $0x2645, v7;
	v16 =	vsel vm15, $0x452, v0;
	v17 =	vsel vm15, $0x942, v1  }
0x31: {  	s20 =	simm.s32 $0x80;
	[smem:$0x7FF] =	sst s3;
	s21 =	sor.u32 s4, s30;
	v18 =	vsel vm15, $0xE32, v2;
	v19 =	vsel vm15, $0x1322, v3;
	v20 =	vsel vm15, $0x1812, v4  }
0x32: {  	s4 =	ssub.s32 $0x2, s4;
	_ =	strace $0x80000047;
	s5 =	sshll.u32 s21, $0x1;
	v22 =	vsel vm15, $0x1D02, v5;
	v24 =	vsel vm15, $0x21F2, v6;
	v25 =	vsel vm15, $0x26E2, v7  }
0x33: {  	s6 =	sshrl.u32 s4, $0x1;
	s7 =	sor.u32 $0x20, s21;
	s31 =	sshll.u32 s21, $0xA;
	v0 =	vadd.s32 s5, v16;
	v1 =	vadd.s32 s5, v17;
	v2 =	vadd.s32 s5, v18  }
0x34: {  	s9 =	sor.u32 $0x40, s21;
	p0 =	sgt.u32 s21, $0xE;
	s8 =	sshll.u32 s7, $0x1;
	v3 =	vadd.s32 s5, v19;
	v4 =	vadd.s32 s5, v20;
	v5 =	vadd.s32 s5, v22  }
0x35: {  	p1 =	seq.s32 s21, $0xE;
	s21 =	simm.s32 $0x0;
	s12 =	ssub.s32 s4, s6;
	v6 =	vadd.s32 s5, v24;
	v7 =	vadd.s32 s5, v25;
	v8 =	vadd.s32 s8, v16  }
.Ltmp0:
0x36: {  	s4 =	sadd.s32 s10, s31;
	s7 =	sshll.u32 s7, $0xA;
	v9 =	vadd.s32 s8, v17;
	v10 =	vadd.s32 s8, v18;
	v11 =	vadd.s32 s8, v19;
	(pc) =	sbr.rel .LBB2_1-.Ltmp0, $4  }
0x37: {  	s13 =	sshll.u32 s9, $0xA;
	s18 =	sshll.u32 s9, $0x1;
	s6 =	sadd.s32 s10, s7;
	v12 =	vadd.s32 s8, v20;
	v13 =	vadd.s32 s8, v22;
	v14 =	vadd.s32 s8, v24  }
0x38: {  	s7 =	sadd.s32 s11, s7;
	s9 =	sadd.s32 s11, s13;
	s12 =	smax.u32 s12, $0x1;
	v15 =	vadd.s32 s8, v25;
	v16 =	vadd.s32 s18, v16;
	v17 =	vadd.s32 s18, v17  }
0x39: {  	s5 =	sadd.s32 s11, s31;
	s8 =	sadd.s32 s10, s13;
	s10 =	sadd.s32 $0x13800, s10;
	v18 =	vadd.s32 s18, v18;
	v19 =	vadd.s32 s18, v19;
	v20 =	vadd.s32 s18, v20  }
0x3a: {  	s11 =	sadd.s32 $0x13800, s11;
	s13 =	simm.s32 $0x2;
	v22 =	vadd.s32 s18, v22;
	v24 =	vadd.s32 s18, v24;
	v25 =	vadd.s32 s18, v25;
	s18 =	simm.s32 $0x8000  }
.LBB2_184:
0x3b: {  	s22 =	simm.s32 $0x8270;
	v40 =	vmov v42  }
.LBB2_189:
0x3c: {  	_ =	sdelay $0x1  }
0x3d: {  	[tilespmem:s22+$0xFFFFFE00] =	vst @p2 v31  }
0x3e: {  	[tilespmem:s22+$0xFFFFFE80] =	vst @p2 v34  }
0x3f: {  	v59 =	vld.idx.msk [tilespmem:v42+s16+$0x0], $0xffff;
	[tilespmem:s22+$0xFFFFFF00] =	vst @p2 v35  }
0x40: {  	v31 =	vld.idx.msk [tilespmem:v30+s15+$0x0], $0xffff;
	v33 =	vor.u32 v33, v43;
	[tilespmem:s22+$0xFFFFFF80] =	vst @p2 v36  }
0x41: {  	v30 =	vld.idx.msk [tilespmem:v30+s16+$0x0], $0xffff;
	[tilespmem:s22+$0x0] =	vst @p2 v37  }
0x42: {  	v60 =	vld.idx.msk [tilespmem:v32+s15+$0x0], $0xffff;
	s0 =	sadd.s32 @p2 $0x400, s22;
	[tilespmem:s22+$0x80] =	vst @p2 v39  }
0x43: {  	v61 =	vld.idx.msk [tilespmem:v32+s16+$0x0], $0xffff;
	s23 =	smov.u32 @p2 s0;
	[tilespmem:s22+$0x100] =	vst @p2 v38  }
0x44: {  	v62 =	vld.idx.msk [tilespmem:v40+s15+$0x0], $0xffff;
	[tilespmem:s23+$0x180] =	vst v59  }
0x45: {  	v63 =	vld.idx.msk [tilespmem:v33+s15+$0x0], $0xffff;
	[tilespmem:s23+$0xFFFFFE00] =	vst v31  }
0x46: {  	v33 =	vld.idx.msk [tilespmem:v33+s16+$0x0], $0xffff;
	[tilespmem:s23+$0xFFFFFE80] =	vst v30  }
0x47: {  	[tilespmem:s23+$0xFFFFFF00] =	vst v60  }
0x48: {  	[tilespmem:s23+$0xFFFFFF80] =	vst v61  }
0x49: {  	[tilespmem:s23+$0x100] =	vst v62  }
0x4a: {  	[tilespmem:s23+$0x0] =	vst v63  }
0x4b: {  	[tilespmem:s23+$0x80] =	vst v33  }
0x4c: {  	[hbm4b:s2+s20] =	stream.indirect.scatter [tilespmem:s18], [sflag:$0x1], $0x80, s17, s20, $0xb8;
	[tilespmem:$0xC080] =	vst v63  }
0x4d: {  	_ =	swait.ge [sflag:s19], $0x4000  }
0x4e: {  	[sflag:s19] =	ssyncset.done $0x0  }
0x4f: {  	[sflag:s19] =	ssyncadd.s32 $0xFFFFC000  }
.LBB2_190:
0x50: {  	s21 =	sadd.s32 $0x1, s21  }
0x51: {  	p2 =	sne.s32 s21, s12  }
.Ltmp1:
0x52: {  	_ = 	snop;
	(pc) =	sbr.rel @!p2 .LBB2_191-.Ltmp1, $1  }
0x53: {  	_ =	sdelay $0x3  }
.LBB2_1:
0x54: {  	[tilespmem:s3], [sflag:$0x2] =	stream.linear.gather [hbm4b:s4+s3], $0x2000, $0x38;
	[tilespmem:$0xC080] =	vst v63  }
0x55: {  	_ =	swait.ge [sflag:s13], $0x2000  }
0x56: {  	[sflag:s13] =	ssyncset.done $0x0  }
0x57: {  	[sflag:s13] =	ssyncadd.s32 $0xFFFFE000  }
0x58: {  	[tilespmem:s14], [sflag:$0x2] =	stream.linear.gather [hbm4b:s5+s3], $0x2000, $0x38;
	[tilespmem:$0xC080] =	vst v63  }
0x59: {  	_ =	swait.ge [sflag:s13], $0x2000  }
0x5a: {  	[sflag:s13] =	ssyncset.done $0x0  }
0x5b: {  	[sflag:s13] =	ssyncadd.s32 $0xFFFFE000  }
0x5c: {  	s22 =	simm.s32 $0x1;
	v30 =	vadd.s32 s3, v21;
	s1 =	simm.s32 $0x2;
	v32 =	vmov s3;
	s23 =	simm.s32 $0x40;
	[tilespmem:$0xC000] =	vst v0  }
0x5d: {  	s24 =	simm.s32 $0x80;
	s25 =	simm.s32 $0xC0;
	v31 =	vadd.s32 s22, v21;
	v33 =	vadd.s32 s1, v21;
	v34 =	vmov s23;
	[tilespmem:$0xC010] =	vst v1  }
0x5e: {  	s26 =	simm.s32 $0x3;
	v35 =	vmov s24;
	v36 =	vmov s25;
	v32 =	vshrl.u32 v32, $0x7;
	[tilespmem:$0xC020] =	vst v2  }
0x5f: {  	s31 =	simm.s32 $0x5;
	v37 =	vadd.s32 s26, v21;
	v30 =	vand.u32 $0x3F, v30;
	v36 =	vshrl.u32 v36, $0x7;
	[tilespmem:$0xC030] =	vst v3  }
0x60: {  	v63 =	vadd.s32 s31, v21;
	v31 =	vand.u32 $0x3F, v31;
	v36 =	vshll.u32 v36, v26;
	[tilespmem:$0xC040] =	vst v4  }
0x61: {  	v34 =	vshrl.u32 v34, $0x7;
	v35 =	vshrl.u32 v35, $0x7;
	v36 =	vor.u32 $0x40, v36;
	[tilespmem:$0xC050] =	vst v5  }
0x62: {  	v32 =	vshll.u32 v32, v26;
	v34 =	vshll.u32 v34, v26;
	v36 =	vbroadcast v36, $0x0;
	[tilespmem:$0xC060] =	vst v6  }
0x63: {  	v37 =	vand.u32 $0x3F, v37;
	v62 =	vand.u32 $0x3F, v33;
	v34 =	vor.u32 $0x40, v34;
	[tilespmem:$0xC070] =	vst v7  }
0x64: {  	s24 =	simm.s32 $0x2080;
	s1 =	simm.s32 $0x140;
	v35 =	vshll.u32 v35, v26;
	v34 =	vbroadcast v34, $0x0;
	v37 =	vor.u32 v37, v36;
	v38 =	vld [tilespmem:s20+$0x40]  }
0x65: {  	s25 =	simm.s32 $0x180;
	s31 =	simm.s32 $0x1C0;
	v44 =	vmov s1;
	v40 =	vbroadcast v32, $0x0;
	v35 =	vbroadcast v35, $0x0;
	v39 =	vld [tilespmem:s24+$0x40]  }
0x66: {  	s29 =	simm.s32 $0x100;
	v43 =	vmov s25;
	v45 =	vmov s31;
	v33 =	vor.u32 v31, v34;
	v34 =	vld [tilespmem:s24+$0xFFFFFF80]  }
0x67: {  	s0 =	simm.s32 $0x6;
	s26 =	simm.s32 $0x4;
	v30 =	vor.u32 v30, v40;
	v40 =	vmov s29;
	v32 =	vor.u32 v62, v35;
	v41 =	vld [tilespmem:s20+$0xFFFFFFC0]  }
0x68: {  	s30 =	simm.s32 $0x8;
	s28 =	simm.s32 $0x80;
	v35 =	vand.u32 $0x3F, v63;
	v31 =	vadd.s32 s26, v21;
	v36 =	vadd.s32 s0, v21;
	v42 =	vld [tilespmem:s24+$0xFFFFFFC0]  }
.LBB2_2:
0x69: {  	p2 =	slt.u32 s30, $0x7C;
	v48 =	vshrl.u32 v44, $0x7;
	v43 =	vshrl.u32 v43, $0x7;
	v45 =	vshrl.u32 v45, $0x7;
	v46 =	vld [tilespmem:s28+$0x0];
	[tilespmem:v37+s15+$0x0] =	vst.idx.msk $0xffff, v38;
	s22 =	simm.s32 $0x90  }
0x6a: {  	v38 =	vshrl.u32 v40, $0x7;
	s25 =	simm.s32 $0xC0;
	s23 =	simm.s32 $0x2090;
	v40 =	vshll.u32 v48, v26;
	v47 =	vshll.u32 v45, v26;
	v45 =	vld [tilespmem:s24+$0x0];
	[tilespmem:v37+s16+$0x0] =	vst.idx.msk $0xffff, v39  }
0x6b: {  	s31 =	sadd.s32 $0x3, s26;
	s26 =	smov.u32 s30;
	v39 =	vshll.u32 v43, v26;
	v37 =	vor.u32 $0x40, v40;
	v40 =	vor.u32 $0x40, v47;
	v43 =	vld [tilespmem:s28+$0xFFFFFF80];
	v44 =	vmovc v34  }
0x6c: {  	v34 =	vshll.u32 v38, v26;
	v38 =	vadd.s32 s31, v21;
	v40 =	vbroadcast v40, $0x0;
	[tilespmem:v33+s15+$0x0] =	vst.idx.msk $0xffff, v41  }
0x6d: {  	v47 =	vbroadcast v39, $0x0;
	s28 =	sadd.s32 $0x100, s28;
	v41 =	vbroadcast v37, $0x0;
	v37 =	vand.u32 $0x3F, v38;
	[tilespmem:v33+s16+$0x0] =	vst.idx.msk $0xffff, v42  }
.Ltmp2:
0x6e: {  	s24 =	sadd.s32 $0x100, s24;
	v42 =	vbroadcast v34, $0x0;
	v34 =	vand.u32 $0x3F, v36;
	v38 =	vld [tilespmem:s28+$0x40];
	v37 =	vor.u32 v37, v40;
	[tilespmem:v32+s15+$0x0] =	vst.idx.msk $0xffff, v46;
	(pc) =	sbr.rel @p2 .LBB2_2-.Ltmp2, $4  }
0x6f: {  	s31 =	sadd.s32 $0x1, s30;
	v36 =	vand.u32 $0x3F, v31;
	v33 =	vor.u32 v35, v41;
	v39 =	vld [tilespmem:s24+$0x40];
	[tilespmem:v32+s16+$0x0] =	vst.idx.msk $0xffff, v45;
	v32 =	vor.u32 v34, v47  }
0x70: {  	s29 =	sadd.s32 $0x100, s29;
	v31 =	vadd.s32 s30, v21;
	v35 =	vadd.s32 s31, v21;
	s31 =	sadd.s32 $0x2, s30;
	v42 =	vor.u32 v36, v42;
	v34 =	vld [tilespmem:s24+$0xFFFFFF80];
	[tilespmem:v30+s15+$0x0] =	vst.idx.msk $0xffff, v43  }
0x71: {  	s1 =	sadd.s32 $0x40, s29;
	s0 =	sadd.s32 $0x80, s29;
	v40 =	vmov s29;
	v35 =	vand.u32 $0x3F, v35;
	v36 =	vadd.s32 s31, v21;
	s31 =	sadd.s32 $0xC0, s29;
	v41 =	vld [tilespmem:s28+$0xFFFFFFC0];
	[tilespmem:v30+s16+$0x0] =	vst.idx.msk $0xffff, v44;
	v30 =	vmovc v42  }
0x72: {  	s30 =	sadd.s32 $0x4, s30;
	v43 =	vmov s0;
	v45 =	vmov s31;
	v44 =	vmov s1;
	v42 =	vld [tilespmem:s24+$0xFFFFFFC0]  }
0x73: {  	_ =	sdelay $0x2  }
0x74: {  	v45 =	vshrl.u32 v45, $0x7;
	v46 =	vld [tilespmem:s28+$0x0];
	v44 =	vshrl.u32 v44, $0x7;
	v40 =	vshrl.u32 v40, $0x7  }
0x75: {  	[tilespmem:v37+s15+$0x0] =	vst.idx.msk $0xffff, v38;
	v49 =	vld [tilespmem:s28+$0xFFFFFF80];
	v31 =	vand.u32 $0x3F, v31;
	v45 =	vshll.u32 v45, v26;
	v40 =	vshll.u32 v40, v26  }
0x76: {  	v48 =	vld [tilespmem:s24+$0x0];
	s0 =	sadd.s32 $0x3, s26;
	s31 =	sadd.s32 $0x100, s28;
	v44 =	vshll.u32 v44, v26;
	[tilespmem:v37+s16+$0x0] =	vst.idx.msk $0xffff, v39;
	v45 =	vor.u32 $0x40, v45;
	v56 =	vbroadcast v40, $0x0  }
0x77: {  	v50 =	vadd.s32 s0, v21;
	v53 =	vld [tilespmem:s31+$0x40];
	v44 =	vor.u32 $0x40, v44;
	v45 =	vbroadcast v45, $0x0;
	[tilespmem:v33+s15+$0x0] =	vst.idx.msk $0xffff, v41  }
0x78: {  	s1 =	sadd.s32 $0x100, s24;
	v61 =	vld [tilespmem:s31+$0xFFFFFF80];
	v39 =	vand.u32 $0x3F, v50;
	v52 =	vbroadcast v44, $0x0;
	[tilespmem:v33+s16+$0x0] =	vst.idx.msk $0xffff, v42;
	v38 =	vor.u32 v31, v56  }
0x79: {  	v51 =	vshrl.u32 v43, $0x7;
	v54 =	vld [tilespmem:s1+$0x40];
	v39 =	vor.u32 v39, v45;
	[tilespmem:v32+s15+$0x0] =	vst.idx.msk $0xffff, v46  }
0x7a: {  	v55 =	vld [tilespmem:s31+$0xFFFFFFC0];
	v41 =	vshll.u32 v51, v26;
	v35 =	vor.u32 v35, v52;
	[tilespmem:v30+s15+$0x0] =	vst.idx.msk $0xffff, v49  }
0x7b: {  	s26 =	simm.s32 $0x10;
	v57 =	vld [tilespmem:s1+$0xFFFFFFC0];
	v41 =	vbroadcast v41, $0x0;
	[tilespmem:v32+s16+$0x0] =	vst.idx.msk $0xffff, v48  }
0x7c: {  	v36 =	vand.u32 $0x3F, v36;
	s28 =	simm.s32 $0x12;
	s29 =	simm.s32 $0x13;
	v62 =	vmov s25;
	v58 =	vadd.s32 s26, v21;
	[tilespmem:v30+s16+$0x0] =	vst.idx.msk $0xffff, v34;
	v30 =	vld [tilespmem:s31+$0x0]  }
0x7d: {  	v59 =	vadd.s32 s28, v21;
	v60 =	vadd.s32 s29, v21;
	s28 =	simm.s32 $0x17;
	v36 =	vor.u32 v36, v41;
	v48 =	vld [tilespmem:s1+$0xFFFFFF80];
	[tilespmem:v38+s15+$0x0] =	vst.idx.msk $0xffff, v61  }
0x7e: {  	s30 =	simm.s32 $0x0;
	s24 =	simm.s32 $0x11;
	v40 =	vand.u32 $0x3F, v58;
	v63 =	vand.u32 $0x3F, v60;
	v58 =	vadd.s32 s28, v21;
	[tilespmem:v39+s15+$0x0] =	vst.idx.msk $0xffff, v53  }
0x7f: {  	v31 =	vld [tilespmem:s1+$0x0];
	v49 =	vmov s30;
	v52 =	vadd.s32 s24, v21;
	s24 =	simm.s32 $0x1C0;
	v34 =	vand.u32 $0x3F, v59;
	[tilespmem:v35+s15+$0x0] =	vst.idx.msk $0xffff, v55  }
0x80: {  	s30 =	simm.s32 $0x180;
	s31 =	simm.s32 $0x80;
	v41 =	vshrl.u32 v62, $0x7;
	v32 =	vshrl.u32 v49, $0x7;
	v60 =	vmov s24;
	[tilespmem:v39+s16+$0x0] =	vst.idx.msk $0xffff, v54  }
0x81: {  	v62 =	vmov s30;
	v50 =	vmov s31;
	v51 =	vshll.u32 v41, v26;
	[tilespmem:v35+s16+$0x0] =	vst.idx.msk $0xffff, v57  }
0x82: {  	v45 =	vshrl.u32 v62, $0x7;
	v33 =	vshrl.u32 v50, $0x7;
	[tilespmem:v36+s15+$0x0] =	vst.idx.msk $0xffff, v30;
	v30 =	vshll.u32 v32, v26  }
0x83: {  	s31 =	simm.s32 $0x15;
	v45 =	vshll.u32 v45, v26;
	[tilespmem:v38+s16+$0x0] =	vst.idx.msk $0xffff, v48;
	v32 =	vbroadcast v30, $0x0;
	v30 =	vor.u32 $0x40, v30  }
0x84: {  	s29 =	simm.s32 $0x100;
	v49 =	vadd.s32 s31, v21;
	v33 =	vshll.u32 v33, v26;
	[tilespmem:v36+s16+$0x0] =	vst.idx.msk $0xffff, v31;
	v30 =	vbroadcast v30, $0x0  }
0x85: {  	v61 =	vmov s29;
	v53 =	vand.u32 $0x3F, v52;
	v50 =	vld [tilespmem:s22+$0xFFFFFF80];
	v36 =	vor.u32 v40, v32  }
0x86: {  	s25 =	simm.s32 $0x14;
	v33 =	vbroadcast v33, $0x0;
	v35 =	vor.u32 $0x40, v51;
	v55 =	vld [tilespmem:s22+$0xFFFFFFC0];
	v56 =	vor.u32 v53, v30  }
0x87: {  	s26 =	simm.s32 $0x16;
	v47 =	vshrl.u32 v61, $0x7;
	v54 =	vadd.s32 s25, v21;
	v31 =	vbroadcast v35, $0x0;
	v59 =	vld [tilespmem:s23+$0xFFFFFFC0]  }
0x88: {  	v57 =	vadd.s32 s26, v21;
	v38 =	vand.u32 $0x3F, v58;
	v47 =	vshll.u32 v47, v26;
	v43 =	vld [tilespmem:s23+$0xFFFFFF80]  }
0x89: {  	v34 =	vor.u32 v34, v33;
	v35 =	vor.u32 v63, v31;
	v63 =	vshrl.u32 v60, $0x7;
	v40 =	vld [tilespmem:s22+$0x0]  }
0x8a: {  	v37 =	vand.u32 $0x3F, v54;
	v48 =	vor.u32 $0x40, v47;
	v41 =	vld [tilespmem:s23+$0x0];
	v46 =	vshll.u32 v63, v26;
	[tilespmem:v36+s15+$0x0] =	vst.idx.msk $0xffff, v50  }
0x8b: {  	v42 =	vld [tilespmem:s22+$0x40];
	v51 =	vor.u32 $0x40, v46;
	v46 =	vbroadcast v47, $0x0;
	v47 =	vbroadcast v45, $0x0;
	[tilespmem:v56+s15+$0x0] =	vst.idx.msk $0xffff, v55  }
0x8c: {  	s25 =	simm.s32 $0x4;
	v39 =	vand.u32 $0x3F, v57;
	v48 =	vbroadcast v48, $0x0;
	v44 =	vld [tilespmem:s23+$0x40];
	v45 =	vbroadcast v51, $0x0;
	[tilespmem:v56+s16+$0x0] =	vst.idx.msk $0xffff, v59  }
.LBB2_4:
0x8d: {  	s0 =	sadd.s32 $0x14, s25;
	v49 =	vand.u32 $0x3F, v49;
	v39 =	vor.u32 v39, v47;
	[tilespmem:v36+s16+$0x0] =	vst.idx.msk $0xffff, v43;
	v36 =	vor.u32 v37, v46;
	s22 =	sadd.s32 $0x100, s22;
	s1 =	smov.u32 s25  }
0x8e: {  	s26 =	sadd.s32 $0x17, s25;
	s23 =	sadd.s32 $0x100, s23;
	v37 =	vadd.s32 s0, v21;
	s0 =	sadd.s32 $0x16, s25;
	v46 =	vld [tilespmem:s22+$0xFFFFFFC0];
	v48 =	vor.u32 v49, v48;
	v45 =	vor.u32 v38, v45;
	[tilespmem:v34+s15+$0x0] =	vst.idx.msk $0xffff, v40  }
0x8f: {  	s24 =	sadd.s32 $0x100, s24;
	v40 =	vadd.s32 s26, v21;
	s25 =	sadd.s32 $0x4, s25;
	v37 =	vand.u32 $0x3F, v37;
	v38 =	vadd.s32 s0, v21;
	v49 =	vld [tilespmem:s23+$0xFFFFFFC0];
	[tilespmem:v34+s16+$0x0] =	vst.idx.msk $0xffff, v41;
	v34 =	vmovc v39  }
0x90: {  	s26 =	sadd.s32 $0xFFFFFFC0, s24;
	s0 =	sadd.s32 $0xFFFFFF40, s24;
	v41 =	vmov s24;
	p2 =	slt.u32 s25, $0x7C;
	v39 =	vand.u32 $0x3F, v38;
	v38 =	vand.u32 $0x3F, v40;
	v50 =	vld [tilespmem:s22+$0xFFFFFF80];
	[tilespmem:v35+s15+$0x0] =	vst.idx.msk $0xffff, v42  }
.Ltmp3:
0x91: {  	v40 =	vmov s0;
	v42 =	vmov s26;
	v41 =	vshrl.u32 v41, $0x7;
	v43 =	vld [tilespmem:s23+$0xFFFFFF80];
	[tilespmem:v35+s16+$0x0] =	vst.idx.msk $0xffff, v44;
	v35 =	vmovc v45;
	(pc) =	sbr.rel @p2 .LBB2_4-.Ltmp3, $4  }
0x92: {  	v44 =	vshrl.u32 v40, $0x7;
	v42 =	vshrl.u32 v42, $0x7;
	v41 =	vshll.u32 v41, v26;
	v40 =	vld [tilespmem:s22+$0x0]  }
0x93: {  	v44 =	vshll.u32 v44, v26;
	v42 =	vshll.u32 v42, v26;
	v45 =	vor.u32 $0x40, v41;
	[tilespmem:v48+s15+$0x0] =	vst.idx.msk $0xffff, v46;
	v41 =	vld [tilespmem:s23+$0x0]  }
0x94: {  	s0 =	sadd.s32 $0x15, s1;
	v46 =	vbroadcast v44, $0x0;
	v44 =	vor.u32 $0x40, v44;
	v47 =	vbroadcast v42, $0x0;
	[tilespmem:v48+s16+$0x0] =	vst.idx.msk $0xffff, v49;
	v42 =	vld [tilespmem:s22+$0x40]  }
0x95: {  	v45 =	vbroadcast v45, $0x0;
	v49 =	vadd.s32 s0, v21;
	v48 =	vbroadcast v44, $0x0;
	[tilespmem:v36+s15+$0x0] =	vst.idx.msk $0xffff, v50;
	v44 =	vld [tilespmem:s23+$0x40]  }
0x96: {  	_ =	sdelay $0x2  }
0x97: {  	v49 =	vand.u32 $0x3F, v49;
	s0 =	sadd.s32 $0x100, s22  }
0x98: {  	[tilespmem:v36+s16+$0x0] =	vst.idx.msk $0xffff, v43;
	v58 =	vld [tilespmem:s0+$0xFFFFFFC0];
	v59 =	vor.u32 v49, v48  }
0x99: {  	v37 =	vor.u32 v37, v46;
	[tilespmem:v34+s15+$0x0] =	vst.idx.msk $0xffff, v40;
	v61 =	vld [tilespmem:s0+$0xFFFFFF80]  }
0x9a: {  	v39 =	vor.u32 v39, v47;
	v63 =	vld [tilespmem:s0+$0x0];
	[tilespmem:v34+s16+$0x0] =	vst.idx.msk $0xffff, v41  }
0x9b: {  	s1 =	sadd.s32 $0x100, s23;
	v38 =	vor.u32 v38, v45;
	v45 =	vld [tilespmem:s0+$0x40];
	[tilespmem:v35+s15+$0x0] =	vst.idx.msk $0xffff, v42  }
0x9c: {  	v60 =	vld [tilespmem:s1+$0xFFFFFFC0];
	[tilespmem:v35+s16+$0x0] =	vst.idx.msk $0xffff, v44  }
0x9d: {  	v62 =	vld [tilespmem:s1+$0xFFFFFF80];
	[tilespmem:v59+s15+$0x0] =	vst.idx.msk $0xffff, v58  }
0x9e: {  	v46 =	vld [tilespmem:s1+$0x40];
	[tilespmem:v37+s15+$0x0] =	vst.idx.msk $0xffff, v61  }
0x9f: {  	v44 =	vld [tilespmem:s1+$0x0];
	[tilespmem:v39+s15+$0x0] =	vst.idx.msk $0xffff, v63  }
0xa0: {  	s22 =	simm.s32 $0x22;
	[tilespmem:v38+s15+$0x0] =	vst.idx.msk $0xffff, v45  }
0xa1: {  	s23 =	simm.s32 $0x23;
	s24 =	simm.s32 $0x21;
	s25 =	simm.s32 $0x24;
	v48 =	vadd.s32 s22, v21;
	[tilespmem:v59+s16+$0x0] =	vst.idx.msk $0xffff, v60  }
0xa2: {  	s26 =	simm.s32 $0x26;
	s28 =	simm.s32 $0x27;
	v49 =	vadd.s32 s23, v21;
	v50 =	vadd.s32 s24, v21;
	v52 =	vadd.s32 s25, v21;
	[tilespmem:v37+s16+$0x0] =	vst.idx.msk $0xffff, v62  }
0xa3: {  	v54 =	vadd.s32 s26, v21;
	v55 =	vadd.s32 s28, v21;
	s24 =	simm.s32 $0x1C0;
	v36 =	vand.u32 $0x3F, v48;
	s1 =	simm.s32 $0x20;
	[tilespmem:v38+s16+$0x0] =	vst.idx.msk $0xffff, v46  }
0xa4: {  	s29 =	simm.s32 $0x100;
	s22 =	simm.s32 $0xA0;
	v51 =	vand.u32 $0x3F, v50;
	v56 =	vmov s24;
	v47 =	vadd.s32 s1, v21;
	[tilespmem:v39+s16+$0x0] =	vst.idx.msk $0xffff, v44  }
0xa5: {  	s31 =	simm.s32 $0x25;
	v53 =	vor.u32 v51, v30;
	v35 =	vand.u32 $0x3F, v47;
	v58 =	vmov s29;
	v38 =	vld [tilespmem:s22+$0xFFFFFFC0]  }
0xa6: {  	s23 =	simm.s32 $0x20A0;
	v45 =	vadd.s32 s31, v21;
	v37 =	vand.u32 $0x3F, v49;
	v34 =	vor.u32 v35, v32;
	v57 =	vld [tilespmem:s22+$0xFFFFFF80]  }
0xa7: {  	s30 =	simm.s32 $0x180;
	v32 =	vor.u32 v36, v33;
	v35 =	vand.u32 $0x3F, v54;
	v33 =	vand.u32 $0x3F, v55;
	v42 =	vld [tilespmem:s23+$0xFFFFFFC0]  }
0xa8: {  	v59 =	vmov s30;
	v30 =	vor.u32 v37, v31;
	v37 =	vshrl.u32 v56, $0x7;
	v39 =	vld [tilespmem:s23+$0xFFFFFF80]  }
0xa9: {  	v60 =	vshrl.u32 v58, $0x7;
	v41 =	vshrl.u32 v59, $0x7;
	v37 =	vshll.u32 v37, v26;
	v36 =	vld [tilespmem:s22+$0x0]  }
0xaa: {  	v43 =	vshll.u32 v60, v26;
	v61 =	vshll.u32 v41, v26;
	v62 =	vor.u32 $0x40, v37;
	v37 =	vld [tilespmem:s23+$0x0];
	[tilespmem:v53+s15+$0x0] =	vst.idx.msk $0xffff, v38  }
0xab: {  	v41 =	vbroadcast v43, $0x0;
	v63 =	vor.u32 $0x40, v43;
	v43 =	vbroadcast v61, $0x0;
	v38 =	vld [tilespmem:s22+$0x40];
	[tilespmem:v34+s15+$0x0] =	vst.idx.msk $0xffff, v57  }
0xac: {  	s25 =	simm.s32 $0x4;
	v31 =	vand.u32 $0x3F, v52;
	v44 =	vbroadcast v63, $0x0;
	v40 =	vld [tilespmem:s23+$0x40];
	[tilespmem:v53+s16+$0x0] =	vst.idx.msk $0xffff, v42;
	v42 =	vbroadcast v62, $0x0  }
.LBB2_6:
0xad: {  	s0 =	sadd.s32 $0x24, s25;
	v45 =	vand.u32 $0x3F, v45;
	v35 =	vor.u32 v35, v43;
	[tilespmem:v34+s16+$0x0] =	vst.idx.msk $0xffff, v39;
	v34 =	vor.u32 v31, v41;
	s22 =	sadd.s32 $0x100, s22;
	s1 =	smov.u32 s25  }
0xae: {  	s26 =	sadd.s32 $0x27, s25;
	s23 =	sadd.s32 $0x100, s23;
	v31 =	vadd.s32 s0, v21;
	s0 =	sadd.s32 $0x26, s25;
	v41 =	vld [tilespmem:s22+$0xFFFFFFC0];
	v44 =	vor.u32 v45, v44;
	v42 =	vor.u32 v33, v42;
	[tilespmem:v32+s15+$0x0] =	vst.idx.msk $0xffff, v36  }
0xaf: {  	s24 =	sadd.s32 $0x100, s24;
	v36 =	vadd.s32 s26, v21;
	s25 =	sadd.s32 $0x4, s25;
	v31 =	vand.u32 $0x3F, v31;
	v33 =	vadd.s32 s0, v21;
	v45 =	vld [tilespmem:s23+$0xFFFFFFC0];
	[tilespmem:v32+s16+$0x0] =	vst.idx.msk $0xffff, v37;
	v32 =	vmovc v35  }
0xb0: {  	s26 =	sadd.s32 $0xFFFFFFC0, s24;
	s0 =	sadd.s32 $0xFFFFFF40, s24;
	v37 =	vmov s24;
	p2 =	slt.u32 s25, $0x7C;
	v35 =	vand.u32 $0x3F, v33;
	v33 =	vand.u32 $0x3F, v36;
	v46 =	vld [tilespmem:s22+$0xFFFFFF80];
	[tilespmem:v30+s15+$0x0] =	vst.idx.msk $0xffff, v38  }
.Ltmp4:
0xb1: {  	v36 =	vmov s0;
	v38 =	vmov s26;
	v37 =	vshrl.u32 v37, $0x7;
	v39 =	vld [tilespmem:s23+$0xFFFFFF80];
	[tilespmem:v30+s16+$0x0] =	vst.idx.msk $0xffff, v40;
	v30 =	vmovc v42;
	(pc) =	sbr.rel @p2 .LBB2_6-.Ltmp4, $4  }
0xb2: {  	v40 =	vshrl.u32 v36, $0x7;
	v38 =	vshrl.u32 v38, $0x7;
	v37 =	vshll.u32 v37, v26;
	v36 =	vld [tilespmem:s22+$0x0]  }
0xb3: {  	v40 =	vshll.u32 v40, v26;
	v38 =	vshll.u32 v38, v26;
	v42 =	vor.u32 $0x40, v37;
	[tilespmem:v44+s15+$0x0] =	vst.idx.msk $0xffff, v41;
	v37 =	vld [tilespmem:s23+$0x0]  }
0xb4: {  	s0 =	sadd.s32 $0x25, s1;
	v41 =	vbroadcast v40, $0x0;
	v40 =	vor.u32 $0x40, v40;
	v43 =	vbroadcast v38, $0x0;
	[tilespmem:v44+s16+$0x0] =	vst.idx.msk $0xffff, v45;
	v38 =	vld [tilespmem:s22+$0x40]  }
0xb5: {  	v42 =	vbroadcast v42, $0x0;
	v45 =	vadd.s32 s0, v21;
	v44 =	vbroadcast v40, $0x0;
	[tilespmem:v34+s15+$0x0] =	vst.idx.msk $0xffff, v46;
	v40 =	vld [tilespmem:s23+$0x40]  }
0xb6: {  	_ =	sdelay $0x1  }
0xb7: {  	s0 =	sadd.s32 $0x100, s22  }
0xb8: {  	v45 =	vand.u32 $0x3F, v45;
	s1 =	sadd.s32 $0x100, s23;
	v46 =	vld [tilespmem:s0+$0xFFFFFFC0]  }
0xb9: {  	[tilespmem:v34+s16+$0x0] =	vst.idx.msk $0xffff, v39;
	v47 =	vor.u32 v45, v44;
	v48 =	vld [tilespmem:s1+$0xFFFFFFC0]  }
0xba: {  	v41 =	vor.u32 v31, v41;
	[tilespmem:v32+s15+$0x0] =	vst.idx.msk $0xffff, v36;
	v31 =	vld [tilespmem:s0+$0xFFFFFF80]  }
0xbb: {  	v35 =	vor.u32 v35, v43;
	v50 =	vld [tilespmem:s0+$0x0];
	[tilespmem:v32+s16+$0x0] =	vst.idx.msk $0xffff, v37  }
0xbc: {  	v33 =	vor.u32 v33, v42;
	v52 =	vld [tilespmem:s0+$0x40];
	[tilespmem:v30+s15+$0x0] =	vst.idx.msk $0xffff, v38  }
0xbd: {  	s25 =	simm.s32 $0x32;
	v49 =	vld [tilespmem:s1+$0xFFFFFF80];
	[tilespmem:v30+s16+$0x0] =	vst.idx.msk $0xffff, v40  }
0xbe: {  	s26 =	simm.s32 $0x33;
	s28 =	simm.s32 $0xC0;
	s29 =	simm.s32 $0x0;
	v51 =	vld [tilespmem:s1+$0x0];
	v53 =	vadd.s32 s25, v21;
	[tilespmem:v47+s15+$0x0] =	vst.idx.msk $0xffff, v46  }
0xbf: {  	s30 =	simm.s32 $0x80;
	s31 =	simm.s32 $0x31;
	v54 =	vadd.s32 s26, v21;
	v56 =	vmov s28;
	v57 =	vmov s29;
	[tilespmem:v41+s15+$0x0] =	vst.idx.msk $0xffff, v31  }
0xc0: {  	p3 =	por $0x1, $0x1;
	v55 =	vld [tilespmem:s1+$0x40];
	v58 =	vmov s30;
	v45 =	vadd.s32 s31, v21;
	v37 =	vshrl.u32 v57, $0x7;
	[tilespmem:v35+s15+$0x0] =	vst.idx.msk $0xffff, v50  }
.Ltmp5:
0xc1: {  	s24 =	simm.s32 $0x30;
	v32 =	vand.u32 $0x3F, v53;
	v59 =	vshrl.u32 v58, $0x7;
	v61 =	vshll.u32 v37, v26;
	[tilespmem:v33+s15+$0x0] =	vst.idx.msk $0xffff, v52;
	(pc) =	sbr.rel @!p3 .LBB2_8-.Ltmp5, $4  }
0xc2: {  	v62 =	vshll.u32 v59, v26;
	v30 =	vadd.s32 s24, v21;
	v40 =	vshrl.u32 v56, $0x7;
	[tilespmem:v47+s16+$0x0] =	vst.idx.msk $0xffff, v48  }
0xc3: {  	v34 =	vor.u32 $0x40, v61;
	v42 =	vbroadcast v62, $0x0;
	v60 =	vshll.u32 v40, v26;
	[tilespmem:v41+s16+$0x0] =	vst.idx.msk $0xffff, v49  }
0xc4: {  	v30 =	vand.u32 $0x3F, v30;
	v40 =	vbroadcast v61, $0x0;
	v63 =	vor.u32 $0x40, v60;
	[tilespmem:v35+s16+$0x0] =	vst.idx.msk $0xffff, v51  }
0xc5: {  	s22 =	simm.s32 $0x20B0;
	s23 =	simm.s32 $0xB0;
	p2 =	por $0x0, $0x0;
	v44 =	vbroadcast v34, $0x0;
	v31 =	vand.u32 $0x3F, v54;
	[tilespmem:v33+s16+$0x0] =	vst.idx.msk $0xffff, v55;
	v39 =	vbroadcast v63, $0x0  }
0xc6: {  	s0 =	simm.s32 $0x34;
	v34 =	vor.u32 v30, v40;
	v30 =	vand.u32 $0x3F, v45;
	v33 =	vor.u32 v32, v42  }
0xc7: {  	s26 =	simm.s32 $0x36;
	s1 =	simm.s32 $0x37;
	v38 =	vld [tilespmem:s23+$0xFFFFFFC0];
	s24 =	simm.s32 $0x1C0;
	v57 =	vadd.s32 s0, v21;
	v41 =	vor.u32 v30, v44;
	v35 =	vor.u32 v31, v39  }
0xc8: {  	v58 =	vld [tilespmem:s22+$0xFFFFFFC0];
	s29 =	simm.s32 $0x100;
	s30 =	simm.s32 $0x180;
	s31 =	simm.s32 $0x35;
	v31 =	vadd.s32 s26, v21;
	v36 =	vadd.s32 s1, v21;
	v37 =	vmov s24  }
0xc9: {  	v43 =	vld [tilespmem:s23+$0xFFFFFF80];
	p4 =	por $0x1, $0x1;
	v59 =	vmov s29;
	v60 =	vmov s30;
	v45 =	vadd.s32 s31, v21  }
.Ltmp6:
0xca: {  	v32 =	vand.u32 $0x3F, v31;
	v31 =	vand.u32 $0x3F, v36;
	v37 =	vshrl.u32 v37, $0x7;
	v36 =	vld [tilespmem:s22+$0xFFFFFF80];
	(pc) =	sbr.rel @!p4 .LBB2_10-.Ltmp6, $4  }
0xcb: {  	v40 =	vshrl.u32 v59, $0x7;
	v42 =	vshrl.u32 v60, $0x7;
	v61 =	vshll.u32 v37, v26;
	v37 =	vld [tilespmem:s23+$0x0]  }
0xcc: {  	v62 =	vshll.u32 v40, v26;
	v42 =	vshll.u32 v42, v26;
	v46 =	vor.u32 $0x40, v61;
	[tilespmem:v41+s15+$0x0] =	vst.idx.msk $0xffff, v38;
	v38 =	vld [tilespmem:s22+$0x0]  }
0xcd: {  	p3 =	por $0x1, $0x1;
	v40 =	vbroadcast v62, $0x0;
	v63 =	vor.u32 $0x40, v62;
	v42 =	vbroadcast v42, $0x0;
	[tilespmem:v41+s16+$0x0] =	vst.idx.msk $0xffff, v58;
	v41 =	vld [tilespmem:s23+$0x40]  }
0xce: {  	s25 =	simm.s32 $0xB0;
	s28 =	simm.s32 $0x20B0;
	s26 =	simm.s32 $0x4;
	v30 =	vand.u32 $0x3F, v57;
	v44 =	vbroadcast v63, $0x0;
	v39 =	vbroadcast v46, $0x0;
	[tilespmem:v34+s15+$0x0] =	vst.idx.msk $0xffff, v43;
	v43 =	vld [tilespmem:s22+$0x40]  }
.LBB2_11:
0xcf: {  	s0 =	sadd.s32 $0x34, s26;
	v45 =	vand.u32 $0x3F, v45;
	v32 =	vor.u32 v32, v42;
	[tilespmem:v34+s16+$0x0] =	vst.idx.msk $0xffff, v36;
	v34 =	vor.u32 v30, v40;
	s25 =	sadd.s32 $0x100, s25;
	s1 =	smov.u32 s26  }
0xd0: {  	s29 =	sadd.s32 $0x37, s26;
	s28 =	sadd.s32 $0x100, s28;
	v30 =	vadd.s32 s0, v21;
	s0 =	sadd.s32 $0x36, s26;
	v40 =	vld [tilespmem:s25+$0xFFFFFFC0];
	v44 =	vor.u32 v45, v44;
	v39 =	vor.u32 v31, v39;
	[tilespmem:v33+s15+$0x0] =	vst.idx.msk $0xffff, v37  }
0xd1: {  	s24 =	sadd.s32 $0x100, s24;
	v36 =	vadd.s32 s29, v21;
	s26 =	sadd.s32 $0x4, s26;
	v30 =	vand.u32 $0x3F, v30;
	v31 =	vadd.s32 s0, v21;
	v45 =	vld [tilespmem:s28+$0xFFFFFFC0];
	[tilespmem:v33+s16+$0x0] =	vst.idx.msk $0xffff, v38;
	v33 =	vmovc v32  }
0xd2: {  	s29 =	sadd.s32 $0xFFFFFFC0, s24;
	v37 =	vmov s24;
	s0 =	sadd.s32 $0xFFFFFF40, s24;
	p4 =	slt.u32 s26, $0x7C;
	v32 =	vand.u32 $0x3F, v31;
	v31 =	vand.u32 $0x3F, v36;
	v46 =	vld [tilespmem:s25+$0xFFFFFF80];
	[tilespmem:v35+s15+$0x0] =	vst.idx.msk $0xffff, v41  }
.Ltmp7:
0xd3: {  	v37 =	vshrl.u32 v37, $0x7;
	v38 =	vmov s0;
	v41 =	vmov s29;
	v36 =	vld [tilespmem:s28+$0xFFFFFF80];
	[tilespmem:v35+s16+$0x0] =	vst.idx.msk $0xffff, v43;
	v35 =	vmovc v39;
	(pc) =	sbr.rel @p4 .LBB2_11-.Ltmp7, $4  }
0xd4: {  	v38 =	vshrl.u32 v38, $0x7;
	v39 =	vshrl.u32 v41, $0x7;
	v41 =	vshll.u32 v37, v26;
	v37 =	vld [tilespmem:s25+$0x0]  }
0xd5: {  	v42 =	vshll.u32 v38, v26;
	v39 =	vshll.u32 v39, v26;
	v43 =	vor.u32 $0x40, v41;
	[tilespmem:v44+s15+$0x0] =	vst.idx.msk $0xffff, v40;
	v38 =	vld [tilespmem:s28+$0x0]  }
0xd6: {  	s0 =	sadd.s32 $0x35, s1;
	v40 =	vbroadcast v42, $0x0;
	v47 =	vor.u32 $0x40, v42;
	v42 =	vbroadcast v39, $0x0;
	[tilespmem:v44+s16+$0x0] =	vst.idx.msk $0xffff, v45;
	v41 =	vld [tilespmem:s25+$0x40]  }
0xd7: {  	v39 =	vbroadcast v43, $0x0;
	v45 =	vadd.s32 s0, v21;
	v44 =	vbroadcast v47, $0x0;
	[tilespmem:v34+s15+$0x0] =	vst.idx.msk $0xffff, v46;
	v43 =	vld [tilespmem:s28+$0x40]  }
.LBB2_12:
0xd8: {  	_ =	sdelay $0x1  }
0xd9: {  	s0 =	sadd.s32 @p3 $0x100, s25  }
0xda: {  	v45 =	vand.u32 $0x3F, v45;
	s23 =	smov.u32 @p3 s0  }
0xdb: {  	[tilespmem:v34+s16+$0x0] =	vst.idx.msk @p3 $0xffff, v36;
	v56 =	vor.u32 v45, v44;
	v55 =	vld [tilespmem:s23+$0xFFFFFFC0]  }
0xdc: {  	v30 =	vor.u32 v30, v40;
	[tilespmem:v33+s15+$0x0] =	vst.idx.msk @p3 $0xffff, v37;
	v58 =	vld [tilespmem:s23+$0xFFFFFF80]  }
0xdd: {  	v32 =	vor.u32 v32, v42;
	s0 =	sadd.s32 @p3 $0x100, s28;
	[tilespmem:v33+s16+$0x0] =	vst.idx.msk @p3 $0xffff, v38;
	v60 =	vld [tilespmem:s23+$0x0]  }
0xde: {  	v31 =	vor.u32 v31, v39;
	s22 =	smov.u32 @p3 s0;
	v62 =	vld [tilespmem:s23+$0x40];
	[tilespmem:v35+s15+$0x0] =	vst.idx.msk @p3 $0xffff, v41  }
0xdf: {  	v57 =	vld [tilespmem:s22+$0xFFFFFFC0];
	[tilespmem:v35+s16+$0x0] =	vst.idx.msk @p3 $0xffff, v43  }
0xe0: {  	v59 =	vld [tilespmem:s22+$0xFFFFFF80];
	[tilespmem:v56+s15+$0x0] =	vst.idx.msk $0xffff, v55  }
0xe1: {  	v61 =	vld [tilespmem:s22+$0x0];
	[tilespmem:v30+s15+$0x0] =	vst.idx.msk $0xffff, v58  }
0xe2: {  	v63 =	vld [tilespmem:s22+$0x40];
	p3 =	por $0x1, $0x1;
	[tilespmem:v32+s15+$0x0] =	vst.idx.msk $0xffff, v60  }
.Ltmp8:
0xe3: {  	[tilespmem:v31+s15+$0x0] =	vst.idx.msk $0xffff, v62;
	(pc) =	sbr.rel @!p3 .LBB2_13-.Ltmp8, $4  }
0xe4: {  	[tilespmem:v56+s16+$0x0] =	vst.idx.msk $0xffff, v57  }
0xe5: {  	[tilespmem:v30+s16+$0x0] =	vst.idx.msk $0xffff, v59  }
0xe6: {  	s25 =	simm.s32 $0x3;
	[tilespmem:v32+s16+$0x0] =	vst.idx.msk $0xffff, v61  }
0xe7: {  	s24 =	simm.s32 $0x4;
	s23 =	simm.s32 $0x0;
	s22 =	simm.s32 $0x8200;
	[tilespmem:v31+s16+$0x0] =	vst.idx.msk $0xffff, v63  }
0xe8: {  	v30 =	vadd.s32 s25, v21  }
0xe9: {  	v30 =	vand.u32 $0x3F, v30  }
0xea: {  	p4 =	por $0x1, $0x1;
	v40 =	vor.u32 v23, v30  }
.Ltmp9:
0xeb: {  	_ = 	snop;
	(pc) =	sbr.rel @!p4 .LBB2_15-.Ltmp9, $4  }
0xec: {  	s0 =	simm.s32 $0x1;
	s1 =	simm.s32 $0x2  }
0xed: {  	v32 =	vadd.s32 s23, v21;
	v31 =	vadd.s32 s1, v21;
	v30 =	vadd.s32 s0, v21  }
0xee: {  	v34 =	vand.u32 $0x3F, v32;
	v31 =	vand.u32 $0x3F, v31;
	v30 =	vand.u32 $0x3F, v30  }
0xef: {  	s25 =	simm.s32 $0x7;
	s23 =	simm.s32 $0x8;
	p3 =	por $0x1, $0x1;
	v32 =	vor.u32 v23, v31;
	v33 =	vor.u32 v23, v30;
	v30 =	vor.u32 v23, v34;
	v31 =	vld.idx.msk [tilespmem:v40+s16+$0x0], $0xffff  }
0xf0: {  	_ =	sdelay $0x3  }
0xf1: {  	v41 =	vld.idx.msk [tilespmem:v33+s15+$0x0], $0xffff  }
0xf2: {  	v34 =	vadd.s32 s25, v21;
	v42 =	vld.idx.msk [tilespmem:v33+s16+$0x0], $0xffff;
	s0 =	simm.s32 $0x5  }
0xf3: {  	v36 =	vld.idx.msk [tilespmem:v32+s16+$0x0], $0xffff;
	v34 =	vand.u32 $0x3F, v34;
	v62 =	vadd.s32 s0, v21  }
0xf4: {  	s31 =	simm.s32 $0x6;
	p4 =	por $0x1, $0x1;
	v39 =	vor.u32 v23, v34;
	v34 =	vld.idx.msk [tilespmem:v32+s15+$0x0], $0xffff;
	v32 =	vand.u32 $0x3F, v62  }
.Ltmp10:
0xf5: {  	v38 =	vadd.s32 s31, v21;
	v33 =	vor.u32 v23, v32;
	(pc) =	sbr.rel @!p4 .LBB2_17-.Ltmp10, $4  }
0xf6: {  	v35 =	vld.idx.msk [tilespmem:v40+s15+$0x0], $0xffff;
	[tilespmem:s22+$0x180] =	vst v31;
	v31 =	vand.u32 $0x3F, v38  }
0xf7: {  	v37 =	vld.idx.msk [tilespmem:v30+s15+$0x0], $0xffff;
	v63 =	vadd.s32 s24, v21;
	v32 =	vor.u32 v23, v31  }
0xf8: {  	s25 =	simm.s32 $0xB;
	v40 =	vand.u32 $0x3F, v63;
	v38 =	vld.idx.msk [tilespmem:v30+s16+$0x0], $0xffff;
	[tilespmem:s22+$0xFFFFFF00] =	vst v41  }
0xf9: {  	s26 =	simm.s32 $0xC;
	p2 =	por $0x1, $0x1;
	s24 =	simm.s32 $0x8200;
	v30 =	vor.u32 v23, v40;
	[tilespmem:s22+$0xFFFFFF80] =	vst v42;
	v31 =	vld.idx.msk [tilespmem:v39+s16+$0x0], $0xffff  }
.LBB2_18:
0xfa: {  	p4 =	slt.u32 s26, $0x3C;
	s0 =	sadd.s32 $0x1, s23;
	v40 =	vadd.s32 s25, v21;
	v41 =	vld.idx.msk [tilespmem:v33+s15+$0x0], $0xffff;
	[tilespmem:s24+$0x0] =	vst v34  }
0xfb: {  	v34 =	vadd.s32 s0, v21;
	v40 =	vand.u32 $0x3F, v40;
	v42 =	vld.idx.msk [tilespmem:v33+s16+$0x0], $0xffff;
	[tilespmem:s24+$0x80] =	vst v36  }
0xfc: {  	s0 =	sadd.s32 $0x2, s23;
	v33 =	vand.u32 $0x3F, v34;
	v40 =	vor.u32 v23, v40;
	v34 =	vld.idx.msk [tilespmem:v32+s15+$0x0], $0xffff;
	[tilespmem:s24+$0xFFFFFE00] =	vst v37  }
.Ltmp11:
0xfd: {  	v37 =	vadd.s32 s0, v21;
	v33 =	vor.u32 v23, v33;
	v36 =	vld.idx.msk [tilespmem:v32+s16+$0x0], $0xffff;
	[tilespmem:s24+$0x100] =	vst v35;
	(pc) =	sbr.rel @p4 .LBB2_18-.Ltmp11, $4  }
0xfe: {  	v32 =	vand.u32 $0x3F, v37;
	v37 =	vld.idx.msk [tilespmem:v30+s15+$0x0], $0xffff;
	[tilespmem:s24+$0xFFFFFE80] =	vst v38;
	s24 =	sadd.s32 $0x400, s24  }
0xff: {  	v38 =	vadd.s32 s23, v21;
	v32 =	vor.u32 v23, v32;
	s23 =	smov.u32 s26;
	v35 =	vld.idx.msk [tilespmem:v39+s15+$0x0], $0xffff;
	[tilespmem:s24+$0x180] =	vst v31;
	v39 =	vmov v40  }
0x100: {  	v31 =	vand.u32 $0x3F, v38;
	v38 =	vld.idx.msk [tilespmem:v30+s16+$0x0], $0xffff;
	[tilespmem:s24+$0xFFFFFF00] =	vst v41  }
0x101: {  	s26 =	sadd.s32 $0x4, s26;
	s25 =	sadd.s32 $0x3, s23;
	v30 =	vor.u32 v23, v31;
	v31 =	vld.idx.msk [tilespmem:v40+s16+$0x0], $0xffff;
	[tilespmem:s24+$0xFFFFFF80] =	vst v42  }
0x102: {  	v40 =	vmov v39  }
.LBB2_20:
0x103: {  	_ =	sdelay $0x3  }
0x104: {  	v39 =	vld.idx.msk @p3 [tilespmem:v33+s15+$0x0], $0xffff  }
0x105: {  	[tilespmem:s24+$0x0] =	vst @p2 v34;
	v33 =	vld.idx.msk @p3 [tilespmem:v33+s16+$0x0], $0xffff  }
0x106: {  	v41 =	vadd.s32 s25, v21;
	[tilespmem:s24+$0x80] =	vst @p2 v36;
	v36 =	vld.idx.msk @p3 [tilespmem:v32+s15+$0x0], $0xffff  }
0x107: {  	s0 =	sadd.s32 $0x1, s23;
	[tilespmem:s24+$0xFFFFFE00] =	vst @p2 v37;
	v32 =	vld.idx.msk @p3 [tilespmem:v32+s16+$0x0], $0xffff;
	v41 =	vand.u32 $0x3F, v41  }
0x108: {  	s1 =	simm.s32 $0x8200;
	v51 =	vadd.s32 s0, v21;
	[tilespmem:s24+$0x100] =	vst @p2 v35;
	v35 =	vld.idx.msk @p3 [tilespmem:v30+s15+$0x0], $0xffff;
	s0 =	sadd.s32 @p2 $0x400, s24;
	v41 =	vor.u32 v23, v41  }
0x109: {  	s26 =	sadd.s32 $0x2, s23;
	v30 =	vld.idx.msk @p3 [tilespmem:v30+s16+$0x0], $0xffff;
	v34 =	vand.u32 $0x3F, v51;
	[tilespmem:s24+$0xFFFFFE80] =	vst @p2 v38;
	s1 =	smov.u32 @p2 s0  }
0x10a: {  	v52 =	vadd.s32 s26, v21;
	v38 =	vld.idx.msk @p3 [tilespmem:v40+s15+$0x0], $0xffff;
	v34 =	vor.u32 v23, v34;
	[tilespmem:s1+$0x180] =	vst @p3 v31  }
0x10b: {  	v37 =	vand.u32 $0x3F, v52;
	[tilespmem:s1+$0xFFFFFF00] =	vst @p3 v39  }
0x10c: {  	v37 =	vor.u32 v23, v37;
	v31 =	vadd.s32 s23, v21;
	[tilespmem:s1+$0xFFFFFF80] =	vst @p3 v33;
	v33 =	vpsel p3, v36, v0  }
0x10d: {  	v31 =	vand.u32 $0x3F, v31;
	v32 =	vpsel p3, v32, v0;
	[tilespmem:s1+$0x0] =	vst @p3 v33;
	v53 =	vld.idx.msk [tilespmem:v41+s16+$0x0], $0xffff  }
0x10e: {  	v31 =	vor.u32 v23, v31;
	v33 =	vpsel p3, v35, v0;
	[tilespmem:s1+$0x80] =	vst @p3 v32;
	v57 =	vld.idx.msk [tilespmem:v41+s15+$0x0], $0xffff  }
0x10f: {  	v30 =	vpsel p3, v30, v0;
	[tilespmem:s1+$0xFFFFFE00] =	vst @p3 v33;
	v54 =	vld.idx.msk [tilespmem:v34+s15+$0x0], $0xffff  }
0x110: {  	s0 =	sadd.s32 @p3 $0x400, s1;
	v32 =	vpsel p3, v38, v0;
	[tilespmem:s1+$0xFFFFFE80] =	vst @p3 v30;
	v34 =	vld.idx.msk [tilespmem:v34+s16+$0x0], $0xffff  }
0x111: {  	s22 =	smov.u32 @p3 s0;
	v55 =	vld.idx.msk [tilespmem:v37+s15+$0x0], $0xffff;
	[tilespmem:s1+$0x100] =	vst @p3 v32  }
0x112: {  	v56 =	vld.idx.msk [tilespmem:v37+s16+$0x0], $0xffff;
	[tilespmem:s22+$0x180] =	vst v53  }
0x113: {  	v30 =	vld.idx.msk [tilespmem:v31+s15+$0x0], $0xffff;
	[tilespmem:s22+$0x100] =	vst v57  }
0x114: {  	p3 =	por $0x1, $0x1;
	v31 =	vld.idx.msk [tilespmem:v31+s16+$0x0], $0xffff;
	[tilespmem:s22+$0xFFFFFF00] =	vst v54  }
.Ltmp12:
0x115: {  	s28 =	simm.s32 $0x10;
	s29 =	simm.s32 $0x13;
	[tilespmem:s22+$0xFFFFFF80] =	vst v34;
	(pc) =	sbr.rel @!p3 .LBB2_21-.Ltmp12, $4  }
0x116: {  	s30 =	simm.s32 $0x11;
	s31 =	simm.s32 $0x12;
	v58 =	vadd.s32 s28, v21;
	v60 =	vadd.s32 s29, v21;
	[tilespmem:s22+$0x0] =	vst v55  }
0x117: {  	v61 =	vadd.s32 s30, v21;
	v63 =	vadd.s32 s31, v21;
	v59 =	vand.u32 $0x3F, v58;
	[tilespmem:s22+$0x80] =	vst v56  }
0x118: {  	v62 =	vand.u32 $0x3F, v60;
	v42 =	vand.u32 $0x3F, v63;
	v33 =	vand.u32 $0x3F, v61;
	[tilespmem:s22+$0xFFFFFE00] =	vst v30  }
0x119: {  	p2 =	por $0x0, $0x0;
	s23 =	simm.s32 $0x8210;
	v41 =	vor.u32 v27, v62;
	v32 =	vor.u32 v27, v33;
	v30 =	vor.u32 v27, v59;
	[tilespmem:s22+$0xFFFFFE80] =	vst v31  }
0x11a: {  	_ =	sdelay $0x3  }
0x11b: {  	v31 =	vld.idx.msk [tilespmem:v30+s15+$0x0], $0xffff;
	s0 =	simm.s32 $0x14  }
0x11c: {  	v38 =	vor.u32 v27, v42;
	v33 =	vld.idx.msk [tilespmem:v30+s16+$0x0], $0xffff;
	s1 =	simm.s32 $0x17;
	v30 =	vadd.s32 s0, v21  }
0x11d: {  	v39 =	vld.idx.msk [tilespmem:v41+s16+$0x0], $0xffff;
	p5 =	por $0x1, $0x1;
	v36 =	vadd.s32 s1, v21;
	v30 =	vand.u32 $0x3F, v30  }
.Ltmp13:
0x11e: {  	v34 =	vld.idx.msk [tilespmem:v32+s15+$0x0], $0xffff;
	s30 =	simm.s32 $0x15;
	v61 =	vand.u32 $0x3F, v36;
	v30 =	vor.u32 v27, v30;
	(pc) =	sbr.rel @!p5 .LBB2_23-.Ltmp13, $4  }
0x11f: {  	v35 =	vld.idx.msk [tilespmem:v32+s16+$0x0], $0xffff;
	v37 =	vadd.s32 s30, v21;
	v40 =	vor.u32 v27, v61  }
0x120: {  	s31 =	simm.s32 $0x16;
	v62 =	vand.u32 $0x3F, v37;
	v37 =	vld.idx.msk [tilespmem:v41+s15+$0x0], $0xffff  }
0x121: {  	v63 =	vadd.s32 s31, v21;
	v32 =	vor.u32 v27, v62;
	v36 =	vld.idx.msk [tilespmem:v38+s15+$0x0], $0xffff  }
0x122: {  	s24 =	simm.s32 $0x4;
	p4 =	por $0x1, $0x1;
	s22 =	simm.s32 $0x8210;
	v42 =	vand.u32 $0x3F, v63;
	v38 =	vld.idx.msk [tilespmem:v38+s16+$0x0], $0xffff;
	[tilespmem:s23+$0x180] =	vst v39;
	v39 =	vmov v40  }
.LBB2_24:
0x123: {  	s0 =	sadd.s32 $0x14, s24;
	v41 =	vor.u32 v27, v42;
	[tilespmem:s22+$0xFFFFFE00] =	vst v31;
	v31 =	vld.idx.msk [tilespmem:v30+s15+$0x0], $0xffff;
	s1 =	smov.u32 s24  }
0x124: {  	s24 =	sadd.s32 $0x4, s24;
	v42 =	vadd.s32 s0, v21;
	s0 =	sadd.s32 $0x17, s1;
	v43 =	vld.idx.msk [tilespmem:v40+s16+$0x0], $0xffff;
	[tilespmem:s22+$0xFFFFFE80] =	vst v33  }
0x125: {  	p5 =	slt.u32 s24, $0x3C;
	v40 =	vand.u32 $0x3F, v42;
	v42 =	vadd.s32 s0, v21;
	v33 =	vld.idx.msk [tilespmem:v30+s16+$0x0], $0xffff;
	[tilespmem:s22+$0xFFFFFF00] =	vst v34  }
.Ltmp14:
0x126: {  	s0 =	sadd.s32 $0x15, s1;
	v30 =	vor.u32 v27, v40;
	v40 =	vand.u32 $0x3F, v42;
	v34 =	vld.idx.msk [tilespmem:v32+s15+$0x0], $0xffff;
	[tilespmem:s22+$0xFFFFFF80] =	vst v35;
	(pc) =	sbr.rel @p5 .LBB2_24-.Ltmp14, $4  }
0x127: {  	v42 =	vadd.s32 s0, v21;
	v40 =	vor.u32 v27, v40;
	v35 =	vld.idx.msk [tilespmem:v32+s16+$0x0], $0xffff;
	[tilespmem:s22+$0x0] =	vst v36  }
0x128: {  	s0 =	sadd.s32 $0x16, s1;
	v32 =	vand.u32 $0x3F, v42;
	v36 =	vld.idx.msk [tilespmem:v41+s15+$0x0], $0xffff;
	[tilespmem:s22+$0x80] =	vst v38  }
0x129: {  	v42 =	vadd.s32 s0, v21;
	v32 =	vor.u32 v27, v32;
	v38 =	vld.idx.msk [tilespmem:v41+s16+$0x0], $0xffff;
	[tilespmem:s22+$0x100] =	vst v37;
	s22 =	sadd.s32 $0x400, s22  }
0x12a: {  	v42 =	vand.u32 $0x3F, v42;
	v37 =	vld.idx.msk [tilespmem:v39+s15+$0x0], $0xffff;
	[tilespmem:s22+$0x180] =	vst v43;
	v39 =	vmov v40  }
0x12b: {  	v41 =	vmov v40  }
.LBB2_26:
0x12c: {  	_ =	sdelay $0x1  }
0x12d: {  	[tilespmem:s22+$0xFFFFFE00] =	vst @p4 v31  }
0x12e: {  	[tilespmem:s22+$0xFFFFFE80] =	vst @p4 v33  }
0x12f: {  	v40 =	vld.idx.msk [tilespmem:v41+s16+$0x0], $0xffff;
	[tilespmem:s22+$0xFFFFFF00] =	vst @p4 v34  }
0x130: {  	v31 =	vld.idx.msk [tilespmem:v30+s15+$0x0], $0xffff;
	v57 =	vor.u32 v27, v42;
	[tilespmem:s22+$0xFFFFFF80] =	vst @p4 v35  }
0x131: {  	v30 =	vld.idx.msk [tilespmem:v30+s16+$0x0], $0xffff;
	[tilespmem:s22+$0x0] =	vst @p4 v36  }
0x132: {  	v58 =	vld.idx.msk [tilespmem:v32+s15+$0x0], $0xffff;
	s0 =	sadd.s32 @p4 $0x400, s22;
	[tilespmem:s22+$0x80] =	vst @p4 v38  }
0x133: {  	v59 =	vld.idx.msk [tilespmem:v32+s16+$0x0], $0xffff;
	s23 =	smov.u32 @p4 s0;
	[tilespmem:s22+$0x100] =	vst @p4 v37  }
0x134: {  	v60 =	vld.idx.msk [tilespmem:v39+s15+$0x0], $0xffff;
	[tilespmem:s23+$0x180] =	vst v40  }
0x135: {  	v61 =	vld.idx.msk [tilespmem:v57+s15+$0x0], $0xffff;
	[tilespmem:s23+$0xFFFFFE00] =	vst v31  }
0x136: {  	v33 =	vld.idx.msk [tilespmem:v57+s16+$0x0], $0xffff;
	[tilespmem:s23+$0xFFFFFE80] =	vst v30  }
.Ltmp15:
0x137: {  	s1 =	simm.s32 $0x21;
	s31 =	simm.s32 $0x22;
	[tilespmem:s23+$0xFFFFFF00] =	vst v58;
	(pc) =	sbr.rel @!p3 .LBB2_27-.Ltmp15, $4  }
0x138: {  	s29 =	simm.s32 $0x20;
	s30 =	simm.s32 $0x23;
	v62 =	vadd.s32 s1, v21;
	v63 =	vadd.s32 s31, v21;
	[tilespmem:s23+$0xFFFFFF80] =	vst v59  }
0x139: {  	v32 =	vand.u32 $0x3F, v62;
	v30 =	vadd.s32 s29, v21;
	v31 =	vadd.s32 s30, v21;
	[tilespmem:s23+$0x100] =	vst v60  }
0x13a: {  	v42 =	vand.u32 $0x3F, v63;
	v30 =	vand.u32 $0x3F, v30;
	v31 =	vand.u32 $0x3F, v31;
	[tilespmem:s23+$0x0] =	vst v61  }
0x13b: {  	s22 =	simm.s32 $0x8220;
	v32 =	vor.u32 v28, v32;
	v30 =	vor.u32 v28, v30;
	v41 =	vor.u32 v28, v31;
	[tilespmem:s23+$0x80] =	vst v33  }
0x13c: {  	_ =	sdelay $0x3  }
0x13d: {  	v31 =	vld.idx.msk [tilespmem:v30+s15+$0x0], $0xffff;
	s0 =	simm.s32 $0x24  }
0x13e: {  	v38 =	vor.u32 v28, v42;
	v33 =	vld.idx.msk [tilespmem:v30+s16+$0x0], $0xffff;
	s1 =	simm.s32 $0x27;
	v30 =	vadd.s32 s0, v21  }
0x13f: {  	v39 =	vld.idx.msk [tilespmem:v41+s16+$0x0], $0xffff;
	p3 =	por $0x1, $0x1;
	v36 =	vadd.s32 s1, v21;
	v30 =	vand.u32 $0x3F, v30  }
.Ltmp16:
0x140: {  	v34 =	vld.idx.msk [tilespmem:v32+s15+$0x0], $0xffff;
	s30 =	simm.s32 $0x25;
	v61 =	vand.u32 $0x3F, v36;
	v30 =	vor.u32 v28, v30;
	(pc) =	sbr.rel @!p3 .LBB2_29-.Ltmp16, $4  }
0x141: {  	v35 =	vld.idx.msk [tilespmem:v32+s16+$0x0], $0xffff;
	v37 =	vadd.s32 s30, v21;
	v40 =	vor.u32 v28, v61  }
0x142: {  	s31 =	simm.s32 $0x26;
	v62 =	vand.u32 $0x3F, v37;
	v37 =	vld.idx.msk [tilespmem:v41+s15+$0x0], $0xffff  }
0x143: {  	v63 =	vadd.s32 s31, v21;
	v32 =	vor.u32 v28, v62;
	v36 =	vld.idx.msk [tilespmem:v38+s15+$0x0], $0xffff  }
0x144: {  	s24 =	simm.s32 $0x4;
	p2 =	por $0x1, $0x1;
	s23 =	simm.s32 $0x8220;
	v42 =	vand.u32 $0x3F, v63;
	v38 =	vld.idx.msk [tilespmem:v38+s16+$0x0], $0xffff;
	[tilespmem:s22+$0x180] =	vst v39;
	v39 =	vmov v40  }
.LBB2_30:
0x145: {  	s0 =	sadd.s32 $0x24, s24;
	v41 =	vor.u32 v28, v42;
	[tilespmem:s23+$0xFFFFFE00] =	vst v31;
	v31 =	vld.idx.msk [tilespmem:v30+s15+$0x0], $0xffff;
	s1 =	smov.u32 s24  }
0x146: {  	s24 =	sadd.s32 $0x4, s24;
	v42 =	vadd.s32 s0, v21;
	s0 =	sadd.s32 $0x27, s1;
	v43 =	vld.idx.msk [tilespmem:v40+s16+$0x0], $0xffff;
	[tilespmem:s23+$0xFFFFFE80] =	vst v33  }
0x147: {  	p3 =	slt.u32 s24, $0x3C;
	v40 =	vand.u32 $0x3F, v42;
	v42 =	vadd.s32 s0, v21;
	v33 =	vld.idx.msk [tilespmem:v30+s16+$0x0], $0xffff;
	[tilespmem:s23+$0xFFFFFF00] =	vst v34  }
.Ltmp17:
0x148: {  	s0 =	sadd.s32 $0x25, s1;
	v30 =	vor.u32 v28, v40;
	v40 =	vand.u32 $0x3F, v42;
	v34 =	vld.idx.msk [tilespmem:v32+s15+$0x0], $0xffff;
	[tilespmem:s23+$0xFFFFFF80] =	vst v35;
	(pc) =	sbr.rel @p3 .LBB2_30-.Ltmp17, $4  }
0x149: {  	v42 =	vadd.s32 s0, v21;
	v40 =	vor.u32 v28, v40;
	v35 =	vld.idx.msk [tilespmem:v32+s16+$0x0], $0xffff;
	[tilespmem:s23+$0x0] =	vst v36  }
0x14a: {  	s0 =	sadd.s32 $0x26, s1;
	v32 =	vand.u32 $0x3F, v42;
	v36 =	vld.idx.msk [tilespmem:v41+s15+$0x0], $0xffff;
	[tilespmem:s23+$0x80] =	vst v38  }
0x14b: {  	v42 =	vadd.s32 s0, v21;
	v32 =	vor.u32 v28, v32;
	v38 =	vld.idx.msk [tilespmem:v41+s16+$0x0], $0xffff;
	[tilespmem:s23+$0x100] =	vst v37;
	s23 =	sadd.s32 $0x400, s23  }
0x14c: {  	v42 =	vand.u32 $0x3F, v42;
	v37 =	vld.idx.msk [tilespmem:v39+s15+$0x0], $0xffff;
	[tilespmem:s23+$0x180] =	vst v43;
	v39 =	vmov v40  }
0x14d: {  	v41 =	vmov v40  }
.LBB2_32:
0x14e: {  	_ =	sdelay $0x1  }
0x14f: {  	[tilespmem:s23+$0xFFFFFE00] =	vst @p2 v31  }
0x150: {  	[tilespmem:s23+$0xFFFFFE80] =	vst @p2 v33  }
0x151: {  	v40 =	vld.idx.msk [tilespmem:v41+s16+$0x0], $0xffff;
	[tilespmem:s23+$0xFFFFFF00] =	vst @p2 v34  }
0x152: {  	v31 =	vld.idx.msk [tilespmem:v30+s15+$0x0], $0xffff;
	v57 =	vor.u32 v28, v42;
	[tilespmem:s23+$0xFFFFFF80] =	vst @p2 v35  }
0x153: {  	v30 =	vld.idx.msk [tilespmem:v30+s16+$0x0], $0xffff;
	[tilespmem:s23+$0x0] =	vst @p2 v36  }
0x154: {  	v58 =	vld.idx.msk [tilespmem:v32+s15+$0x0], $0xffff;
	s0 =	sadd.s32 @p2 $0x400, s23;
	[tilespmem:s23+$0x80] =	vst @p2 v38  }
0x155: {  	v59 =	vld.idx.msk [tilespmem:v32+s16+$0x0], $0xffff;
	s22 =	smov.u32 @p2 s0;
	[tilespmem:s23+$0x100] =	vst @p2 v37  }
0x156: {  	v60 =	vld.idx.msk [tilespmem:v39+s15+$0x0], $0xffff;
	[tilespmem:s22+$0x180] =	vst v40  }
0x157: {  	v61 =	vld.idx.msk [tilespmem:v57+s15+$0x0], $0xffff;
	[tilespmem:s22+$0xFFFFFE00] =	vst v31  }
0x158: {  	p3 =	por $0x1, $0x1;
	v33 =	vld.idx.msk [tilespmem:v57+s16+$0x0], $0xffff;
	[tilespmem:s22+$0xFFFFFE80] =	vst v30  }
.Ltmp18:
0x159: {  	s1 =	simm.s32 $0x31;
	s31 =	simm.s32 $0x32;
	[tilespmem:s22+$0xFFFFFF00] =	vst v58;
	(pc) =	sbr.rel @!p3 .LBB2_33-.Ltmp18, $4  }
0x15a: {  	s29 =	simm.s32 $0x30;
	s30 =	simm.s32 $0x33;
	v62 =	vadd.s32 s1, v21;
	v63 =	vadd.s32 s31, v21;
	[tilespmem:s22+$0xFFFFFF80] =	vst v59  }
0x15b: {  	v32 =	vand.u32 $0x3F, v62;
	v30 =	vadd.s32 s29, v21;
	v31 =	vadd.s32 s30, v21;
	[tilespmem:s22+$0x100] =	vst v60  }
0x15c: {  	v42 =	vand.u32 $0x3F, v63;
	v30 =	vand.u32 $0x3F, v30;
	v31 =	vand.u32 $0x3F, v31;
	[tilespmem:s22+$0x0] =	vst v61  }
0x15d: {  	s23 =	simm.s32 $0x8230;
	v32 =	vor.u32 v29, v32;
	p2 =	por $0x0, $0x0;
	v30 =	vor.u32 v29, v30;
	v41 =	vor.u32 v29, v31;
	[tilespmem:s22+$0x80] =	vst v33  }
0x15e: {  	_ =	sdelay $0x3  }
0x15f: {  	v31 =	vld.idx.msk [tilespmem:v30+s15+$0x0], $0xffff;
	s0 =	simm.s32 $0x34  }
0x160: {  	v38 =	vor.u32 v29, v42;
	v33 =	vld.idx.msk [tilespmem:v30+s16+$0x0], $0xffff;
	s1 =	simm.s32 $0x37;
	v30 =	vadd.s32 s0, v21  }
0x161: {  	v39 =	vld.idx.msk [tilespmem:v41+s16+$0x0], $0xffff;
	p4 =	por $0x1, $0x1;
	v36 =	vadd.s32 s1, v21;
	v30 =	vand.u32 $0x3F, v30  }
.Ltmp19:
0x162: {  	v34 =	vld.idx.msk [tilespmem:v32+s15+$0x0], $0xffff;
	s30 =	simm.s32 $0x35;
	v61 =	vand.u32 $0x3F, v36;
	v30 =	vor.u32 v29, v30;
	(pc) =	sbr.rel @!p4 .LBB2_35-.Ltmp19, $4  }
0x163: {  	v35 =	vld.idx.msk [tilespmem:v32+s16+$0x0], $0xffff;
	v37 =	vadd.s32 s30, v21;
	v40 =	vor.u32 v29, v61  }
0x164: {  	s31 =	simm.s32 $0x36;
	v62 =	vand.u32 $0x3F, v37;
	v37 =	vld.idx.msk [tilespmem:v41+s15+$0x0], $0xffff  }
0x165: {  	v63 =	vadd.s32 s31, v21;
	v32 =	vor.u32 v29, v62;
	v36 =	vld.idx.msk [tilespmem:v38+s15+$0x0], $0xffff  }
0x166: {  	s24 =	simm.s32 $0x4;
	p3 =	por $0x1, $0x1;
	s22 =	simm.s32 $0x8230;
	v42 =	vand.u32 $0x3F, v63;
	v38 =	vld.idx.msk [tilespmem:v38+s16+$0x0], $0xffff;
	[tilespmem:s23+$0x180] =	vst v39;
	v39 =	vmov v40  }
.LBB2_36:
0x167: {  	s0 =	sadd.s32 $0x34, s24;
	v41 =	vor.u32 v29, v42;
	[tilespmem:s22+$0xFFFFFE00] =	vst v31;
	v31 =	vld.idx.msk [tilespmem:v30+s15+$0x0], $0xffff;
	s1 =	smov.u32 s24  }
0x168: {  	s24 =	sadd.s32 $0x4, s24;
	v42 =	vadd.s32 s0, v21;
	s0 =	sadd.s32 $0x37, s1;
	v43 =	vld.idx.msk [tilespmem:v40+s16+$0x0], $0xffff;
	[tilespmem:s22+$0xFFFFFE80] =	vst v33  }
0x169: {  	p4 =	slt.u32 s24, $0x3C;
	v40 =	vand.u32 $0x3F, v42;
	v42 =	vadd.s32 s0, v21;
	v33 =	vld.idx.msk [tilespmem:v30+s16+$0x0], $0xffff;
	[tilespmem:s22+$0xFFFFFF00] =	vst v34  }
.Ltmp20:
0x16a: {  	s0 =	sadd.s32 $0x35, s1;
	v30 =	vor.u32 v29, v40;
	v40 =	vand.u32 $0x3F, v42;
	v34 =	vld.idx.msk [tilespmem:v32+s15+$0x0], $0xffff;
	[tilespmem:s22+$0xFFFFFF80] =	vst v35;
	(pc) =	sbr.rel @p4 .LBB2_36-.Ltmp20, $4  }
0x16b: {  	v42 =	vadd.s32 s0, v21;
	v40 =	vor.u32 v29, v40;
	v35 =	vld.idx.msk [tilespmem:v32+s16+$0x0], $0xffff;
	[tilespmem:s22+$0x0] =	vst v36  }
0x16c: {  	s0 =	sadd.s32 $0x36, s1;
	v32 =	vand.u32 $0x3F, v42;
	v36 =	vld.idx.msk [tilespmem:v41+s15+$0x0], $0xffff;
	[tilespmem:s22+$0x80] =	vst v38  }
0x16d: {  	v42 =	vadd.s32 s0, v21;
	v32 =	vor.u32 v29, v32;
	v38 =	vld.idx.msk [tilespmem:v41+s16+$0x0], $0xffff;
	[tilespmem:s22+$0x100] =	vst v37;
	s22 =	sadd.s32 $0x400, s22  }
0x16e: {  	v42 =	vand.u32 $0x3F, v42;
	v37 =	vld.idx.msk [tilespmem:v39+s15+$0x0], $0xffff;
	[tilespmem:s22+$0x180] =	vst v43;
	v39 =	vmov v40  }
0x16f: {  	v41 =	vmov v40  }
.LBB2_38:
0x170: {  	_ =	sdelay $0x1  }
0x171: {  	[tilespmem:s22+$0xFFFFFE00] =	vst @p3 v31  }
0x172: {  	[tilespmem:s22+$0xFFFFFE80] =	vst @p3 v33  }
0x173: {  	v40 =	vld.idx.msk [tilespmem:v41+s16+$0x0], $0xffff;
	[tilespmem:s22+$0xFFFFFF00] =	vst @p3 v34  }
0x174: {  	v31 =	vld.idx.msk [tilespmem:v30+s15+$0x0], $0xffff;
	v55 =	vor.u32 v29, v42;
	[tilespmem:s22+$0xFFFFFF80] =	vst @p3 v35  }
0x175: {  	v30 =	vld.idx.msk [tilespmem:v30+s16+$0x0], $0xffff;
	[tilespmem:s22+$0x0] =	vst @p3 v36  }
0x176: {  	v56 =	vld.idx.msk [tilespmem:v32+s15+$0x0], $0xffff;
	s0 =	sadd.s32 @p3 $0x400, s22;
	[tilespmem:s22+$0x80] =	vst @p3 v38  }
0x177: {  	v57 =	vld.idx.msk [tilespmem:v32+s16+$0x0], $0xffff;
	s23 =	smov.u32 @p3 s0;
	[tilespmem:s22+$0x100] =	vst @p3 v37  }
0x178: {  	v58 =	vld.idx.msk [tilespmem:v39+s15+$0x0], $0xffff;
	s29 =	simm.s32 $0x0;
	[tilespmem:s23+$0x180] =	vst v40  }
0x179: {  	v59 =	vld.idx.msk [tilespmem:v55+s15+$0x0], $0xffff;
	[tilespmem:s23+$0xFFFFFE00] =	vst v31;
	v31 =	vadd.s32 s29, v21  }
0x17a: {  	v33 =	vld.idx.msk [tilespmem:v55+s16+$0x0], $0xffff;
	[tilespmem:s23+$0xFFFFFE80] =	vst v30;
	v30 =	vor.u32 $0x1000, v23;
	v31 =	vand.u32 $0x3F, v31  }
0x17b: {  	p3 =	por $0x1, $0x1;
	[tilespmem:s23+$0xFFFFFF00] =	vst v56;
	v31 =	vor.u32 v30, v31  }
.Ltmp21:
0x17c: {  	[tilespmem:s23+$0xFFFFFF80] =	vst v57;
	(pc) =	sbr.rel @!p3 .LBB2_39-.Ltmp21, $4  }
0x17d: {  	s30 =	simm.s32 $0x42;
	s1 =	simm.s32 $0x43;
	s31 =	simm.s32 $0x41;
	[tilespmem:s23+$0x100] =	vst v58  }
0x17e: {  	v60 =	vadd.s32 s30, v21;
	v61 =	vadd.s32 s1, v21;
	v62 =	vadd.s32 s31, v21;
	[tilespmem:s23+$0x0] =	vst v59  }
0x17f: {  	v32 =	vand.u32 $0x3F, v60;
	v34 =	vand.u32 $0x3F, v62;
	v63 =	vand.u32 $0x3F, v61;
	[tilespmem:s23+$0x80] =	vst v33  }
0x180: {  	s22 =	simm.s32 $0x4;
	v39 =	vor.u32 v30, v34;
	v40 =	vor.u32 v30, v63;
	s23 =	simm.s32 $0x8240;
	v33 =	vor.u32 v30, v32;
	v32 =	vld.idx.msk [tilespmem:v31+s15+$0x0], $0xffff  }
0x181: {  	_ =	sdelay $0x3  }
0x182: {  	v34 =	vadd.s32 s22, v21;
	v41 =	vld.idx.msk [tilespmem:v33+s15+$0x0], $0xffff  }
0x183: {  	v30 =	vor.u32 $0x1000, v23;
	v42 =	vld.idx.msk [tilespmem:v31+s16+$0x0], $0xffff;
	s0 =	simm.s32 $0x46;
	v34 =	vand.u32 $0x3F, v34  }
0x184: {  	v36 =	vld.idx.msk [tilespmem:v33+s16+$0x0], $0xffff;
	p3 =	por $0x1, $0x1;
	v60 =	vadd.s32 s0, v21;
	v31 =	vor.u32 v30, v34  }
.Ltmp22:
0x185: {  	v35 =	vld.idx.msk [tilespmem:v40+s15+$0x0], $0xffff;
	v33 =	vand.u32 $0x3F, v60;
	(pc) =	sbr.rel @!p3 .LBB2_41-.Ltmp22, $4  }
0x186: {  	s1 =	simm.s32 $0x47;
	s31 =	simm.s32 $0x45;
	v37 =	vld.idx.msk [tilespmem:v39+s15+$0x0], $0xffff;
	v33 =	vor.u32 v30, v33  }
0x187: {  	v38 =	vadd.s32 s1, v21;
	v61 =	vadd.s32 s31, v21;
	v34 =	vld.idx.msk [tilespmem:v40+s16+$0x0], $0xffff;
	[tilespmem:s23+$0xFFFFFE00] =	vst v32  }
0x188: {  	v62 =	vand.u32 $0x3F, v61;
	v63 =	vand.u32 $0x3F, v38;
	v38 =	vld.idx.msk [tilespmem:v39+s16+$0x0], $0xffff;
	[tilespmem:s23+$0x0] =	vst v41  }
0x189: {  	s24 =	simm.s32 $0x8;
	s22 =	simm.s32 $0x8640;
	p2 =	por $0x1, $0x1;
	v39 =	vor.u32 v30, v62;
	v40 =	vor.u32 v30, v63;
	[tilespmem:s23+$0xFFFFFE80] =	vst v42;
	v32 =	vld.idx.msk [tilespmem:v31+s15+$0x0], $0xffff  }
.LBB2_42:
0x18a: {  	s0 =	sadd.s32 $0x42, s24  }
0x18b: {  	v41 =	vadd.s32 s24, v21;
	v30 =	vor.u32 $0x1000, v23;
	s1 =	sadd.s32 $0x43, s24;
	v42 =	vld.idx.msk [tilespmem:v33+s15+$0x0], $0xffff;
	[tilespmem:s23+$0x80] =	vst v36;
	s25 =	smov.u32 s24;
	s26 =	sadd.s32 $0x4, s24  }
0x18c: {  	p3 =	slt.u32 s24, $0x3C;
	v36 =	vand.u32 $0x3F, v41;
	s25 =	sadd.s32 $0x41, s25;
	v41 =	vadd.s32 s0, v21;
	v43 =	vadd.s32 s1, v21;
	v44 =	vld.idx.msk [tilespmem:v31+s16+$0x0], $0xffff;
	[tilespmem:s23+$0x180] =	vst v34  }
0x18d: {  	v31 =	vor.u32 v30, v36;
	v34 =	vadd.s32 s25, v21;
	v41 =	vand.u32 $0x3F, v41;
	v36 =	vld.idx.msk [tilespmem:v33+s16+$0x0], $0xffff;
	[tilespmem:s23+$0x100] =	vst v35  }
.Ltmp23:
0x18e: {  	v35 =	vand.u32 $0x3F, v34;
	v33 =	vor.u32 v30, v41;
	v41 =	vand.u32 $0x3F, v43;
	v34 =	vld.idx.msk [tilespmem:v40+s16+$0x0], $0xffff;
	[tilespmem:s23+$0xFFFFFF00] =	vst v37;
	(pc) =	sbr.rel @p3 .LBB2_42-.Ltmp23, $4  }
0x18f: {  	v43 =	vor.u32 v30, v35;
	v35 =	vld.idx.msk [tilespmem:v40+s15+$0x0], $0xffff;
	v40 =	vor.u32 v30, v41;
	[tilespmem:s23+$0xFFFFFF80] =	vst v38;
	s23 =	smov.u32 s22  }
0x190: {  	[tilespmem:s22+$0xFFFFFE00] =	vst v32;
	v37 =	vld.idx.msk [tilespmem:v39+s15+$0x0], $0xffff  }
0x191: {  	v38 =	vld.idx.msk [tilespmem:v39+s16+$0x0], $0xffff;
	[tilespmem:s22+$0x0] =	vst v42;
	v39 =	vmov v43  }
0x192: {  	s24 =	smov.u32 s26;
	s22 =	sadd.s32 $0x400, s22;
	v32 =	vld.idx.msk [tilespmem:v31+s15+$0x0], $0xffff;
	[tilespmem:s23+$0xFFFFFE80] =	vst v44  }
0x193: {  	s24 =	smov.u32 s23;
	s23 =	smov.u32 s22  }
.LBB2_44:
0x194: {  	_ =	sdelay $0x2  }
0x195: {  	[tilespmem:s24+$0x80] =	vst @p2 v36  }
0x196: {  	v54 =	vld.idx.msk [tilespmem:v33+s15+$0x0], $0xffff;
	[tilespmem:s24+$0x180] =	vst @p2 v34  }
0x197: {  	v31 =	vld.idx.msk [tilespmem:v31+s16+$0x0], $0xffff;
	[tilespmem:s24+$0x100] =	vst @p2 v35  }
0x198: {  	v55 =	vld.idx.msk [tilespmem:v33+s16+$0x0], $0xffff;
	[tilespmem:s24+$0xFFFFFF00] =	vst @p2 v37  }
0x199: {  	v56 =	vld.idx.msk [tilespmem:v40+s16+$0x0], $0xffff;
	[tilespmem:s24+$0xFFFFFF80] =	vst @p2 v38  }
0x19a: {  	v57 =	vld.idx.msk [tilespmem:v40+s15+$0x0], $0xffff;
	[tilespmem:s23+$0xFFFFFE00] =	vst v32  }
0x19b: {  	v58 =	vld.idx.msk [tilespmem:v39+s15+$0x0], $0xffff;
	[tilespmem:s23+$0x0] =	vst v54  }
0x19c: {  	v59 =	vld.idx.msk [tilespmem:v39+s16+$0x0], $0xffff;
	s0 =	simm.s32 $0x50;
	s30 =	simm.s32 $0x51;
	p3 =	por $0x1, $0x1;
	[tilespmem:s23+$0xFFFFFE80] =	vst v31  }
.Ltmp24:
0x19d: {  	s1 =	simm.s32 $0x52;
	s31 =	simm.s32 $0x53;
	v60 =	vadd.s32 s30, v21;
	[tilespmem:s23+$0x80] =	vst v55;
	(pc) =	sbr.rel @!p3 .LBB2_45-.Ltmp24, $4  }
0x19e: {  	v61 =	vadd.s32 s1, v21;
	v63 =	vadd.s32 s31, v21;
	v31 =	vadd.s32 s0, v21;
	[tilespmem:s23+$0x180] =	vst v56  }
0x19f: {  	v33 =	vand.u32 $0x3F, v60;
	[tilespmem:s23+$0x100] =	vst v57;
	v62 =	vand.u32 $0x3F, v31;
	v31 =	vor.u32 $0x1400, v23  }
0x1a0: {  	v34 =	vand.u32 $0x3F, v61;
	v35 =	vand.u32 $0x3F, v63;
	[tilespmem:s23+$0xFFFFFF00] =	vst v58;
	v32 =	vor.u32 v31, v62  }
0x1a1: {  	s22 =	simm.s32 $0x8250;
	p2 =	por $0x0, $0x0;
	[tilespmem:s23+$0xFFFFFF80] =	vst v59;
	v42 =	vor.u32 v31, v33;
	v44 =	vor.u32 v31, v35;
	v40 =	vor.u32 v31, v34  }
0x1a2: {  	_ =	sdelay $0x3  }
0x1a3: {  	v37 =	vld.idx.msk [tilespmem:v44+s16+$0x0], $0xffff  }
0x1a4: {  	v38 =	vld.idx.msk [tilespmem:v32+s15+$0x0], $0xffff;
	s0 =	simm.s32 $0x54;
	s31 =	simm.s32 $0x57  }
0x1a5: {  	v33 =	vld.idx.msk [tilespmem:v32+s16+$0x0], $0xffff;
	p5 =	por $0x1, $0x1;
	v31 =	vadd.s32 s0, v21;
	v34 =	vadd.s32 s31, v21  }
.Ltmp25:
0x1a6: {  	v35 =	vld.idx.msk [tilespmem:v42+s15+$0x0], $0xffff;
	v41 =	vand.u32 $0x3F, v31;
	v31 =	vor.u32 $0x1400, v23;
	v43 =	vand.u32 $0x3F, v34;
	(pc) =	sbr.rel @!p5 .LBB2_47-.Ltmp25, $4  }
0x1a7: {  	s1 =	simm.s32 $0x55;
	s30 =	simm.s32 $0x56;
	v36 =	vld.idx.msk [tilespmem:v42+s16+$0x0], $0xffff;
	v43 =	vor.u32 v31, v43  }
0x1a8: {  	v61 =	vadd.s32 s1, v21;
	v39 =	vadd.s32 s30, v21;
	v34 =	vld.idx.msk [tilespmem:v44+s15+$0x0], $0xffff;
	v32 =	vor.u32 v31, v41  }
0x1a9: {  	v62 =	vand.u32 $0x3F, v61;
	v63 =	vand.u32 $0x3F, v39;
	v39 =	vld.idx.msk [tilespmem:v40+s15+$0x0], $0xffff;
	[tilespmem:s22+$0x180] =	vst v37  }
0x1aa: {  	s24 =	simm.s32 $0x4;
	p4 =	por $0x1, $0x1;
	s23 =	simm.s32 $0x8250;
	v42 =	vor.u32 v31, v62;
	v41 =	vor.u32 v31, v63;
	[tilespmem:s22+$0xFFFFFE00] =	vst v38;
	v37 =	vld.idx.msk [tilespmem:v40+s16+$0x0], $0xffff;
	v38 =	vmov v43  }
.LBB2_48:
0x1ab: {  	s0 =	sadd.s32 $0x54, s24;
	[tilespmem:s23+$0xFFFFFE80] =	vst v33  }
0x1ac: {  	s1 =	sadd.s32 $0x56, s24;
	v31 =	vadd.s32 s0, v21;
	s0 =	sadd.s32 $0x55, s24;
	v40 =	vld.idx.msk [tilespmem:v43+s16+$0x0], $0xffff;
	[tilespmem:s23+$0xFFFFFF00] =	vst v35  }
0x1ad: {  	v35 =	vadd.s32 s1, v21;
	v33 =	vadd.s32 s0, v21;
	s0 =	sadd.s32 $0x57, s24;
	s24 =	sadd.s32 $0x4, s24;
	v44 =	vld.idx.msk [tilespmem:v32+s15+$0x0], $0xffff;
	[tilespmem:s23+$0xFFFFFF80] =	vst v36  }
0x1ae: {  	v36 =	vand.u32 $0x3F, v31;
	v45 =	vand.u32 $0x3F, v33;
	v43 =	vadd.s32 s0, v21;
	p5 =	slt.u32 s24, $0x3C;
	v33 =	vld.idx.msk [tilespmem:v32+s16+$0x0], $0xffff;
	[tilespmem:s23+$0x0] =	vst v39  }
.Ltmp26:
0x1af: {  	v31 =	vor.u32 $0x1400, v23;
	v39 =	vand.u32 $0x3F, v35;
	v43 =	vand.u32 $0x3F, v43;
	v35 =	vld.idx.msk [tilespmem:v42+s15+$0x0], $0xffff;
	[tilespmem:s23+$0x100] =	vst v34;
	(pc) =	sbr.rel @p5 .LBB2_48-.Ltmp26, $4  }
0x1b0: {  	v32 =	vor.u32 v31, v36;
	v43 =	vor.u32 v31, v43;
	v36 =	vld.idx.msk [tilespmem:v42+s16+$0x0], $0xffff;
	v42 =	vor.u32 v31, v45  }
0x1b1: {  	v45 =	vor.u32 v31, v39;
	v39 =	vld.idx.msk [tilespmem:v41+s15+$0x0], $0xffff;
	[tilespmem:s23+$0x80] =	vst v37;
	s23 =	sadd.s32 $0x400, s23  }
0x1b2: {  	v34 =	vld.idx.msk [tilespmem:v38+s15+$0x0], $0xffff;
	[tilespmem:s23+$0x180] =	vst v40;
	v38 =	vmov v43  }
0x1b3: {  	[tilespmem:s23+$0xFFFFFE00] =	vst v44;
	v37 =	vld.idx.msk [tilespmem:v41+s16+$0x0], $0xffff;
	v41 =	vmov v45  }
0x1b4: {  	v44 =	vmov v43;
	v40 =	vmov v41  }
.LBB2_50:
0x1b5: {  	_ =	sdelay $0x3  }
0x1b6: {  	[tilespmem:s23+$0xFFFFFE80] =	vst @p4 v33;
	v49 =	vld.idx.msk [tilespmem:v44+s16+$0x0], $0xffff  }
0x1b7: {  	[tilespmem:s23+$0xFFFFFF00] =	vst @p4 v35;
	v50 =	vld.idx.msk [tilespmem:v32+s15+$0x0], $0xffff  }
0x1b8: {  	[tilespmem:s23+$0xFFFFFF80] =	vst @p4 v36;
	v51 =	vld.idx.msk [tilespmem:v32+s16+$0x0], $0xffff  }
0x1b9: {  	v52 =	vld.idx.msk [tilespmem:v42+s15+$0x0], $0xffff;
	[tilespmem:s23+$0x0] =	vst @p4 v39  }
0x1ba: {  	v53 =	vld.idx.msk [tilespmem:v42+s16+$0x0], $0xffff;
	s0 =	sadd.s32 @p4 $0x400, s23;
	[tilespmem:s23+$0x100] =	vst @p4 v34  }
0x1bb: {  	v54 =	vld.idx.msk [tilespmem:v38+s15+$0x0], $0xffff;
	s22 =	smov.u32 @p4 s0;
	[tilespmem:s23+$0x80] =	vst @p4 v37  }
0x1bc: {  	v55 =	vld.idx.msk [tilespmem:v40+s15+$0x0], $0xffff;
	[tilespmem:s22+$0x180] =	vst v49  }
0x1bd: {  	[tilespmem:s22+$0xFFFFFE00] =	vst v50  }
0x1be: {  	v56 =	vld.idx.msk [tilespmem:v40+s16+$0x0], $0xffff;
	s29 =	simm.s32 $0x60;
	[tilespmem:s22+$0xFFFFFE80] =	vst v51  }
.Ltmp27:
0x1bf: {  	s30 =	simm.s32 $0x61;
	s1 =	simm.s32 $0x62;
	v32 =	vor.u32 $0x1800, v23;
	[tilespmem:s22+$0xFFFFFF00] =	vst v52;
	(pc) =	sbr.rel @!p3 .LBB2_51-.Ltmp27, $4  }
0x1c0: {  	s31 =	simm.s32 $0x63;
	v57 =	vadd.s32 s29, v21;
	v58 =	vadd.s32 s30, v21;
	v59 =	vadd.s32 s1, v21;
	[tilespmem:s22+$0xFFFFFF80] =	vst v53  }
0x1c1: {  	v62 =	vadd.s32 s31, v21;
	v60 =	vand.u32 $0x3F, v57;
	v61 =	vand.u32 $0x3F, v58;
	[tilespmem:s22+$0x0] =	vst v55  }
0x1c2: {  	v34 =	vand.u32 $0x3F, v59;
	v63 =	vand.u32 $0x3F, v62;
	v33 =	vor.u32 v32, v60;
	[tilespmem:s22+$0x100] =	vst v54  }
0x1c3: {  	s23 =	simm.s32 $0x8260;
	v43 =	vor.u32 v32, v61;
	v45 =	vor.u32 v32, v63;
	v41 =	vor.u32 v32, v34;
	[tilespmem:s22+$0x80] =	vst v56  }
0x1c4: {  	_ =	sdelay $0x3  }
0x1c5: {  	v38 =	vld.idx.msk [tilespmem:v45+s16+$0x0], $0xffff  }
0x1c6: {  	v39 =	vld.idx.msk [tilespmem:v33+s15+$0x0], $0xffff;
	s0 =	simm.s32 $0x64;
	s31 =	simm.s32 $0x67  }
0x1c7: {  	v34 =	vld.idx.msk [tilespmem:v33+s16+$0x0], $0xffff;
	p3 =	por $0x1, $0x1;
	v32 =	vadd.s32 s0, v21;
	v35 =	vadd.s32 s31, v21  }
.Ltmp28:
0x1c8: {  	v36 =	vld.idx.msk [tilespmem:v43+s15+$0x0], $0xffff;
	v42 =	vand.u32 $0x3F, v32;
	v32 =	vor.u32 $0x1800, v23;
	v44 =	vand.u32 $0x3F, v35;
	(pc) =	sbr.rel @!p3 .LBB2_53-.Ltmp28, $4  }
0x1c9: {  	s1 =	simm.s32 $0x65;
	s30 =	simm.s32 $0x66;
	v37 =	vld.idx.msk [tilespmem:v43+s16+$0x0], $0xffff;
	v44 =	vor.u32 v32, v44  }
0x1ca: {  	v61 =	vadd.s32 s1, v21;
	v40 =	vadd.s32 s30, v21;
	v35 =	vld.idx.msk [tilespmem:v45+s15+$0x0], $0xffff;
	v33 =	vor.u32 v32, v42  }
0x1cb: {  	v62 =	vand.u32 $0x3F, v61;
	v63 =	vand.u32 $0x3F, v40;
	v40 =	vld.idx.msk [tilespmem:v41+s15+$0x0], $0xffff;
	[tilespmem:s23+$0x180] =	vst v38  }
0x1cc: {  	s24 =	simm.s32 $0x4;
	p2 =	por $0x1, $0x1;
	s22 =	simm.s32 $0x8260;
	v43 =	vor.u32 v32, v62;
	v42 =	vor.u32 v32, v63;
	[tilespmem:s23+$0xFFFFFE00] =	vst v39;
	v38 =	vld.idx.msk [tilespmem:v41+s16+$0x0], $0xffff;
	v39 =	vmov v44  }
.LBB2_54:
0x1cd: {  	s0 =	sadd.s32 $0x64, s24;
	[tilespmem:s22+$0xFFFFFE80] =	vst v34  }
0x1ce: {  	s1 =	sadd.s32 $0x66, s24;
	v32 =	vadd.s32 s0, v21;
	s0 =	sadd.s32 $0x65, s24;
	v41 =	vld.idx.msk [tilespmem:v44+s16+$0x0], $0xffff;
	[tilespmem:s22+$0xFFFFFF00] =	vst v36  }
0x1cf: {  	v36 =	vadd.s32 s1, v21;
	v34 =	vadd.s32 s0, v21;
	s0 =	sadd.s32 $0x67, s24;
	s24 =	sadd.s32 $0x4, s24;
	v45 =	vld.idx.msk [tilespmem:v33+s15+$0x0], $0xffff;
	[tilespmem:s22+$0xFFFFFF80] =	vst v37  }
0x1d0: {  	v37 =	vand.u32 $0x3F, v32;
	v46 =	vand.u32 $0x3F, v34;
	v44 =	vadd.s32 s0, v21;
	p3 =	slt.u32 s24, $0x3C;
	v34 =	vld.idx.msk [tilespmem:v33+s16+$0x0], $0xffff;
	[tilespmem:s22+$0x0] =	vst v40  }
.Ltmp29:
0x1d1: {  	v32 =	vor.u32 $0x1800, v23;
	v40 =	vand.u32 $0x3F, v36;
	v44 =	vand.u32 $0x3F, v44;
	v36 =	vld.idx.msk [tilespmem:v43+s15+$0x0], $0xffff;
	[tilespmem:s22+$0x100] =	vst v35;
	(pc) =	sbr.rel @p3 .LBB2_54-.Ltmp29, $4  }
0x1d2: {  	v33 =	vor.u32 v32, v37;
	v44 =	vor.u32 v32, v44;
	v37 =	vld.idx.msk [tilespmem:v43+s16+$0x0], $0xffff;
	v43 =	vor.u32 v32, v46  }
0x1d3: {  	v46 =	vor.u32 v32, v40;
	v40 =	vld.idx.msk [tilespmem:v42+s15+$0x0], $0xffff;
	[tilespmem:s22+$0x80] =	vst v38;
	s22 =	sadd.s32 $0x400, s22  }
0x1d4: {  	v35 =	vld.idx.msk [tilespmem:v39+s15+$0x0], $0xffff;
	[tilespmem:s22+$0x180] =	vst v41;
	v39 =	vmov v44  }
0x1d5: {  	[tilespmem:s22+$0xFFFFFE00] =	vst v45;
	v38 =	vld.idx.msk [tilespmem:v42+s16+$0x0], $0xffff;
	v42 =	vmov v46  }
0x1d6: {  	v45 =	vmov v44;
	v41 =	vmov v42  }
.LBB2_56:
0x1d7: {  	_ =	sdelay $0x3  }
0x1d8: {  	[tilespmem:s22+$0xFFFFFE80] =	vst @p2 v34;
	v49 =	vld.idx.msk [tilespmem:v45+s16+$0x0], $0xffff  }
0x1d9: {  	[tilespmem:s22+$0xFFFFFF00] =	vst @p2 v36;
	v50 =	vld.idx.msk [tilespmem:v33+s15+$0x0], $0xffff  }
0x1da: {  	[tilespmem:s22+$0xFFFFFF80] =	vst @p2 v37;
	v51 =	vld.idx.msk [tilespmem:v33+s16+$0x0], $0xffff  }
0x1db: {  	v52 =	vld.idx.msk [tilespmem:v43+s15+$0x0], $0xffff;
	[tilespmem:s22+$0x0] =	vst @p2 v40  }
0x1dc: {  	v53 =	vld.idx.msk [tilespmem:v43+s16+$0x0], $0xffff;
	s0 =	sadd.s32 @p2 $0x400, s22;
	[tilespmem:s22+$0x100] =	vst @p2 v35  }
0x1dd: {  	v54 =	vld.idx.msk [tilespmem:v39+s15+$0x0], $0xffff;
	s23 =	smov.u32 @p2 s0;
	[tilespmem:s22+$0x80] =	vst @p2 v38  }
0x1de: {  	v55 =	vld.idx.msk [tilespmem:v41+s15+$0x0], $0xffff;
	[tilespmem:s23+$0x180] =	vst v49  }
0x1df: {  	[tilespmem:s23+$0xFFFFFE00] =	vst v50  }
0x1e0: {  	v56 =	vld.idx.msk [tilespmem:v41+s16+$0x0], $0xffff;
	s29 =	simm.s32 $0x70;
	p3 =	por $0x1, $0x1;
	[tilespmem:s23+$0xFFFFFE80] =	vst v51  }
.Ltmp30:
0x1e1: {  	s30 =	simm.s32 $0x71;
	s1 =	simm.s32 $0x72;
	v33 =	vor.u32 $0x1C00, v23;
	[tilespmem:s23+$0xFFFFFF00] =	vst v52;
	(pc) =	sbr.rel @!p3 .LBB2_57-.Ltmp30, $4  }
0x1e2: {  	s31 =	simm.s32 $0x73;
	v57 =	vadd.s32 s29, v21;
	v58 =	vadd.s32 s30, v21;
	v59 =	vadd.s32 s1, v21;
	[tilespmem:s23+$0xFFFFFF80] =	vst v53  }
0x1e3: {  	v62 =	vadd.s32 s31, v21;
	v60 =	vand.u32 $0x3F, v57;
	v61 =	vand.u32 $0x3F, v58;
	[tilespmem:s23+$0x0] =	vst v55  }
0x1e4: {  	v35 =	vand.u32 $0x3F, v59;
	v63 =	vand.u32 $0x3F, v62;
	v34 =	vor.u32 v33, v60;
	[tilespmem:s23+$0x100] =	vst v54  }
0x1e5: {  	s22 =	simm.s32 $0x8270;
	v44 =	vor.u32 v33, v61;
	v46 =	vor.u32 v33, v63;
	v42 =	vor.u32 v33, v35;
	p2 =	por $0x0, $0x0;
	[tilespmem:s23+$0x80] =	vst v56  }
0x1e6: {  	_ =	sdelay $0x3  }
0x1e7: {  	v39 =	vld.idx.msk [tilespmem:v46+s16+$0x0], $0xffff  }
0x1e8: {  	v40 =	vld.idx.msk [tilespmem:v34+s15+$0x0], $0xffff;
	s0 =	simm.s32 $0x74;
	s31 =	simm.s32 $0x77  }
0x1e9: {  	v35 =	vld.idx.msk [tilespmem:v34+s16+$0x0], $0xffff;
	p3 =	por $0x1, $0x1;
	v33 =	vadd.s32 s0, v21;
	v36 =	vadd.s32 s31, v21  }
.Ltmp31:
0x1ea: {  	v37 =	vld.idx.msk [tilespmem:v44+s15+$0x0], $0xffff;
	v43 =	vand.u32 $0x3F, v33;
	v33 =	vor.u32 $0x1C00, v23;
	v45 =	vand.u32 $0x3F, v36;
	(pc) =	sbr.rel @!p3 .LBB2_59-.Ltmp31, $4  }
0x1eb: {  	s1 =	simm.s32 $0x75;
	s30 =	simm.s32 $0x76;
	v38 =	vld.idx.msk [tilespmem:v44+s16+$0x0], $0xffff;
	v45 =	vor.u32 v33, v45  }
0x1ec: {  	v61 =	vadd.s32 s1, v21;
	v41 =	vadd.s32 s30, v21;
	v36 =	vld.idx.msk [tilespmem:v46+s15+$0x0], $0xffff;
	v34 =	vor.u32 v33, v43  }
0x1ed: {  	v62 =	vand.u32 $0x3F, v61;
	v63 =	vand.u32 $0x3F, v41;
	v41 =	vld.idx.msk [tilespmem:v42+s15+$0x0], $0xffff;
	[tilespmem:s22+$0x180] =	vst v39  }
0x1ee: {  	s24 =	simm.s32 $0x4;
	p2 =	por $0x1, $0x1;
	s23 =	simm.s32 $0x8270;
	v44 =	vor.u32 v33, v62;
	v43 =	vor.u32 v33, v63;
	[tilespmem:s22+$0xFFFFFE00] =	vst v40;
	v39 =	vld.idx.msk [tilespmem:v42+s16+$0x0], $0xffff;
	v40 =	vmov v45  }
.LBB2_60:
0x1ef: {  	s0 =	sadd.s32 $0x74, s24;
	[tilespmem:s23+$0xFFFFFE80] =	vst v35  }
0x1f0: {  	s1 =	sadd.s32 $0x76, s24;
	v33 =	vadd.s32 s0, v21;
	s0 =	sadd.s32 $0x75, s24;
	v42 =	vld.idx.msk [tilespmem:v45+s16+$0x0], $0xffff;
	[tilespmem:s23+$0xFFFFFF00] =	vst v37  }
0x1f1: {  	v37 =	vadd.s32 s1, v21;
	v35 =	vadd.s32 s0, v21;
	s0 =	sadd.s32 $0x77, s24;
	s24 =	sadd.s32 $0x4, s24;
	v46 =	vld.idx.msk [tilespmem:v34+s15+$0x0], $0xffff;
	[tilespmem:s23+$0xFFFFFF80] =	vst v38  }
0x1f2: {  	v38 =	vand.u32 $0x3F, v33;
	v47 =	vand.u32 $0x3F, v35;
	v45 =	vadd.s32 s0, v21;
	p3 =	slt.u32 s24, $0x3C;
	v35 =	vld.idx.msk [tilespmem:v34+s16+$0x0], $0xffff;
	[tilespmem:s23+$0x0] =	vst v41  }
.Ltmp32:
0x1f3: {  	v33 =	vor.u32 $0x1C00, v23;
	v41 =	vand.u32 $0x3F, v37;
	v45 =	vand.u32 $0x3F, v45;
	v37 =	vld.idx.msk [tilespmem:v44+s15+$0x0], $0xffff;
	[tilespmem:s23+$0x100] =	vst v36;
	(pc) =	sbr.rel @p3 .LBB2_60-.Ltmp32, $4  }
0x1f4: {  	v34 =	vor.u32 v33, v38;
	v45 =	vor.u32 v33, v45;
	v38 =	vld.idx.msk [tilespmem:v44+s16+$0x0], $0xffff;
	v44 =	vor.u32 v33, v47  }
0x1f5: {  	v47 =	vor.u32 v33, v41;
	v41 =	vld.idx.msk [tilespmem:v43+s15+$0x0], $0xffff;
	[tilespmem:s23+$0x80] =	vst v39;
	s23 =	sadd.s32 $0x400, s23  }
0x1f6: {  	v36 =	vld.idx.msk [tilespmem:v40+s15+$0x0], $0xffff;
	[tilespmem:s23+$0x180] =	vst v42;
	v40 =	vmov v45  }
0x1f7: {  	[tilespmem:s23+$0xFFFFFE00] =	vst v46;
	v39 =	vld.idx.msk [tilespmem:v43+s16+$0x0], $0xffff;
	v43 =	vmov v47  }
0x1f8: {  	v46 =	vmov v45;
	v42 =	vmov v43  }
.LBB2_62:
0x1f9: {  	_ =	sdelay $0x3  }
0x1fa: {  	[tilespmem:s23+$0xFFFFFE80] =	vst @p2 v35;
	v45 =	vld.idx.msk [tilespmem:v46+s16+$0x0], $0xffff  }
0x1fb: {  	[tilespmem:s23+$0xFFFFFF00] =	vst @p2 v37;
	v46 =	vld.idx.msk [tilespmem:v34+s15+$0x0], $0xffff  }
0x1fc: {  	[tilespmem:s23+$0xFFFFFF80] =	vst @p2 v38;
	v47 =	vld.idx.msk [tilespmem:v34+s16+$0x0], $0xffff  }
0x1fd: {  	v48 =	vld.idx.msk [tilespmem:v44+s15+$0x0], $0xffff;
	[tilespmem:s23+$0x0] =	vst @p2 v41  }
0x1fe: {  	v49 =	vld.idx.msk [tilespmem:v44+s16+$0x0], $0xffff;
	s0 =	sadd.s32 @p2 $0x400, s23;
	[tilespmem:s23+$0x100] =	vst @p2 v36  }
0x1ff: {  	v50 =	vld.idx.msk [tilespmem:v40+s15+$0x0], $0xffff;
	s22 =	smov.u32 @p2 s0;
	[tilespmem:s23+$0x80] =	vst @p2 v39  }
0x200: {  	v51 =	vld.idx.msk [tilespmem:v42+s15+$0x0], $0xffff;
	[tilespmem:s22+$0x180] =	vst v45  }
0x201: {  	[tilespmem:s22+$0xFFFFFE00] =	vst v46  }
0x202: {  	v52 =	vld.idx.msk [tilespmem:v42+s16+$0x0], $0xffff;
	[tilespmem:s22+$0xFFFFFE80] =	vst v47  }
0x203: {  	[tilespmem:s22+$0xFFFFFF00] =	vst v48  }
0x204: {  	[tilespmem:s22+$0xFFFFFF80] =	vst v49  }
0x205: {  	[tilespmem:s22+$0x0] =	vst v51  }
0x206: {  	[tilespmem:s22+$0x100] =	vst v50  }
0x207: {  	[tilespmem:s22+$0x80] =	vst v52;
	s22 =	simm.s32 $0x80  }
0x208: {  	[hbm4b:s2+s22] =	stream.indirect.scatter [tilespmem:s18], [sflag:$0x1], $0x80, s17, s22, $0xb8;
	[tilespmem:$0xC080] =	vst v63  }
0x209: {  	_ =	swait.ge [sflag:s19], $0x4000  }
0x20a: {  	[sflag:s19] =	ssyncset.done $0x0  }
0x20b: {  	s30 =	simm.s32 $0x0;
	[sflag:s19] =	ssyncadd.s32 $0xFFFFC000  }
0x20c: {  	[tilespmem:s30], [sflag:$0x2] =	stream.linear.gather [hbm4b:s6+s30], $0x2000, $0x38;
	[tilespmem:$0xC080] =	vst v63  }
0x20d: {  	_ =	swait.ge [sflag:s13], $0x2000  }
0x20e: {  	[sflag:s13] =	ssyncset.done $0x0  }
0x20f: {  	[sflag:s13] =	ssyncadd.s32 $0xFFFFE000  }
0x210: {  	[tilespmem:s14], [sflag:$0x2] =	stream.linear.gather [hbm4b:s7+s30], $0x2000, $0x38;
	[tilespmem:$0xC080] =	vst v63  }
0x211: {  	_ =	swait.ge [sflag:s13], $0x2000  }
0x212: {  	[sflag:s13] =	ssyncset.done $0x0  }
0x213: {  	s1 =	simm.s32 $0x1;
	[sflag:s13] =	ssyncadd.s32 $0xFFFFE000  }
0x214: {  	s31 =	simm.s32 $0x2;
	s24 =	simm.s32 $0x80;
	v53 =	vadd.s32 s30, v21;
	v54 =	vadd.s32 s1, v21;
	[tilespmem:$0xC000] =	vst v8  }
0x215: {  	s25 =	simm.s32 $0xC0;
	s26 =	simm.s32 $0x3;
	s28 =	simm.s32 $0x5;
	v55 =	vmov s30;
	v56 =	vadd.s32 s31, v21;
	v58 =	vmov s24;
	[tilespmem:$0xC010] =	vst v9  }
0x216: {  	v59 =	vmov s25;
	v60 =	vadd.s32 s26, v21;
	v63 =	vadd.s32 s28, v21;
	[tilespmem:$0xC020] =	vst v10  }
0x217: {  	v35 =	vand.u32 $0x3F, v54;
	v40 =	vshrl.u32 v59, $0x7;
	v36 =	vshrl.u32 v55, $0x7;
	s23 =	simm.s32 $0x40;
	[tilespmem:$0xC030] =	vst v11  }
0x218: {  	v41 =	vand.u32 $0x3F, v60;
	v40 =	vshll.u32 v40, v26;
	v57 =	vmov s23;
	[tilespmem:$0xC040] =	vst v12  }
0x219: {  	v62 =	vand.u32 $0x3F, v56;
	v40 =	vor.u32 $0x40, v40;
	v38 =	vshrl.u32 v57, $0x7;
	[tilespmem:$0xC050] =	vst v13  }
0x21a: {  	v39 =	vshrl.u32 v58, $0x7;
	v40 =	vbroadcast v40, $0x0;
	v38 =	vshll.u32 v38, v26;
	[tilespmem:$0xC060] =	vst v14  }
0x21b: {  	v36 =	vshll.u32 v36, v26;
	v39 =	vshll.u32 v39, v26;
	v38 =	vor.u32 $0x40, v38;
	[tilespmem:$0xC070] =	vst v15  }
0x21c: {  	s24 =	simm.s32 $0x4;
	s23 =	simm.s32 $0x2080;
	v39 =	vbroadcast v39, $0x0;
	v41 =	vor.u32 v41, v40;
	v38 =	vbroadcast v38, $0x0;
	v42 =	vld [tilespmem:s22+$0x40]  }
0x21d: {  	s25 =	simm.s32 $0x100;
	v34 =	vand.u32 $0x3F, v53;
	v61 =	vbroadcast v36, $0x0;
	v36 =	vadd.s32 s24, v21;
	v43 =	vld [tilespmem:s23+$0x40]  }
0x21e: {  	s26 =	simm.s32 $0x180;
	s31 =	simm.s32 $0x1C0;
	v45 =	vmov s25;
	v37 =	vor.u32 v35, v38;
	v35 =	vor.u32 v62, v39;
	v39 =	vld [tilespmem:s23+$0xFFFFFF80]  }
0x21f: {  	s29 =	simm.s32 $0x6;
	v47 =	vmov s26;
	v49 =	vmov s31;
	v34 =	vor.u32 v34, v61;
	s30 =	simm.s32 $0x140;
	v44 =	vld [tilespmem:s22+$0xFFFFFFC0]  }
0x220: {  	s26 =	simm.s32 $0x8;
	v40 =	vadd.s32 s29, v21;
	v38 =	vand.u32 $0x3F, v63;
	v48 =	vmov s30;
	v46 =	vld [tilespmem:s23+$0xFFFFFFC0]  }
.LBB2_63:
0x221: {  	p2 =	slt.u32 s26, $0x7C;
	v52 =	vshrl.u32 v48, $0x7;
	v47 =	vshrl.u32 v47, $0x7;
	v49 =	vshrl.u32 v49, $0x7;
	v50 =	vld [tilespmem:s22+$0x0];
	[tilespmem:v41+s15+$0x0] =	vst.idx.msk $0xffff, v42  }
0x222: {  	v42 =	vshrl.u32 v45, $0x7;
	v45 =	vshll.u32 v52, v26;
	v51 =	vshll.u32 v49, v26;
	v49 =	vld [tilespmem:s23+$0x0];
	[tilespmem:v41+s16+$0x0] =	vst.idx.msk $0xffff, v43  }
0x223: {  	s0 =	sadd.s32 $0x3, s24;
	s24 =	smov.u32 s26;
	v43 =	vshll.u32 v47, v26;
	v41 =	vor.u32 $0x40, v45;
	v45 =	vor.u32 $0x40, v51;
	v47 =	vld [tilespmem:s22+$0xFFFFFF80];
	v48 =	vmovc v39  }
0x224: {  	v39 =	vshll.u32 v42, v26;
	v42 =	vadd.s32 s0, v21;
	v45 =	vbroadcast v45, $0x0;
	[tilespmem:v37+s15+$0x0] =	vst.idx.msk $0xffff, v44  }
0x225: {  	v51 =	vbroadcast v43, $0x0;
	s22 =	sadd.s32 $0x100, s22;
	v44 =	vbroadcast v41, $0x0;
	v41 =	vand.u32 $0x3F, v42;
	[tilespmem:v37+s16+$0x0] =	vst.idx.msk $0xffff, v46  }
.Ltmp33:
0x226: {  	s23 =	sadd.s32 $0x100, s23;
	v46 =	vbroadcast v39, $0x0;
	v39 =	vand.u32 $0x3F, v40;
	v42 =	vld [tilespmem:s22+$0x40];
	v41 =	vor.u32 v41, v45;
	[tilespmem:v35+s15+$0x0] =	vst.idx.msk $0xffff, v50;
	(pc) =	sbr.rel @p2 .LBB2_63-.Ltmp33, $4  }
0x227: {  	s0 =	sadd.s32 $0x1, s26;
	v40 =	vand.u32 $0x3F, v36;
	v37 =	vor.u32 v38, v44;
	v43 =	vld [tilespmem:s23+$0x40];
	[tilespmem:v35+s16+$0x0] =	vst.idx.msk $0xffff, v49;
	v35 =	vor.u32 v39, v51  }
0x228: {  	s25 =	sadd.s32 $0x100, s25;
	v36 =	vadd.s32 s26, v21;
	v38 =	vadd.s32 s0, v21;
	s0 =	sadd.s32 $0x2, s26;
	v46 =	vor.u32 v40, v46;
	v39 =	vld [tilespmem:s23+$0xFFFFFF80];
	[tilespmem:v34+s15+$0x0] =	vst.idx.msk $0xffff, v47  }
0x229: {  	s1 =	sadd.s32 $0x40, s25;
	s28 =	sadd.s32 $0x80, s25;
	v45 =	vmov s25;
	v38 =	vand.u32 $0x3F, v38;
	v40 =	vadd.s32 s0, v21;
	s0 =	sadd.s32 $0xC0, s25;
	v44 =	vld [tilespmem:s22+$0xFFFFFFC0];
	[tilespmem:v34+s16+$0x0] =	vst.idx.msk $0xffff, v48;
	v34 =	vmovc v46  }
0x22a: {  	s26 =	sadd.s32 $0x4, s26;
	v47 =	vmov s28;
	v49 =	vmov s0;
	v48 =	vmov s1;
	v46 =	vld [tilespmem:s23+$0xFFFFFFC0]  }
0x22b: {  	_ =	sdelay $0x1  }
0x22c: {  	v49 =	vshrl.u32 v49, $0x7  }
0x22d: {  	v50 =	vld [tilespmem:s22+$0x0];
	v48 =	vshrl.u32 v48, $0x7;
	v49 =	vshll.u32 v49, v26  }
0x22e: {  	[tilespmem:v41+s15+$0x0] =	vst.idx.msk $0xffff, v42;
	s0 =	sadd.s32 $0x3, s24;
	v60 =	vld [tilespmem:s22+$0xFFFFFF80];
	v48 =	vshll.u32 v48, v26;
	v49 =	vor.u32 $0x40, v49  }
0x22f: {  	v59 =	vld [tilespmem:s23+$0x0];
	[tilespmem:v41+s16+$0x0] =	vst.idx.msk $0xffff, v43;
	v61 =	vadd.s32 s0, v21;
	v48 =	vor.u32 $0x40, v48;
	v49 =	vbroadcast v49, $0x0  }
0x230: {  	s26 =	sadd.s32 $0x100, s22;
	v43 =	vand.u32 $0x3F, v61;
	[tilespmem:v37+s15+$0x0] =	vst.idx.msk $0xffff, v44;
	v63 =	vbroadcast v48, $0x0  }
0x231: {  	v62 =	vshrl.u32 v45, $0x7;
	v48 =	vld [tilespmem:s26+$0x40];
	[tilespmem:v37+s16+$0x0] =	vst.idx.msk $0xffff, v46;
	v43 =	vor.u32 v43, v49  }
0x232: {  	s1 =	sadd.s32 $0x100, s23;
	v52 =	vld [tilespmem:s26+$0xFFFFFFC0];
	v44 =	vshll.u32 v62, v26;
	[tilespmem:v35+s15+$0x0] =	vst.idx.msk $0xffff, v50;
	v38 =	vor.u32 v38, v63  }
0x233: {  	v47 =	vshrl.u32 v47, $0x7;
	v40 =	vand.u32 $0x3F, v40;
	s28 =	simm.s32 $0x10;
	v51 =	vld [tilespmem:s1+$0x40];
	v44 =	vbroadcast v44, $0x0;
	[tilespmem:v34+s15+$0x0] =	vst.idx.msk $0xffff, v60  }
0x234: {  	v36 =	vand.u32 $0x3F, v36;
	s29 =	simm.s32 $0x12;
	v53 =	vld [tilespmem:s1+$0xFFFFFFC0];
	v55 =	vadd.s32 s28, v21;
	v49 =	vshll.u32 v47, v26;
	[tilespmem:v35+s16+$0x0] =	vst.idx.msk $0xffff, v59  }
0x235: {  	v58 =	vadd.s32 s29, v21;
	s28 =	simm.s32 $0x17;
	v60 =	vld [tilespmem:s26+$0xFFFFFF80];
	v46 =	vbroadcast v49, $0x0;
	v42 =	vor.u32 v36, v44;
	[tilespmem:v34+s16+$0x0] =	vst.idx.msk $0xffff, v39  }
0x236: {  	s30 =	simm.s32 $0x13;
	s31 =	simm.s32 $0xC0;
	v57 =	vand.u32 $0x3F, v55;
	v61 =	vand.u32 $0x3F, v58;
	v58 =	vadd.s32 s28, v21;
	v63 =	vld [tilespmem:s1+$0xFFFFFF80];
	[tilespmem:v43+s15+$0x0] =	vst.idx.msk $0xffff, v48  }
0x237: {  	s22 =	simm.s32 $0x0;
	s23 =	simm.s32 $0x80;
	v54 =	vld [tilespmem:s26+$0x0];
	v62 =	vmov s31;
	v59 =	vadd.s32 s30, v21;
	v40 =	vor.u32 v40, v46;
	[tilespmem:v38+s15+$0x0] =	vst.idx.msk $0xffff, v52  }
0x238: {  	v56 =	vld [tilespmem:s1+$0x0];
	v49 =	vmov s23;
	v36 =	vshrl.u32 v62, $0x7;
	s30 =	simm.s32 $0x180;
	v48 =	vmov s22;
	[tilespmem:v43+s16+$0x0] =	vst.idx.msk $0xffff, v51  }
0x239: {  	v44 =	vand.u32 $0x3F, v59;
	v62 =	vmov s30;
	[tilespmem:v38+s16+$0x0] =	vst.idx.msk $0xffff, v53;
	v35 =	vshrl.u32 v48, $0x7  }
0x23a: {  	v50 =	vshrl.u32 v49, $0x7;
	v49 =	vshrl.u32 v62, $0x7;
	[tilespmem:v42+s15+$0x0] =	vst.idx.msk $0xffff, v60;
	v51 =	vshll.u32 v35, v26  }
0x23b: {  	s24 =	simm.s32 $0x11;
	v36 =	vshll.u32 v36, v26;
	v49 =	vshll.u32 v49, v26;
	[tilespmem:v42+s16+$0x0] =	vst.idx.msk $0xffff, v63;
	v34 =	vor.u32 $0x40, v51  }
0x23c: {  	v52 =	vshll.u32 v50, v26;
	[tilespmem:v40+s15+$0x0] =	vst.idx.msk $0xffff, v54;
	v54 =	vadd.s32 s24, v21;
	v34 =	vbroadcast v34, $0x0  }
0x23d: {  	s22 =	simm.s32 $0x90;
	v53 =	vor.u32 $0x40, v36;
	v37 =	vbroadcast v52, $0x0;
	[tilespmem:v40+s16+$0x0] =	vst.idx.msk $0xffff, v56;
	v55 =	vand.u32 $0x3F, v54  }
0x23e: {  	s31 =	simm.s32 $0x15;
	s23 =	simm.s32 $0x2090;
	v35 =	vbroadcast v53, $0x0;
	v36 =	vbroadcast v51, $0x0;
	v45 =	vld [tilespmem:s22+$0xFFFFFFC0];
	v46 =	vor.u32 v55, v34  }
0x23f: {  	s25 =	simm.s32 $0x14;
	s29 =	simm.s32 $0x100;
	v42 =	vand.u32 $0x3F, v58;
	v53 =	vadd.s32 s31, v21;
	v38 =	vor.u32 v61, v37;
	v59 =	vld [tilespmem:s23+$0xFFFFFFC0]  }
0x240: {  	s24 =	simm.s32 $0x1C0;
	v61 =	vmov s29;
	v56 =	vadd.s32 s25, v21;
	v40 =	vor.u32 v57, v36;
	v54 =	vld [tilespmem:s22+$0xFFFFFF80]  }
0x241: {  	v39 =	vor.u32 v44, v35;
	v60 =	vmov s24;
	v51 =	vshrl.u32 v61, $0x7;
	v47 =	vld [tilespmem:s23+$0xFFFFFF80]  }
0x242: {  	s26 =	simm.s32 $0x16;
	v41 =	vand.u32 $0x3F, v56;
	v63 =	vshrl.u32 v60, $0x7;
	v44 =	vld [tilespmem:s22+$0x0];
	v51 =	vshll.u32 v51, v26  }
0x243: {  	v57 =	vadd.s32 s26, v21;
	v50 =	vshll.u32 v63, v26;
	v52 =	vor.u32 $0x40, v51;
	[tilespmem:v46+s15+$0x0] =	vst.idx.msk $0xffff, v45;
	v45 =	vld [tilespmem:s23+$0x0]  }
0x244: {  	v55 =	vor.u32 $0x40, v50;
	v50 =	vbroadcast v51, $0x0;
	v51 =	vbroadcast v49, $0x0;
	[tilespmem:v46+s16+$0x0] =	vst.idx.msk $0xffff, v59;
	v46 =	vld [tilespmem:s22+$0x40]  }
0x245: {  	s25 =	simm.s32 $0x4;
	v48 =	vld [tilespmem:s23+$0x40];
	v43 =	vand.u32 $0x3F, v57;
	v52 =	vbroadcast v52, $0x0;
	v49 =	vbroadcast v55, $0x0;
	[tilespmem:v40+s15+$0x0] =	vst.idx.msk $0xffff, v54  }
.LBB2_65:
0x246: {  	s0 =	sadd.s32 $0x14, s25;
	v53 =	vand.u32 $0x3F, v53;
	v43 =	vor.u32 v43, v51;
	[tilespmem:v40+s16+$0x0] =	vst.idx.msk $0xffff, v47;
	v40 =	vor.u32 v41, v50;
	s22 =	sadd.s32 $0x100, s22;
	s1 =	smov.u32 s25  }
0x247: {  	s26 =	sadd.s32 $0x17, s25;
	s23 =	sadd.s32 $0x100, s23;
	v41 =	vadd.s32 s0, v21;
	s0 =	sadd.s32 $0x16, s25;
	v50 =	vld [tilespmem:s22+$0xFFFFFFC0];
	v52 =	vor.u32 v53, v52;
	v49 =	vor.u32 v42, v49;
	[tilespmem:v38+s15+$0x0] =	vst.idx.msk $0xffff, v44  }
0x248: {  	s24 =	sadd.s32 $0x100, s24;
	v44 =	vadd.s32 s26, v21;
	s25 =	sadd.s32 $0x4, s25;
	v41 =	vand.u32 $0x3F, v41;
	v42 =	vadd.s32 s0, v21;
	v53 =	vld [tilespmem:s23+$0xFFFFFFC0];
	[tilespmem:v38+s16+$0x0] =	vst.idx.msk $0xffff, v45;
	v38 =	vmovc v43  }
0x249: {  	s26 =	sadd.s32 $0xFFFFFFC0, s24;
	s0 =	sadd.s32 $0xFFFFFF40, s24;
	v45 =	vmov s24;
	p2 =	slt.u32 s25, $0x7C;
	v43 =	vand.u32 $0x3F, v42;
	v42 =	vand.u32 $0x3F, v44;
	v54 =	vld [tilespmem:s22+$0xFFFFFF80];
	[tilespmem:v39+s15+$0x0] =	vst.idx.msk $0xffff, v46  }
.Ltmp34:
0x24a: {  	v44 =	vmov s0;
	v46 =	vmov s26;
	v45 =	vshrl.u32 v45, $0x7;
	v47 =	vld [tilespmem:s23+$0xFFFFFF80];
	[tilespmem:v39+s16+$0x0] =	vst.idx.msk $0xffff, v48;
	v39 =	vmovc v49;
	(pc) =	sbr.rel @p2 .LBB2_65-.Ltmp34, $4  }
0x24b: {  	v48 =	vshrl.u32 v44, $0x7;
	v46 =	vshrl.u32 v46, $0x7;
	v45 =	vshll.u32 v45, v26;
	v44 =	vld [tilespmem:s22+$0x0]  }
0x24c: {  	v48 =	vshll.u32 v48, v26;
	v46 =	vshll.u32 v46, v26;
	v49 =	vor.u32 $0x40, v45;
	[tilespmem:v52+s15+$0x0] =	vst.idx.msk $0xffff, v50;
	v45 =	vld [tilespmem:s23+$0x0]  }
0x24d: {  	s0 =	sadd.s32 $0x15, s1;
	v50 =	vbroadcast v48, $0x0;
	v48 =	vor.u32 $0x40, v48;
	v51 =	vbroadcast v46, $0x0;
	[tilespmem:v52+s16+$0x0] =	vst.idx.msk $0xffff, v53;
	v46 =	vld [tilespmem:s22+$0x40]  }
0x24e: {  	v49 =	vbroadcast v49, $0x0;
	v53 =	vadd.s32 s0, v21;
	v52 =	vbroadcast v48, $0x0;
	[tilespmem:v40+s15+$0x0] =	vst.idx.msk $0xffff, v54;
	v48 =	vld [tilespmem:s23+$0x40]  }
0x24f: {  	_ =	sdelay $0x2  }
0x250: {  	v53 =	vand.u32 $0x3F, v53;
	s0 =	sadd.s32 $0x100, s22  }
0x251: {  	[tilespmem:v40+s16+$0x0] =	vst.idx.msk $0xffff, v47;
	v56 =	vld [tilespmem:s0+$0xFFFFFFC0];
	v57 =	vor.u32 v53, v52  }
0x252: {  	v41 =	vor.u32 v41, v50;
	[tilespmem:v38+s15+$0x0] =	vst.idx.msk $0xffff, v44;
	v59 =	vld [tilespmem:s0+$0xFFFFFF80]  }
0x253: {  	v43 =	vor.u32 v43, v51;
	v61 =	vld [tilespmem:s0+$0x0];
	[tilespmem:v38+s16+$0x0] =	vst.idx.msk $0xffff, v45  }
0x254: {  	s1 =	sadd.s32 $0x100, s23;
	v42 =	vor.u32 v42, v49;
	v63 =	vld [tilespmem:s0+$0x40];
	[tilespmem:v39+s15+$0x0] =	vst.idx.msk $0xffff, v46  }
0x255: {  	v58 =	vld [tilespmem:s1+$0xFFFFFFC0];
	[tilespmem:v39+s16+$0x0] =	vst.idx.msk $0xffff, v48  }
0x256: {  	v60 =	vld [tilespmem:s1+$0xFFFFFF80];
	[tilespmem:v57+s15+$0x0] =	vst.idx.msk $0xffff, v56  }
0x257: {  	v62 =	vld [tilespmem:s1+$0x0];
	[tilespmem:v41+s15+$0x0] =	vst.idx.msk $0xffff, v59  }
0x258: {  	v47 =	vld [tilespmem:s1+$0x40];
	[tilespmem:v43+s15+$0x0] =	vst.idx.msk $0xffff, v61  }
0x259: {  	s22 =	simm.s32 $0x22;
	[tilespmem:v42+s15+$0x0] =	vst.idx.msk $0xffff, v63  }
0x25a: {  	s23 =	simm.s32 $0x23;
	s24 =	simm.s32 $0x21;
	s25 =	simm.s32 $0x24;
	v49 =	vadd.s32 s22, v21;
	[tilespmem:v57+s16+$0x0] =	vst.idx.msk $0xffff, v58  }
0x25b: {  	s26 =	simm.s32 $0x26;
	s28 =	simm.s32 $0x27;
	s1 =	simm.s32 $0x20;
	v50 =	vadd.s32 s23, v21;
	v51 =	vadd.s32 s24, v21;
	v53 =	vadd.s32 s25, v21;
	[tilespmem:v41+s16+$0x0] =	vst.idx.msk $0xffff, v60  }
0x25c: {  	v54 =	vadd.s32 s26, v21;
	v55 =	vadd.s32 s28, v21;
	v48 =	vadd.s32 s1, v21;
	[tilespmem:v43+s16+$0x0] =	vst.idx.msk $0xffff, v62  }
0x25d: {  	s31 =	simm.s32 $0x25;
	s22 =	simm.s32 $0xA0;
	v40 =	vand.u32 $0x3F, v49;
	v52 =	vand.u32 $0x3F, v51;
	v39 =	vand.u32 $0x3F, v48;
	[tilespmem:v42+s16+$0x0] =	vst.idx.msk $0xffff, v47  }
0x25e: {  	s24 =	simm.s32 $0x1C0;
	v49 =	vadd.s32 s31, v21;
	v44 =	vor.u32 v52, v34;
	v38 =	vor.u32 v39, v36;
	v42 =	vld [tilespmem:s22+$0xFFFFFFC0]  }
0x25f: {  	s30 =	simm.s32 $0x180;
	s23 =	simm.s32 $0x20A0;
	v36 =	vor.u32 v40, v37;
	v39 =	vand.u32 $0x3F, v54;
	v56 =	vmov s24;
	v57 =	vld [tilespmem:s22+$0xFFFFFF80]  }
0x260: {  	s29 =	simm.s32 $0x100;
	v37 =	vand.u32 $0x3F, v55;
	v59 =	vmov s30;
	v41 =	vand.u32 $0x3F, v50;
	v46 =	vld [tilespmem:s23+$0xFFFFFFC0]  }
0x261: {  	v58 =	vmov s29;
	v34 =	vor.u32 v41, v35;
	v41 =	vshrl.u32 v56, $0x7;
	v43 =	vld [tilespmem:s23+$0xFFFFFF80]  }
0x262: {  	v45 =	vshrl.u32 v59, $0x7;
	v60 =	vshrl.u32 v58, $0x7;
	v40 =	vld [tilespmem:s22+$0x0];
	v41 =	vshll.u32 v41, v26  }
0x263: {  	v61 =	vshll.u32 v45, v26;
	v47 =	vshll.u32 v60, v26;
	v62 =	vor.u32 $0x40, v41;
	v41 =	vld [tilespmem:s23+$0x0];
	[tilespmem:v44+s15+$0x0] =	vst.idx.msk $0xffff, v42  }
0x264: {  	v45 =	vbroadcast v47, $0x0;
	v63 =	vor.u32 $0x40, v47;
	v47 =	vbroadcast v61, $0x0;
	v42 =	vld [tilespmem:s22+$0x40];
	[tilespmem:v38+s15+$0x0] =	vst.idx.msk $0xffff, v57  }
0x265: {  	s25 =	simm.s32 $0x4;
	v35 =	vand.u32 $0x3F, v53;
	v48 =	vbroadcast v63, $0x0;
	[tilespmem:v44+s16+$0x0] =	vst.idx.msk $0xffff, v46;
	v46 =	vbroadcast v62, $0x0;
	v44 =	vld [tilespmem:s23+$0x40]  }
.LBB2_67:
0x266: {  	s0 =	sadd.s32 $0x24, s25;
	v49 =	vand.u32 $0x3F, v49;
	v39 =	vor.u32 v39, v47;
	[tilespmem:v38+s16+$0x0] =	vst.idx.msk $0xffff, v43;
	v38 =	vor.u32 v35, v45;
	s22 =	sadd.s32 $0x100, s22;
	s1 =	smov.u32 s25  }
0x267: {  	s26 =	sadd.s32 $0x27, s25;
	s23 =	sadd.s32 $0x100, s23;
	v35 =	vadd.s32 s0, v21;
	s0 =	sadd.s32 $0x26, s25;
	v45 =	vld [tilespmem:s22+$0xFFFFFFC0];
	v48 =	vor.u32 v49, v48;
	v46 =	vor.u32 v37, v46;
	[tilespmem:v36+s15+$0x0] =	vst.idx.msk $0xffff, v40  }
0x268: {  	s24 =	sadd.s32 $0x100, s24;
	v40 =	vadd.s32 s26, v21;
	s25 =	sadd.s32 $0x4, s25;
	v35 =	vand.u32 $0x3F, v35;
	v37 =	vadd.s32 s0, v21;
	v49 =	vld [tilespmem:s23+$0xFFFFFFC0];
	[tilespmem:v36+s16+$0x0] =	vst.idx.msk $0xffff, v41;
	v36 =	vmovc v39  }
0x269: {  	s26 =	sadd.s32 $0xFFFFFFC0, s24;
	s0 =	sadd.s32 $0xFFFFFF40, s24;
	v41 =	vmov s24;
	p2 =	slt.u32 s25, $0x7C;
	v39 =	vand.u32 $0x3F, v37;
	v37 =	vand.u32 $0x3F, v40;
	v50 =	vld [tilespmem:s22+$0xFFFFFF80];
	[tilespmem:v34+s15+$0x0] =	vst.idx.msk $0xffff, v42  }
.Ltmp35:
0x26a: {  	v40 =	vmov s0;
	v42 =	vmov s26;
	v41 =	vshrl.u32 v41, $0x7;
	v43 =	vld [tilespmem:s23+$0xFFFFFF80];
	[tilespmem:v34+s16+$0x0] =	vst.idx.msk $0xffff, v44;
	v34 =	vmovc v46;
	(pc) =	sbr.rel @p2 .LBB2_67-.Ltmp35, $4  }
0x26b: {  	v44 =	vshrl.u32 v40, $0x7;
	v42 =	vshrl.u32 v42, $0x7;
	v41 =	vshll.u32 v41, v26;
	v40 =	vld [tilespmem:s22+$0x0]  }
0x26c: {  	v44 =	vshll.u32 v44, v26;
	v42 =	vshll.u32 v42, v26;
	v46 =	vor.u32 $0x40, v41;
	[tilespmem:v48+s15+$0x0] =	vst.idx.msk $0xffff, v45;
	v41 =	vld [tilespmem:s23+$0x0]  }
0x26d: {  	s0 =	sadd.s32 $0x25, s1;
	v45 =	vbroadcast v44, $0x0;
	v44 =	vor.u32 $0x40, v44;
	v47 =	vbroadcast v42, $0x0;
	[tilespmem:v48+s16+$0x0] =	vst.idx.msk $0xffff, v49;
	v42 =	vld [tilespmem:s22+$0x40]  }
0x26e: {  	v46 =	vbroadcast v46, $0x0;
	v49 =	vadd.s32 s0, v21;
	v48 =	vbroadcast v44, $0x0;
	[tilespmem:v38+s15+$0x0] =	vst.idx.msk $0xffff, v50;
	v44 =	vld [tilespmem:s23+$0x40]  }
0x26f: {  	_ =	sdelay $0x1  }
0x270: {  	s0 =	sadd.s32 $0x100, s22  }
0x271: {  	v49 =	vand.u32 $0x3F, v49;
	s1 =	sadd.s32 $0x100, s23;
	v60 =	vld [tilespmem:s0+$0xFFFFFFC0]  }
0x272: {  	[tilespmem:v38+s16+$0x0] =	vst.idx.msk $0xffff, v43;
	v61 =	vor.u32 v49, v48;
	v62 =	vld [tilespmem:s1+$0xFFFFFFC0]  }
0x273: {  	v45 =	vor.u32 v35, v45;
	[tilespmem:v36+s15+$0x0] =	vst.idx.msk $0xffff, v40;
	v63 =	vld [tilespmem:s0+$0xFFFFFF80]  }
0x274: {  	v39 =	vor.u32 v39, v47;
	v49 =	vld [tilespmem:s0+$0x0];
	[tilespmem:v36+s16+$0x0] =	vst.idx.msk $0xffff, v41  }
0x275: {  	v37 =	vor.u32 v37, v46;
	v52 =	vld [tilespmem:s0+$0x40];
	[tilespmem:v34+s15+$0x0] =	vst.idx.msk $0xffff, v42  }
0x276: {  	s24 =	simm.s32 $0x30;
	v48 =	vld [tilespmem:s1+$0xFFFFFF80];
	[tilespmem:v34+s16+$0x0] =	vst.idx.msk $0xffff, v44  }
0x277: {  	s25 =	simm.s32 $0x32;
	s26 =	simm.s32 $0x33;
	s28 =	simm.s32 $0xC0;
	v50 =	vld [tilespmem:s1+$0x0];
	v51 =	vadd.s32 s24, v21;
	[tilespmem:v61+s15+$0x0] =	vst.idx.msk $0xffff, v60  }
0x278: {  	s29 =	simm.s32 $0x0;
	s30 =	simm.s32 $0x80;
	v53 =	vadd.s32 s25, v21;
	v54 =	vadd.s32 s26, v21;
	v56 =	vmov s28;
	[tilespmem:v45+s15+$0x0] =	vst.idx.msk $0xffff, v63  }
0x279: {  	p3 =	por $0x1, $0x1;
	v55 =	vld [tilespmem:s1+$0x40];
	v57 =	vmov s29;
	v58 =	vmov s30;
	v36 =	vand.u32 $0x3F, v53;
	[tilespmem:v39+s15+$0x0] =	vst.idx.msk $0xffff, v49  }
.Ltmp36:
0x27a: {  	v35 =	vand.u32 $0x3F, v54;
	v41 =	vshrl.u32 v57, $0x7;
	v44 =	vshrl.u32 v56, $0x7;
	[tilespmem:v37+s15+$0x0] =	vst.idx.msk $0xffff, v52;
	(pc) =	sbr.rel @!p3 .LBB2_69-.Ltmp36, $4  }
0x27b: {  	v59 =	vshrl.u32 v58, $0x7;
	v34 =	vand.u32 $0x3F, v51;
	v60 =	vshll.u32 v44, v26;
	[tilespmem:v61+s16+$0x0] =	vst.idx.msk $0xffff, v62  }
0x27c: {  	[tilespmem:v45+s16+$0x0] =	vst.idx.msk $0xffff, v48;
	v61 =	vshll.u32 v41, v26;
	v62 =	vshll.u32 v59, v26;
	v63 =	vor.u32 $0x40, v60  }
0x27d: {  	s31 =	simm.s32 $0x31;
	[tilespmem:v39+s16+$0x0] =	vst.idx.msk $0xffff, v50;
	v44 =	vbroadcast v61, $0x0;
	v38 =	vor.u32 $0x40, v61;
	v46 =	vbroadcast v62, $0x0  }
0x27e: {  	s22 =	simm.s32 $0x20B0;
	s23 =	simm.s32 $0xB0;
	p2 =	por $0x0, $0x0;
	v49 =	vadd.s32 s31, v21;
	[tilespmem:v37+s16+$0x0] =	vst.idx.msk $0xffff, v55;
	v43 =	vbroadcast v63, $0x0;
	v48 =	vbroadcast v38, $0x0  }
0x27f: {  	s0 =	simm.s32 $0x34;
	v38 =	vor.u32 v34, v44;
	v55 =	vand.u32 $0x3F, v49;
	v37 =	vor.u32 v36, v46  }
0x280: {  	s26 =	simm.s32 $0x36;
	s1 =	simm.s32 $0x37;
	v42 =	vld [tilespmem:s23+$0xFFFFFFC0];
	s24 =	simm.s32 $0x1C0;
	v56 =	vadd.s32 s0, v21;
	v45 =	vor.u32 v55, v48;
	v39 =	vor.u32 v35, v43  }
0x281: {  	v58 =	vld [tilespmem:s22+$0xFFFFFFC0];
	s29 =	simm.s32 $0x100;
	s30 =	simm.s32 $0x180;
	s31 =	simm.s32 $0x35;
	v57 =	vadd.s32 s26, v21;
	v40 =	vadd.s32 s1, v21;
	v41 =	vmov s24  }
0x282: {  	v47 =	vld [tilespmem:s23+$0xFFFFFF80];
	p4 =	por $0x1, $0x1;
	v59 =	vmov s29;
	v60 =	vmov s30;
	v49 =	vadd.s32 s31, v21  }
.Ltmp37:
0x283: {  	v34 =	vand.u32 $0x3F, v56;
	v35 =	vand.u32 $0x3F, v40;
	v41 =	vshrl.u32 v41, $0x7;
	v40 =	vld [tilespmem:s22+$0xFFFFFF80];
	(pc) =	sbr.rel @!p4 .LBB2_71-.Ltmp37, $4  }
0x284: {  	v44 =	vshrl.u32 v59, $0x7;
	v46 =	vshrl.u32 v60, $0x7;
	v61 =	vshll.u32 v41, v26;
	v41 =	vld [tilespmem:s23+$0x0]  }
0x285: {  	v62 =	vshll.u32 v44, v26;
	v46 =	vshll.u32 v46, v26;
	v50 =	vor.u32 $0x40, v61;
	[tilespmem:v45+s15+$0x0] =	vst.idx.msk $0xffff, v42;
	v42 =	vld [tilespmem:s22+$0x0]  }
0x286: {  	p3 =	por $0x1, $0x1;
	v44 =	vbroadcast v62, $0x0;
	v63 =	vor.u32 $0x40, v62;
	v46 =	vbroadcast v46, $0x0;
	[tilespmem:v45+s16+$0x0] =	vst.idx.msk $0xffff, v58;
	v45 =	vld [tilespmem:s23+$0x40]  }
0x287: {  	s25 =	simm.s32 $0xB0;
	s28 =	simm.s32 $0x20B0;
	s26 =	simm.s32 $0x4;
	v36 =	vand.u32 $0x3F, v57;
	v48 =	vbroadcast v63, $0x0;
	v43 =	vbroadcast v50, $0x0;
	[tilespmem:v38+s15+$0x0] =	vst.idx.msk $0xffff, v47;
	v47 =	vld [tilespmem:s22+$0x40]  }
.LBB2_72:
0x288: {  	s0 =	sadd.s32 $0x34, s26;
	v49 =	vand.u32 $0x3F, v49;
	v36 =	vor.u32 v36, v46;
	[tilespmem:v38+s16+$0x0] =	vst.idx.msk $0xffff, v40;
	v38 =	vor.u32 v34, v44;
	s25 =	sadd.s32 $0x100, s25;
	s1 =	smov.u32 s26  }
0x289: {  	s29 =	sadd.s32 $0x37, s26;
	s28 =	sadd.s32 $0x100, s28;
	v34 =	vadd.s32 s0, v21;
	s0 =	sadd.s32 $0x36, s26;
	v44 =	vld [tilespmem:s25+$0xFFFFFFC0];
	v48 =	vor.u32 v49, v48;
	v43 =	vor.u32 v35, v43;
	[tilespmem:v37+s15+$0x0] =	vst.idx.msk $0xffff, v41  }
0x28a: {  	s24 =	sadd.s32 $0x100, s24;
	v40 =	vadd.s32 s29, v21;
	s26 =	sadd.s32 $0x4, s26;
	v34 =	vand.u32 $0x3F, v34;
	v35 =	vadd.s32 s0, v21;
	v49 =	vld [tilespmem:s28+$0xFFFFFFC0];
	[tilespmem:v37+s16+$0x0] =	vst.idx.msk $0xffff, v42;
	v37 =	vmovc v36  }
0x28b: {  	s29 =	sadd.s32 $0xFFFFFFC0, s24;
	v41 =	vmov s24;
	s0 =	sadd.s32 $0xFFFFFF40, s24;
	p4 =	slt.u32 s26, $0x7C;
	v36 =	vand.u32 $0x3F, v35;
	v35 =	vand.u32 $0x3F, v40;
	v50 =	vld [tilespmem:s25+$0xFFFFFF80];
	[tilespmem:v39+s15+$0x0] =	vst.idx.msk $0xffff, v45  }
.Ltmp38:
0x28c: {  	v41 =	vshrl.u32 v41, $0x7;
	v42 =	vmov s0;
	v45 =	vmov s29;
	v40 =	vld [tilespmem:s28+$0xFFFFFF80];
	[tilespmem:v39+s16+$0x0] =	vst.idx.msk $0xffff, v47;
	v39 =	vmovc v43;
	(pc) =	sbr.rel @p4 .LBB2_72-.Ltmp38, $4  }
0x28d: {  	v42 =	vshrl.u32 v42, $0x7;
	v43 =	vshrl.u32 v45, $0x7;
	v45 =	vshll.u32 v41, v26;
	v41 =	vld [tilespmem:s25+$0x0]  }
0x28e: {  	v46 =	vshll.u32 v42, v26;
	v43 =	vshll.u32 v43, v26;
	v47 =	vor.u32 $0x40, v45;
	[tilespmem:v48+s15+$0x0] =	vst.idx.msk $0xffff, v44;
	v42 =	vld [tilespmem:s28+$0x0]  }
0x28f: {  	s0 =	sadd.s32 $0x35, s1;
	v44 =	vbroadcast v46, $0x0;
	v51 =	vor.u32 $0x40, v46;
	v46 =	vbroadcast v43, $0x0;
	[tilespmem:v48+s16+$0x0] =	vst.idx.msk $0xffff, v49;
	v45 =	vld [tilespmem:s25+$0x40]  }
0x290: {  	v43 =	vbroadcast v47, $0x0;
	v49 =	vadd.s32 s0, v21;
	v48 =	vbroadcast v51, $0x0;
	[tilespmem:v38+s15+$0x0] =	vst.idx.msk $0xffff, v50;
	v47 =	vld [tilespmem:s28+$0x40]  }
.LBB2_73:
0x291: {  	_ =	sdelay $0x1  }
0x292: {  	s0 =	sadd.s32 @p3 $0x100, s25  }
0x293: {  	v49 =	vand.u32 $0x3F, v49;
	s23 =	smov.u32 @p3 s0  }
0x294: {  	[tilespmem:v38+s16+$0x0] =	vst.idx.msk @p3 $0xffff, v40;
	v56 =	vor.u32 v49, v48;
	v55 =	vld [tilespmem:s23+$0xFFFFFFC0]  }
0x295: {  	v34 =	vor.u32 v34, v44;
	[tilespmem:v37+s15+$0x0] =	vst.idx.msk @p3 $0xffff, v41;
	v58 =	vld [tilespmem:s23+$0xFFFFFF80]  }
0x296: {  	v36 =	vor.u32 v36, v46;
	s0 =	sadd.s32 @p3 $0x100, s28;
	[tilespmem:v37+s16+$0x0] =	vst.idx.msk @p3 $0xffff, v42;
	v60 =	vld [tilespmem:s23+$0x0]  }
0x297: {  	v35 =	vor.u32 v35, v43;
	s22 =	smov.u32 @p3 s0;
	v62 =	vld [tilespmem:s23+$0x40];
	[tilespmem:v39+s15+$0x0] =	vst.idx.msk @p3 $0xffff, v45  }
0x298: {  	v57 =	vld [tilespmem:s22+$0xFFFFFFC0];
	[tilespmem:v39+s16+$0x0] =	vst.idx.msk @p3 $0xffff, v47  }
0x299: {  	v59 =	vld [tilespmem:s22+$0xFFFFFF80];
	[tilespmem:v56+s15+$0x0] =	vst.idx.msk $0xffff, v55  }
0x29a: {  	v61 =	vld [tilespmem:s22+$0x0];
	[tilespmem:v34+s15+$0x0] =	vst.idx.msk $0xffff, v58  }
0x29b: {  	v63 =	vld [tilespmem:s22+$0x40];
	p3 =	por $0x1, $0x1;
	[tilespmem:v36+s15+$0x0] =	vst.idx.msk $0xffff, v60  }
.Ltmp39:
0x29c: {  	[tilespmem:v35+s15+$0x0] =	vst.idx.msk $0xffff, v62;
	(pc) =	sbr.rel @!p3 .LBB2_74-.Ltmp39, $4  }
0x29d: {  	[tilespmem:v56+s16+$0x0] =	vst.idx.msk $0xffff, v57  }
0x29e: {  	[tilespmem:v34+s16+$0x0] =	vst.idx.msk $0xffff, v59  }
0x29f: {  	s25 =	simm.s32 $0x3;
	[tilespmem:v36+s16+$0x0] =	vst.idx.msk $0xffff, v61  }
0x2a0: {  	s24 =	simm.s32 $0x4;
	s23 =	simm.s32 $0x0;
	s22 =	simm.s32 $0x8200;
	[tilespmem:v35+s16+$0x0] =	vst.idx.msk $0xffff, v63  }
0x2a1: {  	v34 =	vadd.s32 s25, v21  }
0x2a2: {  	v34 =	vand.u32 $0x3F, v34  }
0x2a3: {  	p4 =	por $0x1, $0x1;
	v44 =	vor.u32 v23, v34  }
.Ltmp40:
0x2a4: {  	_ = 	snop;
	(pc) =	sbr.rel @!p4 .LBB2_76-.Ltmp40, $4  }
0x2a5: {  	s0 =	simm.s32 $0x1;
	s1 =	simm.s32 $0x2  }
0x2a6: {  	v36 =	vadd.s32 s23, v21;
	v63 =	vadd.s32 s0, v21;
	v35 =	vadd.s32 s1, v21  }
0x2a7: {  	v38 =	vand.u32 $0x3F, v36;
	v34 =	vand.u32 $0x3F, v63;
	v35 =	vand.u32 $0x3F, v35  }
0x2a8: {  	s25 =	simm.s32 $0x7;
	s23 =	simm.s32 $0x8;
	p3 =	por $0x1, $0x1;
	v37 =	vor.u32 v23, v34;
	v36 =	vor.u32 v23, v35;
	v34 =	vor.u32 v23, v38;
	v35 =	vld.idx.msk [tilespmem:v44+s16+$0x0], $0xffff  }
0x2a9: {  	_ =	sdelay $0x3  }
0x2aa: {  	v45 =	vld.idx.msk [tilespmem:v37+s15+$0x0], $0xffff  }
0x2ab: {  	v38 =	vadd.s32 s25, v21;
	v46 =	vld.idx.msk [tilespmem:v37+s16+$0x0], $0xffff;
	s0 =	simm.s32 $0x5  }
0x2ac: {  	v40 =	vld.idx.msk [tilespmem:v36+s16+$0x0], $0xffff;
	v38 =	vand.u32 $0x3F, v38;
	v61 =	vadd.s32 s0, v21  }
0x2ad: {  	s31 =	simm.s32 $0x6;
	p4 =	por $0x1, $0x1;
	v43 =	vor.u32 v23, v38;
	v38 =	vld.idx.msk [tilespmem:v36+s15+$0x0], $0xffff;
	v36 =	vand.u32 $0x3F, v61  }
.Ltmp41:
0x2ae: {  	v42 =	vadd.s32 s31, v21;
	v37 =	vor.u32 v23, v36;
	(pc) =	sbr.rel @!p4 .LBB2_78-.Ltmp41, $4  }
0x2af: {  	v39 =	vld.idx.msk [tilespmem:v44+s15+$0x0], $0xffff;
	v63 =	vand.u32 $0x3F, v42  }
0x2b0: {  	v41 =	vld.idx.msk [tilespmem:v34+s15+$0x0], $0xffff;
	v62 =	vadd.s32 s24, v21;
	v36 =	vor.u32 v23, v63;
	[tilespmem:s22+$0x180] =	vst v35  }
0x2b1: {  	s25 =	simm.s32 $0xB;
	v44 =	vand.u32 $0x3F, v62;
	v42 =	vld.idx.msk [tilespmem:v34+s16+$0x0], $0xffff;
	[tilespmem:s22+$0xFFFFFF00] =	vst v45  }
0x2b2: {  	s26 =	simm.s32 $0xC;
	p2 =	por $0x1, $0x1;
	s24 =	simm.s32 $0x8200;
	v34 =	vor.u32 v23, v44;
	[tilespmem:s22+$0xFFFFFF80] =	vst v46;
	v35 =	vld.idx.msk [tilespmem:v43+s16+$0x0], $0xffff  }
.LBB2_79:
0x2b3: {  	p4 =	slt.u32 s26, $0x3C;
	s0 =	sadd.s32 $0x1, s23;
	v44 =	vadd.s32 s25, v21;
	v45 =	vld.idx.msk [tilespmem:v37+s15+$0x0], $0xffff;
	[tilespmem:s24+$0x0] =	vst v38  }
0x2b4: {  	v38 =	vadd.s32 s0, v21;
	v44 =	vand.u32 $0x3F, v44;
	v46 =	vld.idx.msk [tilespmem:v37+s16+$0x0], $0xffff;
	[tilespmem:s24+$0x80] =	vst v40  }
0x2b5: {  	s0 =	sadd.s32 $0x2, s23;
	v37 =	vand.u32 $0x3F, v38;
	v44 =	vor.u32 v23, v44;
	v38 =	vld.idx.msk [tilespmem:v36+s15+$0x0], $0xffff;
	[tilespmem:s24+$0xFFFFFE00] =	vst v41  }
.Ltmp42:
0x2b6: {  	v41 =	vadd.s32 s0, v21;
	v37 =	vor.u32 v23, v37;
	v40 =	vld.idx.msk [tilespmem:v36+s16+$0x0], $0xffff;
	[tilespmem:s24+$0x100] =	vst v39;
	(pc) =	sbr.rel @p4 .LBB2_79-.Ltmp42, $4  }
0x2b7: {  	v36 =	vand.u32 $0x3F, v41;
	v41 =	vld.idx.msk [tilespmem:v34+s15+$0x0], $0xffff;
	[tilespmem:s24+$0xFFFFFE80] =	vst v42;
	s24 =	sadd.s32 $0x400, s24  }
0x2b8: {  	v42 =	vadd.s32 s23, v21;
	v36 =	vor.u32 v23, v36;
	s23 =	smov.u32 s26;
	v39 =	vld.idx.msk [tilespmem:v43+s15+$0x0], $0xffff;
	[tilespmem:s24+$0x180] =	vst v35;
	v43 =	vmov v44  }
0x2b9: {  	v35 =	vand.u32 $0x3F, v42;
	v42 =	vld.idx.msk [tilespmem:v34+s16+$0x0], $0xffff;
	[tilespmem:s24+$0xFFFFFF00] =	vst v45  }
0x2ba: {  	s26 =	sadd.s32 $0x4, s26;
	s25 =	sadd.s32 $0x3, s23;
	v34 =	vor.u32 v23, v35;
	v35 =	vld.idx.msk [tilespmem:v44+s16+$0x0], $0xffff;
	[tilespmem:s24+$0xFFFFFF80] =	vst v46  }
0x2bb: {  	v44 =	vmov v43  }
.LBB2_81:
0x2bc: {  	_ =	sdelay $0x3  }
0x2bd: {  	v43 =	vld.idx.msk @p3 [tilespmem:v37+s15+$0x0], $0xffff  }
0x2be: {  	[tilespmem:s24+$0x0] =	vst @p2 v38;
	v37 =	vld.idx.msk @p3 [tilespmem:v37+s16+$0x0], $0xffff  }
0x2bf: {  	v45 =	vadd.s32 s25, v21;
	[tilespmem:s24+$0x80] =	vst @p2 v40;
	v40 =	vld.idx.msk @p3 [tilespmem:v36+s15+$0x0], $0xffff  }
0x2c0: {  	s0 =	sadd.s32 $0x1, s23;
	[tilespmem:s24+$0xFFFFFE00] =	vst @p2 v41;
	v36 =	vld.idx.msk @p3 [tilespmem:v36+s16+$0x0], $0xffff;
	v45 =	vand.u32 $0x3F, v45  }
0x2c1: {  	s1 =	simm.s32 $0x8200;
	v49 =	vadd.s32 s0, v21;
	[tilespmem:s24+$0x100] =	vst @p2 v39;
	v39 =	vld.idx.msk @p3 [tilespmem:v34+s15+$0x0], $0xffff;
	s0 =	sadd.s32 @p2 $0x400, s24;
	v45 =	vor.u32 v23, v45  }
0x2c2: {  	s26 =	sadd.s32 $0x2, s23;
	v34 =	vld.idx.msk @p3 [tilespmem:v34+s16+$0x0], $0xffff;
	v38 =	vand.u32 $0x3F, v49;
	[tilespmem:s24+$0xFFFFFE80] =	vst @p2 v42;
	s1 =	smov.u32 @p2 s0  }
0x2c3: {  	v50 =	vadd.s32 s26, v21;
	v42 =	vld.idx.msk @p3 [tilespmem:v44+s15+$0x0], $0xffff;
	v38 =	vor.u32 v23, v38;
	[tilespmem:s1+$0x180] =	vst @p3 v35  }
0x2c4: {  	v41 =	vand.u32 $0x3F, v50;
	[tilespmem:s1+$0xFFFFFF00] =	vst @p3 v43  }
0x2c5: {  	v51 =	vadd.s32 s23, v21;
	v41 =	vor.u32 v23, v41;
	[tilespmem:s1+$0xFFFFFF80] =	vst @p3 v37;
	v37 =	vpsel p3, v40, v0  }
0x2c6: {  	v35 =	vand.u32 $0x3F, v51;
	v36 =	vpsel p3, v36, v0;
	[tilespmem:s1+$0x0] =	vst @p3 v37;
	v52 =	vld.idx.msk [tilespmem:v45+s16+$0x0], $0xffff  }
0x2c7: {  	v35 =	vor.u32 v23, v35;
	v37 =	vpsel p3, v39, v0;
	[tilespmem:s1+$0x80] =	vst @p3 v36;
	v56 =	vld.idx.msk [tilespmem:v45+s15+$0x0], $0xffff  }
0x2c8: {  	v34 =	vpsel p3, v34, v0;
	[tilespmem:s1+$0xFFFFFE00] =	vst @p3 v37;
	v53 =	vld.idx.msk [tilespmem:v38+s15+$0x0], $0xffff  }
0x2c9: {  	s0 =	sadd.s32 @p3 $0x400, s1;
	v36 =	vpsel p3, v42, v0;
	[tilespmem:s1+$0xFFFFFE80] =	vst @p3 v34;
	v38 =	vld.idx.msk [tilespmem:v38+s16+$0x0], $0xffff  }
0x2ca: {  	s22 =	smov.u32 @p3 s0;
	v54 =	vld.idx.msk [tilespmem:v41+s15+$0x0], $0xffff;
	[tilespmem:s1+$0x100] =	vst @p3 v36  }
0x2cb: {  	v55 =	vld.idx.msk [tilespmem:v41+s16+$0x0], $0xffff;
	[tilespmem:s22+$0x180] =	vst v52  }
0x2cc: {  	v57 =	vld.idx.msk [tilespmem:v35+s15+$0x0], $0xffff;
	[tilespmem:s22+$0x100] =	vst v56  }
0x2cd: {  	p3 =	por $0x1, $0x1;
	v35 =	vld.idx.msk [tilespmem:v35+s16+$0x0], $0xffff;
	[tilespmem:s22+$0xFFFFFF00] =	vst v53  }
.Ltmp43:
0x2ce: {  	s28 =	simm.s32 $0x10;
	s29 =	simm.s32 $0x13;
	[tilespmem:s22+$0xFFFFFF80] =	vst v38;
	(pc) =	sbr.rel @!p3 .LBB2_82-.Ltmp43, $4  }
0x2cf: {  	s30 =	simm.s32 $0x11;
	s31 =	simm.s32 $0x12;
	v58 =	vadd.s32 s28, v21;
	v60 =	vadd.s32 s29, v21;
	[tilespmem:s22+$0x0] =	vst v54  }
0x2d0: {  	v61 =	vadd.s32 s30, v21;
	v63 =	vadd.s32 s31, v21;
	v59 =	vand.u32 $0x3F, v58;
	[tilespmem:s22+$0x80] =	vst v55  }
0x2d1: {  	v62 =	vand.u32 $0x3F, v60;
	v46 =	vand.u32 $0x3F, v63;
	v37 =	vand.u32 $0x3F, v61;
	[tilespmem:s22+$0xFFFFFE00] =	vst v57  }
0x2d2: {  	s23 =	simm.s32 $0x8210;
	p2 =	por $0x0, $0x0;
	v34 =	vor.u32 v27, v59;
	v45 =	vor.u32 v27, v62;
	v36 =	vor.u32 v27, v37;
	[tilespmem:s22+$0xFFFFFE80] =	vst v35  }
0x2d3: {  	_ =	sdelay $0x3  }
0x2d4: {  	v35 =	vld.idx.msk [tilespmem:v34+s15+$0x0], $0xffff;
	s0 =	simm.s32 $0x14  }
0x2d5: {  	v42 =	vor.u32 v27, v46;
	v43 =	vld.idx.msk [tilespmem:v45+s16+$0x0], $0xffff;
	s1 =	simm.s32 $0x17;
	v60 =	vadd.s32 s0, v21  }
0x2d6: {  	v37 =	vld.idx.msk [tilespmem:v34+s16+$0x0], $0xffff;
	p5 =	por $0x1, $0x1;
	v40 =	vadd.s32 s1, v21;
	v34 =	vand.u32 $0x3F, v60  }
.Ltmp44:
0x2d7: {  	v38 =	vld.idx.msk [tilespmem:v36+s15+$0x0], $0xffff;
	s30 =	simm.s32 $0x15;
	v61 =	vand.u32 $0x3F, v40;
	v34 =	vor.u32 v27, v34;
	(pc) =	sbr.rel @!p5 .LBB2_84-.Ltmp44, $4  }
0x2d8: {  	v39 =	vld.idx.msk [tilespmem:v36+s16+$0x0], $0xffff;
	v41 =	vadd.s32 s30, v21;
	v44 =	vor.u32 v27, v61  }
0x2d9: {  	s31 =	simm.s32 $0x16;
	v62 =	vand.u32 $0x3F, v41;
	v41 =	vld.idx.msk [tilespmem:v45+s15+$0x0], $0xffff  }
0x2da: {  	v63 =	vadd.s32 s31, v21;
	v36 =	vor.u32 v27, v62;
	v40 =	vld.idx.msk [tilespmem:v42+s15+$0x0], $0xffff  }
0x2db: {  	s24 =	simm.s32 $0x4;
	p4 =	por $0x1, $0x1;
	s22 =	simm.s32 $0x8210;
	v46 =	vand.u32 $0x3F, v63;
	v42 =	vld.idx.msk [tilespmem:v42+s16+$0x0], $0xffff;
	[tilespmem:s23+$0x180] =	vst v43;
	v43 =	vmov v44  }
.LBB2_85:
0x2dc: {  	s0 =	sadd.s32 $0x14, s24;
	v45 =	vor.u32 v27, v46;
	[tilespmem:s22+$0xFFFFFE00] =	vst v35;
	v35 =	vld.idx.msk [tilespmem:v34+s15+$0x0], $0xffff;
	s1 =	smov.u32 s24  }
0x2dd: {  	s24 =	sadd.s32 $0x4, s24;
	v46 =	vadd.s32 s0, v21;
	s0 =	sadd.s32 $0x17, s1;
	v47 =	vld.idx.msk [tilespmem:v44+s16+$0x0], $0xffff;
	[tilespmem:s22+$0xFFFFFE80] =	vst v37  }
0x2de: {  	p5 =	slt.u32 s24, $0x3C;
	v44 =	vand.u32 $0x3F, v46;
	v46 =	vadd.s32 s0, v21;
	v37 =	vld.idx.msk [tilespmem:v34+s16+$0x0], $0xffff;
	[tilespmem:s22+$0xFFFFFF00] =	vst v38  }
.Ltmp45:
0x2df: {  	s0 =	sadd.s32 $0x15, s1;
	v34 =	vor.u32 v27, v44;
	v44 =	vand.u32 $0x3F, v46;
	v38 =	vld.idx.msk [tilespmem:v36+s15+$0x0], $0xffff;
	[tilespmem:s22+$0xFFFFFF80] =	vst v39;
	(pc) =	sbr.rel @p5 .LBB2_85-.Ltmp45, $4  }
0x2e0: {  	v46 =	vadd.s32 s0, v21;
	v44 =	vor.u32 v27, v44;
	v39 =	vld.idx.msk [tilespmem:v36+s16+$0x0], $0xffff;
	[tilespmem:s22+$0x0] =	vst v40  }
0x2e1: {  	s0 =	sadd.s32 $0x16, s1;
	v36 =	vand.u32 $0x3F, v46;
	v40 =	vld.idx.msk [tilespmem:v45+s15+$0x0], $0xffff;
	[tilespmem:s22+$0x80] =	vst v42  }
0x2e2: {  	v46 =	vadd.s32 s0, v21;
	v36 =	vor.u32 v27, v36;
	v42 =	vld.idx.msk [tilespmem:v45+s16+$0x0], $0xffff;
	[tilespmem:s22+$0x100] =	vst v41;
	s22 =	sadd.s32 $0x400, s22  }
0x2e3: {  	v46 =	vand.u32 $0x3F, v46;
	v41 =	vld.idx.msk [tilespmem:v43+s15+$0x0], $0xffff;
	[tilespmem:s22+$0x180] =	vst v47;
	v43 =	vmov v44  }
0x2e4: {  	v45 =	vmov v44  }
.LBB2_87:
0x2e5: {  	_ =	sdelay $0x1  }
0x2e6: {  	[tilespmem:s22+$0xFFFFFE00] =	vst @p4 v35  }
0x2e7: {  	[tilespmem:s22+$0xFFFFFE80] =	vst @p4 v37  }
0x2e8: {  	v44 =	vld.idx.msk [tilespmem:v45+s16+$0x0], $0xffff;
	[tilespmem:s22+$0xFFFFFF00] =	vst @p4 v38  }
0x2e9: {  	v53 =	vld.idx.msk [tilespmem:v34+s15+$0x0], $0xffff;
	v54 =	vor.u32 v27, v46;
	[tilespmem:s22+$0xFFFFFF80] =	vst @p4 v39  }
0x2ea: {  	v55 =	vld.idx.msk [tilespmem:v34+s16+$0x0], $0xffff;
	[tilespmem:s22+$0x0] =	vst @p4 v40  }
0x2eb: {  	v56 =	vld.idx.msk [tilespmem:v36+s15+$0x0], $0xffff;
	s0 =	sadd.s32 @p4 $0x400, s22;
	[tilespmem:s22+$0x80] =	vst @p4 v42  }
0x2ec: {  	v57 =	vld.idx.msk [tilespmem:v36+s16+$0x0], $0xffff;
	s23 =	smov.u32 @p4 s0;
	[tilespmem:s22+$0x100] =	vst @p4 v41  }
0x2ed: {  	v58 =	vld.idx.msk [tilespmem:v43+s15+$0x0], $0xffff;
	[tilespmem:s23+$0x180] =	vst v44  }
0x2ee: {  	v59 =	vld.idx.msk [tilespmem:v54+s15+$0x0], $0xffff;
	[tilespmem:s23+$0xFFFFFE00] =	vst v53  }
0x2ef: {  	v37 =	vld.idx.msk [tilespmem:v54+s16+$0x0], $0xffff;
	[tilespmem:s23+$0xFFFFFE80] =	vst v55  }
.Ltmp46:
0x2f0: {  	s29 =	simm.s32 $0x20;
	s30 =	simm.s32 $0x23;
	[tilespmem:s23+$0xFFFFFF00] =	vst v56;
	(pc) =	sbr.rel @!p3 .LBB2_88-.Ltmp46, $4  }
0x2f1: {  	s1 =	simm.s32 $0x21;
	s31 =	simm.s32 $0x22;
	v60 =	vadd.s32 s29, v21;
	v61 =	vadd.s32 s30, v21;
	[tilespmem:s23+$0xFFFFFF80] =	vst v57  }
0x2f2: {  	v62 =	vadd.s32 s1, v21;
	v63 =	vadd.s32 s31, v21;
	v34 =	vand.u32 $0x3F, v60;
	[tilespmem:s23+$0x100] =	vst v58  }
0x2f3: {  	v35 =	vand.u32 $0x3F, v61;
	v36 =	vand.u32 $0x3F, v62;
	v46 =	vand.u32 $0x3F, v63;
	[tilespmem:s23+$0x0] =	vst v59  }
0x2f4: {  	v34 =	vor.u32 v28, v34;
	s22 =	simm.s32 $0x8220;
	v45 =	vor.u32 v28, v35;
	v36 =	vor.u32 v28, v36;
	[tilespmem:s23+$0x80] =	vst v37  }
0x2f5: {  	_ =	sdelay $0x3  }
0x2f6: {  	v35 =	vld.idx.msk [tilespmem:v34+s15+$0x0], $0xffff;
	s0 =	simm.s32 $0x24  }
0x2f7: {  	v42 =	vor.u32 v28, v46;
	v43 =	vld.idx.msk [tilespmem:v45+s16+$0x0], $0xffff;
	s1 =	simm.s32 $0x27;
	v60 =	vadd.s32 s0, v21  }
0x2f8: {  	v37 =	vld.idx.msk [tilespmem:v34+s16+$0x0], $0xffff;
	p3 =	por $0x1, $0x1;
	v40 =	vadd.s32 s1, v21;
	v34 =	vand.u32 $0x3F, v60  }
.Ltmp47:
0x2f9: {  	v38 =	vld.idx.msk [tilespmem:v36+s15+$0x0], $0xffff;
	s30 =	simm.s32 $0x25;
	v61 =	vand.u32 $0x3F, v40;
	v34 =	vor.u32 v28, v34;
	(pc) =	sbr.rel @!p3 .LBB2_90-.Ltmp47, $4  }
0x2fa: {  	v39 =	vld.idx.msk [tilespmem:v36+s16+$0x0], $0xffff;
	v41 =	vadd.s32 s30, v21;
	v44 =	vor.u32 v28, v61  }
0x2fb: {  	s31 =	simm.s32 $0x26;
	v62 =	vand.u32 $0x3F, v41;
	v41 =	vld.idx.msk [tilespmem:v45+s15+$0x0], $0xffff  }
0x2fc: {  	v63 =	vadd.s32 s31, v21;
	v36 =	vor.u32 v28, v62;
	v40 =	vld.idx.msk [tilespmem:v42+s15+$0x0], $0xffff  }
0x2fd: {  	s24 =	simm.s32 $0x4;
	p2 =	por $0x1, $0x1;
	s23 =	simm.s32 $0x8220;
	v46 =	vand.u32 $0x3F, v63;
	v42 =	vld.idx.msk [tilespmem:v42+s16+$0x0], $0xffff;
	[tilespmem:s22+$0x180] =	vst v43;
	v43 =	vmov v44  }
.LBB2_91:
0x2fe: {  	s0 =	sadd.s32 $0x24, s24;
	v45 =	vor.u32 v28, v46;
	[tilespmem:s23+$0xFFFFFE00] =	vst v35;
	v35 =	vld.idx.msk [tilespmem:v34+s15+$0x0], $0xffff;
	s1 =	smov.u32 s24  }
0x2ff: {  	s24 =	sadd.s32 $0x4, s24;
	v46 =	vadd.s32 s0, v21;
	s0 =	sadd.s32 $0x27, s1;
	v47 =	vld.idx.msk [tilespmem:v44+s16+$0x0], $0xffff;
	[tilespmem:s23+$0xFFFFFE80] =	vst v37  }
0x300: {  	p3 =	slt.u32 s24, $0x3C;
	v44 =	vand.u32 $0x3F, v46;
	v46 =	vadd.s32 s0, v21;
	v37 =	vld.idx.msk [tilespmem:v34+s16+$0x0], $0xffff;
	[tilespmem:s23+$0xFFFFFF00] =	vst v38  }
.Ltmp48:
0x301: {  	s0 =	sadd.s32 $0x25, s1;
	v34 =	vor.u32 v28, v44;
	v44 =	vand.u32 $0x3F, v46;
	v38 =	vld.idx.msk [tilespmem:v36+s15+$0x0], $0xffff;
	[tilespmem:s23+$0xFFFFFF80] =	vst v39;
	(pc) =	sbr.rel @p3 .LBB2_91-.Ltmp48, $4  }
0x302: {  	v46 =	vadd.s32 s0, v21;
	v44 =	vor.u32 v28, v44;
	v39 =	vld.idx.msk [tilespmem:v36+s16+$0x0], $0xffff;
	[tilespmem:s23+$0x0] =	vst v40  }
0x303: {  	s0 =	sadd.s32 $0x26, s1;
	v36 =	vand.u32 $0x3F, v46;
	v40 =	vld.idx.msk [tilespmem:v45+s15+$0x0], $0xffff;
	[tilespmem:s23+$0x80] =	vst v42  }
0x304: {  	v46 =	vadd.s32 s0, v21;
	v36 =	vor.u32 v28, v36;
	v42 =	vld.idx.msk [tilespmem:v45+s16+$0x0], $0xffff;
	[tilespmem:s23+$0x100] =	vst v41;
	s23 =	sadd.s32 $0x400, s23  }
0x305: {  	v46 =	vand.u32 $0x3F, v46;
	v41 =	vld.idx.msk [tilespmem:v43+s15+$0x0], $0xffff;
	[tilespmem:s23+$0x180] =	vst v47;
	v43 =	vmov v44  }
0x306: {  	v45 =	vmov v44  }
.LBB2_93:
0x307: {  	_ =	sdelay $0x1  }
0x308: {  	[tilespmem:s23+$0xFFFFFE00] =	vst @p2 v35  }
0x309: {  	[tilespmem:s23+$0xFFFFFE80] =	vst @p2 v37  }
0x30a: {  	v44 =	vld.idx.msk [tilespmem:v45+s16+$0x0], $0xffff;
	[tilespmem:s23+$0xFFFFFF00] =	vst @p2 v38  }
0x30b: {  	v53 =	vld.idx.msk [tilespmem:v34+s15+$0x0], $0xffff;
	v54 =	vor.u32 v28, v46;
	[tilespmem:s23+$0xFFFFFF80] =	vst @p2 v39  }
0x30c: {  	v55 =	vld.idx.msk [tilespmem:v34+s16+$0x0], $0xffff;
	[tilespmem:s23+$0x0] =	vst @p2 v40  }
0x30d: {  	v56 =	vld.idx.msk [tilespmem:v36+s15+$0x0], $0xffff;
	s0 =	sadd.s32 @p2 $0x400, s23;
	[tilespmem:s23+$0x80] =	vst @p2 v42  }
0x30e: {  	v57 =	vld.idx.msk [tilespmem:v36+s16+$0x0], $0xffff;
	s22 =	smov.u32 @p2 s0;
	[tilespmem:s23+$0x100] =	vst @p2 v41  }
0x30f: {  	v58 =	vld.idx.msk [tilespmem:v43+s15+$0x0], $0xffff;
	[tilespmem:s22+$0x180] =	vst v44  }
0x310: {  	v59 =	vld.idx.msk [tilespmem:v54+s15+$0x0], $0xffff;
	[tilespmem:s22+$0xFFFFFE00] =	vst v53  }
0x311: {  	p3 =	por $0x1, $0x1;
	v37 =	vld.idx.msk [tilespmem:v54+s16+$0x0], $0xffff;
	[tilespmem:s22+$0xFFFFFE80] =	vst v55  }
.Ltmp49:
0x312: {  	s29 =	simm.s32 $0x30;
	s30 =	simm.s32 $0x33;
	[tilespmem:s22+$0xFFFFFF00] =	vst v56;
	(pc) =	sbr.rel @!p3 .LBB2_94-.Ltmp49, $4  }
0x313: {  	s1 =	simm.s32 $0x31;
	s31 =	simm.s32 $0x32;
	v60 =	vadd.s32 s29, v21;
	v61 =	vadd.s32 s30, v21;
	[tilespmem:s22+$0xFFFFFF80] =	vst v57  }
0x314: {  	v62 =	vadd.s32 s1, v21;
	v63 =	vadd.s32 s31, v21;
	v34 =	vand.u32 $0x3F, v60;
	[tilespmem:s22+$0x100] =	vst v58  }
0x315: {  	v35 =	vand.u32 $0x3F, v61;
	v36 =	vand.u32 $0x3F, v62;
	v46 =	vand.u32 $0x3F, v63;
	[tilespmem:s22+$0x0] =	vst v59  }
0x316: {  	s24 =	simm.s32 $0x8230;
	v34 =	vor.u32 v29, v34;
	v45 =	vor.u32 v29, v35;
	v36 =	vor.u32 v29, v36;
	p2 =	por $0x0, $0x0;
	[tilespmem:s22+$0x80] =	vst v37  }
0x317: {  	_ =	sdelay $0x3  }
0x318: {  	v35 =	vld.idx.msk [tilespmem:v34+s15+$0x0], $0xffff;
	s0 =	simm.s32 $0x34  }
0x319: {  	v42 =	vor.u32 v29, v46;
	v43 =	vld.idx.msk [tilespmem:v45+s16+$0x0], $0xffff;
	s1 =	simm.s32 $0x37;
	v60 =	vadd.s32 s0, v21  }
0x31a: {  	v37 =	vld.idx.msk [tilespmem:v34+s16+$0x0], $0xffff;
	p4 =	por $0x1, $0x1;
	v40 =	vadd.s32 s1, v21;
	v34 =	vand.u32 $0x3F, v60  }
.Ltmp50:
0x31b: {  	v38 =	vld.idx.msk [tilespmem:v36+s15+$0x0], $0xffff;
	s30 =	simm.s32 $0x35;
	v61 =	vand.u32 $0x3F, v40;
	v34 =	vor.u32 v29, v34;
	(pc) =	sbr.rel @!p4 .LBB2_96-.Ltmp50, $4  }
0x31c: {  	v39 =	vld.idx.msk [tilespmem:v36+s16+$0x0], $0xffff;
	v41 =	vadd.s32 s30, v21;
	v44 =	vor.u32 v29, v61  }
0x31d: {  	s31 =	simm.s32 $0x36;
	v62 =	vand.u32 $0x3F, v41;
	v41 =	vld.idx.msk [tilespmem:v45+s15+$0x0], $0xffff  }
0x31e: {  	v63 =	vadd.s32 s31, v21;
	v36 =	vor.u32 v29, v62;
	v40 =	vld.idx.msk [tilespmem:v42+s15+$0x0], $0xffff  }
0x31f: {  	s23 =	simm.s32 $0x4;
	p3 =	por $0x1, $0x1;
	s22 =	simm.s32 $0x8230;
	v46 =	vand.u32 $0x3F, v63;
	v42 =	vld.idx.msk [tilespmem:v42+s16+$0x0], $0xffff;
	[tilespmem:s24+$0x180] =	vst v43;
	v43 =	vmov v44  }
.LBB2_97:
0x320: {  	s0 =	sadd.s32 $0x34, s23;
	v45 =	vor.u32 v29, v46;
	[tilespmem:s22+$0xFFFFFE00] =	vst v35;
	v35 =	vld.idx.msk [tilespmem:v34+s15+$0x0], $0xffff;
	s1 =	smov.u32 s23  }
0x321: {  	s23 =	sadd.s32 $0x4, s23;
	v46 =	vadd.s32 s0, v21;
	s0 =	sadd.s32 $0x37, s1;
	v47 =	vld.idx.msk [tilespmem:v44+s16+$0x0], $0xffff;
	[tilespmem:s22+$0xFFFFFE80] =	vst v37  }
0x322: {  	p4 =	slt.u32 s23, $0x3C;
	v44 =	vand.u32 $0x3F, v46;
	v46 =	vadd.s32 s0, v21;
	v37 =	vld.idx.msk [tilespmem:v34+s16+$0x0], $0xffff;
	[tilespmem:s22+$0xFFFFFF00] =	vst v38  }
.Ltmp51:
0x323: {  	s0 =	sadd.s32 $0x35, s1;
	v34 =	vor.u32 v29, v44;
	v44 =	vand.u32 $0x3F, v46;
	v38 =	vld.idx.msk [tilespmem:v36+s15+$0x0], $0xffff;
	[tilespmem:s22+$0xFFFFFF80] =	vst v39;
	(pc) =	sbr.rel @p4 .LBB2_97-.Ltmp51, $4  }
0x324: {  	v46 =	vadd.s32 s0, v21;
	v44 =	vor.u32 v29, v44;
	v39 =	vld.idx.msk [tilespmem:v36+s16+$0x0], $0xffff;
	[tilespmem:s22+$0x0] =	vst v40  }
0x325: {  	s0 =	sadd.s32 $0x36, s1;
	v36 =	vand.u32 $0x3F, v46;
	v40 =	vld.idx.msk [tilespmem:v45+s15+$0x0], $0xffff;
	[tilespmem:s22+$0x80] =	vst v42  }
0x326: {  	v46 =	vadd.s32 s0, v21;
	v36 =	vor.u32 v29, v36;
	v42 =	vld.idx.msk [tilespmem:v45+s16+$0x0], $0xffff;
	[tilespmem:s22+$0x100] =	vst v41;
	s22 =	sadd.s32 $0x400, s22  }
0x327: {  	v46 =	vand.u32 $0x3F, v46;
	v41 =	vld.idx.msk [tilespmem:v43+s15+$0x0], $0xffff;
	[tilespmem:s22+$0x180] =	vst v47;
	v43 =	vmov v44  }
0x328: {  	v45 =	vmov v44  }
.LBB2_99:
0x329: {  	_ =	sdelay $0x1  }
0x32a: {  	[tilespmem:s22+$0xFFFFFE00] =	vst @p3 v35  }
0x32b: {  	[tilespmem:s22+$0xFFFFFE80] =	vst @p3 v37  }
0x32c: {  	v44 =	vld.idx.msk [tilespmem:v45+s16+$0x0], $0xffff;
	[tilespmem:s22+$0xFFFFFF00] =	vst @p3 v38  }
0x32d: {  	v57 =	vld.idx.msk [tilespmem:v34+s15+$0x0], $0xffff;
	v58 =	vor.u32 v29, v46;
	[tilespmem:s22+$0xFFFFFF80] =	vst @p3 v39  }
0x32e: {  	v59 =	vld.idx.msk [tilespmem:v34+s16+$0x0], $0xffff;
	[tilespmem:s22+$0x0] =	vst @p3 v40  }
0x32f: {  	v60 =	vld.idx.msk [tilespmem:v36+s15+$0x0], $0xffff;
	s0 =	sadd.s32 @p3 $0x400, s22;
	[tilespmem:s22+$0x80] =	vst @p3 v42  }
0x330: {  	v61 =	vld.idx.msk [tilespmem:v36+s16+$0x0], $0xffff;
	s24 =	smov.u32 @p3 s0;
	[tilespmem:s22+$0x100] =	vst @p3 v41  }
0x331: {  	v62 =	vld.idx.msk [tilespmem:v43+s15+$0x0], $0xffff;
	[tilespmem:s24+$0x180] =	vst v44  }
0x332: {  	v63 =	vld.idx.msk [tilespmem:v58+s15+$0x0], $0xffff;
	[tilespmem:s24+$0xFFFFFE00] =	vst v57  }
0x333: {  	p3 =	por $0x1, $0x1;
	v37 =	vld.idx.msk [tilespmem:v58+s16+$0x0], $0xffff;
	[tilespmem:s24+$0xFFFFFE80] =	vst v59  }
.Ltmp52:
0x334: {  	[tilespmem:s24+$0xFFFFFF00] =	vst v60;
	(pc) =	sbr.rel @!p3 .LBB2_100-.Ltmp52, $4  }
0x335: {  	[tilespmem:s24+$0xFFFFFF80] =	vst v61  }
0x336: {  	[tilespmem:s24+$0x100] =	vst v62  }
0x337: {  	s23 =	simm.s32 $0x0;
	[tilespmem:s24+$0x0] =	vst v63  }
0x338: {  	s25 =	simm.s32 $0x43;
	s22 =	simm.s32 $0x8240;
	[tilespmem:s24+$0x80] =	vst v37;
	s24 =	simm.s32 $0x4  }
0x339: {  	v34 =	vadd.s32 s25, v21  }
0x33a: {  	v34 =	vand.u32 $0x3F, v34  }
0x33b: {  	p4 =	por $0x1, $0x1;
	v44 =	vor.u32 v30, v34  }
.Ltmp53:
0x33c: {  	_ = 	snop;
	(pc) =	sbr.rel @!p4 .LBB2_102-.Ltmp53, $4  }
0x33d: {  	s0 =	simm.s32 $0x41;
	s1 =	simm.s32 $0x42  }
0x33e: {  	v36 =	vadd.s32 s23, v21;
	v63 =	vadd.s32 s0, v21;
	v35 =	vadd.s32 s1, v21  }
0x33f: {  	v38 =	vand.u32 $0x3F, v36;
	v34 =	vand.u32 $0x3F, v63;
	v35 =	vand.u32 $0x3F, v35  }
0x340: {  	s25 =	simm.s32 $0x47;
	s23 =	simm.s32 $0x8;
	p3 =	por $0x1, $0x1;
	v37 =	vor.u32 v30, v34;
	v36 =	vor.u32 v30, v35;
	v34 =	vor.u32 v30, v38;
	v35 =	vld.idx.msk [tilespmem:v44+s16+$0x0], $0xffff  }
0x341: {  	_ =	sdelay $0x3  }
0x342: {  	v45 =	vld.idx.msk [tilespmem:v37+s15+$0x0], $0xffff  }
0x343: {  	v38 =	vadd.s32 s25, v21;
	v46 =	vld.idx.msk [tilespmem:v37+s16+$0x0], $0xffff;
	s0 =	simm.s32 $0x45  }
0x344: {  	v40 =	vld.idx.msk [tilespmem:v36+s16+$0x0], $0xffff;
	v38 =	vand.u32 $0x3F, v38;
	v61 =	vadd.s32 s0, v21  }
0x345: {  	s31 =	simm.s32 $0x46;
	p4 =	por $0x1, $0x1;
	v43 =	vor.u32 v30, v38;
	v38 =	vld.idx.msk [tilespmem:v36+s15+$0x0], $0xffff;
	v36 =	vand.u32 $0x3F, v61  }
.Ltmp54:
0x346: {  	v42 =	vadd.s32 s31, v21;
	v37 =	vor.u32 v30, v36;
	(pc) =	sbr.rel @!p4 .LBB2_104-.Ltmp54, $4  }
0x347: {  	v39 =	vld.idx.msk [tilespmem:v44+s15+$0x0], $0xffff;
	v63 =	vand.u32 $0x3F, v42  }
0x348: {  	v41 =	vld.idx.msk [tilespmem:v34+s15+$0x0], $0xffff;
	v62 =	vadd.s32 s24, v21;
	v36 =	vor.u32 v30, v63;
	[tilespmem:s22+$0x180] =	vst v35  }
0x349: {  	s25 =	simm.s32 $0x4B;
	v44 =	vand.u32 $0x3F, v62;
	v42 =	vld.idx.msk [tilespmem:v34+s16+$0x0], $0xffff;
	[tilespmem:s22+$0xFFFFFF00] =	vst v45  }
0x34a: {  	s26 =	simm.s32 $0xC;
	p2 =	por $0x1, $0x1;
	s24 =	simm.s32 $0x8240;
	v34 =	vor.u32 v30, v44;
	[tilespmem:s22+$0xFFFFFF80] =	vst v46;
	v35 =	vld.idx.msk [tilespmem:v43+s16+$0x0], $0xffff  }
.LBB2_105:
0x34b: {  	p4 =	slt.u32 s26, $0x3C;
	s0 =	sadd.s32 $0x41, s23;
	v44 =	vadd.s32 s25, v21;
	v45 =	vld.idx.msk [tilespmem:v37+s15+$0x0], $0xffff;
	[tilespmem:s24+$0x0] =	vst v38  }
0x34c: {  	v38 =	vadd.s32 s0, v21;
	v44 =	vand.u32 $0x3F, v44;
	v46 =	vld.idx.msk [tilespmem:v37+s16+$0x0], $0xffff;
	[tilespmem:s24+$0x80] =	vst v40  }
0x34d: {  	s0 =	sadd.s32 $0x42, s23;
	v37 =	vand.u32 $0x3F, v38;
	v44 =	vor.u32 v30, v44;
	v38 =	vld.idx.msk [tilespmem:v36+s15+$0x0], $0xffff;
	[tilespmem:s24+$0xFFFFFE00] =	vst v41  }
.Ltmp55:
0x34e: {  	v41 =	vadd.s32 s0, v21;
	v37 =	vor.u32 v30, v37;
	v40 =	vld.idx.msk [tilespmem:v36+s16+$0x0], $0xffff;
	[tilespmem:s24+$0x100] =	vst v39;
	(pc) =	sbr.rel @p4 .LBB2_105-.Ltmp55, $4  }
0x34f: {  	v36 =	vand.u32 $0x3F, v41;
	v41 =	vld.idx.msk [tilespmem:v34+s15+$0x0], $0xffff;
	[tilespmem:s24+$0xFFFFFE80] =	vst v42;
	s24 =	sadd.s32 $0x400, s24  }
0x350: {  	v42 =	vadd.s32 s23, v21;
	v36 =	vor.u32 v30, v36;
	s23 =	smov.u32 s26;
	v39 =	vld.idx.msk [tilespmem:v43+s15+$0x0], $0xffff;
	[tilespmem:s24+$0x180] =	vst v35;
	v43 =	vmov v44  }
0x351: {  	v35 =	vand.u32 $0x3F, v42;
	v42 =	vld.idx.msk [tilespmem:v34+s16+$0x0], $0xffff;
	[tilespmem:s24+$0xFFFFFF00] =	vst v45  }
0x352: {  	s26 =	sadd.s32 $0x4, s26;
	s25 =	sadd.s32 $0x43, s23;
	v34 =	vor.u32 v30, v35;
	v35 =	vld.idx.msk [tilespmem:v44+s16+$0x0], $0xffff;
	[tilespmem:s24+$0xFFFFFF80] =	vst v46  }
0x353: {  	v44 =	vmov v43  }
.LBB2_107:
0x354: {  	_ =	sdelay $0x3  }
0x355: {  	v43 =	vld.idx.msk @p3 [tilespmem:v37+s15+$0x0], $0xffff  }
0x356: {  	[tilespmem:s24+$0x0] =	vst @p2 v38;
	v37 =	vld.idx.msk @p3 [tilespmem:v37+s16+$0x0], $0xffff  }
0x357: {  	v45 =	vadd.s32 s25, v21;
	[tilespmem:s24+$0x80] =	vst @p2 v40;
	v40 =	vld.idx.msk @p3 [tilespmem:v36+s15+$0x0], $0xffff  }
0x358: {  	s0 =	sadd.s32 $0x41, s23;
	[tilespmem:s24+$0xFFFFFE00] =	vst @p2 v41;
	v36 =	vld.idx.msk @p3 [tilespmem:v36+s16+$0x0], $0xffff;
	v45 =	vand.u32 $0x3F, v45  }
0x359: {  	s1 =	simm.s32 $0x8240;
	v49 =	vadd.s32 s0, v21;
	[tilespmem:s24+$0x100] =	vst @p2 v39;
	v39 =	vld.idx.msk @p3 [tilespmem:v34+s15+$0x0], $0xffff;
	s0 =	sadd.s32 @p2 $0x400, s24;
	v45 =	vor.u32 v30, v45  }
0x35a: {  	s26 =	sadd.s32 $0x42, s23;
	v34 =	vld.idx.msk @p3 [tilespmem:v34+s16+$0x0], $0xffff;
	v38 =	vand.u32 $0x3F, v49;
	[tilespmem:s24+$0xFFFFFE80] =	vst @p2 v42;
	s1 =	smov.u32 @p2 s0  }
0x35b: {  	v50 =	vadd.s32 s26, v21;
	v42 =	vld.idx.msk @p3 [tilespmem:v44+s15+$0x0], $0xffff;
	v38 =	vor.u32 v30, v38;
	[tilespmem:s1+$0x180] =	vst @p3 v35  }
0x35c: {  	v41 =	vand.u32 $0x3F, v50;
	[tilespmem:s1+$0xFFFFFF00] =	vst @p3 v43  }
0x35d: {  	v51 =	vadd.s32 s23, v21;
	v41 =	vor.u32 v30, v41;
	[tilespmem:s1+$0xFFFFFF80] =	vst @p3 v37;
	v37 =	vpsel p3, v40, v0  }
0x35e: {  	v35 =	vand.u32 $0x3F, v51;
	v36 =	vpsel p3, v36, v0;
	[tilespmem:s1+$0x0] =	vst @p3 v37;
	v52 =	vld.idx.msk [tilespmem:v45+s16+$0x0], $0xffff  }
0x35f: {  	v35 =	vor.u32 v30, v35;
	v37 =	vpsel p3, v39, v0;
	[tilespmem:s1+$0x80] =	vst @p3 v36;
	v56 =	vld.idx.msk [tilespmem:v45+s15+$0x0], $0xffff  }
0x360: {  	v34 =	vpsel p3, v34, v0;
	[tilespmem:s1+$0xFFFFFE00] =	vst @p3 v37;
	v53 =	vld.idx.msk [tilespmem:v38+s15+$0x0], $0xffff  }
0x361: {  	s0 =	sadd.s32 @p3 $0x400, s1;
	v36 =	vpsel p3, v42, v0;
	[tilespmem:s1+$0xFFFFFE80] =	vst @p3 v34;
	v38 =	vld.idx.msk [tilespmem:v38+s16+$0x0], $0xffff  }
0x362: {  	s22 =	smov.u32 @p3 s0;
	v54 =	vld.idx.msk [tilespmem:v41+s15+$0x0], $0xffff;
	[tilespmem:s1+$0x100] =	vst @p3 v36  }
0x363: {  	v55 =	vld.idx.msk [tilespmem:v41+s16+$0x0], $0xffff;
	[tilespmem:s22+$0x180] =	vst v52  }
0x364: {  	v57 =	vld.idx.msk [tilespmem:v35+s15+$0x0], $0xffff;
	[tilespmem:s22+$0x100] =	vst v56  }
0x365: {  	p3 =	por $0x1, $0x1;
	v35 =	vld.idx.msk [tilespmem:v35+s16+$0x0], $0xffff;
	[tilespmem:s22+$0xFFFFFF00] =	vst v53  }
.Ltmp56:
0x366: {  	s28 =	simm.s32 $0x50;
	s29 =	simm.s32 $0x53;
	[tilespmem:s22+$0xFFFFFF80] =	vst v38;
	(pc) =	sbr.rel @!p3 .LBB2_108-.Ltmp56, $4  }
0x367: {  	s30 =	simm.s32 $0x51;
	s31 =	simm.s32 $0x52;
	v58 =	vadd.s32 s28, v21;
	v60 =	vadd.s32 s29, v21;
	[tilespmem:s22+$0x0] =	vst v54  }
0x368: {  	v61 =	vadd.s32 s30, v21;
	v63 =	vadd.s32 s31, v21;
	v59 =	vand.u32 $0x3F, v58;
	[tilespmem:s22+$0x80] =	vst v55  }
0x369: {  	v62 =	vand.u32 $0x3F, v60;
	v46 =	vand.u32 $0x3F, v63;
	v37 =	vand.u32 $0x3F, v61;
	[tilespmem:s22+$0xFFFFFE00] =	vst v57  }
0x36a: {  	s23 =	simm.s32 $0x8250;
	p2 =	por $0x0, $0x0;
	v34 =	vor.u32 v31, v59;
	v45 =	vor.u32 v31, v62;
	v36 =	vor.u32 v31, v37;
	[tilespmem:s22+$0xFFFFFE80] =	vst v35  }
0x36b: {  	_ =	sdelay $0x3  }
0x36c: {  	v35 =	vld.idx.msk [tilespmem:v34+s15+$0x0], $0xffff;
	s0 =	simm.s32 $0x54  }
0x36d: {  	v42 =	vor.u32 v31, v46;
	v43 =	vld.idx.msk [tilespmem:v45+s16+$0x0], $0xffff;
	s1 =	simm.s32 $0x57;
	v60 =	vadd.s32 s0, v21  }
0x36e: {  	v37 =	vld.idx.msk [tilespmem:v34+s16+$0x0], $0xffff;
	p5 =	por $0x1, $0x1;
	v40 =	vadd.s32 s1, v21;
	v34 =	vand.u32 $0x3F, v60  }
.Ltmp57:
0x36f: {  	v38 =	vld.idx.msk [tilespmem:v36+s15+$0x0], $0xffff;
	s30 =	simm.s32 $0x55;
	v61 =	vand.u32 $0x3F, v40;
	v34 =	vor.u32 v31, v34;
	(pc) =	sbr.rel @!p5 .LBB2_110-.Ltmp57, $4  }
0x370: {  	v39 =	vld.idx.msk [tilespmem:v36+s16+$0x0], $0xffff;
	v41 =	vadd.s32 s30, v21;
	v44 =	vor.u32 v31, v61  }
0x371: {  	s31 =	simm.s32 $0x56;
	v62 =	vand.u32 $0x3F, v41;
	v41 =	vld.idx.msk [tilespmem:v45+s15+$0x0], $0xffff  }
0x372: {  	v63 =	vadd.s32 s31, v21;
	v36 =	vor.u32 v31, v62;
	v40 =	vld.idx.msk [tilespmem:v42+s15+$0x0], $0xffff  }
0x373: {  	s24 =	simm.s32 $0x4;
	p4 =	por $0x1, $0x1;
	s22 =	simm.s32 $0x8250;
	v46 =	vand.u32 $0x3F, v63;
	v42 =	vld.idx.msk [tilespmem:v42+s16+$0x0], $0xffff;
	[tilespmem:s23+$0x180] =	vst v43;
	v43 =	vmov v44  }
.LBB2_111:
0x374: {  	s0 =	sadd.s32 $0x54, s24;
	v45 =	vor.u32 v31, v46;
	[tilespmem:s22+$0xFFFFFE00] =	vst v35;
	v35 =	vld.idx.msk [tilespmem:v34+s15+$0x0], $0xffff;
	s1 =	smov.u32 s24  }
0x375: {  	s24 =	sadd.s32 $0x4, s24;
	v46 =	vadd.s32 s0, v21;
	s0 =	sadd.s32 $0x57, s1;
	v47 =	vld.idx.msk [tilespmem:v44+s16+$0x0], $0xffff;
	[tilespmem:s22+$0xFFFFFE80] =	vst v37  }
0x376: {  	p5 =	slt.u32 s24, $0x3C;
	v44 =	vand.u32 $0x3F, v46;
	v46 =	vadd.s32 s0, v21;
	v37 =	vld.idx.msk [tilespmem:v34+s16+$0x0], $0xffff;
	[tilespmem:s22+$0xFFFFFF00] =	vst v38  }
.Ltmp58:
0x377: {  	s0 =	sadd.s32 $0x55, s1;
	v34 =	vor.u32 v31, v44;
	v44 =	vand.u32 $0x3F, v46;
	v38 =	vld.idx.msk [tilespmem:v36+s15+$0x0], $0xffff;
	[tilespmem:s22+$0xFFFFFF80] =	vst v39;
	(pc) =	sbr.rel @p5 .LBB2_111-.Ltmp58, $4  }
0x378: {  	v46 =	vadd.s32 s0, v21;
	v44 =	vor.u32 v31, v44;
	v39 =	vld.idx.msk [tilespmem:v36+s16+$0x0], $0xffff;
	[tilespmem:s22+$0x0] =	vst v40  }
0x379: {  	s0 =	sadd.s32 $0x56, s1;
	v36 =	vand.u32 $0x3F, v46;
	v40 =	vld.idx.msk [tilespmem:v45+s15+$0x0], $0xffff;
	[tilespmem:s22+$0x80] =	vst v42  }
0x37a: {  	v46 =	vadd.s32 s0, v21;
	v36 =	vor.u32 v31, v36;
	v42 =	vld.idx.msk [tilespmem:v45+s16+$0x0], $0xffff;
	[tilespmem:s22+$0x100] =	vst v41;
	s22 =	sadd.s32 $0x400, s22  }
0x37b: {  	v46 =	vand.u32 $0x3F, v46;
	v41 =	vld.idx.msk [tilespmem:v43+s15+$0x0], $0xffff;
	[tilespmem:s22+$0x180] =	vst v47;
	v43 =	vmov v44  }
0x37c: {  	v45 =	vmov v44  }
.LBB2_113:
0x37d: {  	_ =	sdelay $0x1  }
0x37e: {  	[tilespmem:s22+$0xFFFFFE00] =	vst @p4 v35  }
0x37f: {  	[tilespmem:s22+$0xFFFFFE80] =	vst @p4 v37  }
0x380: {  	v44 =	vld.idx.msk [tilespmem:v45+s16+$0x0], $0xffff;
	[tilespmem:s22+$0xFFFFFF00] =	vst @p4 v38  }
0x381: {  	v53 =	vld.idx.msk [tilespmem:v34+s15+$0x0], $0xffff;
	v54 =	vor.u32 v31, v46;
	[tilespmem:s22+$0xFFFFFF80] =	vst @p4 v39  }
0x382: {  	v55 =	vld.idx.msk [tilespmem:v34+s16+$0x0], $0xffff;
	[tilespmem:s22+$0x0] =	vst @p4 v40  }
0x383: {  	v56 =	vld.idx.msk [tilespmem:v36+s15+$0x0], $0xffff;
	s0 =	sadd.s32 @p4 $0x400, s22;
	[tilespmem:s22+$0x80] =	vst @p4 v42  }
0x384: {  	v57 =	vld.idx.msk [tilespmem:v36+s16+$0x0], $0xffff;
	s23 =	smov.u32 @p4 s0;
	[tilespmem:s22+$0x100] =	vst @p4 v41  }
0x385: {  	v58 =	vld.idx.msk [tilespmem:v43+s15+$0x0], $0xffff;
	[tilespmem:s23+$0x180] =	vst v44  }
0x386: {  	v59 =	vld.idx.msk [tilespmem:v54+s15+$0x0], $0xffff;
	[tilespmem:s23+$0xFFFFFE00] =	vst v53  }
0x387: {  	v37 =	vld.idx.msk [tilespmem:v54+s16+$0x0], $0xffff;
	[tilespmem:s23+$0xFFFFFE80] =	vst v55  }
.Ltmp59:
0x388: {  	s29 =	simm.s32 $0x60;
	s30 =	simm.s32 $0x63;
	[tilespmem:s23+$0xFFFFFF00] =	vst v56;
	(pc) =	sbr.rel @!p3 .LBB2_114-.Ltmp59, $4  }
0x389: {  	s1 =	simm.s32 $0x61;
	s31 =	simm.s32 $0x62;
	v60 =	vadd.s32 s29, v21;
	v61 =	vadd.s32 s30, v21;
	[tilespmem:s23+$0xFFFFFF80] =	vst v57  }
0x38a: {  	v62 =	vadd.s32 s1, v21;
	v63 =	vadd.s32 s31, v21;
	v34 =	vand.u32 $0x3F, v60;
	[tilespmem:s23+$0x100] =	vst v58  }
0x38b: {  	v35 =	vand.u32 $0x3F, v61;
	v36 =	vand.u32 $0x3F, v62;
	v46 =	vand.u32 $0x3F, v63;
	[tilespmem:s23+$0x0] =	vst v59  }
0x38c: {  	v34 =	vor.u32 v32, v34;
	s22 =	simm.s32 $0x8260;
	v45 =	vor.u32 v32, v35;
	v36 =	vor.u32 v32, v36;
	[tilespmem:s23+$0x80] =	vst v37  }
0x38d: {  	_ =	sdelay $0x3  }
0x38e: {  	v35 =	vld.idx.msk [tilespmem:v34+s15+$0x0], $0xffff;
	s0 =	simm.s32 $0x64  }
0x38f: {  	v42 =	vor.u32 v32, v46;
	v43 =	vld.idx.msk [tilespmem:v45+s16+$0x0], $0xffff;
	s1 =	simm.s32 $0x67;
	v60 =	vadd.s32 s0, v21  }
0x390: {  	v37 =	vld.idx.msk [tilespmem:v34+s16+$0x0], $0xffff;
	p3 =	por $0x1, $0x1;
	v40 =	vadd.s32 s1, v21;
	v34 =	vand.u32 $0x3F, v60  }
.Ltmp60:
0x391: {  	v38 =	vld.idx.msk [tilespmem:v36+s15+$0x0], $0xffff;
	s30 =	simm.s32 $0x65;
	v61 =	vand.u32 $0x3F, v40;
	v34 =	vor.u32 v32, v34;
	(pc) =	sbr.rel @!p3 .LBB2_116-.Ltmp60, $4  }
0x392: {  	v39 =	vld.idx.msk [tilespmem:v36+s16+$0x0], $0xffff;
	v41 =	vadd.s32 s30, v21;
	v44 =	vor.u32 v32, v61  }
0x393: {  	s31 =	simm.s32 $0x66;
	v62 =	vand.u32 $0x3F, v41;
	v41 =	vld.idx.msk [tilespmem:v45+s15+$0x0], $0xffff  }
0x394: {  	v63 =	vadd.s32 s31, v21;
	v36 =	vor.u32 v32, v62;
	v40 =	vld.idx.msk [tilespmem:v42+s15+$0x0], $0xffff  }
0x395: {  	s24 =	simm.s32 $0x4;
	p2 =	por $0x1, $0x1;
	s23 =	simm.s32 $0x8260;
	v46 =	vand.u32 $0x3F, v63;
	v42 =	vld.idx.msk [tilespmem:v42+s16+$0x0], $0xffff;
	[tilespmem:s22+$0x180] =	vst v43;
	v43 =	vmov v44  }
.LBB2_117:
0x396: {  	s0 =	sadd.s32 $0x64, s24;
	v45 =	vor.u32 v32, v46;
	[tilespmem:s23+$0xFFFFFE00] =	vst v35;
	v35 =	vld.idx.msk [tilespmem:v34+s15+$0x0], $0xffff;
	s1 =	smov.u32 s24  }
0x397: {  	s24 =	sadd.s32 $0x4, s24;
	v46 =	vadd.s32 s0, v21;
	s0 =	sadd.s32 $0x67, s1;
	v47 =	vld.idx.msk [tilespmem:v44+s16+$0x0], $0xffff;
	[tilespmem:s23+$0xFFFFFE80] =	vst v37  }
0x398: {  	p3 =	slt.u32 s24, $0x3C;
	v44 =	vand.u32 $0x3F, v46;
	v46 =	vadd.s32 s0, v21;
	v37 =	vld.idx.msk [tilespmem:v34+s16+$0x0], $0xffff;
	[tilespmem:s23+$0xFFFFFF00] =	vst v38  }
.Ltmp61:
0x399: {  	s0 =	sadd.s32 $0x65, s1;
	v34 =	vor.u32 v32, v44;
	v44 =	vand.u32 $0x3F, v46;
	v38 =	vld.idx.msk [tilespmem:v36+s15+$0x0], $0xffff;
	[tilespmem:s23+$0xFFFFFF80] =	vst v39;
	(pc) =	sbr.rel @p3 .LBB2_117-.Ltmp61, $4  }
0x39a: {  	v46 =	vadd.s32 s0, v21;
	v44 =	vor.u32 v32, v44;
	v39 =	vld.idx.msk [tilespmem:v36+s16+$0x0], $0xffff;
	[tilespmem:s23+$0x0] =	vst v40  }
0x39b: {  	s0 =	sadd.s32 $0x66, s1;
	v36 =	vand.u32 $0x3F, v46;
	v40 =	vld.idx.msk [tilespmem:v45+s15+$0x0], $0xffff;
	[tilespmem:s23+$0x80] =	vst v42  }
0x39c: {  	v46 =	vadd.s32 s0, v21;
	v36 =	vor.u32 v32, v36;
	v42 =	vld.idx.msk [tilespmem:v45+s16+$0x0], $0xffff;
	[tilespmem:s23+$0x100] =	vst v41;
	s23 =	sadd.s32 $0x400, s23  }
0x39d: {  	v46 =	vand.u32 $0x3F, v46;
	v41 =	vld.idx.msk [tilespmem:v43+s15+$0x0], $0xffff;
	[tilespmem:s23+$0x180] =	vst v47;
	v43 =	vmov v44  }
0x39e: {  	v45 =	vmov v44  }
.LBB2_119:
0x39f: {  	_ =	sdelay $0x1  }
0x3a0: {  	[tilespmem:s23+$0xFFFFFE00] =	vst @p2 v35  }
0x3a1: {  	[tilespmem:s23+$0xFFFFFE80] =	vst @p2 v37  }
0x3a2: {  	v44 =	vld.idx.msk [tilespmem:v45+s16+$0x0], $0xffff;
	[tilespmem:s23+$0xFFFFFF00] =	vst @p2 v38  }
0x3a3: {  	v53 =	vld.idx.msk [tilespmem:v34+s15+$0x0], $0xffff;
	v54 =	vor.u32 v32, v46;
	[tilespmem:s23+$0xFFFFFF80] =	vst @p2 v39  }
0x3a4: {  	v55 =	vld.idx.msk [tilespmem:v34+s16+$0x0], $0xffff;
	[tilespmem:s23+$0x0] =	vst @p2 v40  }
0x3a5: {  	v56 =	vld.idx.msk [tilespmem:v36+s15+$0x0], $0xffff;
	s0 =	sadd.s32 @p2 $0x400, s23;
	[tilespmem:s23+$0x80] =	vst @p2 v42  }
0x3a6: {  	v57 =	vld.idx.msk [tilespmem:v36+s16+$0x0], $0xffff;
	s22 =	smov.u32 @p2 s0;
	[tilespmem:s23+$0x100] =	vst @p2 v41  }
0x3a7: {  	v58 =	vld.idx.msk [tilespmem:v43+s15+$0x0], $0xffff;
	[tilespmem:s22+$0x180] =	vst v44  }
0x3a8: {  	v59 =	vld.idx.msk [tilespmem:v54+s15+$0x0], $0xffff;
	[tilespmem:s22+$0xFFFFFE00] =	vst v53  }
0x3a9: {  	p3 =	por $0x1, $0x1;
	v37 =	vld.idx.msk [tilespmem:v54+s16+$0x0], $0xffff;
	[tilespmem:s22+$0xFFFFFE80] =	vst v55  }
.Ltmp62:
0x3aa: {  	s29 =	simm.s32 $0x70;
	s30 =	simm.s32 $0x73;
	[tilespmem:s22+$0xFFFFFF00] =	vst v56;
	(pc) =	sbr.rel @!p3 .LBB2_120-.Ltmp62, $4  }
0x3ab: {  	s1 =	simm.s32 $0x71;
	s31 =	simm.s32 $0x72;
	v60 =	vadd.s32 s29, v21;
	v61 =	vadd.s32 s30, v21;
	[tilespmem:s22+$0xFFFFFF80] =	vst v57  }
0x3ac: {  	v62 =	vadd.s32 s1, v21;
	v63 =	vadd.s32 s31, v21;
	v34 =	vand.u32 $0x3F, v60;
	[tilespmem:s22+$0x100] =	vst v58  }
0x3ad: {  	v35 =	vand.u32 $0x3F, v61;
	v36 =	vand.u32 $0x3F, v62;
	v46 =	vand.u32 $0x3F, v63;
	[tilespmem:s22+$0x0] =	vst v59  }
0x3ae: {  	v34 =	vor.u32 v33, v34;
	s23 =	simm.s32 $0x8270;
	v45 =	vor.u32 v33, v35;
	v36 =	vor.u32 v33, v36;
	p2 =	por $0x0, $0x0;
	[tilespmem:s22+$0x80] =	vst v37  }
0x3af: {  	_ =	sdelay $0x3  }
0x3b0: {  	v35 =	vld.idx.msk [tilespmem:v34+s15+$0x0], $0xffff;
	s0 =	simm.s32 $0x74  }
0x3b1: {  	v42 =	vor.u32 v33, v46;
	v43 =	vld.idx.msk [tilespmem:v45+s16+$0x0], $0xffff;
	s1 =	simm.s32 $0x77;
	v60 =	vadd.s32 s0, v21  }
0x3b2: {  	v37 =	vld.idx.msk [tilespmem:v34+s16+$0x0], $0xffff;
	p3 =	por $0x1, $0x1;
	v40 =	vadd.s32 s1, v21;
	v34 =	vand.u32 $0x3F, v60  }
.Ltmp63:
0x3b3: {  	v38 =	vld.idx.msk [tilespmem:v36+s15+$0x0], $0xffff;
	s30 =	simm.s32 $0x75;
	v61 =	vand.u32 $0x3F, v40;
	v34 =	vor.u32 v33, v34;
	(pc) =	sbr.rel @!p3 .LBB2_122-.Ltmp63, $4  }
0x3b4: {  	v39 =	vld.idx.msk [tilespmem:v36+s16+$0x0], $0xffff;
	v41 =	vadd.s32 s30, v21;
	v44 =	vor.u32 v33, v61  }
0x3b5: {  	s31 =	simm.s32 $0x76;
	v62 =	vand.u32 $0x3F, v41;
	v41 =	vld.idx.msk [tilespmem:v45+s15+$0x0], $0xffff  }
0x3b6: {  	v63 =	vadd.s32 s31, v21;
	v36 =	vor.u32 v33, v62;
	v40 =	vld.idx.msk [tilespmem:v42+s15+$0x0], $0xffff  }
0x3b7: {  	s24 =	simm.s32 $0x4;
	p2 =	por $0x1, $0x1;
	s22 =	simm.s32 $0x8270;
	v46 =	vand.u32 $0x3F, v63;
	v42 =	vld.idx.msk [tilespmem:v42+s16+$0x0], $0xffff;
	[tilespmem:s23+$0x180] =	vst v43;
	v43 =	vmov v44  }
.LBB2_123:
0x3b8: {  	s0 =	sadd.s32 $0x74, s24;
	v45 =	vor.u32 v33, v46;
	[tilespmem:s22+$0xFFFFFE00] =	vst v35;
	v35 =	vld.idx.msk [tilespmem:v34+s15+$0x0], $0xffff;
	s1 =	smov.u32 s24  }
0x3b9: {  	s24 =	sadd.s32 $0x4, s24;
	v46 =	vadd.s32 s0, v21;
	s0 =	sadd.s32 $0x77, s1;
	v47 =	vld.idx.msk [tilespmem:v44+s16+$0x0], $0xffff;
	[tilespmem:s22+$0xFFFFFE80] =	vst v37  }
0x3ba: {  	p3 =	slt.u32 s24, $0x3C;
	v44 =	vand.u32 $0x3F, v46;
	v46 =	vadd.s32 s0, v21;
	v37 =	vld.idx.msk [tilespmem:v34+s16+$0x0], $0xffff;
	[tilespmem:s22+$0xFFFFFF00] =	vst v38  }
.Ltmp64:
0x3bb: {  	s0 =	sadd.s32 $0x75, s1;
	v34 =	vor.u32 v33, v44;
	v44 =	vand.u32 $0x3F, v46;
	v38 =	vld.idx.msk [tilespmem:v36+s15+$0x0], $0xffff;
	[tilespmem:s22+$0xFFFFFF80] =	vst v39;
	(pc) =	sbr.rel @p3 .LBB2_123-.Ltmp64, $4  }
0x3bc: {  	v46 =	vadd.s32 s0, v21;
	v44 =	vor.u32 v33, v44;
	v39 =	vld.idx.msk [tilespmem:v36+s16+$0x0], $0xffff;
	[tilespmem:s22+$0x0] =	vst v40  }
0x3bd: {  	s0 =	sadd.s32 $0x76, s1;
	v36 =	vand.u32 $0x3F, v46;
	v40 =	vld.idx.msk [tilespmem:v45+s15+$0x0], $0xffff;
	[tilespmem:s22+$0x80] =	vst v42  }
0x3be: {  	v46 =	vadd.s32 s0, v21;
	v36 =	vor.u32 v33, v36;
	v42 =	vld.idx.msk [tilespmem:v45+s16+$0x0], $0xffff;
	[tilespmem:s22+$0x100] =	vst v41;
	s22 =	sadd.s32 $0x400, s22  }
0x3bf: {  	v46 =	vand.u32 $0x3F, v46;
	v41 =	vld.idx.msk [tilespmem:v43+s15+$0x0], $0xffff;
	[tilespmem:s22+$0x180] =	vst v47;
	v43 =	vmov v44  }
0x3c0: {  	v45 =	vmov v44  }
.LBB2_125:
0x3c1: {  	_ =	sdelay $0x1  }
0x3c2: {  	[tilespmem:s22+$0xFFFFFE00] =	vst @p2 v35  }
0x3c3: {  	[tilespmem:s22+$0xFFFFFE80] =	vst @p2 v37  }
0x3c4: {  	v44 =	vld.idx.msk [tilespmem:v45+s16+$0x0], $0xffff;
	[tilespmem:s22+$0xFFFFFF00] =	vst @p2 v38  }
0x3c5: {  	v57 =	vld.idx.msk [tilespmem:v34+s15+$0x0], $0xffff;
	v58 =	vor.u32 v33, v46;
	[tilespmem:s22+$0xFFFFFF80] =	vst @p2 v39  }
0x3c6: {  	v59 =	vld.idx.msk [tilespmem:v34+s16+$0x0], $0xffff;
	[tilespmem:s22+$0x0] =	vst @p2 v40  }
0x3c7: {  	v60 =	vld.idx.msk [tilespmem:v36+s15+$0x0], $0xffff;
	s0 =	sadd.s32 @p2 $0x400, s22;
	[tilespmem:s22+$0x80] =	vst @p2 v42  }
0x3c8: {  	v61 =	vld.idx.msk [tilespmem:v36+s16+$0x0], $0xffff;
	s23 =	smov.u32 @p2 s0;
	[tilespmem:s22+$0x100] =	vst @p2 v41  }
0x3c9: {  	v62 =	vld.idx.msk [tilespmem:v43+s15+$0x0], $0xffff;
	[tilespmem:s23+$0x180] =	vst v44  }
0x3ca: {  	v63 =	vld.idx.msk [tilespmem:v58+s15+$0x0], $0xffff;
	[tilespmem:s23+$0xFFFFFE00] =	vst v57  }
0x3cb: {  	v37 =	vld.idx.msk [tilespmem:v58+s16+$0x0], $0xffff;
	[tilespmem:s23+$0xFFFFFE80] =	vst v59  }
0x3cc: {  	[tilespmem:s23+$0xFFFFFF00] =	vst v60  }
0x3cd: {  	[tilespmem:s23+$0xFFFFFF80] =	vst v61  }
0x3ce: {  	[tilespmem:s23+$0x100] =	vst v62  }
0x3cf: {  	[tilespmem:s23+$0x0] =	vst v63  }
.Ltmp65:
0x3d0: {  	[tilespmem:s23+$0x80] =	vst v37;
	(pc) =	sbr.rel @p0 .LBB2_190-.Ltmp65, $4  }
0x3d1: {  	[hbm4b:s2+s20] =	stream.indirect.scatter [tilespmem:s18], [sflag:$0x1], $0x80, s17, s20, $0xb8;
	[tilespmem:$0xC080] =	vst v63  }
0x3d2: {  	_ =	swait.ge [sflag:s19], $0x4000  }
0x3d3: {  	[sflag:s19] =	ssyncset.done $0x0  }
0x3d4: {  	[sflag:s19] =	ssyncadd.s32 $0xFFFFC000  }
0x3d5: {  	s0 =	simm.s32 @p1 $0x0;
	s1 =	simm.s32 @p1 $0x2  }
0x3d6: {  	[tilespmem:s0], [sflag:$0x2] =	stream.linear.gather @p1 [hbm4b:s10+s0], $0x400, $0x38;
	[tilespmem:$0xC080] =	vst v63  }
0x3d7: {  	_ =	swait.ge @p1 [sflag:s1], $0x400  }
0x3d8: {  	[sflag:s1] =	ssyncset.done @p1 $0x0  }
0x3d9: {  	s22 =	simm.s32 @p1 $0x2000;
	[sflag:s1] =	ssyncadd.s32 @p1 $0xFFFFFC00  }
0x3da: {  	[tilespmem:s22], [sflag:$0x2] =	stream.linear.gather @p1 [hbm4b:s11+s0], $0x400, $0x38;
	[tilespmem:$0xC080] =	vst v63  }
0x3db: {  	_ =	swait.ge @p1 [sflag:s1], $0x400  }
0x3dc: {  	[sflag:s1] =	ssyncset.done @p1 $0x0  }
0x3dd: {  	s0 =	simm.s32 @!p1 $0x0;
	[sflag:s1] =	ssyncadd.s32 @p1 $0xFFFFFC00;
	s1 =	simm.s32 @!p1 $0x2  }
0x3de: {  	[tilespmem:s0], [sflag:$0x2] =	stream.linear.gather @!p1 [hbm4b:s8+s0], $0x2000, $0x38;
	[tilespmem:$0xC080] =	vst v63  }
0x3df: {  	_ =	swait.ge @!p1 [sflag:s1], $0x2000  }
0x3e0: {  	[sflag:s1] =	ssyncset.done @!p1 $0x0  }
0x3e1: {  	s22 =	simm.s32 @!p1 $0x2000;
	[sflag:s1] =	ssyncadd.s32 @!p1 $0xFFFFE000  }
0x3e2: {  	[tilespmem:s22], [sflag:$0x2] =	stream.linear.gather @!p1 [hbm4b:s9+s0], $0x2000, $0x38;
	[tilespmem:$0xC080] =	vst v63  }
0x3e3: {  	_ =	swait.ge @!p1 [sflag:s1], $0x2000  }
0x3e4: {  	[sflag:s1] =	ssyncset.done @!p1 $0x0  }
0x3e5: {  	s30 =	simm.s32 $0x0;
	s31 =	simm.s32 $0x1;
	[sflag:s1] =	ssyncadd.s32 @!p1 $0xFFFFE000  }
0x3e6: {  	s23 =	simm.s32 $0x40;
	s24 =	simm.s32 $0x80;
	v34 =	vadd.s32 s30, v21;
	v35 =	vadd.s32 s31, v21;
	[tilespmem:$0xC000] =	vst v16  }
0x3e7: {  	s25 =	simm.s32 $0xC0;
	s26 =	simm.s32 $0x3;
	s28 =	simm.s32 $0x5;
	v36 =	vmov s30;
	v38 =	vmov s23;
	v39 =	vmov s24;
	[tilespmem:$0xC010] =	vst v17  }
0x3e8: {  	v40 =	vmov s25;
	v41 =	vadd.s32 s26, v21;
	v63 =	vadd.s32 s28, v21;
	[tilespmem:$0xC020] =	vst v18  }
0x3e9: {  	v35 =	vand.u32 $0x3F, v35;
	v38 =	vshrl.u32 v38, $0x7;
	v40 =	vshrl.u32 v40, $0x7;
	[tilespmem:$0xC030] =	vst v19  }
0x3ea: {  	v39 =	vshrl.u32 v39, $0x7;
	v36 =	vshrl.u32 v36, $0x7;
	v40 =	vshll.u32 v40, v26;
	[tilespmem:$0xC040] =	vst v20  }
0x3eb: {  	v41 =	vand.u32 $0x3F, v41;
	v34 =	vand.u32 $0x3F, v34;
	v40 =	vor.u32 $0x40, v40;
	[tilespmem:$0xC050] =	vst v22  }
0x3ec: {  	v38 =	vshll.u32 v38, v26;
	v39 =	vshll.u32 v39, v26;
	v40 =	vbroadcast v40, $0x0;
	[tilespmem:$0xC060] =	vst v24  }
0x3ed: {  	s23 =	simm.s32 $0x80;
	v36 =	vshll.u32 v36, v26;
	v38 =	vor.u32 $0x40, v38;
	v39 =	vbroadcast v39, $0x0;
	s22 =	simm.s32 $0x2;
	[tilespmem:$0xC070] =	vst v25  }
0x3ee: {  	s25 =	simm.s32 $0x100;
	v38 =	vbroadcast v38, $0x0;
	v41 =	vor.u32 v41, v40;
	v37 =	vadd.s32 s22, v21;
	s22 =	simm.s32 $0x2080;
	v42 =	vld [tilespmem:s23+$0x40]  }
0x3ef: {  	s30 =	simm.s32 $0x140;
	v45 =	vmov s25;
	v44 =	vbroadcast v36, $0x0;
	v62 =	vand.u32 $0x3F, v37;
	v43 =	vld [tilespmem:s22+$0x40]  }
0x3f0: {  	s26 =	simm.s32 $0x180;
	s31 =	simm.s32 $0x1C0;
	v48 =	vmov s30;
	v37 =	vor.u32 v35, v38;
	v35 =	vor.u32 v62, v39;
	v39 =	vld [tilespmem:s22+$0xFFFFFF80]  }
0x3f1: {  	s29 =	simm.s32 $0x6;
	s24 =	simm.s32 $0x4;
	v47 =	vmov s26;
	v49 =	vmov s31;
	v34 =	vor.u32 v34, v44;
	v44 =	vld [tilespmem:s23+$0xFFFFFFC0]  }
0x3f2: {  	s26 =	simm.s32 $0x8;
	v36 =	vadd.s32 s24, v21;
	v40 =	vadd.s32 s29, v21;
	v38 =	vand.u32 $0x3F, v63;
	v46 =	vld [tilespmem:s22+$0xFFFFFFC0]  }
.LBB2_127:
0x3f3: {  	p2 =	slt.u32 s26, $0x7C;
	v52 =	vshrl.u32 v48, $0x7;
	v47 =	vshrl.u32 v47, $0x7;
	v49 =	vshrl.u32 v49, $0x7;
	v50 =	vld [tilespmem:s23+$0x0];
	[tilespmem:v41+s15+$0x0] =	vst.idx.msk $0xffff, v42  }
0x3f4: {  	v42 =	vshrl.u32 v45, $0x7;
	v45 =	vshll.u32 v52, v26;
	v51 =	vshll.u32 v49, v26;
	v49 =	vld [tilespmem:s22+$0x0];
	[tilespmem:v41+s16+$0x0] =	vst.idx.msk $0xffff, v43  }
0x3f5: {  	s0 =	sadd.s32 $0x3, s24;
	s24 =	smov.u32 s26;
	v43 =	vshll.u32 v47, v26;
	v41 =	vor.u32 $0x40, v45;
	v45 =	vor.u32 $0x40, v51;
	v47 =	vld [tilespmem:s23+$0xFFFFFF80];
	v48 =	vmovc v39  }
0x3f6: {  	v39 =	vshll.u32 v42, v26;
	v42 =	vadd.s32 s0, v21;
	v45 =	vbroadcast v45, $0x0;
	[tilespmem:v37+s15+$0x0] =	vst.idx.msk $0xffff, v44  }
0x3f7: {  	v51 =	vbroadcast v43, $0x0;
	s23 =	sadd.s32 $0x100, s23;
	v44 =	vbroadcast v41, $0x0;
	v41 =	vand.u32 $0x3F, v42;
	[tilespmem:v37+s16+$0x0] =	vst.idx.msk $0xffff, v46  }
.Ltmp66:
0x3f8: {  	s22 =	sadd.s32 $0x100, s22;
	v46 =	vbroadcast v39, $0x0;
	v39 =	vand.u32 $0x3F, v40;
	v42 =	vld [tilespmem:s23+$0x40];
	v41 =	vor.u32 v41, v45;
	[tilespmem:v35+s15+$0x0] =	vst.idx.msk $0xffff, v50;
	(pc) =	sbr.rel @p2 .LBB2_127-.Ltmp66, $4  }
0x3f9: {  	s0 =	sadd.s32 $0x1, s26;
	v40 =	vand.u32 $0x3F, v36;
	v37 =	vor.u32 v38, v44;
	v43 =	vld [tilespmem:s22+$0x40];
	[tilespmem:v35+s16+$0x0] =	vst.idx.msk $0xffff, v49;
	v35 =	vor.u32 v39, v51  }
0x3fa: {  	s25 =	sadd.s32 $0x100, s25;
	v36 =	vadd.s32 s26, v21;
	v38 =	vadd.s32 s0, v21;
	s0 =	sadd.s32 $0x2, s26;
	v46 =	vor.u32 v40, v46;
	v39 =	vld [tilespmem:s22+$0xFFFFFF80];
	[tilespmem:v34+s15+$0x0] =	vst.idx.msk $0xffff, v47  }
0x3fb: {  	s1 =	sadd.s32 $0x40, s25;
	s28 =	sadd.s32 $0x80, s25;
	v45 =	vmov s25;
	v38 =	vand.u32 $0x3F, v38;
	v40 =	vadd.s32 s0, v21;
	s0 =	sadd.s32 $0xC0, s25;
	v44 =	vld [tilespmem:s23+$0xFFFFFFC0];
	[tilespmem:v34+s16+$0x0] =	vst.idx.msk $0xffff, v48;
	v34 =	vmovc v46  }
0x3fc: {  	s26 =	sadd.s32 $0x4, s26;
	v47 =	vmov s28;
	v49 =	vmov s0;
	v48 =	vmov s1;
	v46 =	vld [tilespmem:s22+$0xFFFFFFC0]  }
0x3fd: {  	_ =	sdelay $0x1  }
0x3fe: {  	v49 =	vshrl.u32 v49, $0x7  }
0x3ff: {  	v50 =	vld [tilespmem:s23+$0x0];
	v48 =	vshrl.u32 v48, $0x7;
	v49 =	vshll.u32 v49, v26  }
0x400: {  	[tilespmem:v41+s15+$0x0] =	vst.idx.msk $0xffff, v42;
	s0 =	sadd.s32 $0x3, s24;
	v60 =	vld [tilespmem:s23+$0xFFFFFF80];
	v48 =	vshll.u32 v48, v26;
	v49 =	vor.u32 $0x40, v49  }
0x401: {  	v59 =	vld [tilespmem:s22+$0x0];
	[tilespmem:v41+s16+$0x0] =	vst.idx.msk $0xffff, v43;
	v61 =	vadd.s32 s0, v21;
	v48 =	vor.u32 $0x40, v48;
	v49 =	vbroadcast v49, $0x0  }
0x402: {  	s26 =	sadd.s32 $0x100, s23;
	v43 =	vand.u32 $0x3F, v61;
	[tilespmem:v37+s15+$0x0] =	vst.idx.msk $0xffff, v44;
	v63 =	vbroadcast v48, $0x0  }
0x403: {  	v62 =	vshrl.u32 v45, $0x7;
	v48 =	vld [tilespmem:s26+$0x40];
	[tilespmem:v37+s16+$0x0] =	vst.idx.msk $0xffff, v46;
	v43 =	vor.u32 v43, v49  }
0x404: {  	s1 =	sadd.s32 $0x100, s22;
	v52 =	vld [tilespmem:s26+$0xFFFFFFC0];
	v44 =	vshll.u32 v62, v26;
	[tilespmem:v35+s15+$0x0] =	vst.idx.msk $0xffff, v50;
	v38 =	vor.u32 v38, v63  }
0x405: {  	v47 =	vshrl.u32 v47, $0x7;
	v40 =	vand.u32 $0x3F, v40;
	s28 =	simm.s32 $0x10;
	v51 =	vld [tilespmem:s1+$0x40];
	v44 =	vbroadcast v44, $0x0;
	[tilespmem:v34+s15+$0x0] =	vst.idx.msk $0xffff, v60  }
0x406: {  	v36 =	vand.u32 $0x3F, v36;
	s29 =	simm.s32 $0x12;
	v53 =	vld [tilespmem:s1+$0xFFFFFFC0];
	v55 =	vadd.s32 s28, v21;
	v49 =	vshll.u32 v47, v26;
	[tilespmem:v35+s16+$0x0] =	vst.idx.msk $0xffff, v59  }
0x407: {  	v58 =	vadd.s32 s29, v21;
	s28 =	simm.s32 $0x17;
	v60 =	vld [tilespmem:s26+$0xFFFFFF80];
	v46 =	vbroadcast v49, $0x0;
	v42 =	vor.u32 v36, v44;
	[tilespmem:v34+s16+$0x0] =	vst.idx.msk $0xffff, v39  }
0x408: {  	s30 =	simm.s32 $0x13;
	s31 =	simm.s32 $0xC0;
	v57 =	vand.u32 $0x3F, v55;
	v61 =	vand.u32 $0x3F, v58;
	v58 =	vadd.s32 s28, v21;
	v63 =	vld [tilespmem:s1+$0xFFFFFF80];
	[tilespmem:v43+s15+$0x0] =	vst.idx.msk $0xffff, v48  }
0x409: {  	s22 =	simm.s32 $0x0;
	s23 =	simm.s32 $0x80;
	v54 =	vld [tilespmem:s26+$0x0];
	v62 =	vmov s31;
	v59 =	vadd.s32 s30, v21;
	v40 =	vor.u32 v40, v46;
	[tilespmem:v38+s15+$0x0] =	vst.idx.msk $0xffff, v52  }
0x40a: {  	v56 =	vld [tilespmem:s1+$0x0];
	v49 =	vmov s23;
	v36 =	vshrl.u32 v62, $0x7;
	s30 =	simm.s32 $0x180;
	v48 =	vmov s22;
	[tilespmem:v43+s16+$0x0] =	vst.idx.msk $0xffff, v51  }
0x40b: {  	v44 =	vand.u32 $0x3F, v59;
	v62 =	vmov s30;
	[tilespmem:v38+s16+$0x0] =	vst.idx.msk $0xffff, v53;
	v35 =	vshrl.u32 v48, $0x7  }
0x40c: {  	v50 =	vshrl.u32 v49, $0x7;
	v49 =	vshrl.u32 v62, $0x7;
	[tilespmem:v42+s15+$0x0] =	vst.idx.msk $0xffff, v60;
	v51 =	vshll.u32 v35, v26  }
0x40d: {  	s24 =	simm.s32 $0x11;
	v36 =	vshll.u32 v36, v26;
	v49 =	vshll.u32 v49, v26;
	[tilespmem:v42+s16+$0x0] =	vst.idx.msk $0xffff, v63;
	v34 =	vor.u32 $0x40, v51  }
0x40e: {  	v52 =	vshll.u32 v50, v26;
	[tilespmem:v40+s15+$0x0] =	vst.idx.msk $0xffff, v54;
	v54 =	vadd.s32 s24, v21;
	v34 =	vbroadcast v34, $0x0  }
0x40f: {  	s22 =	simm.s32 $0x90;
	v53 =	vor.u32 $0x40, v36;
	v37 =	vbroadcast v52, $0x0;
	[tilespmem:v40+s16+$0x0] =	vst.idx.msk $0xffff, v56;
	v55 =	vand.u32 $0x3F, v54  }
0x410: {  	s31 =	simm.s32 $0x15;
	s23 =	simm.s32 $0x2090;
	v35 =	vbroadcast v53, $0x0;
	v36 =	vbroadcast v51, $0x0;
	v45 =	vld [tilespmem:s22+$0xFFFFFFC0];
	v46 =	vor.u32 v55, v34  }
0x411: {  	s25 =	simm.s32 $0x14;
	s29 =	simm.s32 $0x100;
	v42 =	vand.u32 $0x3F, v58;
	v53 =	vadd.s32 s31, v21;
	v38 =	vor.u32 v61, v37;
	v59 =	vld [tilespmem:s23+$0xFFFFFFC0]  }
0x412: {  	s24 =	simm.s32 $0x1C0;
	v61 =	vmov s29;
	v56 =	vadd.s32 s25, v21;
	v40 =	vor.u32 v57, v36;
	v54 =	vld [tilespmem:s22+$0xFFFFFF80]  }
0x413: {  	v39 =	vor.u32 v44, v35;
	v60 =	vmov s24;
	v51 =	vshrl.u32 v61, $0x7;
	v47 =	vld [tilespmem:s23+$0xFFFFFF80]  }
0x414: {  	s26 =	simm.s32 $0x16;
	v41 =	vand.u32 $0x3F, v56;
	v63 =	vshrl.u32 v60, $0x7;
	v44 =	vld [tilespmem:s22+$0x0];
	v51 =	vshll.u32 v51, v26  }
0x415: {  	v57 =	vadd.s32 s26, v21;
	v50 =	vshll.u32 v63, v26;
	v52 =	vor.u32 $0x40, v51;
	[tilespmem:v46+s15+$0x0] =	vst.idx.msk $0xffff, v45;
	v45 =	vld [tilespmem:s23+$0x0]  }
0x416: {  	v55 =	vor.u32 $0x40, v50;
	v50 =	vbroadcast v51, $0x0;
	v51 =	vbroadcast v49, $0x0;
	[tilespmem:v46+s16+$0x0] =	vst.idx.msk $0xffff, v59;
	v46 =	vld [tilespmem:s22+$0x40]  }
0x417: {  	s25 =	simm.s32 $0x4;
	v48 =	vld [tilespmem:s23+$0x40];
	v43 =	vand.u32 $0x3F, v57;
	v52 =	vbroadcast v52, $0x0;
	v49 =	vbroadcast v55, $0x0;
	[tilespmem:v40+s15+$0x0] =	vst.idx.msk $0xffff, v54  }
.LBB2_129:
0x418: {  	s0 =	sadd.s32 $0x14, s25;
	v53 =	vand.u32 $0x3F, v53;
	v43 =	vor.u32 v43, v51;
	[tilespmem:v40+s16+$0x0] =	vst.idx.msk $0xffff, v47;
	v40 =	vor.u32 v41, v50;
	s22 =	sadd.s32 $0x100, s22;
	s1 =	smov.u32 s25  }
0x419: {  	s26 =	sadd.s32 $0x17, s25;
	s23 =	sadd.s32 $0x100, s23;
	v41 =	vadd.s32 s0, v21;
	s0 =	sadd.s32 $0x16, s25;
	v50 =	vld [tilespmem:s22+$0xFFFFFFC0];
	v52 =	vor.u32 v53, v52;
	v49 =	vor.u32 v42, v49;
	[tilespmem:v38+s15+$0x0] =	vst.idx.msk $0xffff, v44  }
0x41a: {  	s24 =	sadd.s32 $0x100, s24;
	v44 =	vadd.s32 s26, v21;
	s25 =	sadd.s32 $0x4, s25;
	v41 =	vand.u32 $0x3F, v41;
	v42 =	vadd.s32 s0, v21;
	v53 =	vld [tilespmem:s23+$0xFFFFFFC0];
	[tilespmem:v38+s16+$0x0] =	vst.idx.msk $0xffff, v45;
	v38 =	vmovc v43  }
0x41b: {  	s26 =	sadd.s32 $0xFFFFFFC0, s24;
	s0 =	sadd.s32 $0xFFFFFF40, s24;
	v45 =	vmov s24;
	p2 =	slt.u32 s25, $0x7C;
	v43 =	vand.u32 $0x3F, v42;
	v42 =	vand.u32 $0x3F, v44;
	v54 =	vld [tilespmem:s22+$0xFFFFFF80];
	[tilespmem:v39+s15+$0x0] =	vst.idx.msk $0xffff, v46  }
.Ltmp67:
0x41c: {  	v44 =	vmov s0;
	v46 =	vmov s26;
	v45 =	vshrl.u32 v45, $0x7;
	v47 =	vld [tilespmem:s23+$0xFFFFFF80];
	[tilespmem:v39+s16+$0x0] =	vst.idx.msk $0xffff, v48;
	v39 =	vmovc v49;
	(pc) =	sbr.rel @p2 .LBB2_129-.Ltmp67, $4  }
0x41d: {  	v48 =	vshrl.u32 v44, $0x7;
	v46 =	vshrl.u32 v46, $0x7;
	v45 =	vshll.u32 v45, v26;
	v44 =	vld [tilespmem:s22+$0x0]  }
0x41e: {  	v48 =	vshll.u32 v48, v26;
	v46 =	vshll.u32 v46, v26;
	v49 =	vor.u32 $0x40, v45;
	[tilespmem:v52+s15+$0x0] =	vst.idx.msk $0xffff, v50;
	v45 =	vld [tilespmem:s23+$0x0]  }
0x41f: {  	s0 =	sadd.s32 $0x15, s1;
	v50 =	vbroadcast v48, $0x0;
	v48 =	vor.u32 $0x40, v48;
	v51 =	vbroadcast v46, $0x0;
	[tilespmem:v52+s16+$0x0] =	vst.idx.msk $0xffff, v53;
	v46 =	vld [tilespmem:s22+$0x40]  }
0x420: {  	v49 =	vbroadcast v49, $0x0;
	v53 =	vadd.s32 s0, v21;
	v52 =	vbroadcast v48, $0x0;
	[tilespmem:v40+s15+$0x0] =	vst.idx.msk $0xffff, v54;
	v48 =	vld [tilespmem:s23+$0x40]  }
0x421: {  	_ =	sdelay $0x2  }
0x422: {  	v53 =	vand.u32 $0x3F, v53;
	s0 =	sadd.s32 $0x100, s22  }
0x423: {  	[tilespmem:v40+s16+$0x0] =	vst.idx.msk $0xffff, v47;
	v56 =	vld [tilespmem:s0+$0xFFFFFFC0];
	v57 =	vor.u32 v53, v52  }
0x424: {  	v41 =	vor.u32 v41, v50;
	[tilespmem:v38+s15+$0x0] =	vst.idx.msk $0xffff, v44;
	v59 =	vld [tilespmem:s0+$0xFFFFFF80]  }
0x425: {  	v43 =	vor.u32 v43, v51;
	v61 =	vld [tilespmem:s0+$0x0];
	[tilespmem:v38+s16+$0x0] =	vst.idx.msk $0xffff, v45  }
0x426: {  	s1 =	sadd.s32 $0x100, s23;
	v42 =	vor.u32 v42, v49;
	v63 =	vld [tilespmem:s0+$0x40];
	[tilespmem:v39+s15+$0x0] =	vst.idx.msk $0xffff, v46  }
0x427: {  	v58 =	vld [tilespmem:s1+$0xFFFFFFC0];
	[tilespmem:v39+s16+$0x0] =	vst.idx.msk $0xffff, v48  }
0x428: {  	v60 =	vld [tilespmem:s1+$0xFFFFFF80];
	[tilespmem:v57+s15+$0x0] =	vst.idx.msk $0xffff, v56  }
0x429: {  	v62 =	vld [tilespmem:s1+$0x0];
	[tilespmem:v41+s15+$0x0] =	vst.idx.msk $0xffff, v59  }
0x42a: {  	v47 =	vld [tilespmem:s1+$0x40];
	[tilespmem:v43+s15+$0x0] =	vst.idx.msk $0xffff, v61  }
0x42b: {  	s22 =	simm.s32 $0x22;
	[tilespmem:v42+s15+$0x0] =	vst.idx.msk $0xffff, v63  }
0x42c: {  	s23 =	simm.s32 $0x23;
	s24 =	simm.s32 $0x21;
	s25 =	simm.s32 $0x24;
	v49 =	vadd.s32 s22, v21;
	[tilespmem:v57+s16+$0x0] =	vst.idx.msk $0xffff, v58  }
0x42d: {  	s26 =	simm.s32 $0x26;
	s28 =	simm.s32 $0x27;
	s1 =	simm.s32 $0x20;
	v50 =	vadd.s32 s23, v21;
	v51 =	vadd.s32 s24, v21;
	v53 =	vadd.s32 s25, v21;
	[tilespmem:v41+s16+$0x0] =	vst.idx.msk $0xffff, v60  }
0x42e: {  	v54 =	vadd.s32 s26, v21;
	v55 =	vadd.s32 s28, v21;
	v48 =	vadd.s32 s1, v21;
	[tilespmem:v43+s16+$0x0] =	vst.idx.msk $0xffff, v62  }
0x42f: {  	s31 =	simm.s32 $0x25;
	s22 =	simm.s32 $0xA0;
	v40 =	vand.u32 $0x3F, v49;
	v52 =	vand.u32 $0x3F, v51;
	v39 =	vand.u32 $0x3F, v48;
	[tilespmem:v42+s16+$0x0] =	vst.idx.msk $0xffff, v47  }
0x430: {  	s24 =	simm.s32 $0x1C0;
	v49 =	vadd.s32 s31, v21;
	v44 =	vor.u32 v52, v34;
	v38 =	vor.u32 v39, v36;
	v42 =	vld [tilespmem:s22+$0xFFFFFFC0]  }
0x431: {  	s30 =	simm.s32 $0x180;
	s23 =	simm.s32 $0x20A0;
	v36 =	vor.u32 v40, v37;
	v39 =	vand.u32 $0x3F, v54;
	v56 =	vmov s24;
	v57 =	vld [tilespmem:s22+$0xFFFFFF80]  }
0x432: {  	s29 =	simm.s32 $0x100;
	v37 =	vand.u32 $0x3F, v55;
	v59 =	vmov s30;
	v41 =	vand.u32 $0x3F, v50;
	v46 =	vld [tilespmem:s23+$0xFFFFFFC0]  }
0x433: {  	v58 =	vmov s29;
	v34 =	vor.u32 v41, v35;
	v41 =	vshrl.u32 v56, $0x7;
	v43 =	vld [tilespmem:s23+$0xFFFFFF80]  }
0x434: {  	v45 =	vshrl.u32 v59, $0x7;
	v60 =	vshrl.u32 v58, $0x7;
	v40 =	vld [tilespmem:s22+$0x0];
	v41 =	vshll.u32 v41, v26  }
0x435: {  	v61 =	vshll.u32 v45, v26;
	v47 =	vshll.u32 v60, v26;
	v62 =	vor.u32 $0x40, v41;
	v41 =	vld [tilespmem:s23+$0x0];
	[tilespmem:v44+s15+$0x0] =	vst.idx.msk $0xffff, v42  }
0x436: {  	v45 =	vbroadcast v47, $0x0;
	v63 =	vor.u32 $0x40, v47;
	v47 =	vbroadcast v61, $0x0;
	v42 =	vld [tilespmem:s22+$0x40];
	[tilespmem:v38+s15+$0x0] =	vst.idx.msk $0xffff, v57  }
0x437: {  	s25 =	simm.s32 $0x4;
	v35 =	vand.u32 $0x3F, v53;
	v48 =	vbroadcast v63, $0x0;
	[tilespmem:v44+s16+$0x0] =	vst.idx.msk $0xffff, v46;
	v46 =	vbroadcast v62, $0x0;
	v44 =	vld [tilespmem:s23+$0x40]  }
.LBB2_131:
0x438: {  	s0 =	sadd.s32 $0x24, s25;
	v49 =	vand.u32 $0x3F, v49;
	v39 =	vor.u32 v39, v47;
	[tilespmem:v38+s16+$0x0] =	vst.idx.msk $0xffff, v43;
	v38 =	vor.u32 v35, v45;
	s22 =	sadd.s32 $0x100, s22;
	s1 =	smov.u32 s25  }
0x439: {  	s26 =	sadd.s32 $0x27, s25;
	s23 =	sadd.s32 $0x100, s23;
	v35 =	vadd.s32 s0, v21;
	s0 =	sadd.s32 $0x26, s25;
	v45 =	vld [tilespmem:s22+$0xFFFFFFC0];
	v48 =	vor.u32 v49, v48;
	v46 =	vor.u32 v37, v46;
	[tilespmem:v36+s15+$0x0] =	vst.idx.msk $0xffff, v40  }
0x43a: {  	s24 =	sadd.s32 $0x100, s24;
	v40 =	vadd.s32 s26, v21;
	s25 =	sadd.s32 $0x4, s25;
	v35 =	vand.u32 $0x3F, v35;
	v37 =	vadd.s32 s0, v21;
	v49 =	vld [tilespmem:s23+$0xFFFFFFC0];
	[tilespmem:v36+s16+$0x0] =	vst.idx.msk $0xffff, v41;
	v36 =	vmovc v39  }
0x43b: {  	s26 =	sadd.s32 $0xFFFFFFC0, s24;
	s0 =	sadd.s32 $0xFFFFFF40, s24;
	v41 =	vmov s24;
	p2 =	slt.u32 s25, $0x7C;
	v39 =	vand.u32 $0x3F, v37;
	v37 =	vand.u32 $0x3F, v40;
	v50 =	vld [tilespmem:s22+$0xFFFFFF80];
	[tilespmem:v34+s15+$0x0] =	vst.idx.msk $0xffff, v42  }
.Ltmp68:
0x43c: {  	v40 =	vmov s0;
	v42 =	vmov s26;
	v41 =	vshrl.u32 v41, $0x7;
	v43 =	vld [tilespmem:s23+$0xFFFFFF80];
	[tilespmem:v34+s16+$0x0] =	vst.idx.msk $0xffff, v44;
	v34 =	vmovc v46;
	(pc) =	sbr.rel @p2 .LBB2_131-.Ltmp68, $4  }
0x43d: {  	v44 =	vshrl.u32 v40, $0x7;
	v42 =	vshrl.u32 v42, $0x7;
	v41 =	vshll.u32 v41, v26;
	v40 =	vld [tilespmem:s22+$0x0]  }
0x43e: {  	v44 =	vshll.u32 v44, v26;
	v42 =	vshll.u32 v42, v26;
	v46 =	vor.u32 $0x40, v41;
	[tilespmem:v48+s15+$0x0] =	vst.idx.msk $0xffff, v45;
	v41 =	vld [tilespmem:s23+$0x0]  }
0x43f: {  	s0 =	sadd.s32 $0x25, s1;
	v45 =	vbroadcast v44, $0x0;
	v44 =	vor.u32 $0x40, v44;
	v47 =	vbroadcast v42, $0x0;
	[tilespmem:v48+s16+$0x0] =	vst.idx.msk $0xffff, v49;
	v42 =	vld [tilespmem:s22+$0x40]  }
0x440: {  	v46 =	vbroadcast v46, $0x0;
	v49 =	vadd.s32 s0, v21;
	v48 =	vbroadcast v44, $0x0;
	[tilespmem:v38+s15+$0x0] =	vst.idx.msk $0xffff, v50;
	v44 =	vld [tilespmem:s23+$0x40]  }
0x441: {  	_ =	sdelay $0x1  }
0x442: {  	s0 =	sadd.s32 $0x100, s22  }
0x443: {  	v49 =	vand.u32 $0x3F, v49;
	s1 =	sadd.s32 $0x100, s23;
	v60 =	vld [tilespmem:s0+$0xFFFFFFC0]  }
0x444: {  	[tilespmem:v38+s16+$0x0] =	vst.idx.msk $0xffff, v43;
	v61 =	vor.u32 v49, v48;
	v62 =	vld [tilespmem:s1+$0xFFFFFFC0]  }
0x445: {  	v45 =	vor.u32 v35, v45;
	[tilespmem:v36+s15+$0x0] =	vst.idx.msk $0xffff, v40;
	v63 =	vld [tilespmem:s0+$0xFFFFFF80]  }
0x446: {  	v39 =	vor.u32 v39, v47;
	v49 =	vld [tilespmem:s0+$0x0];
	[tilespmem:v36+s16+$0x0] =	vst.idx.msk $0xffff, v41  }
0x447: {  	v37 =	vor.u32 v37, v46;
	v52 =	vld [tilespmem:s0+$0x40];
	[tilespmem:v34+s15+$0x0] =	vst.idx.msk $0xffff, v42  }
0x448: {  	s24 =	simm.s32 $0x30;
	v48 =	vld [tilespmem:s1+$0xFFFFFF80];
	[tilespmem:v34+s16+$0x0] =	vst.idx.msk $0xffff, v44  }
0x449: {  	s25 =	simm.s32 $0x32;
	s26 =	simm.s32 $0x33;
	s28 =	simm.s32 $0xC0;
	v50 =	vld [tilespmem:s1+$0x0];
	v51 =	vadd.s32 s24, v21;
	[tilespmem:v61+s15+$0x0] =	vst.idx.msk $0xffff, v60  }
0x44a: {  	s29 =	simm.s32 $0x0;
	s30 =	simm.s32 $0x80;
	v53 =	vadd.s32 s25, v21;
	v54 =	vadd.s32 s26, v21;
	v56 =	vmov s28;
	[tilespmem:v45+s15+$0x0] =	vst.idx.msk $0xffff, v63  }
0x44b: {  	p3 =	por $0x1, $0x1;
	v55 =	vld [tilespmem:s1+$0x40];
	v57 =	vmov s29;
	v58 =	vmov s30;
	v36 =	vand.u32 $0x3F, v53;
	[tilespmem:v39+s15+$0x0] =	vst.idx.msk $0xffff, v49  }
.Ltmp69:
0x44c: {  	v35 =	vand.u32 $0x3F, v54;
	v41 =	vshrl.u32 v57, $0x7;
	v44 =	vshrl.u32 v56, $0x7;
	[tilespmem:v37+s15+$0x0] =	vst.idx.msk $0xffff, v52;
	(pc) =	sbr.rel @!p3 .LBB2_133-.Ltmp69, $4  }
0x44d: {  	v59 =	vshrl.u32 v58, $0x7;
	v34 =	vand.u32 $0x3F, v51;
	v60 =	vshll.u32 v44, v26;
	[tilespmem:v61+s16+$0x0] =	vst.idx.msk $0xffff, v62  }
0x44e: {  	[tilespmem:v45+s16+$0x0] =	vst.idx.msk $0xffff, v48;
	v61 =	vshll.u32 v41, v26;
	v62 =	vshll.u32 v59, v26;
	v63 =	vor.u32 $0x40, v60  }
0x44f: {  	s31 =	simm.s32 $0x31;
	[tilespmem:v39+s16+$0x0] =	vst.idx.msk $0xffff, v50;
	v44 =	vbroadcast v61, $0x0;
	v38 =	vor.u32 $0x40, v61;
	v46 =	vbroadcast v62, $0x0  }
0x450: {  	s22 =	simm.s32 $0x20B0;
	s23 =	simm.s32 $0xB0;
	p2 =	por $0x0, $0x0;
	v49 =	vadd.s32 s31, v21;
	[tilespmem:v37+s16+$0x0] =	vst.idx.msk $0xffff, v55;
	v43 =	vbroadcast v63, $0x0;
	v48 =	vbroadcast v38, $0x0  }
0x451: {  	s0 =	simm.s32 $0x34;
	v38 =	vor.u32 v34, v44;
	v55 =	vand.u32 $0x3F, v49;
	v37 =	vor.u32 v36, v46  }
0x452: {  	s26 =	simm.s32 $0x36;
	s1 =	simm.s32 $0x37;
	v42 =	vld [tilespmem:s23+$0xFFFFFFC0];
	s24 =	simm.s32 $0x1C0;
	v56 =	vadd.s32 s0, v21;
	v45 =	vor.u32 v55, v48;
	v39 =	vor.u32 v35, v43  }
0x453: {  	v58 =	vld [tilespmem:s22+$0xFFFFFFC0];
	s29 =	simm.s32 $0x100;
	s30 =	simm.s32 $0x180;
	s31 =	simm.s32 $0x35;
	v57 =	vadd.s32 s26, v21;
	v40 =	vadd.s32 s1, v21;
	v41 =	vmov s24  }
0x454: {  	v47 =	vld [tilespmem:s23+$0xFFFFFF80];
	p4 =	por $0x1, $0x1;
	v59 =	vmov s29;
	v60 =	vmov s30;
	v49 =	vadd.s32 s31, v21  }
.Ltmp70:
0x455: {  	v34 =	vand.u32 $0x3F, v56;
	v35 =	vand.u32 $0x3F, v40;
	v41 =	vshrl.u32 v41, $0x7;
	v40 =	vld [tilespmem:s22+$0xFFFFFF80];
	(pc) =	sbr.rel @!p4 .LBB2_135-.Ltmp70, $4  }
0x456: {  	v44 =	vshrl.u32 v59, $0x7;
	v46 =	vshrl.u32 v60, $0x7;
	v61 =	vshll.u32 v41, v26;
	v41 =	vld [tilespmem:s23+$0x0]  }
0x457: {  	v62 =	vshll.u32 v44, v26;
	v46 =	vshll.u32 v46, v26;
	v50 =	vor.u32 $0x40, v61;
	[tilespmem:v45+s15+$0x0] =	vst.idx.msk $0xffff, v42;
	v42 =	vld [tilespmem:s22+$0x0]  }
0x458: {  	p3 =	por $0x1, $0x1;
	v44 =	vbroadcast v62, $0x0;
	v63 =	vor.u32 $0x40, v62;
	v46 =	vbroadcast v46, $0x0;
	[tilespmem:v45+s16+$0x0] =	vst.idx.msk $0xffff, v58;
	v45 =	vld [tilespmem:s23+$0x40]  }
0x459: {  	s25 =	simm.s32 $0xB0;
	s28 =	simm.s32 $0x20B0;
	s26 =	simm.s32 $0x4;
	v36 =	vand.u32 $0x3F, v57;
	v48 =	vbroadcast v63, $0x0;
	v43 =	vbroadcast v50, $0x0;
	[tilespmem:v38+s15+$0x0] =	vst.idx.msk $0xffff, v47;
	v47 =	vld [tilespmem:s22+$0x40]  }
.LBB2_136:
0x45a: {  	s0 =	sadd.s32 $0x34, s26;
	v49 =	vand.u32 $0x3F, v49;
	v36 =	vor.u32 v36, v46;
	[tilespmem:v38+s16+$0x0] =	vst.idx.msk $0xffff, v40;
	v38 =	vor.u32 v34, v44;
	s25 =	sadd.s32 $0x100, s25;
	s1 =	smov.u32 s26  }
0x45b: {  	s29 =	sadd.s32 $0x37, s26;
	s28 =	sadd.s32 $0x100, s28;
	v34 =	vadd.s32 s0, v21;
	s0 =	sadd.s32 $0x36, s26;
	v44 =	vld [tilespmem:s25+$0xFFFFFFC0];
	v48 =	vor.u32 v49, v48;
	v43 =	vor.u32 v35, v43;
	[tilespmem:v37+s15+$0x0] =	vst.idx.msk $0xffff, v41  }
0x45c: {  	s24 =	sadd.s32 $0x100, s24;
	v40 =	vadd.s32 s29, v21;
	s26 =	sadd.s32 $0x4, s26;
	v34 =	vand.u32 $0x3F, v34;
	v35 =	vadd.s32 s0, v21;
	v49 =	vld [tilespmem:s28+$0xFFFFFFC0];
	[tilespmem:v37+s16+$0x0] =	vst.idx.msk $0xffff, v42;
	v37 =	vmovc v36  }
0x45d: {  	s29 =	sadd.s32 $0xFFFFFFC0, s24;
	v41 =	vmov s24;
	s0 =	sadd.s32 $0xFFFFFF40, s24;
	p4 =	slt.u32 s26, $0x7C;
	v36 =	vand.u32 $0x3F, v35;
	v35 =	vand.u32 $0x3F, v40;
	v50 =	vld [tilespmem:s25+$0xFFFFFF80];
	[tilespmem:v39+s15+$0x0] =	vst.idx.msk $0xffff, v45  }
.Ltmp71:
0x45e: {  	v41 =	vshrl.u32 v41, $0x7;
	v42 =	vmov s0;
	v45 =	vmov s29;
	v40 =	vld [tilespmem:s28+$0xFFFFFF80];
	[tilespmem:v39+s16+$0x0] =	vst.idx.msk $0xffff, v47;
	v39 =	vmovc v43;
	(pc) =	sbr.rel @p4 .LBB2_136-.Ltmp71, $4  }
0x45f: {  	v42 =	vshrl.u32 v42, $0x7;
	v43 =	vshrl.u32 v45, $0x7;
	v45 =	vshll.u32 v41, v26;
	v41 =	vld [tilespmem:s25+$0x0]  }
0x460: {  	v46 =	vshll.u32 v42, v26;
	v43 =	vshll.u32 v43, v26;
	v47 =	vor.u32 $0x40, v45;
	[tilespmem:v48+s15+$0x0] =	vst.idx.msk $0xffff, v44;
	v42 =	vld [tilespmem:s28+$0x0]  }
0x461: {  	s0 =	sadd.s32 $0x35, s1;
	v44 =	vbroadcast v46, $0x0;
	v51 =	vor.u32 $0x40, v46;
	v46 =	vbroadcast v43, $0x0;
	[tilespmem:v48+s16+$0x0] =	vst.idx.msk $0xffff, v49;
	v45 =	vld [tilespmem:s25+$0x40]  }
0x462: {  	v43 =	vbroadcast v47, $0x0;
	v49 =	vadd.s32 s0, v21;
	v48 =	vbroadcast v51, $0x0;
	[tilespmem:v38+s15+$0x0] =	vst.idx.msk $0xffff, v50;
	v47 =	vld [tilespmem:s28+$0x40]  }
.LBB2_137:
0x463: {  	_ =	sdelay $0x1  }
0x464: {  	s0 =	sadd.s32 @p3 $0x100, s25  }
0x465: {  	v49 =	vand.u32 $0x3F, v49;
	s23 =	smov.u32 @p3 s0  }
0x466: {  	[tilespmem:v38+s16+$0x0] =	vst.idx.msk @p3 $0xffff, v40;
	v56 =	vor.u32 v49, v48;
	v55 =	vld [tilespmem:s23+$0xFFFFFFC0]  }
0x467: {  	v34 =	vor.u32 v34, v44;
	[tilespmem:v37+s15+$0x0] =	vst.idx.msk @p3 $0xffff, v41;
	v58 =	vld [tilespmem:s23+$0xFFFFFF80]  }
0x468: {  	v36 =	vor.u32 v36, v46;
	s0 =	sadd.s32 @p3 $0x100, s28;
	[tilespmem:v37+s16+$0x0] =	vst.idx.msk @p3 $0xffff, v42;
	v60 =	vld [tilespmem:s23+$0x0]  }
0x469: {  	v35 =	vor.u32 v35, v43;
	s22 =	smov.u32 @p3 s0;
	v62 =	vld [tilespmem:s23+$0x40];
	[tilespmem:v39+s15+$0x0] =	vst.idx.msk @p3 $0xffff, v45  }
0x46a: {  	v57 =	vld [tilespmem:s22+$0xFFFFFFC0];
	[tilespmem:v39+s16+$0x0] =	vst.idx.msk @p3 $0xffff, v47  }
0x46b: {  	v59 =	vld [tilespmem:s22+$0xFFFFFF80];
	[tilespmem:v56+s15+$0x0] =	vst.idx.msk $0xffff, v55  }
0x46c: {  	v61 =	vld [tilespmem:s22+$0x0];
	[tilespmem:v34+s15+$0x0] =	vst.idx.msk $0xffff, v58  }
0x46d: {  	v63 =	vld [tilespmem:s22+$0x40];
	p3 =	por $0x1, $0x1;
	[tilespmem:v36+s15+$0x0] =	vst.idx.msk $0xffff, v60  }
.Ltmp72:
0x46e: {  	[tilespmem:v35+s15+$0x0] =	vst.idx.msk $0xffff, v62;
	(pc) =	sbr.rel @!p3 .LBB2_138-.Ltmp72, $4  }
0x46f: {  	[tilespmem:v56+s16+$0x0] =	vst.idx.msk $0xffff, v57  }
0x470: {  	[tilespmem:v34+s16+$0x0] =	vst.idx.msk $0xffff, v59  }
0x471: {  	s25 =	simm.s32 $0x3;
	[tilespmem:v36+s16+$0x0] =	vst.idx.msk $0xffff, v61  }
0x472: {  	s24 =	simm.s32 $0x4;
	s23 =	simm.s32 $0x0;
	s22 =	simm.s32 $0x8200;
	[tilespmem:v35+s16+$0x0] =	vst.idx.msk $0xffff, v63  }
0x473: {  	v34 =	vadd.s32 s25, v21  }
0x474: {  	v34 =	vand.u32 $0x3F, v34  }
0x475: {  	p4 =	por $0x1, $0x1;
	v44 =	vor.u32 v23, v34  }
.Ltmp73:
0x476: {  	_ = 	snop;
	(pc) =	sbr.rel @!p4 .LBB2_140-.Ltmp73, $4  }
0x477: {  	s0 =	simm.s32 $0x1;
	s1 =	simm.s32 $0x2  }
0x478: {  	v36 =	vadd.s32 s23, v21;
	v63 =	vadd.s32 s0, v21;
	v35 =	vadd.s32 s1, v21  }
0x479: {  	v38 =	vand.u32 $0x3F, v36;
	v34 =	vand.u32 $0x3F, v63;
	v35 =	vand.u32 $0x3F, v35  }
0x47a: {  	s25 =	simm.s32 $0x7;
	s23 =	simm.s32 $0x8;
	p3 =	por $0x1, $0x1;
	v37 =	vor.u32 v23, v34;
	v36 =	vor.u32 v23, v35;
	v34 =	vor.u32 v23, v38;
	v35 =	vld.idx.msk [tilespmem:v44+s16+$0x0], $0xffff  }
0x47b: {  	_ =	sdelay $0x3  }
0x47c: {  	v45 =	vld.idx.msk [tilespmem:v37+s15+$0x0], $0xffff  }
0x47d: {  	v38 =	vadd.s32 s25, v21;
	v46 =	vld.idx.msk [tilespmem:v37+s16+$0x0], $0xffff;
	s0 =	simm.s32 $0x5  }
0x47e: {  	v40 =	vld.idx.msk [tilespmem:v36+s16+$0x0], $0xffff;
	v38 =	vand.u32 $0x3F, v38;
	v61 =	vadd.s32 s0, v21  }
0x47f: {  	s31 =	simm.s32 $0x6;
	p4 =	por $0x1, $0x1;
	v43 =	vor.u32 v23, v38;
	v38 =	vld.idx.msk [tilespmem:v36+s15+$0x0], $0xffff;
	v36 =	vand.u32 $0x3F, v61  }
.Ltmp74:
0x480: {  	v42 =	vadd.s32 s31, v21;
	v37 =	vor.u32 v23, v36;
	(pc) =	sbr.rel @!p4 .LBB2_142-.Ltmp74, $4  }
0x481: {  	v39 =	vld.idx.msk [tilespmem:v44+s15+$0x0], $0xffff;
	v63 =	vand.u32 $0x3F, v42  }
0x482: {  	v41 =	vld.idx.msk [tilespmem:v34+s15+$0x0], $0xffff;
	v62 =	vadd.s32 s24, v21;
	v36 =	vor.u32 v23, v63;
	[tilespmem:s22+$0x180] =	vst v35  }
0x483: {  	s25 =	simm.s32 $0xB;
	v44 =	vand.u32 $0x3F, v62;
	v42 =	vld.idx.msk [tilespmem:v34+s16+$0x0], $0xffff;
	[tilespmem:s22+$0xFFFFFF00] =	vst v45  }
0x484: {  	s26 =	simm.s32 $0xC;
	p2 =	por $0x1, $0x1;
	s24 =	simm.s32 $0x8200;
	v34 =	vor.u32 v23, v44;
	[tilespmem:s22+$0xFFFFFF80] =	vst v46;
	v35 =	vld.idx.msk [tilespmem:v43+s16+$0x0], $0xffff  }
.LBB2_143:
0x485: {  	p4 =	slt.u32 s26, $0x3C;
	s0 =	sadd.s32 $0x1, s23;
	v44 =	vadd.s32 s25, v21;
	v45 =	vld.idx.msk [tilespmem:v37+s15+$0x0], $0xffff;
	[tilespmem:s24+$0x0] =	vst v38  }
0x486: {  	v38 =	vadd.s32 s0, v21;
	v44 =	vand.u32 $0x3F, v44;
	v46 =	vld.idx.msk [tilespmem:v37+s16+$0x0], $0xffff;
	[tilespmem:s24+$0x80] =	vst v40  }
0x487: {  	s0 =	sadd.s32 $0x2, s23;
	v37 =	vand.u32 $0x3F, v38;
	v44 =	vor.u32 v23, v44;
	v38 =	vld.idx.msk [tilespmem:v36+s15+$0x0], $0xffff;
	[tilespmem:s24+$0xFFFFFE00] =	vst v41  }
.Ltmp75:
0x488: {  	v41 =	vadd.s32 s0, v21;
	v37 =	vor.u32 v23, v37;
	v40 =	vld.idx.msk [tilespmem:v36+s16+$0x0], $0xffff;
	[tilespmem:s24+$0x100] =	vst v39;
	(pc) =	sbr.rel @p4 .LBB2_143-.Ltmp75, $4  }
0x489: {  	v36 =	vand.u32 $0x3F, v41;
	v41 =	vld.idx.msk [tilespmem:v34+s15+$0x0], $0xffff;
	[tilespmem:s24+$0xFFFFFE80] =	vst v42;
	s24 =	sadd.s32 $0x400, s24  }
0x48a: {  	v42 =	vadd.s32 s23, v21;
	v36 =	vor.u32 v23, v36;
	s23 =	smov.u32 s26;
	v39 =	vld.idx.msk [tilespmem:v43+s15+$0x0], $0xffff;
	[tilespmem:s24+$0x180] =	vst v35;
	v43 =	vmov v44  }
0x48b: {  	v35 =	vand.u32 $0x3F, v42;
	v42 =	vld.idx.msk [tilespmem:v34+s16+$0x0], $0xffff;
	[tilespmem:s24+$0xFFFFFF00] =	vst v45  }
0x48c: {  	s26 =	sadd.s32 $0x4, s26;
	s25 =	sadd.s32 $0x3, s23;
	v34 =	vor.u32 v23, v35;
	v35 =	vld.idx.msk [tilespmem:v44+s16+$0x0], $0xffff;
	[tilespmem:s24+$0xFFFFFF80] =	vst v46  }
0x48d: {  	v44 =	vmov v43  }
.LBB2_145:
0x48e: {  	_ =	sdelay $0x3  }
0x48f: {  	v43 =	vld.idx.msk @p3 [tilespmem:v37+s15+$0x0], $0xffff  }
0x490: {  	[tilespmem:s24+$0x0] =	vst @p2 v38;
	v37 =	vld.idx.msk @p3 [tilespmem:v37+s16+$0x0], $0xffff  }
0x491: {  	v45 =	vadd.s32 s25, v21;
	[tilespmem:s24+$0x80] =	vst @p2 v40;
	v40 =	vld.idx.msk @p3 [tilespmem:v36+s15+$0x0], $0xffff  }
0x492: {  	s0 =	sadd.s32 $0x1, s23;
	[tilespmem:s24+$0xFFFFFE00] =	vst @p2 v41;
	v36 =	vld.idx.msk @p3 [tilespmem:v36+s16+$0x0], $0xffff;
	v45 =	vand.u32 $0x3F, v45  }
0x493: {  	s1 =	simm.s32 $0x8200;
	v49 =	vadd.s32 s0, v21;
	[tilespmem:s24+$0x100] =	vst @p2 v39;
	v39 =	vld.idx.msk @p3 [tilespmem:v34+s15+$0x0], $0xffff;
	s0 =	sadd.s32 @p2 $0x400, s24;
	v45 =	vor.u32 v23, v45  }
0x494: {  	s26 =	sadd.s32 $0x2, s23;
	v34 =	vld.idx.msk @p3 [tilespmem:v34+s16+$0x0], $0xffff;
	v38 =	vand.u32 $0x3F, v49;
	[tilespmem:s24+$0xFFFFFE80] =	vst @p2 v42;
	s1 =	smov.u32 @p2 s0  }
0x495: {  	v50 =	vadd.s32 s26, v21;
	v42 =	vld.idx.msk @p3 [tilespmem:v44+s15+$0x0], $0xffff;
	v38 =	vor.u32 v23, v38;
	[tilespmem:s1+$0x180] =	vst @p3 v35  }
0x496: {  	v41 =	vand.u32 $0x3F, v50;
	[tilespmem:s1+$0xFFFFFF00] =	vst @p3 v43  }
0x497: {  	v51 =	vadd.s32 s23, v21;
	v41 =	vor.u32 v23, v41;
	[tilespmem:s1+$0xFFFFFF80] =	vst @p3 v37;
	v37 =	vpsel p3, v40, v0  }
0x498: {  	v35 =	vand.u32 $0x3F, v51;
	v36 =	vpsel p3, v36, v0;
	[tilespmem:s1+$0x0] =	vst @p3 v37;
	v52 =	vld.idx.msk [tilespmem:v45+s16+$0x0], $0xffff  }
0x499: {  	v35 =	vor.u32 v23, v35;
	v37 =	vpsel p3, v39, v0;
	[tilespmem:s1+$0x80] =	vst @p3 v36;
	v56 =	vld.idx.msk [tilespmem:v45+s15+$0x0], $0xffff  }
0x49a: {  	v34 =	vpsel p3, v34, v0;
	[tilespmem:s1+$0xFFFFFE00] =	vst @p3 v37;
	v53 =	vld.idx.msk [tilespmem:v38+s15+$0x0], $0xffff  }
0x49b: {  	s0 =	sadd.s32 @p3 $0x400, s1;
	v36 =	vpsel p3, v42, v0;
	[tilespmem:s1+$0xFFFFFE80] =	vst @p3 v34;
	v38 =	vld.idx.msk [tilespmem:v38+s16+$0x0], $0xffff  }
0x49c: {  	s22 =	smov.u32 @p3 s0;
	v54 =	vld.idx.msk [tilespmem:v41+s15+$0x0], $0xffff;
	[tilespmem:s1+$0x100] =	vst @p3 v36  }
0x49d: {  	v55 =	vld.idx.msk [tilespmem:v41+s16+$0x0], $0xffff;
	[tilespmem:s22+$0x180] =	vst v52  }
0x49e: {  	v57 =	vld.idx.msk [tilespmem:v35+s15+$0x0], $0xffff;
	[tilespmem:s22+$0x100] =	vst v56  }
0x49f: {  	p3 =	por $0x1, $0x1;
	v35 =	vld.idx.msk [tilespmem:v35+s16+$0x0], $0xffff;
	[tilespmem:s22+$0xFFFFFF00] =	vst v53  }
.Ltmp76:
0x4a0: {  	s28 =	simm.s32 $0x10;
	s29 =	simm.s32 $0x13;
	[tilespmem:s22+$0xFFFFFF80] =	vst v38;
	(pc) =	sbr.rel @!p3 .LBB2_146-.Ltmp76, $4  }
0x4a1: {  	s30 =	simm.s32 $0x11;
	s31 =	simm.s32 $0x12;
	v58 =	vadd.s32 s28, v21;
	v60 =	vadd.s32 s29, v21;
	[tilespmem:s22+$0x0] =	vst v54  }
0x4a2: {  	v61 =	vadd.s32 s30, v21;
	v63 =	vadd.s32 s31, v21;
	v59 =	vand.u32 $0x3F, v58;
	[tilespmem:s22+$0x80] =	vst v55  }
0x4a3: {  	v62 =	vand.u32 $0x3F, v60;
	v46 =	vand.u32 $0x3F, v63;
	v37 =	vand.u32 $0x3F, v61;
	[tilespmem:s22+$0xFFFFFE00] =	vst v57  }
0x4a4: {  	s23 =	simm.s32 $0x8210;
	p2 =	por $0x0, $0x0;
	v34 =	vor.u32 v27, v59;
	v45 =	vor.u32 v27, v62;
	v36 =	vor.u32 v27, v37;
	[tilespmem:s22+$0xFFFFFE80] =	vst v35  }
0x4a5: {  	_ =	sdelay $0x3  }
0x4a6: {  	v35 =	vld.idx.msk [tilespmem:v34+s15+$0x0], $0xffff;
	s0 =	simm.s32 $0x14  }
0x4a7: {  	v42 =	vor.u32 v27, v46;
	v43 =	vld.idx.msk [tilespmem:v45+s16+$0x0], $0xffff;
	s1 =	simm.s32 $0x17;
	v60 =	vadd.s32 s0, v21  }
0x4a8: {  	v37 =	vld.idx.msk [tilespmem:v34+s16+$0x0], $0xffff;
	p5 =	por $0x1, $0x1;
	v40 =	vadd.s32 s1, v21;
	v34 =	vand.u32 $0x3F, v60  }
.Ltmp77:
0x4a9: {  	v38 =	vld.idx.msk [tilespmem:v36+s15+$0x0], $0xffff;
	s30 =	simm.s32 $0x15;
	v61 =	vand.u32 $0x3F, v40;
	v34 =	vor.u32 v27, v34;
	(pc) =	sbr.rel @!p5 .LBB2_148-.Ltmp77, $4  }
0x4aa: {  	v39 =	vld.idx.msk [tilespmem:v36+s16+$0x0], $0xffff;
	v41 =	vadd.s32 s30, v21;
	v44 =	vor.u32 v27, v61  }
0x4ab: {  	s31 =	simm.s32 $0x16;
	v62 =	vand.u32 $0x3F, v41;
	v41 =	vld.idx.msk [tilespmem:v45+s15+$0x0], $0xffff  }
0x4ac: {  	v63 =	vadd.s32 s31, v21;
	v36 =	vor.u32 v27, v62;
	v40 =	vld.idx.msk [tilespmem:v42+s15+$0x0], $0xffff  }
0x4ad: {  	s24 =	simm.s32 $0x4;
	p4 =	por $0x1, $0x1;
	s22 =	simm.s32 $0x8210;
	v46 =	vand.u32 $0x3F, v63;
	v42 =	vld.idx.msk [tilespmem:v42+s16+$0x0], $0xffff;
	[tilespmem:s23+$0x180] =	vst v43;
	v43 =	vmov v44  }
.LBB2_149:
0x4ae: {  	s0 =	sadd.s32 $0x14, s24;
	v45 =	vor.u32 v27, v46;
	[tilespmem:s22+$0xFFFFFE00] =	vst v35;
	v35 =	vld.idx.msk [tilespmem:v34+s15+$0x0], $0xffff;
	s1 =	smov.u32 s24  }
0x4af: {  	s24 =	sadd.s32 $0x4, s24;
	v46 =	vadd.s32 s0, v21;
	s0 =	sadd.s32 $0x17, s1;
	v47 =	vld.idx.msk [tilespmem:v44+s16+$0x0], $0xffff;
	[tilespmem:s22+$0xFFFFFE80] =	vst v37  }
0x4b0: {  	p5 =	slt.u32 s24, $0x3C;
	v44 =	vand.u32 $0x3F, v46;
	v46 =	vadd.s32 s0, v21;
	v37 =	vld.idx.msk [tilespmem:v34+s16+$0x0], $0xffff;
	[tilespmem:s22+$0xFFFFFF00] =	vst v38  }
.Ltmp78:
0x4b1: {  	s0 =	sadd.s32 $0x15, s1;
	v34 =	vor.u32 v27, v44;
	v44 =	vand.u32 $0x3F, v46;
	v38 =	vld.idx.msk [tilespmem:v36+s15+$0x0], $0xffff;
	[tilespmem:s22+$0xFFFFFF80] =	vst v39;
	(pc) =	sbr.rel @p5 .LBB2_149-.Ltmp78, $4  }
0x4b2: {  	v46 =	vadd.s32 s0, v21;
	v44 =	vor.u32 v27, v44;
	v39 =	vld.idx.msk [tilespmem:v36+s16+$0x0], $0xffff;
	[tilespmem:s22+$0x0] =	vst v40  }
0x4b3: {  	s0 =	sadd.s32 $0x16, s1;
	v36 =	vand.u32 $0x3F, v46;
	v40 =	vld.idx.msk [tilespmem:v45+s15+$0x0], $0xffff;
	[tilespmem:s22+$0x80] =	vst v42  }
0x4b4: {  	v46 =	vadd.s32 s0, v21;
	v36 =	vor.u32 v27, v36;
	v42 =	vld.idx.msk [tilespmem:v45+s16+$0x0], $0xffff;
	[tilespmem:s22+$0x100] =	vst v41;
	s22 =	sadd.s32 $0x400, s22  }
0x4b5: {  	v46 =	vand.u32 $0x3F, v46;
	v41 =	vld.idx.msk [tilespmem:v43+s15+$0x0], $0xffff;
	[tilespmem:s22+$0x180] =	vst v47;
	v43 =	vmov v44  }
0x4b6: {  	v45 =	vmov v44  }
.LBB2_151:
0x4b7: {  	_ =	sdelay $0x1  }
0x4b8: {  	[tilespmem:s22+$0xFFFFFE00] =	vst @p4 v35  }
0x4b9: {  	[tilespmem:s22+$0xFFFFFE80] =	vst @p4 v37  }
0x4ba: {  	v44 =	vld.idx.msk [tilespmem:v45+s16+$0x0], $0xffff;
	[tilespmem:s22+$0xFFFFFF00] =	vst @p4 v38  }
0x4bb: {  	v53 =	vld.idx.msk [tilespmem:v34+s15+$0x0], $0xffff;
	v54 =	vor.u32 v27, v46;
	[tilespmem:s22+$0xFFFFFF80] =	vst @p4 v39  }
0x4bc: {  	v55 =	vld.idx.msk [tilespmem:v34+s16+$0x0], $0xffff;
	[tilespmem:s22+$0x0] =	vst @p4 v40  }
0x4bd: {  	v56 =	vld.idx.msk [tilespmem:v36+s15+$0x0], $0xffff;
	s0 =	sadd.s32 @p4 $0x400, s22;
	[tilespmem:s22+$0x80] =	vst @p4 v42  }
0x4be: {  	v57 =	vld.idx.msk [tilespmem:v36+s16+$0x0], $0xffff;
	s23 =	smov.u32 @p4 s0;
	[tilespmem:s22+$0x100] =	vst @p4 v41  }
0x4bf: {  	v58 =	vld.idx.msk [tilespmem:v43+s15+$0x0], $0xffff;
	[tilespmem:s23+$0x180] =	vst v44  }
0x4c0: {  	v59 =	vld.idx.msk [tilespmem:v54+s15+$0x0], $0xffff;
	[tilespmem:s23+$0xFFFFFE00] =	vst v53  }
0x4c1: {  	v37 =	vld.idx.msk [tilespmem:v54+s16+$0x0], $0xffff;
	[tilespmem:s23+$0xFFFFFE80] =	vst v55  }
.Ltmp79:
0x4c2: {  	s29 =	simm.s32 $0x20;
	s30 =	simm.s32 $0x23;
	[tilespmem:s23+$0xFFFFFF00] =	vst v56;
	(pc) =	sbr.rel @!p3 .LBB2_152-.Ltmp79, $4  }
0x4c3: {  	s1 =	simm.s32 $0x21;
	s31 =	simm.s32 $0x22;
	v60 =	vadd.s32 s29, v21;
	v61 =	vadd.s32 s30, v21;
	[tilespmem:s23+$0xFFFFFF80] =	vst v57  }
0x4c4: {  	v62 =	vadd.s32 s1, v21;
	v63 =	vadd.s32 s31, v21;
	v34 =	vand.u32 $0x3F, v60;
	[tilespmem:s23+$0x100] =	vst v58  }
0x4c5: {  	v35 =	vand.u32 $0x3F, v61;
	v36 =	vand.u32 $0x3F, v62;
	v46 =	vand.u32 $0x3F, v63;
	[tilespmem:s23+$0x0] =	vst v59  }
0x4c6: {  	v34 =	vor.u32 v28, v34;
	s22 =	simm.s32 $0x8220;
	v45 =	vor.u32 v28, v35;
	v36 =	vor.u32 v28, v36;
	[tilespmem:s23+$0x80] =	vst v37  }
0x4c7: {  	_ =	sdelay $0x3  }
0x4c8: {  	v35 =	vld.idx.msk [tilespmem:v34+s15+$0x0], $0xffff;
	s0 =	simm.s32 $0x24  }
0x4c9: {  	v42 =	vor.u32 v28, v46;
	v43 =	vld.idx.msk [tilespmem:v45+s16+$0x0], $0xffff;
	s1 =	simm.s32 $0x27;
	v60 =	vadd.s32 s0, v21  }
0x4ca: {  	v37 =	vld.idx.msk [tilespmem:v34+s16+$0x0], $0xffff;
	p3 =	por $0x1, $0x1;
	v40 =	vadd.s32 s1, v21;
	v34 =	vand.u32 $0x3F, v60  }
.Ltmp80:
0x4cb: {  	v38 =	vld.idx.msk [tilespmem:v36+s15+$0x0], $0xffff;
	s30 =	simm.s32 $0x25;
	v61 =	vand.u32 $0x3F, v40;
	v34 =	vor.u32 v28, v34;
	(pc) =	sbr.rel @!p3 .LBB2_154-.Ltmp80, $4  }
0x4cc: {  	v39 =	vld.idx.msk [tilespmem:v36+s16+$0x0], $0xffff;
	v41 =	vadd.s32 s30, v21;
	v44 =	vor.u32 v28, v61  }
0x4cd: {  	s31 =	simm.s32 $0x26;
	v62 =	vand.u32 $0x3F, v41;
	v41 =	vld.idx.msk [tilespmem:v45+s15+$0x0], $0xffff  }
0x4ce: {  	v63 =	vadd.s32 s31, v21;
	v36 =	vor.u32 v28, v62;
	v40 =	vld.idx.msk [tilespmem:v42+s15+$0x0], $0xffff  }
0x4cf: {  	s24 =	simm.s32 $0x4;
	p2 =	por $0x1, $0x1;
	s23 =	simm.s32 $0x8220;
	v46 =	vand.u32 $0x3F, v63;
	v42 =	vld.idx.msk [tilespmem:v42+s16+$0x0], $0xffff;
	[tilespmem:s22+$0x180] =	vst v43;
	v43 =	vmov v44  }
.LBB2_155:
0x4d0: {  	s0 =	sadd.s32 $0x24, s24;
	v45 =	vor.u32 v28, v46;
	[tilespmem:s23+$0xFFFFFE00] =	vst v35;
	v35 =	vld.idx.msk [tilespmem:v34+s15+$0x0], $0xffff;
	s1 =	smov.u32 s24  }
0x4d1: {  	s24 =	sadd.s32 $0x4, s24;
	v46 =	vadd.s32 s0, v21;
	s0 =	sadd.s32 $0x27, s1;
	v47 =	vld.idx.msk [tilespmem:v44+s16+$0x0], $0xffff;
	[tilespmem:s23+$0xFFFFFE80] =	vst v37  }
0x4d2: {  	p3 =	slt.u32 s24, $0x3C;
	v44 =	vand.u32 $0x3F, v46;
	v46 =	vadd.s32 s0, v21;
	v37 =	vld.idx.msk [tilespmem:v34+s16+$0x0], $0xffff;
	[tilespmem:s23+$0xFFFFFF00] =	vst v38  }
.Ltmp81:
0x4d3: {  	s0 =	sadd.s32 $0x25, s1;
	v34 =	vor.u32 v28, v44;
	v44 =	vand.u32 $0x3F, v46;
	v38 =	vld.idx.msk [tilespmem:v36+s15+$0x0], $0xffff;
	[tilespmem:s23+$0xFFFFFF80] =	vst v39;
	(pc) =	sbr.rel @p3 .LBB2_155-.Ltmp81, $4  }
0x4d4: {  	v46 =	vadd.s32 s0, v21;
	v44 =	vor.u32 v28, v44;
	v39 =	vld.idx.msk [tilespmem:v36+s16+$0x0], $0xffff;
	[tilespmem:s23+$0x0] =	vst v40  }
0x4d5: {  	s0 =	sadd.s32 $0x26, s1;
	v36 =	vand.u32 $0x3F, v46;
	v40 =	vld.idx.msk [tilespmem:v45+s15+$0x0], $0xffff;
	[tilespmem:s23+$0x80] =	vst v42  }
0x4d6: {  	v46 =	vadd.s32 s0, v21;
	v36 =	vor.u32 v28, v36;
	v42 =	vld.idx.msk [tilespmem:v45+s16+$0x0], $0xffff;
	[tilespmem:s23+$0x100] =	vst v41;
	s23 =	sadd.s32 $0x400, s23  }
0x4d7: {  	v46 =	vand.u32 $0x3F, v46;
	v41 =	vld.idx.msk [tilespmem:v43+s15+$0x0], $0xffff;
	[tilespmem:s23+$0x180] =	vst v47;
	v43 =	vmov v44  }
0x4d8: {  	v45 =	vmov v44  }
.LBB2_157:
0x4d9: {  	_ =	sdelay $0x1  }
0x4da: {  	[tilespmem:s23+$0xFFFFFE00] =	vst @p2 v35  }
0x4db: {  	[tilespmem:s23+$0xFFFFFE80] =	vst @p2 v37  }
0x4dc: {  	v44 =	vld.idx.msk [tilespmem:v45+s16+$0x0], $0xffff;
	[tilespmem:s23+$0xFFFFFF00] =	vst @p2 v38  }
0x4dd: {  	v53 =	vld.idx.msk [tilespmem:v34+s15+$0x0], $0xffff;
	v54 =	vor.u32 v28, v46;
	[tilespmem:s23+$0xFFFFFF80] =	vst @p2 v39  }
0x4de: {  	v55 =	vld.idx.msk [tilespmem:v34+s16+$0x0], $0xffff;
	[tilespmem:s23+$0x0] =	vst @p2 v40  }
0x4df: {  	v56 =	vld.idx.msk [tilespmem:v36+s15+$0x0], $0xffff;
	s0 =	sadd.s32 @p2 $0x400, s23;
	[tilespmem:s23+$0x80] =	vst @p2 v42  }
0x4e0: {  	v57 =	vld.idx.msk [tilespmem:v36+s16+$0x0], $0xffff;
	s22 =	smov.u32 @p2 s0;
	[tilespmem:s23+$0x100] =	vst @p2 v41  }
0x4e1: {  	v58 =	vld.idx.msk [tilespmem:v43+s15+$0x0], $0xffff;
	[tilespmem:s22+$0x180] =	vst v44  }
0x4e2: {  	v59 =	vld.idx.msk [tilespmem:v54+s15+$0x0], $0xffff;
	[tilespmem:s22+$0xFFFFFE00] =	vst v53  }
0x4e3: {  	p3 =	por $0x1, $0x1;
	v37 =	vld.idx.msk [tilespmem:v54+s16+$0x0], $0xffff;
	[tilespmem:s22+$0xFFFFFE80] =	vst v55  }
.Ltmp82:
0x4e4: {  	s29 =	simm.s32 $0x30;
	s30 =	simm.s32 $0x33;
	[tilespmem:s22+$0xFFFFFF00] =	vst v56;
	(pc) =	sbr.rel @!p3 .LBB2_158-.Ltmp82, $4  }
0x4e5: {  	s1 =	simm.s32 $0x31;
	s31 =	simm.s32 $0x32;
	v60 =	vadd.s32 s29, v21;
	v61 =	vadd.s32 s30, v21;
	[tilespmem:s22+$0xFFFFFF80] =	vst v57  }
0x4e6: {  	v62 =	vadd.s32 s1, v21;
	v63 =	vadd.s32 s31, v21;
	v34 =	vand.u32 $0x3F, v60;
	[tilespmem:s22+$0x100] =	vst v58  }
0x4e7: {  	v35 =	vand.u32 $0x3F, v61;
	v36 =	vand.u32 $0x3F, v62;
	v46 =	vand.u32 $0x3F, v63;
	[tilespmem:s22+$0x0] =	vst v59  }
0x4e8: {  	s24 =	simm.s32 $0x8230;
	v34 =	vor.u32 v29, v34;
	v45 =	vor.u32 v29, v35;
	v36 =	vor.u32 v29, v36;
	p2 =	por $0x0, $0x0;
	[tilespmem:s22+$0x80] =	vst v37  }
0x4e9: {  	_ =	sdelay $0x3  }
0x4ea: {  	v35 =	vld.idx.msk [tilespmem:v34+s15+$0x0], $0xffff;
	s0 =	simm.s32 $0x34  }
0x4eb: {  	v42 =	vor.u32 v29, v46;
	v43 =	vld.idx.msk [tilespmem:v45+s16+$0x0], $0xffff;
	s1 =	simm.s32 $0x37;
	v60 =	vadd.s32 s0, v21  }
0x4ec: {  	v37 =	vld.idx.msk [tilespmem:v34+s16+$0x0], $0xffff;
	p4 =	por $0x1, $0x1;
	v40 =	vadd.s32 s1, v21;
	v34 =	vand.u32 $0x3F, v60  }
.Ltmp83:
0x4ed: {  	v38 =	vld.idx.msk [tilespmem:v36+s15+$0x0], $0xffff;
	s30 =	simm.s32 $0x35;
	v61 =	vand.u32 $0x3F, v40;
	v34 =	vor.u32 v29, v34;
	(pc) =	sbr.rel @!p4 .LBB2_160-.Ltmp83, $4  }
0x4ee: {  	v39 =	vld.idx.msk [tilespmem:v36+s16+$0x0], $0xffff;
	v41 =	vadd.s32 s30, v21;
	v44 =	vor.u32 v29, v61  }
0x4ef: {  	s31 =	simm.s32 $0x36;
	v62 =	vand.u32 $0x3F, v41;
	v41 =	vld.idx.msk [tilespmem:v45+s15+$0x0], $0xffff  }
0x4f0: {  	v63 =	vadd.s32 s31, v21;
	v36 =	vor.u32 v29, v62;
	v40 =	vld.idx.msk [tilespmem:v42+s15+$0x0], $0xffff  }
0x4f1: {  	s23 =	simm.s32 $0x4;
	p3 =	por $0x1, $0x1;
	s22 =	simm.s32 $0x8230;
	v46 =	vand.u32 $0x3F, v63;
	v42 =	vld.idx.msk [tilespmem:v42+s16+$0x0], $0xffff;
	[tilespmem:s24+$0x180] =	vst v43;
	v43 =	vmov v44  }
.LBB2_161:
0x4f2: {  	s0 =	sadd.s32 $0x34, s23;
	v45 =	vor.u32 v29, v46;
	[tilespmem:s22+$0xFFFFFE00] =	vst v35;
	v35 =	vld.idx.msk [tilespmem:v34+s15+$0x0], $0xffff;
	s1 =	smov.u32 s23  }
0x4f3: {  	s23 =	sadd.s32 $0x4, s23;
	v46 =	vadd.s32 s0, v21;
	s0 =	sadd.s32 $0x37, s1;
	v47 =	vld.idx.msk [tilespmem:v44+s16+$0x0], $0xffff;
	[tilespmem:s22+$0xFFFFFE80] =	vst v37  }
0x4f4: {  	p4 =	slt.u32 s23, $0x3C;
	v44 =	vand.u32 $0x3F, v46;
	v46 =	vadd.s32 s0, v21;
	v37 =	vld.idx.msk [tilespmem:v34+s16+$0x0], $0xffff;
	[tilespmem:s22+$0xFFFFFF00] =	vst v38  }
.Ltmp84:
0x4f5: {  	s0 =	sadd.s32 $0x35, s1;
	v34 =	vor.u32 v29, v44;
	v44 =	vand.u32 $0x3F, v46;
	v38 =	vld.idx.msk [tilespmem:v36+s15+$0x0], $0xffff;
	[tilespmem:s22+$0xFFFFFF80] =	vst v39;
	(pc) =	sbr.rel @p4 .LBB2_161-.Ltmp84, $4  }
0x4f6: {  	v46 =	vadd.s32 s0, v21;
	v44 =	vor.u32 v29, v44;
	v39 =	vld.idx.msk [tilespmem:v36+s16+$0x0], $0xffff;
	[tilespmem:s22+$0x0] =	vst v40  }
0x4f7: {  	s0 =	sadd.s32 $0x36, s1;
	v36 =	vand.u32 $0x3F, v46;
	v40 =	vld.idx.msk [tilespmem:v45+s15+$0x0], $0xffff;
	[tilespmem:s22+$0x80] =	vst v42  }
0x4f8: {  	v46 =	vadd.s32 s0, v21;
	v36 =	vor.u32 v29, v36;
	v42 =	vld.idx.msk [tilespmem:v45+s16+$0x0], $0xffff;
	[tilespmem:s22+$0x100] =	vst v41;
	s22 =	sadd.s32 $0x400, s22  }
0x4f9: {  	v46 =	vand.u32 $0x3F, v46;
	v41 =	vld.idx.msk [tilespmem:v43+s15+$0x0], $0xffff;
	[tilespmem:s22+$0x180] =	vst v47;
	v43 =	vmov v44  }
0x4fa: {  	v45 =	vmov v44  }
.LBB2_163:
0x4fb: {  	_ =	sdelay $0x1  }
0x4fc: {  	[tilespmem:s22+$0xFFFFFE00] =	vst @p3 v35  }
0x4fd: {  	[tilespmem:s22+$0xFFFFFE80] =	vst @p3 v37  }
0x4fe: {  	v44 =	vld.idx.msk [tilespmem:v45+s16+$0x0], $0xffff;
	[tilespmem:s22+$0xFFFFFF00] =	vst @p3 v38  }
0x4ff: {  	v57 =	vld.idx.msk [tilespmem:v34+s15+$0x0], $0xffff;
	v58 =	vor.u32 v29, v46;
	[tilespmem:s22+$0xFFFFFF80] =	vst @p3 v39  }
0x500: {  	v59 =	vld.idx.msk [tilespmem:v34+s16+$0x0], $0xffff;
	[tilespmem:s22+$0x0] =	vst @p3 v40  }
0x501: {  	v60 =	vld.idx.msk [tilespmem:v36+s15+$0x0], $0xffff;
	s0 =	sadd.s32 @p3 $0x400, s22;
	[tilespmem:s22+$0x80] =	vst @p3 v42  }
0x502: {  	v61 =	vld.idx.msk [tilespmem:v36+s16+$0x0], $0xffff;
	s24 =	smov.u32 @p3 s0;
	[tilespmem:s22+$0x100] =	vst @p3 v41  }
0x503: {  	v62 =	vld.idx.msk [tilespmem:v43+s15+$0x0], $0xffff;
	[tilespmem:s24+$0x180] =	vst v44  }
0x504: {  	v63 =	vld.idx.msk [tilespmem:v58+s15+$0x0], $0xffff;
	[tilespmem:s24+$0xFFFFFE00] =	vst v57  }
0x505: {  	p3 =	por $0x1, $0x1;
	v37 =	vld.idx.msk [tilespmem:v58+s16+$0x0], $0xffff;
	[tilespmem:s24+$0xFFFFFE80] =	vst v59  }
.Ltmp85:
0x506: {  	[tilespmem:s24+$0xFFFFFF00] =	vst v60;
	(pc) =	sbr.rel @!p3 .LBB2_164-.Ltmp85, $4  }
0x507: {  	[tilespmem:s24+$0xFFFFFF80] =	vst v61  }
0x508: {  	[tilespmem:s24+$0x100] =	vst v62  }
0x509: {  	s23 =	simm.s32 $0x0;
	[tilespmem:s24+$0x0] =	vst v63  }
0x50a: {  	s25 =	simm.s32 $0x43;
	s22 =	simm.s32 $0x8240;
	[tilespmem:s24+$0x80] =	vst v37;
	s24 =	simm.s32 $0x4  }
0x50b: {  	v34 =	vadd.s32 s25, v21  }
0x50c: {  	v34 =	vand.u32 $0x3F, v34  }
0x50d: {  	p4 =	por $0x1, $0x1;
	v44 =	vor.u32 v30, v34  }
.Ltmp86:
0x50e: {  	_ = 	snop;
	(pc) =	sbr.rel @!p4 .LBB2_166-.Ltmp86, $4  }
0x50f: {  	s0 =	simm.s32 $0x41;
	s1 =	simm.s32 $0x42  }
0x510: {  	v36 =	vadd.s32 s23, v21;
	v63 =	vadd.s32 s0, v21;
	v35 =	vadd.s32 s1, v21  }
0x511: {  	v38 =	vand.u32 $0x3F, v36;
	v34 =	vand.u32 $0x3F, v63;
	v35 =	vand.u32 $0x3F, v35  }
0x512: {  	s25 =	simm.s32 $0x47;
	s23 =	simm.s32 $0x8;
	p3 =	por $0x1, $0x1;
	v37 =	vor.u32 v30, v34;
	v36 =	vor.u32 v30, v35;
	v34 =	vor.u32 v30, v38;
	v35 =	vld.idx.msk [tilespmem:v44+s16+$0x0], $0xffff  }
0x513: {  	_ =	sdelay $0x3  }
0x514: {  	v45 =	vld.idx.msk [tilespmem:v37+s15+$0x0], $0xffff  }
0x515: {  	v38 =	vadd.s32 s25, v21;
	v46 =	vld.idx.msk [tilespmem:v37+s16+$0x0], $0xffff;
	s0 =	simm.s32 $0x45  }
0x516: {  	v40 =	vld.idx.msk [tilespmem:v36+s16+$0x0], $0xffff;
	v38 =	vand.u32 $0x3F, v38;
	v61 =	vadd.s32 s0, v21  }
0x517: {  	s31 =	simm.s32 $0x46;
	p4 =	por $0x1, $0x1;
	v43 =	vor.u32 v30, v38;
	v38 =	vld.idx.msk [tilespmem:v36+s15+$0x0], $0xffff;
	v36 =	vand.u32 $0x3F, v61  }
.Ltmp87:
0x518: {  	v42 =	vadd.s32 s31, v21;
	v37 =	vor.u32 v30, v36;
	(pc) =	sbr.rel @!p4 .LBB2_168-.Ltmp87, $4  }
0x519: {  	v39 =	vld.idx.msk [tilespmem:v44+s15+$0x0], $0xffff;
	v63 =	vand.u32 $0x3F, v42  }
0x51a: {  	v41 =	vld.idx.msk [tilespmem:v34+s15+$0x0], $0xffff;
	v62 =	vadd.s32 s24, v21;
	v36 =	vor.u32 v30, v63;
	[tilespmem:s22+$0x180] =	vst v35  }
0x51b: {  	s25 =	simm.s32 $0x4B;
	v44 =	vand.u32 $0x3F, v62;
	v42 =	vld.idx.msk [tilespmem:v34+s16+$0x0], $0xffff;
	[tilespmem:s22+$0xFFFFFF00] =	vst v45  }
0x51c: {  	s26 =	simm.s32 $0xC;
	p2 =	por $0x1, $0x1;
	s24 =	simm.s32 $0x8240;
	v34 =	vor.u32 v30, v44;
	[tilespmem:s22+$0xFFFFFF80] =	vst v46;
	v35 =	vld.idx.msk [tilespmem:v43+s16+$0x0], $0xffff  }
.LBB2_169:
0x51d: {  	p4 =	slt.u32 s26, $0x3C;
	s0 =	sadd.s32 $0x41, s23;
	v44 =	vadd.s32 s25, v21;
	v45 =	vld.idx.msk [tilespmem:v37+s15+$0x0], $0xffff;
	[tilespmem:s24+$0x0] =	vst v38  }
0x51e: {  	v38 =	vadd.s32 s0, v21;
	v44 =	vand.u32 $0x3F, v44;
	v46 =	vld.idx.msk [tilespmem:v37+s16+$0x0], $0xffff;
	[tilespmem:s24+$0x80] =	vst v40  }
0x51f: {  	s0 =	sadd.s32 $0x42, s23;
	v37 =	vand.u32 $0x3F, v38;
	v44 =	vor.u32 v30, v44;
	v38 =	vld.idx.msk [tilespmem:v36+s15+$0x0], $0xffff;
	[tilespmem:s24+$0xFFFFFE00] =	vst v41  }
.Ltmp88:
0x520: {  	v41 =	vadd.s32 s0, v21;
	v37 =	vor.u32 v30, v37;
	v40 =	vld.idx.msk [tilespmem:v36+s16+$0x0], $0xffff;
	[tilespmem:s24+$0x100] =	vst v39;
	(pc) =	sbr.rel @p4 .LBB2_169-.Ltmp88, $4  }
0x521: {  	v36 =	vand.u32 $0x3F, v41;
	v41 =	vld.idx.msk [tilespmem:v34+s15+$0x0], $0xffff;
	[tilespmem:s24+$0xFFFFFE80] =	vst v42;
	s24 =	sadd.s32 $0x400, s24  }
0x522: {  	v42 =	vadd.s32 s23, v21;
	v36 =	vor.u32 v30, v36;
	s23 =	smov.u32 s26;
	v39 =	vld.idx.msk [tilespmem:v43+s15+$0x0], $0xffff;
	[tilespmem:s24+$0x180] =	vst v35;
	v43 =	vmov v44  }
0x523: {  	v35 =	vand.u32 $0x3F, v42;
	v42 =	vld.idx.msk [tilespmem:v34+s16+$0x0], $0xffff;
	[tilespmem:s24+$0xFFFFFF00] =	vst v45  }
0x524: {  	s26 =	sadd.s32 $0x4, s26;
	s25 =	sadd.s32 $0x43, s23;
	v34 =	vor.u32 v30, v35;
	v35 =	vld.idx.msk [tilespmem:v44+s16+$0x0], $0xffff;
	[tilespmem:s24+$0xFFFFFF80] =	vst v46  }
0x525: {  	v44 =	vmov v43  }
.LBB2_171:
0x526: {  	_ =	sdelay $0x3  }
0x527: {  	v43 =	vld.idx.msk @p3 [tilespmem:v37+s15+$0x0], $0xffff  }
0x528: {  	[tilespmem:s24+$0x0] =	vst @p2 v38;
	v37 =	vld.idx.msk @p3 [tilespmem:v37+s16+$0x0], $0xffff  }
0x529: {  	v45 =	vadd.s32 s25, v21;
	[tilespmem:s24+$0x80] =	vst @p2 v40;
	v40 =	vld.idx.msk @p3 [tilespmem:v36+s15+$0x0], $0xffff  }
0x52a: {  	s0 =	sadd.s32 $0x41, s23;
	[tilespmem:s24+$0xFFFFFE00] =	vst @p2 v41;
	v36 =	vld.idx.msk @p3 [tilespmem:v36+s16+$0x0], $0xffff;
	v45 =	vand.u32 $0x3F, v45  }
0x52b: {  	s1 =	simm.s32 $0x8240;
	v49 =	vadd.s32 s0, v21;
	[tilespmem:s24+$0x100] =	vst @p2 v39;
	v39 =	vld.idx.msk @p3 [tilespmem:v34+s15+$0x0], $0xffff;
	s0 =	sadd.s32 @p2 $0x400, s24;
	v45 =	vor.u32 v30, v45  }
0x52c: {  	s26 =	sadd.s32 $0x42, s23;
	v34 =	vld.idx.msk @p3 [tilespmem:v34+s16+$0x0], $0xffff;
	v38 =	vand.u32 $0x3F, v49;
	[tilespmem:s24+$0xFFFFFE80] =	vst @p2 v42;
	s1 =	smov.u32 @p2 s0  }
0x52d: {  	v50 =	vadd.s32 s26, v21;
	v42 =	vld.idx.msk @p3 [tilespmem:v44+s15+$0x0], $0xffff;
	v38 =	vor.u32 v30, v38;
	[tilespmem:s1+$0x180] =	vst @p3 v35  }
0x52e: {  	v51 =	vadd.s32 s23, v21;
	v41 =	vand.u32 $0x3F, v50;
	[tilespmem:s1+$0xFFFFFF00] =	vst @p3 v43  }
0x52f: {  	v41 =	vor.u32 v30, v41;
	v35 =	vand.u32 $0x3F, v51;
	[tilespmem:s1+$0xFFFFFF80] =	vst @p3 v37;
	v37 =	vpsel p3, v40, v0  }
0x530: {  	v30 =	vor.u32 v30, v35;
	v35 =	vpsel p3, v36, v0;
	[tilespmem:s1+$0x0] =	vst @p3 v37;
	v52 =	vld.idx.msk [tilespmem:v45+s16+$0x0], $0xffff  }
0x531: {  	v37 =	vpsel p3, v39, v0;
	[tilespmem:s1+$0x80] =	vst @p3 v35;
	v56 =	vld.idx.msk [tilespmem:v45+s15+$0x0], $0xffff  }
0x532: {  	v34 =	vpsel p3, v34, v0;
	[tilespmem:s1+$0xFFFFFE00] =	vst @p3 v37;
	v53 =	vld.idx.msk [tilespmem:v38+s15+$0x0], $0xffff  }
0x533: {  	s0 =	sadd.s32 @p3 $0x400, s1;
	v35 =	vpsel p3, v42, v0;
	[tilespmem:s1+$0xFFFFFE80] =	vst @p3 v34;
	v38 =	vld.idx.msk [tilespmem:v38+s16+$0x0], $0xffff  }
0x534: {  	s22 =	smov.u32 @p3 s0;
	v54 =	vld.idx.msk [tilespmem:v41+s15+$0x0], $0xffff;
	[tilespmem:s1+$0x100] =	vst @p3 v35  }
0x535: {  	v55 =	vld.idx.msk [tilespmem:v41+s16+$0x0], $0xffff;
	[tilespmem:s22+$0x180] =	vst v52  }
0x536: {  	v57 =	vld.idx.msk [tilespmem:v30+s15+$0x0], $0xffff;
	[tilespmem:s22+$0x100] =	vst v56  }
0x537: {  	p3 =	por $0x1, $0x1;
	v58 =	vld.idx.msk [tilespmem:v30+s16+$0x0], $0xffff;
	[tilespmem:s22+$0xFFFFFF00] =	vst v53  }
.Ltmp89:
0x538: {  	s29 =	simm.s32 $0x53;
	s30 =	simm.s32 $0x51;
	[tilespmem:s22+$0xFFFFFF80] =	vst v38;
	(pc) =	sbr.rel @!p3 .LBB2_172-.Ltmp89, $4  }
0x539: {  	s28 =	simm.s32 $0x50;
	s31 =	simm.s32 $0x52;
	v59 =	vadd.s32 s29, v21;
	v60 =	vadd.s32 s30, v21;
	[tilespmem:s22+$0x0] =	vst v54  }
0x53a: {  	v63 =	vadd.s32 s31, v21;
	v61 =	vand.u32 $0x3F, v59;
	v30 =	vadd.s32 s28, v21;
	[tilespmem:s22+$0x80] =	vst v55  }
0x53b: {  	v62 =	vand.u32 $0x3F, v60;
	v44 =	vor.u32 v31, v61;
	v30 =	vand.u32 $0x3F, v30;
	[tilespmem:s22+$0xFFFFFE00] =	vst v57  }
0x53c: {  	s23 =	simm.s32 $0x8250;
	p2 =	por $0x0, $0x0;
	v45 =	vand.u32 $0x3F, v63;
	v35 =	vor.u32 v31, v62;
	v30 =	vor.u32 v31, v30;
	[tilespmem:s22+$0xFFFFFE80] =	vst v58  }
0x53d: {  	_ =	sdelay $0x3  }
0x53e: {  	v34 =	vld.idx.msk [tilespmem:v30+s15+$0x0], $0xffff;
	s0 =	simm.s32 $0x54  }
0x53f: {  	v41 =	vor.u32 v31, v45;
	v36 =	vld.idx.msk [tilespmem:v30+s16+$0x0], $0xffff;
	s1 =	simm.s32 $0x57;
	v30 =	vadd.s32 s0, v21  }
0x540: {  	v42 =	vld.idx.msk [tilespmem:v44+s16+$0x0], $0xffff;
	p5 =	por $0x1, $0x1;
	v39 =	vadd.s32 s1, v21;
	v30 =	vand.u32 $0x3F, v30  }
.Ltmp90:
0x541: {  	v37 =	vld.idx.msk [tilespmem:v35+s15+$0x0], $0xffff;
	s30 =	simm.s32 $0x55;
	v61 =	vand.u32 $0x3F, v39;
	v30 =	vor.u32 v31, v30;
	(pc) =	sbr.rel @!p5 .LBB2_174-.Ltmp90, $4  }
0x542: {  	v38 =	vld.idx.msk [tilespmem:v35+s16+$0x0], $0xffff;
	v40 =	vadd.s32 s30, v21;
	v43 =	vor.u32 v31, v61  }
0x543: {  	s31 =	simm.s32 $0x56;
	v62 =	vand.u32 $0x3F, v40;
	v40 =	vld.idx.msk [tilespmem:v44+s15+$0x0], $0xffff  }
0x544: {  	v63 =	vadd.s32 s31, v21;
	v35 =	vor.u32 v31, v62;
	v39 =	vld.idx.msk [tilespmem:v41+s15+$0x0], $0xffff  }
0x545: {  	s24 =	simm.s32 $0x4;
	p4 =	por $0x1, $0x1;
	s22 =	simm.s32 $0x8250;
	v45 =	vand.u32 $0x3F, v63;
	v41 =	vld.idx.msk [tilespmem:v41+s16+$0x0], $0xffff;
	[tilespmem:s23+$0x180] =	vst v42;
	v42 =	vmov v43  }
.LBB2_175:
0x546: {  	s0 =	sadd.s32 $0x54, s24;
	v44 =	vor.u32 v31, v45;
	[tilespmem:s22+$0xFFFFFE00] =	vst v34;
	v34 =	vld.idx.msk [tilespmem:v30+s15+$0x0], $0xffff;
	s1 =	smov.u32 s24  }
0x547: {  	s24 =	sadd.s32 $0x4, s24;
	v45 =	vadd.s32 s0, v21;
	s0 =	sadd.s32 $0x57, s1;
	v46 =	vld.idx.msk [tilespmem:v43+s16+$0x0], $0xffff;
	[tilespmem:s22+$0xFFFFFE80] =	vst v36  }
0x548: {  	p5 =	slt.u32 s24, $0x3C;
	v43 =	vand.u32 $0x3F, v45;
	v45 =	vadd.s32 s0, v21;
	v36 =	vld.idx.msk [tilespmem:v30+s16+$0x0], $0xffff;
	[tilespmem:s22+$0xFFFFFF00] =	vst v37  }
.Ltmp91:
0x549: {  	s0 =	sadd.s32 $0x55, s1;
	v30 =	vor.u32 v31, v43;
	v43 =	vand.u32 $0x3F, v45;
	v37 =	vld.idx.msk [tilespmem:v35+s15+$0x0], $0xffff;
	[tilespmem:s22+$0xFFFFFF80] =	vst v38;
	(pc) =	sbr.rel @p5 .LBB2_175-.Ltmp91, $4  }
0x54a: {  	v45 =	vadd.s32 s0, v21;
	v43 =	vor.u32 v31, v43;
	v38 =	vld.idx.msk [tilespmem:v35+s16+$0x0], $0xffff;
	[tilespmem:s22+$0x0] =	vst v39  }
0x54b: {  	s0 =	sadd.s32 $0x56, s1;
	v35 =	vand.u32 $0x3F, v45;
	v39 =	vld.idx.msk [tilespmem:v44+s15+$0x0], $0xffff;
	[tilespmem:s22+$0x80] =	vst v41  }
0x54c: {  	v45 =	vadd.s32 s0, v21;
	v35 =	vor.u32 v31, v35;
	v41 =	vld.idx.msk [tilespmem:v44+s16+$0x0], $0xffff;
	[tilespmem:s22+$0x100] =	vst v40;
	s22 =	sadd.s32 $0x400, s22  }
0x54d: {  	v45 =	vand.u32 $0x3F, v45;
	v40 =	vld.idx.msk [tilespmem:v42+s15+$0x0], $0xffff;
	[tilespmem:s22+$0x180] =	vst v46;
	v42 =	vmov v43  }
0x54e: {  	v44 =	vmov v43  }
.LBB2_177:
0x54f: {  	_ =	sdelay $0x2  }
0x550: {  	[tilespmem:s22+$0xFFFFFE00] =	vst @p4 v34  }
0x551: {  	v54 =	vld.idx.msk [tilespmem:v30+s15+$0x0], $0xffff;
	[tilespmem:s22+$0xFFFFFE80] =	vst @p4 v36  }
0x552: {  	v31 =	vor.u32 v31, v45;
	v55 =	vld.idx.msk [tilespmem:v44+s16+$0x0], $0xffff;
	[tilespmem:s22+$0xFFFFFF00] =	vst @p4 v37  }
0x553: {  	v30 =	vld.idx.msk [tilespmem:v30+s16+$0x0], $0xffff;
	[tilespmem:s22+$0xFFFFFF80] =	vst @p4 v38  }
0x554: {  	v56 =	vld.idx.msk [tilespmem:v35+s15+$0x0], $0xffff;
	[tilespmem:s22+$0x0] =	vst @p4 v39  }
0x555: {  	v57 =	vld.idx.msk [tilespmem:v35+s16+$0x0], $0xffff;
	s0 =	sadd.s32 @p4 $0x400, s22;
	[tilespmem:s22+$0x80] =	vst @p4 v41  }
0x556: {  	v58 =	vld.idx.msk [tilespmem:v42+s15+$0x0], $0xffff;
	s23 =	smov.u32 @p4 s0;
	[tilespmem:s22+$0x100] =	vst @p4 v40  }
0x557: {  	v59 =	vld.idx.msk [tilespmem:v31+s15+$0x0], $0xffff;
	[tilespmem:s23+$0x180] =	vst v55  }
0x558: {  	v31 =	vld.idx.msk [tilespmem:v31+s16+$0x0], $0xffff;
	[tilespmem:s23+$0xFFFFFE00] =	vst v54  }
0x559: {  	[tilespmem:s23+$0xFFFFFE80] =	vst v30  }
.Ltmp92:
0x55a: {  	s30 =	simm.s32 $0x63;
	s1 =	simm.s32 $0x61;
	[tilespmem:s23+$0xFFFFFF00] =	vst v56;
	(pc) =	sbr.rel @!p3 .LBB2_178-.Ltmp92, $4  }
0x55b: {  	s29 =	simm.s32 $0x60;
	s31 =	simm.s32 $0x62;
	v60 =	vadd.s32 s30, v21;
	v61 =	vadd.s32 s1, v21;
	[tilespmem:s23+$0xFFFFFF80] =	vst v57  }
0x55c: {  	v63 =	vadd.s32 s31, v21;
	v62 =	vand.u32 $0x3F, v61;
	v30 =	vadd.s32 s29, v21;
	[tilespmem:s23+$0x100] =	vst v58  }
0x55d: {  	v44 =	vand.u32 $0x3F, v63;
	v30 =	vand.u32 $0x3F, v30;
	[tilespmem:s23+$0x80] =	vst v31;
	v31 =	vand.u32 $0x3F, v60  }
0x55e: {  	s22 =	simm.s32 $0x8260;
	v34 =	vor.u32 v32, v62;
	v30 =	vor.u32 v32, v30;
	[tilespmem:s23+$0x0] =	vst v59;
	v43 =	vor.u32 v32, v31  }
0x55f: {  	_ =	sdelay $0x3  }
0x560: {  	v31 =	vld.idx.msk [tilespmem:v30+s15+$0x0], $0xffff;
	s0 =	simm.s32 $0x64  }
0x561: {  	v40 =	vor.u32 v32, v44;
	v35 =	vld.idx.msk [tilespmem:v30+s16+$0x0], $0xffff;
	s1 =	simm.s32 $0x67;
	v30 =	vadd.s32 s0, v21  }
0x562: {  	v41 =	vld.idx.msk [tilespmem:v43+s16+$0x0], $0xffff;
	p3 =	por $0x1, $0x1;
	v38 =	vadd.s32 s1, v21;
	v30 =	vand.u32 $0x3F, v30  }
.Ltmp93:
0x563: {  	v36 =	vld.idx.msk [tilespmem:v34+s15+$0x0], $0xffff;
	s30 =	simm.s32 $0x65;
	v61 =	vand.u32 $0x3F, v38;
	v30 =	vor.u32 v32, v30;
	(pc) =	sbr.rel @!p3 .LBB2_180-.Ltmp93, $4  }
0x564: {  	v37 =	vld.idx.msk [tilespmem:v34+s16+$0x0], $0xffff;
	v39 =	vadd.s32 s30, v21;
	v42 =	vor.u32 v32, v61  }
0x565: {  	s31 =	simm.s32 $0x66;
	v62 =	vand.u32 $0x3F, v39;
	v39 =	vld.idx.msk [tilespmem:v43+s15+$0x0], $0xffff  }
0x566: {  	v63 =	vadd.s32 s31, v21;
	v34 =	vor.u32 v32, v62;
	v38 =	vld.idx.msk [tilespmem:v40+s15+$0x0], $0xffff  }
0x567: {  	s24 =	simm.s32 $0x4;
	p2 =	por $0x1, $0x1;
	s23 =	simm.s32 $0x8260;
	v44 =	vand.u32 $0x3F, v63;
	v40 =	vld.idx.msk [tilespmem:v40+s16+$0x0], $0xffff;
	[tilespmem:s22+$0x180] =	vst v41;
	v41 =	vmov v42  }
.LBB2_181:
0x568: {  	s0 =	sadd.s32 $0x64, s24;
	v43 =	vor.u32 v32, v44;
	[tilespmem:s23+$0xFFFFFE00] =	vst v31;
	v31 =	vld.idx.msk [tilespmem:v30+s15+$0x0], $0xffff;
	s1 =	smov.u32 s24  }
0x569: {  	s24 =	sadd.s32 $0x4, s24;
	v44 =	vadd.s32 s0, v21;
	s0 =	sadd.s32 $0x67, s1;
	v45 =	vld.idx.msk [tilespmem:v42+s16+$0x0], $0xffff;
	[tilespmem:s23+$0xFFFFFE80] =	vst v35  }
0x56a: {  	p3 =	slt.u32 s24, $0x3C;
	v42 =	vand.u32 $0x3F, v44;
	v44 =	vadd.s32 s0, v21;
	v35 =	vld.idx.msk [tilespmem:v30+s16+$0x0], $0xffff;
	[tilespmem:s23+$0xFFFFFF00] =	vst v36  }
.Ltmp94:
0x56b: {  	s0 =	sadd.s32 $0x65, s1;
	v30 =	vor.u32 v32, v42;
	v42 =	vand.u32 $0x3F, v44;
	v36 =	vld.idx.msk [tilespmem:v34+s15+$0x0], $0xffff;
	[tilespmem:s23+$0xFFFFFF80] =	vst v37;
	(pc) =	sbr.rel @p3 .LBB2_181-.Ltmp94, $4  }
0x56c: {  	v44 =	vadd.s32 s0, v21;
	v42 =	vor.u32 v32, v42;
	v37 =	vld.idx.msk [tilespmem:v34+s16+$0x0], $0xffff;
	[tilespmem:s23+$0x0] =	vst v38  }
0x56d: {  	s0 =	sadd.s32 $0x66, s1;
	v34 =	vand.u32 $0x3F, v44;
	v38 =	vld.idx.msk [tilespmem:v43+s15+$0x0], $0xffff;
	[tilespmem:s23+$0x80] =	vst v40  }
0x56e: {  	v44 =	vadd.s32 s0, v21;
	v34 =	vor.u32 v32, v34;
	v40 =	vld.idx.msk [tilespmem:v43+s16+$0x0], $0xffff;
	[tilespmem:s23+$0x100] =	vst v39;
	s23 =	sadd.s32 $0x400, s23  }
0x56f: {  	v44 =	vand.u32 $0x3F, v44;
	v39 =	vld.idx.msk [tilespmem:v41+s15+$0x0], $0xffff;
	[tilespmem:s23+$0x180] =	vst v45;
	v41 =	vmov v42  }
0x570: {  	v43 =	vmov v42  }
.LBB2_183:
0x571: {  	_ =	sdelay $0x1  }
0x572: {  	[tilespmem:s23+$0xFFFFFE00] =	vst @p2 v31  }
0x573: {  	[tilespmem:s23+$0xFFFFFE80] =	vst @p2 v35  }
0x574: {  	v56 =	vld.idx.msk [tilespmem:v43+s16+$0x0], $0xffff;
	[tilespmem:s23+$0xFFFFFF00] =	vst @p2 v36  }
0x575: {  	v31 =	vld.idx.msk [tilespmem:v30+s15+$0x0], $0xffff;
	v32 =	vor.u32 v32, v44;
	[tilespmem:s23+$0xFFFFFF80] =	vst @p2 v37  }
0x576: {  	v30 =	vld.idx.msk [tilespmem:v30+s16+$0x0], $0xffff;
	[tilespmem:s23+$0x0] =	vst @p2 v38  }
0x577: {  	v57 =	vld.idx.msk [tilespmem:v34+s15+$0x0], $0xffff;
	s0 =	sadd.s32 @p2 $0x400, s23;
	[tilespmem:s23+$0x80] =	vst @p2 v40  }
0x578: {  	v58 =	vld.idx.msk [tilespmem:v34+s16+$0x0], $0xffff;
	s22 =	smov.u32 @p2 s0;
	[tilespmem:s23+$0x100] =	vst @p2 v39  }
0x579: {  	v59 =	vld.idx.msk [tilespmem:v41+s15+$0x0], $0xffff;
	[tilespmem:s22+$0x180] =	vst v56  }
0x57a: {  	v60 =	vld.idx.msk [tilespmem:v32+s15+$0x0], $0xffff;
	[tilespmem:s22+$0xFFFFFE00] =	vst v31  }
0x57b: {  	p3 =	por $0x1, $0x1;
	v32 =	vld.idx.msk [tilespmem:v32+s16+$0x0], $0xffff;
	[tilespmem:s22+$0xFFFFFE80] =	vst v30  }
.Ltmp95:
0x57c: {  	s1 =	simm.s32 $0x71;
	s31 =	simm.s32 $0x72;
	[tilespmem:s22+$0xFFFFFF00] =	vst v57;
	(pc) =	sbr.rel @!p3 .LBB2_184-.Ltmp95, $4  }
0x57d: {  	s29 =	simm.s32 $0x70;
	s30 =	simm.s32 $0x73;
	v61 =	vadd.s32 s1, v21;
	v63 =	vadd.s32 s31, v21;
	[tilespmem:s22+$0xFFFFFF80] =	vst v58  }
0x57e: {  	v62 =	vand.u32 $0x3F, v61;
	v30 =	vadd.s32 s29, v21;
	v31 =	vadd.s32 s30, v21;
	[tilespmem:s22+$0x100] =	vst v59  }
0x57f: {  	v43 =	vand.u32 $0x3F, v63;
	v30 =	vand.u32 $0x3F, v30;
	v31 =	vand.u32 $0x3F, v31;
	[tilespmem:s22+$0x0] =	vst v60  }
0x580: {  	s23 =	simm.s32 $0x8270;
	p2 =	por $0x0, $0x0;
	v30 =	vor.u32 v33, v30;
	v42 =	vor.u32 v33, v31;
	[tilespmem:s22+$0x80] =	vst v32;
	v32 =	vor.u32 v33, v62  }
0x581: {  	_ =	sdelay $0x3  }
0x582: {  	v31 =	vld.idx.msk [tilespmem:v30+s15+$0x0], $0xffff;
	s0 =	simm.s32 $0x74  }
0x583: {  	v39 =	vor.u32 v33, v43;
	v34 =	vld.idx.msk [tilespmem:v30+s16+$0x0], $0xffff;
	s1 =	simm.s32 $0x77;
	v30 =	vadd.s32 s0, v21  }
0x584: {  	v40 =	vld.idx.msk [tilespmem:v42+s16+$0x0], $0xffff;
	p3 =	por $0x1, $0x1;
	v37 =	vadd.s32 s1, v21;
	v30 =	vand.u32 $0x3F, v30  }
.Ltmp96:
0x585: {  	v35 =	vld.idx.msk [tilespmem:v32+s15+$0x0], $0xffff;
	s30 =	simm.s32 $0x75;
	v61 =	vand.u32 $0x3F, v37;
	v30 =	vor.u32 v33, v30;
	(pc) =	sbr.rel @!p3 .LBB2_186-.Ltmp96, $4  }
0x586: {  	v36 =	vld.idx.msk [tilespmem:v32+s16+$0x0], $0xffff;
	v38 =	vadd.s32 s30, v21;
	v41 =	vor.u32 v33, v61  }
0x587: {  	s31 =	simm.s32 $0x76;
	v62 =	vand.u32 $0x3F, v38;
	v38 =	vld.idx.msk [tilespmem:v42+s15+$0x0], $0xffff  }
0x588: {  	v63 =	vadd.s32 s31, v21;
	v32 =	vor.u32 v33, v62;
	v37 =	vld.idx.msk [tilespmem:v39+s15+$0x0], $0xffff  }
0x589: {  	s24 =	simm.s32 $0x4;
	p2 =	por $0x1, $0x1;
	s22 =	simm.s32 $0x8270;
	v43 =	vand.u32 $0x3F, v63;
	v39 =	vld.idx.msk [tilespmem:v39+s16+$0x0], $0xffff;
	[tilespmem:s23+$0x180] =	vst v40;
	v40 =	vmov v41  }
.LBB2_187:
0x58a: {  	s0 =	sadd.s32 $0x74, s24;
	v42 =	vor.u32 v33, v43;
	[tilespmem:s22+$0xFFFFFE00] =	vst v31;
	v31 =	vld.idx.msk [tilespmem:v30+s15+$0x0], $0xffff;
	s1 =	smov.u32 s24  }
0x58b: {  	s24 =	sadd.s32 $0x4, s24;
	v43 =	vadd.s32 s0, v21;
	s0 =	sadd.s32 $0x77, s1;
	v44 =	vld.idx.msk [tilespmem:v41+s16+$0x0], $0xffff;
	[tilespmem:s22+$0xFFFFFE80] =	vst v34  }
0x58c: {  	p3 =	slt.u32 s24, $0x3C;
	v41 =	vand.u32 $0x3F, v43;
	v43 =	vadd.s32 s0, v21;
	v34 =	vld.idx.msk [tilespmem:v30+s16+$0x0], $0xffff;
	[tilespmem:s22+$0xFFFFFF00] =	vst v35  }
.Ltmp97:
0x58d: {  	s0 =	sadd.s32 $0x75, s1;
	v30 =	vor.u32 v33, v41;
	v41 =	vand.u32 $0x3F, v43;
	v35 =	vld.idx.msk [tilespmem:v32+s15+$0x0], $0xffff;
	[tilespmem:s22+$0xFFFFFF80] =	vst v36;
	(pc) =	sbr.rel @p3 .LBB2_187-.Ltmp97, $4  }
0x58e: {  	v43 =	vadd.s32 s0, v21;
	v41 =	vor.u32 v33, v41;
	v36 =	vld.idx.msk [tilespmem:v32+s16+$0x0], $0xffff;
	[tilespmem:s22+$0x0] =	vst v37  }
0x58f: {  	s0 =	sadd.s32 $0x76, s1;
	v32 =	vand.u32 $0x3F, v43;
	v37 =	vld.idx.msk [tilespmem:v42+s15+$0x0], $0xffff;
	[tilespmem:s22+$0x80] =	vst v39  }
0x590: {  	v43 =	vadd.s32 s0, v21;
	v32 =	vor.u32 v33, v32;
	v39 =	vld.idx.msk [tilespmem:v42+s16+$0x0], $0xffff;
	[tilespmem:s22+$0x100] =	vst v38;
	s22 =	sadd.s32 $0x400, s22  }
0x591: {  	v43 =	vand.u32 $0x3F, v43;
	v38 =	vld.idx.msk [tilespmem:v40+s15+$0x0], $0xffff;
	[tilespmem:s22+$0x180] =	vst v44;
	v40 =	vmov v41  }
.Ltmp98:
0x592: {  	(pc) =	sbr.rel .LBB2_189-.Ltmp98, $2  }
0x593: {  	_ =	sdelay $0x2  }
0x594: {  	v42 =	vmov v41  }
.LBB2_8:
.Ltmp99:
0x595: {  	(pc) =	sbr.rel .LBB2_12-.Ltmp99, $2  }
0x596: {  	_ =	sdelay $0x2  }
0x597: {  	s25 =	simm.s32 $0xB0;
	s28 =	simm.s32 $0x20B0;
	p3 =	por $0x0, $0x0  }
.LBB2_13:
.Ltmp100:
0x598: {  	(pc) =	sbr.rel .LBB2_20-.Ltmp100, $2  }
0x599: {  	_ =	sdelay $0x2  }
0x59a: {  	s24 =	simm.s32 $0x8200;
	p3 =	por $0x0, $0x0  }
.LBB2_21:
.Ltmp101:
0x59b: {  	(pc) =	sbr.rel .LBB2_26-.Ltmp101, $2  }
0x59c: {  	_ =	sdelay $0x2  }
0x59d: {  	s22 =	simm.s32 $0x8210;
	v39 =	vmov v41;
	p4 =	por $0x0, $0x0  }
.LBB2_27:
.Ltmp102:
0x59e: {  	(pc) =	sbr.rel .LBB2_32-.Ltmp102, $2  }
0x59f: {  	_ =	sdelay $0x2  }
0x5a0: {  	s23 =	simm.s32 $0x8220;
	v39 =	vmov v41  }
.LBB2_33:
.Ltmp103:
0x5a1: {  	(pc) =	sbr.rel .LBB2_38-.Ltmp103, $2  }
0x5a2: {  	_ =	sdelay $0x2  }
0x5a3: {  	s22 =	simm.s32 $0x8230;
	v39 =	vmov v41;
	p3 =	por $0x0, $0x0  }
.LBB2_39:
.Ltmp104:
0x5a4: {  	(pc) =	sbr.rel .LBB2_44-.Ltmp104, $2  }
0x5a5: {  	_ =	sdelay $0x2  }
0x5a6: {  	_ = 	snop  }
.LBB2_45:
.Ltmp105:
0x5a7: {  	(pc) =	sbr.rel .LBB2_50-.Ltmp105, $2  }
0x5a8: {  	_ =	sdelay $0x2  }
0x5a9: {  	s23 =	simm.s32 $0x8250;
	v38 =	vmov v44;
	p4 =	por $0x0, $0x0  }
.LBB2_51:
.Ltmp106:
0x5aa: {  	(pc) =	sbr.rel .LBB2_56-.Ltmp106, $2  }
0x5ab: {  	_ =	sdelay $0x2  }
0x5ac: {  	s22 =	simm.s32 $0x8260;
	v39 =	vmov v45  }
.LBB2_57:
.Ltmp107:
0x5ad: {  	(pc) =	sbr.rel .LBB2_62-.Ltmp107, $2  }
0x5ae: {  	_ =	sdelay $0x2  }
0x5af: {  	s23 =	simm.s32 $0x8270;
	v40 =	vmov v46  }
.LBB2_69:
.Ltmp108:
0x5b0: {  	(pc) =	sbr.rel .LBB2_73-.Ltmp108, $2  }
0x5b1: {  	_ =	sdelay $0x2  }
0x5b2: {  	s25 =	simm.s32 $0xB0;
	s28 =	simm.s32 $0x20B0;
	p3 =	por $0x0, $0x0  }
.LBB2_74:
.Ltmp109:
0x5b3: {  	(pc) =	sbr.rel .LBB2_81-.Ltmp109, $2  }
0x5b4: {  	_ =	sdelay $0x2  }
0x5b5: {  	s24 =	simm.s32 $0x8200;
	p3 =	por $0x0, $0x0  }
.LBB2_82:
.Ltmp110:
0x5b6: {  	(pc) =	sbr.rel .LBB2_87-.Ltmp110, $2  }
0x5b7: {  	_ =	sdelay $0x2  }
0x5b8: {  	s22 =	simm.s32 $0x8210;
	v43 =	vmov v45;
	p4 =	por $0x0, $0x0  }
.LBB2_88:
.Ltmp111:
0x5b9: {  	(pc) =	sbr.rel .LBB2_93-.Ltmp111, $2  }
0x5ba: {  	_ =	sdelay $0x2  }
0x5bb: {  	s23 =	simm.s32 $0x8220;
	v43 =	vmov v45  }
.LBB2_94:
.Ltmp112:
0x5bc: {  	(pc) =	sbr.rel .LBB2_99-.Ltmp112, $2  }
0x5bd: {  	_ =	sdelay $0x2  }
0x5be: {  	s22 =	simm.s32 $0x8230;
	v43 =	vmov v45;
	p3 =	por $0x0, $0x0  }
.LBB2_100:
.Ltmp113:
0x5bf: {  	(pc) =	sbr.rel .LBB2_107-.Ltmp113, $2  }
0x5c0: {  	_ =	sdelay $0x2  }
0x5c1: {  	s24 =	simm.s32 $0x8240;
	p3 =	por $0x0, $0x0  }
.LBB2_108:
.Ltmp114:
0x5c2: {  	(pc) =	sbr.rel .LBB2_113-.Ltmp114, $2  }
0x5c3: {  	_ =	sdelay $0x2  }
0x5c4: {  	s22 =	simm.s32 $0x8250;
	v43 =	vmov v45;
	p4 =	por $0x0, $0x0  }
.LBB2_114:
.Ltmp115:
0x5c5: {  	(pc) =	sbr.rel .LBB2_119-.Ltmp115, $2  }
0x5c6: {  	_ =	sdelay $0x2  }
0x5c7: {  	s23 =	simm.s32 $0x8260;
	v43 =	vmov v45  }
.LBB2_120:
.Ltmp116:
0x5c8: {  	(pc) =	sbr.rel .LBB2_125-.Ltmp116, $2  }
0x5c9: {  	_ =	sdelay $0x2  }
0x5ca: {  	s22 =	simm.s32 $0x8270;
	v43 =	vmov v45  }
.LBB2_10:
.Ltmp117:
0x5cb: {  	(pc) =	sbr.rel .LBB2_12-.Ltmp117, $2  }
0x5cc: {  	_ =	sdelay $0x2  }
0x5cd: {  	s25 =	simm.s32 $0xB0;
	s28 =	simm.s32 $0x20B0  }
.LBB2_15:
.Ltmp118:
0x5ce: {  	(pc) =	sbr.rel .LBB2_20-.Ltmp118, $2  }
0x5cf: {  	_ =	sdelay $0x2  }
0x5d0: {  	s23 =	simm.s32 $0x4;
	s24 =	simm.s32 $0x8200  }
.LBB2_23:
.Ltmp119:
0x5d1: {  	(pc) =	sbr.rel .LBB2_26-.Ltmp119, $2  }
0x5d2: {  	_ =	sdelay $0x2  }
0x5d3: {  	s22 =	simm.s32 $0x8210;
	v41 =	vmov v40;
	v39 =	vmov v40  }
.LBB2_29:
.Ltmp120:
0x5d4: {  	(pc) =	sbr.rel .LBB2_32-.Ltmp120, $2  }
0x5d5: {  	_ =	sdelay $0x2  }
0x5d6: {  	s23 =	simm.s32 $0x8220;
	v41 =	vmov v40;
	v39 =	vmov v40  }
.LBB2_35:
.Ltmp121:
0x5d7: {  	(pc) =	sbr.rel .LBB2_38-.Ltmp121, $2  }
0x5d8: {  	_ =	sdelay $0x2  }
0x5d9: {  	s22 =	simm.s32 $0x8230;
	v41 =	vmov v40;
	v39 =	vmov v40  }
.LBB2_41:
.Ltmp122:
0x5da: {  	(pc) =	sbr.rel .LBB2_44-.Ltmp122, $2  }
0x5db: {  	_ =	sdelay $0x2  }
0x5dc: {  	s24 =	simm.s32 $0x8240;
	s23 =	simm.s32 $0x8640  }
.LBB2_47:
.Ltmp123:
0x5dd: {  	(pc) =	sbr.rel .LBB2_50-.Ltmp123, $2  }
0x5de: {  	_ =	sdelay $0x2  }
0x5df: {  	s23 =	simm.s32 $0x8250;
	v44 =	vmov v43;
	v40 =	vmov v41;
	v38 =	vmov v43  }
.LBB2_53:
.Ltmp124:
0x5e0: {  	(pc) =	sbr.rel .LBB2_56-.Ltmp124, $2  }
0x5e1: {  	_ =	sdelay $0x2  }
0x5e2: {  	s22 =	simm.s32 $0x8260;
	v45 =	vmov v44;
	v41 =	vmov v42;
	v39 =	vmov v44  }
.LBB2_59:
.Ltmp125:
0x5e3: {  	(pc) =	sbr.rel .LBB2_62-.Ltmp125, $2  }
0x5e4: {  	_ =	sdelay $0x2  }
0x5e5: {  	s23 =	simm.s32 $0x8270;
	v46 =	vmov v45;
	v42 =	vmov v43;
	v40 =	vmov v45  }
.LBB2_71:
.Ltmp126:
0x5e6: {  	(pc) =	sbr.rel .LBB2_73-.Ltmp126, $2  }
0x5e7: {  	_ =	sdelay $0x2  }
0x5e8: {  	s25 =	simm.s32 $0xB0;
	s28 =	simm.s32 $0x20B0  }
.LBB2_76:
.Ltmp127:
0x5e9: {  	(pc) =	sbr.rel .LBB2_81-.Ltmp127, $2  }
0x5ea: {  	_ =	sdelay $0x2  }
0x5eb: {  	s23 =	simm.s32 $0x4;
	s24 =	simm.s32 $0x8200  }
.LBB2_84:
.Ltmp128:
0x5ec: {  	(pc) =	sbr.rel .LBB2_87-.Ltmp128, $2  }
0x5ed: {  	_ =	sdelay $0x2  }
0x5ee: {  	s22 =	simm.s32 $0x8210;
	v45 =	vmov v44;
	v43 =	vmov v44  }
.LBB2_90:
.Ltmp129:
0x5ef: {  	(pc) =	sbr.rel .LBB2_93-.Ltmp129, $2  }
0x5f0: {  	_ =	sdelay $0x2  }
0x5f1: {  	s23 =	simm.s32 $0x8220;
	v45 =	vmov v44;
	v43 =	vmov v44  }
.LBB2_96:
.Ltmp130:
0x5f2: {  	(pc) =	sbr.rel .LBB2_99-.Ltmp130, $2  }
0x5f3: {  	_ =	sdelay $0x2  }
0x5f4: {  	s22 =	simm.s32 $0x8230;
	v45 =	vmov v44;
	v43 =	vmov v44  }
.LBB2_102:
.Ltmp131:
0x5f5: {  	(pc) =	sbr.rel .LBB2_107-.Ltmp131, $2  }
0x5f6: {  	_ =	sdelay $0x2  }
0x5f7: {  	s23 =	simm.s32 $0x4;
	s24 =	simm.s32 $0x8240  }
.LBB2_110:
.Ltmp132:
0x5f8: {  	(pc) =	sbr.rel .LBB2_113-.Ltmp132, $2  }
0x5f9: {  	_ =	sdelay $0x2  }
0x5fa: {  	s22 =	simm.s32 $0x8250;
	v45 =	vmov v44;
	v43 =	vmov v44  }
.LBB2_116:
.Ltmp133:
0x5fb: {  	(pc) =	sbr.rel .LBB2_119-.Ltmp133, $2  }
0x5fc: {  	_ =	sdelay $0x2  }
0x5fd: {  	s23 =	simm.s32 $0x8260;
	v45 =	vmov v44;
	v43 =	vmov v44  }
.LBB2_122:
.Ltmp134:
0x5fe: {  	(pc) =	sbr.rel .LBB2_125-.Ltmp134, $2  }
0x5ff: {  	_ =	sdelay $0x2  }
0x600: {  	s22 =	simm.s32 $0x8270;
	v45 =	vmov v44;
	v43 =	vmov v44  }
.LBB2_17:
.Ltmp135:
0x601: {  	(pc) =	sbr.rel .LBB2_20-.Ltmp135, $2  }
0x602: {  	_ =	sdelay $0x2  }
0x603: {  	s24 =	simm.s32 $0x8200;
	v40 =	vmov v39  }
.LBB2_78:
.Ltmp136:
0x604: {  	(pc) =	sbr.rel .LBB2_81-.Ltmp136, $2  }
0x605: {  	_ =	sdelay $0x2  }
0x606: {  	s24 =	simm.s32 $0x8200;
	v44 =	vmov v43  }
.LBB2_104:
.Ltmp137:
0x607: {  	(pc) =	sbr.rel .LBB2_107-.Ltmp137, $2  }
0x608: {  	_ =	sdelay $0x2  }
0x609: {  	s24 =	simm.s32 $0x8240;
	v44 =	vmov v43  }
.LBB2_133:
.Ltmp138:
0x60a: {  	(pc) =	sbr.rel .LBB2_137-.Ltmp138, $2  }
0x60b: {  	_ =	sdelay $0x2  }
0x60c: {  	s25 =	simm.s32 $0xB0;
	s28 =	simm.s32 $0x20B0;
	p3 =	por $0x0, $0x0  }
.LBB2_138:
.Ltmp139:
0x60d: {  	(pc) =	sbr.rel .LBB2_145-.Ltmp139, $2  }
0x60e: {  	_ =	sdelay $0x2  }
0x60f: {  	s24 =	simm.s32 $0x8200;
	p3 =	por $0x0, $0x0  }
.LBB2_146:
.Ltmp140:
0x610: {  	(pc) =	sbr.rel .LBB2_151-.Ltmp140, $2  }
0x611: {  	_ =	sdelay $0x2  }
0x612: {  	s22 =	simm.s32 $0x8210;
	v43 =	vmov v45;
	p4 =	por $0x0, $0x0  }
.LBB2_152:
.Ltmp141:
0x613: {  	(pc) =	sbr.rel .LBB2_157-.Ltmp141, $2  }
0x614: {  	_ =	sdelay $0x2  }
0x615: {  	s23 =	simm.s32 $0x8220;
	v43 =	vmov v45  }
.LBB2_158:
.Ltmp142:
0x616: {  	(pc) =	sbr.rel .LBB2_163-.Ltmp142, $2  }
0x617: {  	_ =	sdelay $0x2  }
0x618: {  	s22 =	simm.s32 $0x8230;
	v43 =	vmov v45;
	p3 =	por $0x0, $0x0  }
.LBB2_164:
.Ltmp143:
0x619: {  	(pc) =	sbr.rel .LBB2_171-.Ltmp143, $2  }
0x61a: {  	_ =	sdelay $0x2  }
0x61b: {  	s24 =	simm.s32 $0x8240;
	p3 =	por $0x0, $0x0  }
.LBB2_172:
.Ltmp144:
0x61c: {  	(pc) =	sbr.rel .LBB2_177-.Ltmp144, $2  }
0x61d: {  	_ =	sdelay $0x2  }
0x61e: {  	s22 =	simm.s32 $0x8250;
	v42 =	vmov v44;
	p4 =	por $0x0, $0x0  }
.LBB2_178:
.Ltmp145:
0x61f: {  	(pc) =	sbr.rel .LBB2_183-.Ltmp145, $2  }
0x620: {  	_ =	sdelay $0x2  }
0x621: {  	s23 =	simm.s32 $0x8260;
	v41 =	vmov v43  }
.LBB2_135:
.Ltmp146:
0x622: {  	(pc) =	sbr.rel .LBB2_137-.Ltmp146, $2  }
0x623: {  	_ =	sdelay $0x2  }
0x624: {  	s25 =	simm.s32 $0xB0;
	s28 =	simm.s32 $0x20B0  }
.LBB2_140:
.Ltmp147:
0x625: {  	(pc) =	sbr.rel .LBB2_145-.Ltmp147, $2  }
0x626: {  	_ =	sdelay $0x2  }
0x627: {  	s23 =	simm.s32 $0x4;
	s24 =	simm.s32 $0x8200  }
.LBB2_148:
.Ltmp148:
0x628: {  	(pc) =	sbr.rel .LBB2_151-.Ltmp148, $2  }
0x629: {  	_ =	sdelay $0x2  }
0x62a: {  	s22 =	simm.s32 $0x8210;
	v45 =	vmov v44;
	v43 =	vmov v44  }
.LBB2_154:
.Ltmp149:
0x62b: {  	(pc) =	sbr.rel .LBB2_157-.Ltmp149, $2  }
0x62c: {  	_ =	sdelay $0x2  }
0x62d: {  	s23 =	simm.s32 $0x8220;
	v45 =	vmov v44;
	v43 =	vmov v44  }
.LBB2_160:
.Ltmp150:
0x62e: {  	(pc) =	sbr.rel .LBB2_163-.Ltmp150, $2  }
0x62f: {  	_ =	sdelay $0x2  }
0x630: {  	s22 =	simm.s32 $0x8230;
	v45 =	vmov v44;
	v43 =	vmov v44  }
.LBB2_166:
.Ltmp151:
0x631: {  	(pc) =	sbr.rel .LBB2_171-.Ltmp151, $2  }
0x632: {  	_ =	sdelay $0x2  }
0x633: {  	s23 =	simm.s32 $0x4;
	s24 =	simm.s32 $0x8240  }
.LBB2_174:
.Ltmp152:
0x634: {  	(pc) =	sbr.rel .LBB2_177-.Ltmp152, $2  }
0x635: {  	_ =	sdelay $0x2  }
0x636: {  	s22 =	simm.s32 $0x8250;
	v44 =	vmov v43;
	v42 =	vmov v43  }
.LBB2_180:
.Ltmp153:
0x637: {  	(pc) =	sbr.rel .LBB2_183-.Ltmp153, $2  }
0x638: {  	_ =	sdelay $0x2  }
0x639: {  	s23 =	simm.s32 $0x8260;
	v43 =	vmov v42;
	v41 =	vmov v42  }
.LBB2_186:
.Ltmp154:
0x63a: {  	(pc) =	sbr.rel .LBB2_189-.Ltmp154, $2  }
0x63b: {  	_ =	sdelay $0x2  }
0x63c: {  	s22 =	simm.s32 $0x8270;
	v42 =	vmov v41;
	v40 =	vmov v41  }
.LBB2_142:
.Ltmp155:
0x63d: {  	(pc) =	sbr.rel .LBB2_145-.Ltmp155, $2  }
0x63e: {  	_ =	sdelay $0x2  }
0x63f: {  	s24 =	simm.s32 $0x8200;
	v44 =	vmov v43  }
.LBB2_168:
.Ltmp156:
0x640: {  	(pc) =	sbr.rel .LBB2_171-.Ltmp156, $2  }
0x641: {  	_ =	sdelay $0x2  }
0x642: {  	s24 =	simm.s32 $0x8240;
	v44 =	vmov v43  }
.LBB2_191:
0x643: {  	_ =	sfence.sel $0x180000  }
0x644: {  	[bflag:$0x0] =	sbarrier.arrive $0xFFFF  }
0x645: {  	_ =	strace $0x90000047  }
0x646: {  	s0 =	stileid.u32;
	[bflag:$0x2] =	sbarrier.arrive $0xFFFF  }
0x647: {  	p0 =	sne.s32 s0, $0x0;
	s0 =	rddreg [dreg:$0x3]  }
0x648: {  	s0 =	sadd.s32 @!p0 $0x100000, s0  }
0x649: {  	[sflag:s0] =	ssyncadd.tile.s32 @!p0 $0x1;
	_ =	shalt  }
.Lfunc_end2:
_tile_overlayer_lowered:
.L_overlay_start_2:
0x64a: {  	(tag) =	ssettag $0x2  }
0x64b: {  	s0 =	rddreg [dreg:$0x0];
	s2 =	stileid.u32  }
0x64c: {  	s1 =	rddreg [dreg:$0x1];
	p0 =	sne.s32 s2, $0x0  }
0x64d: {  	s3 =	rddreg [dreg:$0x2];
	[bflag:$0x3] =	sbarrier.arrive $0xFFFF;
	s2 =	simm.s32 @!p0 $0x1C02  }
0x64e: {  	[timem:s3], [sflag:s2] =	dma.local @!p0 [hbm:s0], s1  }
0x64f: {  	s0 =	simm.s32 @!p0 $0x2  }
0x650: {  	_ =	swait.ge @!p0 [sflag:s0], s1  }
0x651: {  	s1 =	ssub.s32 @!p0 $0x0, s1;
	[sflag:s0] =	ssyncset.done @!p0 $0x0  }
0x652: {  	[sflag:s0] =	ssyncadd.s32 @!p0 s1  }
0x653: {  	[bflag:$0x3] =	sbarrier.arrive $0xFFFF  }
0x654: {  	_ =	shalt  }

</sc_bundles>
